<compile_context>
chip_gen: v7x
topology: tpu7x:2x2x1
jax: 0.10.2.dev20260603
libtpu: 0.0.44.dev20260713+nightly
codegen_flags: <defaults>
</compile_context>

<pallas_src>
import functools

import jax
import jax.numpy as jnp
from jax import lax
from jax.experimental import pallas as pl
from jax.experimental.pallas import tpu as pltpu
from jax.experimental.pallas import tpu_sc as plsc

B, N, M, K = 16, 4096, 1024, 32
C_IN, C1, C2 = 32, 32, 64
RADIUS = 0.2
EPS = 1e-5
R2 = RADIUS * RADIUS

NC, NS = 2, 16
NWORK = NC * NS
QPW = (B * M) // NWORK
GQ = 4
NG = QPW // GQ
ROWS_G = GQ * K
NCHUNK = N // 16
_UNR = 16

_F32 = jnp.float32
_I32 = jnp.int32


def _sc_ball_gather(table, p_t, q_t):
    mesh = plsc.VectorSubcoreMesh(
        core_axis_name="c", subcore_axis_name="s", num_cores=NC,
        num_subcores=NS)

    @functools.partial(
        pl.kernel,
        out_type=jax.ShapeDtypeStruct((B * M * K, C_IN), _F32),
        mesh=mesh,
        compiler_params=pltpu.CompilerParams(use_tc_tiling_on_sc=False,
                                             needs_layout_passes=False),
        scratch_types=[
            pltpu.VMEM((N,), _F32),
            pltpu.VMEM((N,), _F32),
            pltpu.VMEM((N,), _F32),
            pltpu.VMEM((QPW,), _F32),
            pltpu.VMEM((QPW,), _F32),
            pltpu.VMEM((QPW,), _F32),
            pltpu.VMEM((N + 64,), _I32),
            pltpu.VMEM((N + 64,), _I32),
            pltpu.VMEM((NG, ROWS_G), _I32),
            pltpu.VMEM((ROWS_G, C_IN), _F32),
            pltpu.VMEM((ROWS_G, C_IN), _F32),
            pltpu.SemaphoreType.DMA,
            pltpu.SemaphoreType.DMA,
            pltpu.SemaphoreType.DMA,
            pltpu.SemaphoreType.DMA,
        ],
    )
    def k(table_h, pt_h, qt_h, out_h, px, py, pz, qx, qy, qz,
          hitbuf0, hitbuf1, idxall, rb0, rb1, sem0, sem1, wsem0, wsem1):
        wid = lax.axis_index("s") * NC + lax.axis_index("c")
        b = wid // 2
        mbase = (wid % 2) * QPW
        qgbase = b * M + mbase

        pltpu.sync_copy(pt_h.at[b, 0], px)
        pltpu.sync_copy(pt_h.at[b, 1], py)
        pltpu.sync_copy(pt_h.at[b, 2], pz)
        pltpu.sync_copy(qt_h.at[b, 0, pl.ds(mbase, QPW)], qx)
        pltpu.sync_copy(qt_h.at[b, 1, pl.ds(mbase, QPW)], qy)
        pltpu.sync_copy(qt_h.at[b, 2, pl.ds(mbase, QPW)], qz)

        lanes = lax.iota(_I32, 16)

        def splat(ref, i):
            return plsc.load_gather(ref, [jnp.full((16,), i, _I32)])

        one_v = jnp.ones((16,), _I32)

        def sel_body(ip, _):
            i0 = 2 * ip
            i1 = 2 * ip + 1
            qv = [(splat(qx, i0), splat(qy, i0), splat(qz, i0)),
                  (splat(qx, i1), splat(qy, i1), splat(qz, i1))]
            bufs = (hitbuf0, hitbuf1)

            def cond(st):
                c, c0, c1 = st
                need = jnp.logical_or(c0[0] < K - 1, c1[0] < K - 1)
                return jnp.logical_and(need, c < NCHUNK)

            def body(st):
                c, c0, c1 = st
                cnt = [c0, c1]
                pres = []
                for u in range(_UNR):
                    base = (c + u) * 16
                    pxv = px[pl.ds(base, 16)]
                    pyv = py[pl.ds(base, 16)]
                    pzv = pz[pl.ds(base, 16)]
                    ids = base + lanes
                    for s in range(2):
                        dx = pxv - qv[s][0]
                        dy = pyv - qv[s][1]
                        dz = pzv - qv[s][2]
                        d2 = (dx * dx + dy * dy) + dz * dz
                        m = d2 <= R2
                        pres.append((s, m,
                                     plsc.cumsum(jnp.where(m, one_v, 0)),
                                     ids))
                for s, m, csum, ids in pres:
                    plsc.store_scatter(bufs[s], [cnt[s] + csum], ids, mask=m)
                    cnt[s] = cnt[s] + plsc.all_reduce_population_count(m)
                return c + _UNR, cnt[0], cnt[1]

            init = jnp.full((16,), -1, _I32)
            _, c0, c1 = lax.while_loop(cond, body, (0, init, init))

            for s, i, cntv in ((0, i0, c0), (1, i1, c1)):
                buf = bufs[s]
                cnt = cntv[0] + 1
                first = splat(buf, 0)
                fill = jnp.where(cnt == 0, jnp.full((16,), N - 1, _I32),
                                 first)
                h0 = buf[pl.ds(0, 16)]
                h1 = buf[pl.ds(16, 16)]
                s0 = jnp.where(lanes < cnt, h0, fill) + b * N
                s1 = jnp.where(lanes + 16 < cnt, h1, fill) + b * N
                row = i // GQ
                colb = (i % GQ) * K
                idxall[row, pl.ds(colb, 16)] = s0
                idxall[row, pl.ds(colb + 16, 16)] = s1
            return 0

        lax.fori_loop(0, QPW // 2, sel_body, 0)

        def fire(g, rb, sem):
            pltpu.async_copy(table_h.at[idxall.at[g]], rb, sem)

        def wait(g, rb, sem):
            pltpu.make_async_copy(table_h.at[idxall.at[g]], rb, sem).wait()

        def out_slice(g):
            rowbase = (qgbase + g * GQ) * K
            return out_h.at[pl.ds(rowbase, ROWS_G)]

        def process(g, rb, wsem, t):
            for j in range(GQ):
                qi = g * GQ + j
                qxv = splat(qx, qi)
                qyv = splat(qy, qi)
                qzv = splat(qz, qi)
                qvec = jnp.where(lanes == 0, qxv,
                                 jnp.where(lanes == 1, qyv,
                                           jnp.where(lanes == 2, qzv,
                                                     jnp.zeros((16,), _F32))))
                for r in range(K):
                    rr = j * K + r
                    rb[rr, pl.ds(0, 16)] = rb[rr, pl.ds(0, 16)] - qvec
            pltpu.async_copy(rb, out_slice(g), wsem)

        fire(0, rb0, sem0)

        def g_body(t, _):
            g0 = 2 * t
            g1 = 2 * t + 1
            fire(g1, rb1, sem1)
            wait(g0, rb0, sem0)

            @pl.when(t > 0)
            def _():
                pltpu.make_async_copy(rb0, out_slice(g0), wsem0).wait()

            process(g0, rb0, wsem0, t)

            @pl.when(t + 1 < NG // 2)
            def _():
                fire(g0 + 2, rb0, sem0)

            wait(g1, rb1, sem1)

            @pl.when(t > 0)
            def _():
                pltpu.make_async_copy(rb1, out_slice(g1), wsem1).wait()

            process(g1, rb1, wsem1, t)
            return 0

        lax.fori_loop(0, NG // 2, g_body, 0)
        pltpu.make_async_copy(rb0, out_slice(NG - 2), wsem0).wait()
        pltpu.make_async_copy(rb1, out_slice(NG - 1), wsem1).wait()

    return k(table, p_t, q_t)


def _dotg(a, bT, ca, cb, prec=lax.Precision.DEFAULT):
    return lax.dot_general(a, bT, (((ca,), (cb,)), ((), ())),
                           precision=prec,
                           preferred_element_type=_F32)


_NTOT = float(B * M * K)
_G = 4
_L4 = _G * C_IN
_R4 = (B * M * K) // _G
_BLK4 = 16384
_NBLK = _R4 // _BLK4
_QBLK = (_BLK4 * _G) // K
_HI = lax.Precision.HIGHEST


def _diag_sum(A, c):
    acc = A[0:c, 0:c]
    for a in range(1, _G):
        acc = acc + A[a * c:(a + 1) * c, a * c:(a + 1) * c]
    return acc


def _lane_fold(v, c):
    acc = v[:, 0:c]
    for a in range(1, _G):
        acc = acc + v[:, a * c:(a + 1) * c]
    return acc


def _k_moments(feat4, W1, b1r, g1r, be1r, W2):

    def body(feat_r, W1_r, b1_r, g1_r, be1_r, W2_r,
             W1b_r, c1b_r, W2b_r, F_s, f_s):
        i = pl.program_id(0)

        @pl.when(i == 0)
        def _():
            F_s[...] = jnp.zeros_like(F_s)
            f_s[...] = jnp.zeros_like(f_s)

        blk = feat_r[...]
        F_s[...] += _dotg(blk, blk, 0, 0)
        f_s[...] += jnp.sum(blk, axis=0, keepdims=True)

        @pl.when(i == _NBLK - 1)
        def _():
            W1 = W1_r[...]
            b1 = b1_r[...]
            F = _diag_sum(F_s[...], C1)
            f = _lane_fold(f_s[...], C1)
            Wf = _dotg(f, W1, 1, 1, _HI)
            mean1 = Wf / _NTOT + b1
            T = _dotg(W1, F, 1, 0, _HI)
            quad = _dotg(jnp.ones((1, C1), _F32), T * W1, 1, 1, _HI)
            e2 = quad / _NTOT + 2.0 * b1 * Wf / _NTOT + b1 * b1
            var1 = e2 - mean1 * mean1
            a1 = g1_r[...] / jnp.sqrt(var1 + EPS)
            c1 = a1 * b1 + be1_r[...] - a1 * mean1
            a1bc = _dotg(a1, jnp.ones((1, C1), _F32), 0, 0, _HI)
            W1f = W1 * a1bc
            W1b_r[...] = jnp.zeros((_L4, _L4), _F32)
            W2b_r[...] = jnp.zeros((_G * C2, _L4), _F32)
            for a in range(_G):
                W1b_r[a * C1:(a + 1) * C1, a * C_IN:(a + 1) * C_IN] = W1f
                c1b_r[:, a * C1:(a + 1) * C1] = c1
                W2b_r[a * C2:(a + 1) * C2, a * C1:(a + 1) * C1] = W2_r[...]

    return pl.pallas_call(
        body,
        grid=(_NBLK,),
        in_specs=[
            pl.BlockSpec((_BLK4, _L4), lambda i: (i, 0)),
            pl.BlockSpec((C1, C_IN), lambda i: (0, 0)),
            pl.BlockSpec((1, C1), lambda i: (0, 0)),
            pl.BlockSpec((1, C1), lambda i: (0, 0)),
            pl.BlockSpec((1, C1), lambda i: (0, 0)),
            pl.BlockSpec((C2, C1), lambda i: (0, 0)),
        ],
        out_specs=[
            pl.BlockSpec((_L4, _L4), lambda i: (0, 0)),
            pl.BlockSpec((1, _L4), lambda i: (0, 0)),
            pl.BlockSpec((_G * C2, _L4), lambda i: (0, 0)),
        ],
        out_shape=[
            jax.ShapeDtypeStruct((_L4, _L4), _F32),
            jax.ShapeDtypeStruct((1, _L4), _F32),
            jax.ShapeDtypeStruct((_G * C2, _L4), _F32),
        ],
        scratch_shapes=[
            pltpu.VMEM((_L4, _L4), _F32),
            pltpu.VMEM((1, _L4), _F32),
        ],
    )(feat4, W1, b1r, g1r, be1r, W2)


def _k_main(feat4, W1b, c1b, W2b, W2, b2r, g2r, be2r):

    def body(feat_r, W1b_r, c1b_r, W2b_r, W2_r, b2_r, g2_r, be2_r,
             hmax_r, hmin_r, a2_r, c2_r, S_s, s_s):
        i = pl.program_id(0)

        @pl.when(i == 0)
        def _():
            S_s[...] = jnp.zeros_like(S_s)
            s_s[...] = jnp.zeros_like(s_s)

        blk = feat_r[...]
        r = jax.nn.relu(_dotg(blk, W1b_r[...], 1, 1) + c1b_r[...])
        S_s[...] += _dotg(r, r, 0, 0)
        s_s[...] += jnp.sum(r, axis=0, keepdims=True)
        h24 = _dotg(r, W2b_r[...], 1, 1)
        hq = h24[:, 0:C2]
        hn = hq
        for a in range(1, _G):
            sl = h24[:, a * C2:(a + 1) * C2]
            hq = jnp.maximum(hq, sl)
            hn = jnp.minimum(hn, sl)
        hq3 = hq.reshape(_QBLK, K // _G, C2)
        hn3 = hn.reshape(_QBLK, K // _G, C2)
        hmax_r[...] = jnp.max(hq3, axis=1)
        hmin_r[...] = jnp.min(hn3, axis=1)

        @pl.when(i == _NBLK - 1)
        def _():
            W2 = W2_r[...]
            b2 = b2_r[...]
            S = _diag_sum(S_s[...], C1)
            s = _lane_fold(s_s[...], C1)
            Ws = _dotg(s, W2, 1, 1, _HI)
            mean2 = Ws / _NTOT + b2
            U = _dotg(W2, S, 1, 0, _HI)
            quad = _dotg(jnp.ones((1, C1), _F32), U * W2, 1, 1, _HI)
            e2 = quad / _NTOT + 2.0 * b2 * Ws / _NTOT + b2 * b2
            var2 = e2 - mean2 * mean2
            a2 = g2_r[...] / jnp.sqrt(var2 + EPS)
            a2_r[...] = a2
            c2_r[...] = be2_r[...] + a2 * (b2 - mean2)

    return pl.pallas_call(
        body,
        grid=(_NBLK,),
        in_specs=[
            pl.BlockSpec((_BLK4, _L4), lambda i: (i, 0)),
            pl.BlockSpec((_L4, _L4), lambda i: (0, 0)),
            pl.BlockSpec((1, _L4), lambda i: (0, 0)),
            pl.BlockSpec((_G * C2, _L4), lambda i: (0, 0)),
            pl.BlockSpec((C2, C1), lambda i: (0, 0)),
            pl.BlockSpec((1, C2), lambda i: (0, 0)),
            pl.BlockSpec((1, C2), lambda i: (0, 0)),
            pl.BlockSpec((1, C2), lambda i: (0, 0)),
        ],
        out_specs=[
            pl.BlockSpec((_QBLK, C2), lambda i: (i, 0)),
            pl.BlockSpec((_QBLK, C2), lambda i: (i, 0)),
            pl.BlockSpec((1, C2), lambda i: (0, 0)),
            pl.BlockSpec((1, C2), lambda i: (0, 0)),
        ],
        out_shape=[
            jax.ShapeDtypeStruct((B * M, C2), _F32),
            jax.ShapeDtypeStruct((B * M, C2), _F32),
            jax.ShapeDtypeStruct((1, C2), _F32),
            jax.ShapeDtypeStruct((1, C2), _F32),
        ],
        scratch_shapes=[
            pltpu.VMEM((_L4, _L4), _F32),
            pltpu.VMEM((1, _L4), _F32),
        ],
    )(feat4, W1b, c1b, W2b, W2, b2r, g2r, be2r)


def _k_final(hmax, hmin, a2, c2):
    def body(hmax_r, hmin_r, a2_r, c2_r, o_r):
        a2 = a2_r[...]
        sel = jnp.where(a2 >= 0.0, hmax_r[...], hmin_r[...])
        o = jax.nn.relu(a2 * sel + c2_r[...])
        o_r[...] = jnp.transpose(o, (1, 0))[None]

    return pl.pallas_call(
        body,
        grid=(16,),
        in_specs=[
            pl.BlockSpec((1024, C2), lambda i: (i, 0)),
            pl.BlockSpec((1024, C2), lambda i: (i, 0)),
            pl.BlockSpec((1, C2), lambda i: (0, 0)),
            pl.BlockSpec((1, C2), lambda i: (0, 0)),
        ],
        out_specs=pl.BlockSpec((1, C2, M), lambda i: (i, 0, 0)),
        out_shape=jax.ShapeDtypeStruct((B, C2, M), _F32),
    )(hmax, hmin, a2, c2)


def kernel(p, q, x, W1, b1, g1, be1, W2, b2, g2, be2):
    x_perm = jnp.transpose(x, (0, 2, 1))
    table = jnp.concatenate([p, x_perm], axis=-1).reshape(B * N, C_IN)
    p_t = jnp.transpose(p, (0, 2, 1))
    q_t = jnp.transpose(q, (0, 2, 1))

    feat = _sc_ball_gather(table, p_t, q_t)
    feat4 = feat.reshape(_R4, _L4)

    W1b, c1b, W2b = _k_moments(feat4, W1, b1.reshape(1, C1),
                               g1.reshape(1, C1), be1.reshape(1, C1), W2)
    hmax, hmin, a2, c2 = _k_main(feat4, W1b, c1b, W2b, W2,
                                 b2.reshape(1, C2), g2.reshape(1, C2),
                                 be2.reshape(1, C2))
    out = _k_final(hmax, hmin, a2, c2)
    return (q, out)

# --- scband reference (transcript-rebuilt; emitter-appended) ---
"""Pipeline reference for scband-set-abstraction-41351945126433 (READ-ONLY COPY).

The authoritative reference and input builder live on the scoring server;
editing this copy changes nothing except your own understanding.
"""

import jax, jax.numpy as jnp
import numpy as np

B, N, M, K = 16, 4096, 1024, 32
C_IN, C1, C2 = 32, 32, 64
RADIUS = 0.2
EPS = 1e-5


def setup_inputs(seed: int = 0) -> dict:
    key = jax.random.key(seed)
    ks = jax.random.split(key, 8)
    p = jax.random.uniform(ks[0], (B, N, 3), dtype=jnp.float32)
    q = jax.random.uniform(ks[1], (B, M, 3), dtype=jnp.float32)
    x = jax.random.normal(ks[2], (B, C_IN - 3, N), dtype=jnp.float32)
    W1 = jax.random.normal(ks[3], (C1, C_IN), dtype=jnp.float32) * (1.0 / np.sqrt(C_IN))
    b1 = jnp.zeros((C1,), jnp.float32)
    g1 = jnp.ones((C1,), jnp.float32)
    be1 = jnp.zeros((C1,), jnp.float32)
    W2 = jax.random.normal(ks[4], (C2, C1), dtype=jnp.float32) * (1.0 / np.sqrt(C1))
    b2 = jnp.zeros((C2,), jnp.float32)
    g2 = jnp.ones((C2,), jnp.float32)
    be2 = jnp.zeros((C2,), jnp.float32)
    return {"p": p, "q": q, "x": x, "W1": W1, "b1": b1, "g1": g1, "be1": be1,
            "W2": W2, "b2": b2, "g2": g2, "be2": be2}


def _ball_point(p, q, radius, k):
    # p: [B, N, 3], q: [B, M, 3] -> idx: [B, M, k]
    d2 = jnp.sum((q[:, :, None, :] - p[:, None, :, :]) ** 2, axis=-1)  # [B, M, N]
    n = p.shape[1]
    idx = jnp.broadcast_to(jnp.arange(n, dtype=jnp.int32), d2.shape)
    idx = jnp.where(d2 > radius * radius, n, idx)
    idx = jnp.sort(idx, axis=-1)[:, :, :k]
    first = idx[:, :, :1]
    idx = jnp.where(idx == n, jnp.broadcast_to(first, idx.shape), idx)
    return jnp.clip(idx, 0, n - 1)


def _bn_relu(h, gamma, beta):
    # training-mode BatchNorm over all dims except channel (last), as in nn.BatchNorm2d
    mean = jnp.mean(h, axis=(0, 1, 2), keepdims=True)
    var = jnp.var(h, axis=(0, 1, 2), keepdims=True)
    hn = (h - mean) / jnp.sqrt(var + EPS)
    return jax.nn.relu(hn * gamma + beta)


def reference(p, q, x, W1, b1, g1, be1, W2, b2, g2, be2):
    idx = jax.lax.stop_gradient(_ball_point(p, q, RADIUS, K))  # [B, M, K]
    # gather neighbor coords: [B, M, K, 3]
    p_g = jnp.take_along_axis(p[:, None, :, :], idx[..., None], axis=2)
    p_hat = p_g - q[:, :, None, :]
    # gather neighbor features: x [B, C, N] -> [B, N, C] -> [B, M, K, C]
    x_perm = jnp.transpose(x, (0, 2, 1))
    x_g = jnp.take_along_axis(x_perm[:, None, :, :], idx[..., None], axis=2)
    feat = jnp.concatenate([p_hat, x_g], axis=-1)  # [B, M, K, C_IN]
    h = feat @ W1.T + b1
    h = _bn_relu(h, g1, be1)
    h = h @ W2.T + b2
    h = _bn_relu(h, g2, be2)
    out = jnp.max(h, axis=2)  # maxpool over K -> [B, M, C2]
    out = jnp.transpose(out, (0, 2, 1))  # [B, C2, M], matches torch layout
    return (q, out)

if __name__ == "__main__":
    import jax
    _d = setup_inputs()
    print(jax.jit(kernel)(*tuple(_d.values())))

</pallas_src>

<mosaic_0001>
#map = affine_map<(d0, d1) -> (0, 0)>
#map1 = affine_map<(d0, d1) -> (0, 0, 0)>
module attributes {stable_mosaic.version = 14 : i64} {
  func.func @k(%arg0: i32, %arg1: i32, %arg2: memref<65536x32xf32, #tpu.memory_space<hbm>>, %arg3: memref<16x3x4096xf32, #tpu.memory_space<hbm>>, %arg4: memref<16x3x1024xf32, #tpu.memory_space<hbm>>, %arg5: memref<524288x32xf32, #tpu.memory_space<hbm>>, %arg6: memref<4096xf32, #tpu.memory_space<vmem>>, %arg7: memref<4096xf32, #tpu.memory_space<vmem>>, %arg8: memref<4096xf32, #tpu.memory_space<vmem>>, %arg9: memref<512xf32, #tpu.memory_space<vmem>>, %arg10: memref<512xf32, #tpu.memory_space<vmem>>, %arg11: memref<512xf32, #tpu.memory_space<vmem>>, %arg12: memref<4160xi32, #tpu.memory_space<vmem>>, %arg13: memref<4160xi32, #tpu.memory_space<vmem>>, %arg14: memref<128x128xi32, #tpu.memory_space<vmem>>, %arg15: memref<128x32xf32, #tpu.memory_space<vmem>>, %arg16: memref<128x32xf32, #tpu.memory_space<vmem>>, %arg17: memref<!tpu.dma_semaphore, #tpu.memory_space<semaphore_mem>>, %arg18: memref<!tpu.dma_semaphore, #tpu.memory_space<semaphore_mem>>, %arg19: memref<!tpu.dma_semaphore, #tpu.memory_space<semaphore_mem>>, %arg20: memref<!tpu.dma_semaphore, #tpu.memory_space<semaphore_mem>>) attributes {dimension_semantics = [#tpu.dimension_semantics<core_parallel>, #tpu.dimension_semantics<subcore_parallel>], iteration_bounds = array<i64: 2, 16>, scalar_prefetch = 0 : i64, scratch_operands = 15 : i64, tpu.core_type = #tpu.core_type<sc_vector_subcore>, window_params = [{transform_indices = #map}, {transform_indices = #map1}, {transform_indices = #map1}, {transform_indices = #map}]} {
    %mul3A = arith.constant 2 : i32
    %mul3A_0 = arith.muli %arg1, %mul3A : i32
    %add3A = arith.addi %mul3A_0, %arg0 : i32
    %jit3A = arith.constant 2 : i32
    %div3A = arith.divsi %add3A, %jit3A : i32
    %sign3A = arith.constant 0 : i32
    %sign3A_1 = arith.cmpi sgt, %add3A, %sign3A : i32
    %sign3A_2 = arith.extui %sign3A_1 : i1 to i32
    %sign3A_3 = arith.constant 0 : i32
    %sign3A_4 = arith.cmpi slt, %add3A, %sign3A_3 : i32
    %sign3A_5 = arith.extui %sign3A_4 : i1 to i32
    %sign3A_6 = arith.subi %sign3A_2, %sign3A_5 : i32
    %sign3A_7 = arith.constant 0 : i32
    %sign3A_8 = arith.cmpi sgt, %jit3A, %sign3A_7 : i32
    %sign3A_9 = arith.extui %sign3A_8 : i1 to i32
    %sign3A_10 = arith.constant 0 : i32
    %sign3A_11 = arith.cmpi slt, %jit3A, %sign3A_10 : i32
    %sign3A_12 = arith.extui %sign3A_11 : i1 to i32
    %sign3A_13 = arith.subi %sign3A_9, %sign3A_12 : i32
    %ne3A = arith.cmpi ne, %sign3A_6, %sign3A_13 : i32
    %rem3A = arith.remsi %add3A, %jit3A : i32
    %ne3A_14 = arith.constant 0 : i32
    %ne3A_15 = arith.cmpi ne, %rem3A, %ne3A_14 : i32
    %and3A = arith.andi %ne3A, %ne3A_15 : i1
    %sub3A = arith.constant 1 : i32
    %sub3A_16 = arith.subi %div3A, %sub3A : i32
    %select_n3A = arith.select %and3A, %sub3A_16, %div3A : i32
    %jit3A_17 = arith.constant 2 : i32
    %eq3A = arith.constant 0 : i32
    %eq3A_18 = arith.cmpi eq, %jit3A_17, %eq3A : i32
    %jit3A_19 = arith.constant 1 : i32
    %select_n3A_20 = arith.select %eq3A_18, %jit3A_19, %jit3A_17 : i32
    %rem3A_21 = arith.remsi %add3A, %select_n3A_20 : i32
    %ne3A_22 = arith.constant 0 : i32
    %ne3A_23 = arith.cmpi ne, %rem3A_21, %ne3A_22 : i32
    %lt3A = arith.constant 0 : i32
    %lt3A_24 = arith.cmpi slt, %rem3A_21, %lt3A : i32
    %lt3A_25 = arith.constant 0 : i32
    %lt3A_26 = arith.cmpi slt, %select_n3A_20, %lt3A_25 : i32
    %ne3A_27 = arith.xori %lt3A_24, %lt3A_26 : i1
    %and3A_28 = arith.andi %ne3A_27, %ne3A_23 : i1
    %add3A_29 = arith.addi %rem3A_21, %select_n3A_20 : i32
    %select_n3A_30 = arith.select %and3A_28, %add3A_29, %rem3A_21 : i32
    %mul3A_31 = arith.constant 512 : i32
    %mul3A_32 = arith.muli %select_n3A_30, %mul3A_31 : i32
    %mul3A_33 = arith.constant 1024 : i32
    %mul3A_34 = arith.muli %select_n3A, %mul3A_33 : i32
    %add3A_35 = arith.addi %mul3A_34, %mul3A_32 : i32
    %run_scoped3A = arith.constant 0 : i32
    "tpu.region"() ({
      %run_scoped3A_76 = tpu.sem_alloc : memref<!tpu.dma_semaphore, #tpu.memory_space<semaphore_mem>>
      %dma_start3A_77 = arith.constant 0 : i32
      %dma_start3A_78 = tpu.memref_slice %arg3[%select_n3A, %run_scoped3A, %dma_start3A_77] : memref<16x3x4096xf32, #tpu.memory_space<hbm>> -> memref<1x1x4096xf32, #tpu.memory_space<hbm>>
      %dma_start3A_79 = tpu.memref_squeeze %dma_start3A_78 : memref<1x1x4096xf32, #tpu.memory_space<hbm>> -> memref<4096xf32, #tpu.memory_space<hbm>>
      %dma_start3A_80 = arith.constant 0 : i32
      %dma_start3A_81 = tpu.memref_slice %arg3[%select_n3A, %run_scoped3A, %dma_start3A_80] : memref<16x3x4096xf32, #tpu.memory_space<hbm>> -> memref<1x1x4096xf32, #tpu.memory_space<hbm>>
      %dma_start3A_82 = tpu.memref_squeeze %dma_start3A_81 : memref<1x1x4096xf32, #tpu.memory_space<hbm>> -> memref<4096xf32, #tpu.memory_space<hbm>>
      tpu.enqueue_dma source(%dma_start3A_82 : memref<4096xf32, #tpu.memory_space<hbm>>) target(%arg6 : memref<4096xf32, #tpu.memory_space<vmem>>) target_semaphore(%run_scoped3A_76 : memref<!tpu.dma_semaphore, #tpu.memory_space<semaphore_mem>>)
      %dma_wait3A_83 = arith.constant 0 : i32
      %dma_wait3A_84 = tpu.memref_slice %arg3[%select_n3A, %run_scoped3A, %dma_wait3A_83] : memref<16x3x4096xf32, #tpu.memory_space<hbm>> -> memref<1x1x4096xf32, #tpu.memory_space<hbm>>
      %dma_wait3A_85 = tpu.memref_squeeze %dma_wait3A_84 : memref<1x1x4096xf32, #tpu.memory_space<hbm>> -> memref<4096xf32, #tpu.memory_space<hbm>>
      %dma_wait3A_86 = arith.constant 0 : i32
      %dma_wait3A_87 = tpu.memref_slice %arg3[%select_n3A, %run_scoped3A, %dma_wait3A_86] : memref<16x3x4096xf32, #tpu.memory_space<hbm>> -> memref<1x1x4096xf32, #tpu.memory_space<hbm>>
      %dma_wait3A_88 = tpu.memref_squeeze %dma_wait3A_87 : memref<1x1x4096xf32, #tpu.memory_space<hbm>> -> memref<4096xf32, #tpu.memory_space<hbm>>
      tpu.wait_dma2 semaphore(%run_scoped3A_76 : memref<!tpu.dma_semaphore, #tpu.memory_space<semaphore_mem>>) src(%dma_wait3A_88 : memref<4096xf32, #tpu.memory_space<hbm>>) dst(%arg6 : memref<4096xf32, #tpu.memory_space<vmem>>)
      tpu.yield
    }) : () -> ()
    %run_scoped3A_36 = arith.constant 1 : i32
    "tpu.region"() ({
      %run_scoped3A_76 = tpu.sem_alloc : memref<!tpu.dma_semaphore, #tpu.memory_space<semaphore_mem>>
      %dma_start3A_77 = arith.constant 0 : i32
      %dma_start3A_78 = tpu.memref_slice %arg3[%select_n3A, %run_scoped3A_36, %dma_start3A_77] : memref<16x3x4096xf32, #tpu.memory_space<hbm>> -> memref<1x1x4096xf32, #tpu.memory_space<hbm>>
      %dma_start3A_79 = tpu.memref_squeeze %dma_start3A_78 : memref<1x1x4096xf32, #tpu.memory_space<hbm>> -> memref<4096xf32, #tpu.memory_space<hbm>>
      %dma_start3A_80 = arith.constant 0 : i32
      %dma_start3A_81 = tpu.memref_slice %arg3[%select_n3A, %run_scoped3A_36, %dma_start3A_80] : memref<16x3x4096xf32, #tpu.memory_space<hbm>> -> memref<1x1x4096xf32, #tpu.memory_space<hbm>>
      %dma_start3A_82 = tpu.memref_squeeze %dma_start3A_81 : memref<1x1x4096xf32, #tpu.memory_space<hbm>> -> memref<4096xf32, #tpu.memory_space<hbm>>
      tpu.enqueue_dma source(%dma_start3A_82 : memref<4096xf32, #tpu.memory_space<hbm>>) target(%arg7 : memref<4096xf32, #tpu.memory_space<vmem>>) target_semaphore(%run_scoped3A_76 : memref<!tpu.dma_semaphore, #tpu.memory_space<semaphore_mem>>)
      %dma_wait3A_83 = arith.constant 0 : i32
      %dma_wait3A_84 = tpu.memref_slice %arg3[%select_n3A, %run_scoped3A_36, %dma_wait3A_83] : memref<16x3x4096xf32, #tpu.memory_space<hbm>> -> memref<1x1x4096xf32, #tpu.memory_space<hbm>>
      %dma_wait3A_85 = tpu.memref_squeeze %dma_wait3A_84 : memref<1x1x4096xf32, #tpu.memory_space<hbm>> -> memref<4096xf32, #tpu.memory_space<hbm>>
      %dma_wait3A_86 = arith.constant 0 : i32
      %dma_wait3A_87 = tpu.memref_slice %arg3[%select_n3A, %run_scoped3A_36, %dma_wait3A_86] : memref<16x3x4096xf32, #tpu.memory_space<hbm>> -> memref<1x1x4096xf32, #tpu.memory_space<hbm>>
      %dma_wait3A_88 = tpu.memref_squeeze %dma_wait3A_87 : memref<1x1x4096xf32, #tpu.memory_space<hbm>> -> memref<4096xf32, #tpu.memory_space<hbm>>
      tpu.wait_dma2 semaphore(%run_scoped3A_76 : memref<!tpu.dma_semaphore, #tpu.memory_space<semaphore_mem>>) src(%dma_wait3A_88 : memref<4096xf32, #tpu.memory_space<hbm>>) dst(%arg7 : memref<4096xf32, #tpu.memory_space<vmem>>)
      tpu.yield
    }) : () -> ()
    %run_scoped3A_37 = arith.constant 2 : i32
    "tpu.region"() ({
      %run_scoped3A_76 = tpu.sem_alloc : memref<!tpu.dma_semaphore, #tpu.memory_space<semaphore_mem>>
      %dma_start3A_77 = arith.constant 0 : i32
      %dma_start3A_78 = tpu.memref_slice %arg3[%select_n3A, %run_scoped3A_37, %dma_start3A_77] : memref<16x3x4096xf32, #tpu.memory_space<hbm>> -> memref<1x1x4096xf32, #tpu.memory_space<hbm>>
      %dma_start3A_79 = tpu.memref_squeeze %dma_start3A_78 : memref<1x1x4096xf32, #tpu.memory_space<hbm>> -> memref<4096xf32, #tpu.memory_space<hbm>>
      %dma_start3A_80 = arith.constant 0 : i32
      %dma_start3A_81 = tpu.memref_slice %arg3[%select_n3A, %run_scoped3A_37, %dma_start3A_80] : memref<16x3x4096xf32, #tpu.memory_space<hbm>> -> memref<1x1x4096xf32, #tpu.memory_space<hbm>>
      %dma_start3A_82 = tpu.memref_squeeze %dma_start3A_81 : memref<1x1x4096xf32, #tpu.memory_space<hbm>> -> memref<4096xf32, #tpu.memory_space<hbm>>
      tpu.enqueue_dma source(%dma_start3A_82 : memref<4096xf32, #tpu.memory_space<hbm>>) target(%arg8 : memref<4096xf32, #tpu.memory_space<vmem>>) target_semaphore(%run_scoped3A_76 : memref<!tpu.dma_semaphore, #tpu.memory_space<semaphore_mem>>)
      %dma_wait3A_83 = arith.constant 0 : i32
      %dma_wait3A_84 = tpu.memref_slice %arg3[%select_n3A, %run_scoped3A_37, %dma_wait3A_83] : memref<16x3x4096xf32, #tpu.memory_space<hbm>> -> memref<1x1x4096xf32, #tpu.memory_space<hbm>>
      %dma_wait3A_85 = tpu.memref_squeeze %dma_wait3A_84 : memref<1x1x4096xf32, #tpu.memory_space<hbm>> -> memref<4096xf32, #tpu.memory_space<hbm>>
      %dma_wait3A_86 = arith.constant 0 : i32
      %dma_wait3A_87 = tpu.memref_slice %arg3[%select_n3A, %run_scoped3A_37, %dma_wait3A_86] : memref<16x3x4096xf32, #tpu.memory_space<hbm>> -> memref<1x1x4096xf32, #tpu.memory_space<hbm>>
      %dma_wait3A_88 = tpu.memref_squeeze %dma_wait3A_87 : memref<1x1x4096xf32, #tpu.memory_space<hbm>> -> memref<4096xf32, #tpu.memory_space<hbm>>
      tpu.wait_dma2 semaphore(%run_scoped3A_76 : memref<!tpu.dma_semaphore, #tpu.memory_space<semaphore_mem>>) src(%dma_wait3A_88 : memref<4096xf32, #tpu.memory_space<hbm>>) dst(%arg8 : memref<4096xf32, #tpu.memory_space<vmem>>)
      tpu.yield
    }) : () -> ()
    %run_scoped3A_38 = arith.constant 0 : i32
    "tpu.region"() ({
      %run_scoped3A_76 = tpu.sem_alloc : memref<!tpu.dma_semaphore, #tpu.memory_space<semaphore_mem>>
      %dma_start3A_77 = tpu.memref_slice %arg4[%select_n3A, %run_scoped3A_38, %mul3A_32] : memref<16x3x1024xf32, #tpu.memory_space<hbm>> -> memref<1x1x512xf32, #tpu.memory_space<hbm>>
      %dma_start3A_78 = tpu.memref_squeeze %dma_start3A_77 : memref<1x1x512xf32, #tpu.memory_space<hbm>> -> memref<512xf32, #tpu.memory_space<hbm>>
      %dma_start3A_79 = tpu.memref_slice %arg4[%select_n3A, %run_scoped3A_38, %mul3A_32] : memref<16x3x1024xf32, #tpu.memory_space<hbm>> -> memref<1x1x512xf32, #tpu.memory_space<hbm>>
      %dma_start3A_80 = tpu.memref_squeeze %dma_start3A_79 : memref<1x1x512xf32, #tpu.memory_space<hbm>> -> memref<512xf32, #tpu.memory_space<hbm>>
      tpu.enqueue_dma source(%dma_start3A_80 : memref<512xf32, #tpu.memory_space<hbm>>) target(%arg9 : memref<512xf32, #tpu.memory_space<vmem>>) target_semaphore(%run_scoped3A_76 : memref<!tpu.dma_semaphore, #tpu.memory_space<semaphore_mem>>)
      %dma_wait3A_81 = tpu.memref_slice %arg4[%select_n3A, %run_scoped3A_38, %mul3A_32] : memref<16x3x1024xf32, #tpu.memory_space<hbm>> -> memref<1x1x512xf32, #tpu.memory_space<hbm>>
      %dma_wait3A_82 = tpu.memref_squeeze %dma_wait3A_81 : memref<1x1x512xf32, #tpu.memory_space<hbm>> -> memref<512xf32, #tpu.memory_space<hbm>>
      %dma_wait3A_83 = tpu.memref_slice %arg4[%select_n3A, %run_scoped3A_38, %mul3A_32] : memref<16x3x1024xf32, #tpu.memory_space<hbm>> -> memref<1x1x512xf32, #tpu.memory_space<hbm>>
      %dma_wait3A_84 = tpu.memref_squeeze %dma_wait3A_83 : memref<1x1x512xf32, #tpu.memory_space<hbm>> -> memref<512xf32, #tpu.memory_space<hbm>>
      tpu.wait_dma2 semaphore(%run_scoped3A_76 : memref<!tpu.dma_semaphore, #tpu.memory_space<semaphore_mem>>) src(%dma_wait3A_84 : memref<512xf32, #tpu.memory_space<hbm>>) dst(%arg9 : memref<512xf32, #tpu.memory_space<vmem>>)
      tpu.yield
    }) : () -> ()
    %run_scoped3A_39 = arith.constant 1 : i32
    "tpu.region"() ({
      %run_scoped3A_76 = tpu.sem_alloc : memref<!tpu.dma_semaphore, #tpu.memory_space<semaphore_mem>>
      %dma_start3A_77 = tpu.memref_slice %arg4[%select_n3A, %run_scoped3A_39, %mul3A_32] : memref<16x3x1024xf32, #tpu.memory_space<hbm>> -> memref<1x1x512xf32, #tpu.memory_space<hbm>>
      %dma_start3A_78 = tpu.memref_squeeze %dma_start3A_77 : memref<1x1x512xf32, #tpu.memory_space<hbm>> -> memref<512xf32, #tpu.memory_space<hbm>>
      %dma_start3A_79 = tpu.memref_slice %arg4[%select_n3A, %run_scoped3A_39, %mul3A_32] : memref<16x3x1024xf32, #tpu.memory_space<hbm>> -> memref<1x1x512xf32, #tpu.memory_space<hbm>>
      %dma_start3A_80 = tpu.memref_squeeze %dma_start3A_79 : memref<1x1x512xf32, #tpu.memory_space<hbm>> -> memref<512xf32, #tpu.memory_space<hbm>>
      tpu.enqueue_dma source(%dma_start3A_80 : memref<512xf32, #tpu.memory_space<hbm>>) target(%arg10 : memref<512xf32, #tpu.memory_space<vmem>>) target_semaphore(%run_scoped3A_76 : memref<!tpu.dma_semaphore, #tpu.memory_space<semaphore_mem>>)
      %dma_wait3A_81 = tpu.memref_slice %arg4[%select_n3A, %run_scoped3A_39, %mul3A_32] : memref<16x3x1024xf32, #tpu.memory_space<hbm>> -> memref<1x1x512xf32, #tpu.memory_space<hbm>>
      %dma_wait3A_82 = tpu.memref_squeeze %dma_wait3A_81 : memref<1x1x512xf32, #tpu.memory_space<hbm>> -> memref<512xf32, #tpu.memory_space<hbm>>
      %dma_wait3A_83 = tpu.memref_slice %arg4[%select_n3A, %run_scoped3A_39, %mul3A_32] : memref<16x3x1024xf32, #tpu.memory_space<hbm>> -> memref<1x1x512xf32, #tpu.memory_space<hbm>>
      %dma_wait3A_84 = tpu.memref_squeeze %dma_wait3A_83 : memref<1x1x512xf32, #tpu.memory_space<hbm>> -> memref<512xf32, #tpu.memory_space<hbm>>
      tpu.wait_dma2 semaphore(%run_scoped3A_76 : memref<!tpu.dma_semaphore, #tpu.memory_space<semaphore_mem>>) src(%dma_wait3A_84 : memref<512xf32, #tpu.memory_space<hbm>>) dst(%arg10 : memref<512xf32, #tpu.memory_space<vmem>>)
      tpu.yield
    }) : () -> ()
    %run_scoped3A_40 = arith.constant 2 : i32
    "tpu.region"() ({
      %run_scoped3A_76 = tpu.sem_alloc : memref<!tpu.dma_semaphore, #tpu.memory_space<semaphore_mem>>
      %dma_start3A_77 = tpu.memref_slice %arg4[%select_n3A, %run_scoped3A_40, %mul3A_32] : memref<16x3x1024xf32, #tpu.memory_space<hbm>> -> memref<1x1x512xf32, #tpu.memory_space<hbm>>
      %dma_start3A_78 = tpu.memref_squeeze %dma_start3A_77 : memref<1x1x512xf32, #tpu.memory_space<hbm>> -> memref<512xf32, #tpu.memory_space<hbm>>
      %dma_start3A_79 = tpu.memref_slice %arg4[%select_n3A, %run_scoped3A_40, %mul3A_32] : memref<16x3x1024xf32, #tpu.memory_space<hbm>> -> memref<1x1x512xf32, #tpu.memory_space<hbm>>
      %dma_start3A_80 = tpu.memref_squeeze %dma_start3A_79 : memref<1x1x512xf32, #tpu.memory_space<hbm>> -> memref<512xf32, #tpu.memory_space<hbm>>
      tpu.enqueue_dma source(%dma_start3A_80 : memref<512xf32, #tpu.memory_space<hbm>>) target(%arg11 : memref<512xf32, #tpu.memory_space<vmem>>) target_semaphore(%run_scoped3A_76 : memref<!tpu.dma_semaphore, #tpu.memory_space<semaphore_mem>>)
      %dma_wait3A_81 = tpu.memref_slice %arg4[%select_n3A, %run_scoped3A_40, %mul3A_32] : memref<16x3x1024xf32, #tpu.memory_space<hbm>> -> memref<1x1x512xf32, #tpu.memory_space<hbm>>
      %dma_wait3A_82 = tpu.memref_squeeze %dma_wait3A_81 : memref<1x1x512xf32, #tpu.memory_space<hbm>> -> memref<512xf32, #tpu.memory_space<hbm>>
      %dma_wait3A_83 = tpu.memref_slice %arg4[%select_n3A, %run_scoped3A_40, %mul3A_32] : memref<16x3x1024xf32, #tpu.memory_space<hbm>> -> memref<1x1x512xf32, #tpu.memory_space<hbm>>
      %dma_wait3A_84 = tpu.memref_squeeze %dma_wait3A_83 : memref<1x1x512xf32, #tpu.memory_space<hbm>> -> memref<512xf32, #tpu.memory_space<hbm>>
      tpu.wait_dma2 semaphore(%run_scoped3A_76 : memref<!tpu.dma_semaphore, #tpu.memory_space<semaphore_mem>>) src(%dma_wait3A_84 : memref<512xf32, #tpu.memory_space<hbm>>) dst(%arg11 : memref<512xf32, #tpu.memory_space<vmem>>)
      tpu.yield
    }) : () -> ()
    %iota3A = tpu.iota {dimensions = array<i32: 0>} : vector<16xi32>
    %broadcast_in_dim3A = arith.constant 1 : i32
    %broadcast_in_dim3A_41 = vector.broadcast %broadcast_in_dim3A : i32 to vector<16xi32>
    %scan3A = arith.constant 0 : i32
    %scan3A_42 = arith.constant 0 : i32
    %scan3A_43 = arith.constant 256 : i32
    %scan3A_44 = arith.addi %scan3A_42, %scan3A_43 : i32
    %scan3A_45 = arith.constant 1 : i32
    %scan3A_46 = scf.for %scan3A_76 = %scan3A_42 to %scan3A_44 step %scan3A_45 iter_args(%scan3A_77 = %scan3A) -> (i32)  : i32 {
      %mul3A_78 = arith.constant 2 : i32
      %mul3A_79 = arith.muli %mul3A_78, %scan3A_76 : i32
      %mul3A_80 = arith.constant 2 : i32
      %mul3A_81 = arith.muli %mul3A_80, %scan3A_76 : i32
      %add3A_82 = arith.constant 1 : i32
      %add3A_83 = arith.addi %mul3A_81, %add3A_82 : i32
      %broadcast_in_dim3A_84 = vector.broadcast %mul3A_79 : i32 to vector<16xi32>
      %gather3A = tpu.vector_load_idx %arg9[%broadcast_in_dim3A_84] : memref<512xf32, #tpu.memory_space<vmem>>[vector<16xi32>], vector<16xf32>,
      %broadcast_in_dim3A_85 = vector.broadcast %mul3A_79 : i32 to vector<16xi32>
      %gather3A_86 = tpu.vector_load_idx %arg10[%broadcast_in_dim3A_85] : memref<512xf32, #tpu.memory_space<vmem>>[vector<16xi32>], vector<16xf32>,
      %broadcast_in_dim3A_87 = vector.broadcast %mul3A_79 : i32 to vector<16xi32>
      %gather3A_88 = tpu.vector_load_idx %arg11[%broadcast_in_dim3A_87] : memref<512xf32, #tpu.memory_space<vmem>>[vector<16xi32>], vector<16xf32>,
      %broadcast_in_dim3A_89 = vector.broadcast %add3A_83 : i32 to vector<16xi32>
      %gather3A_90 = tpu.vector_load_idx %arg9[%broadcast_in_dim3A_89] : memref<512xf32, #tpu.memory_space<vmem>>[vector<16xi32>], vector<16xf32>,
      %broadcast_in_dim3A_91 = vector.broadcast %add3A_83 : i32 to vector<16xi32>
      %gather3A_92 = tpu.vector_load_idx %arg10[%broadcast_in_dim3A_91] : memref<512xf32, #tpu.memory_space<vmem>>[vector<16xi32>], vector<16xf32>,
      %broadcast_in_dim3A_93 = vector.broadcast %add3A_83 : i32 to vector<16xi32>
      %gather3A_94 = tpu.vector_load_idx %arg11[%broadcast_in_dim3A_93] : memref<512xf32, #tpu.memory_space<vmem>>[vector<16xi32>], vector<16xf32>,
      %broadcast_in_dim3A_95 = arith.constant -1 : i32
      %broadcast_in_dim3A_96 = vector.broadcast %broadcast_in_dim3A_95 : i32 to vector<16xi32>
      %while3A = arith.constant 0 : i32
      %while3A_97:3 = scf.while (%while3A_261 = %while3A, %while3A_262 = %broadcast_in_dim3A_96, %while3A_263 = %broadcast_in_dim3A_96) : (i32, vector<16xi32>, vector<16xi32>) -> (i32, vector<16xi32>, vector<16xi32>) {
        %slice3A_264 = vector.extract_strided_slice %while3A_262 {offsets = [0], sizes = [1], strides = [1]} : vector<16xi32> to vector<1xi32>
        %squeeze3A_265 = vector.extract %slice3A_264[0] : i32 from vector<1xi32>
        %lt3A_266 = arith.constant 31 : i32
        %lt3A_267 = arith.cmpi slt, %squeeze3A_265, %lt3A_266 : i32
        %slice3A_268 = vector.extract_strided_slice %while3A_263 {offsets = [0], sizes = [1], strides = [1]} : vector<16xi32> to vector<1xi32>
        %squeeze3A_269 = vector.extract %slice3A_268[0] : i32 from vector<1xi32>
        %lt3A_270 = arith.constant 31 : i32
        %lt3A_271 = arith.cmpi slt, %squeeze3A_269, %lt3A_270 : i32
        %or3A = arith.ori %lt3A_267, %lt3A_271 : i1
        %lt3A_272 = arith.constant 256 : i32
        %lt3A_273 = arith.cmpi slt, %while3A_261, %lt3A_272 : i32
        %and3A_274 = arith.andi %or3A, %lt3A_273 : i1
        scf.condition(%and3A_274) %while3A_261, %while3A_262, %while3A_263 : i32, vector<16xi32>, vector<16xi32>
      } do {
      ^bb0(%while3A_261: i32, %while3A_262: vector<16xi32>, %while3A_263: vector<16xi32>):
        %add3A_264 = arith.constant 0 : i32
        %add3A_265 = arith.addi %while3A_261, %add3A_264 : i32
        %mul3A_266 = arith.constant 16 : i32
        %mul3A_267 = arith.muli %add3A_265, %mul3A_266 : i32
        %get3A_268 = arith.index_cast %mul3A_267 : i32 to index
        %get3A_269 = tpu.vector_load %arg6[%get3A_268] {strides = array<i32>} : memref<4096xf32, #tpu.memory_space<vmem>>, vector<16xf32>,
        %get3A_270 = arith.index_cast %mul3A_267 : i32 to index
        %get3A_271 = tpu.vector_load %arg7[%get3A_270] {strides = array<i32>} : memref<4096xf32, #tpu.memory_space<vmem>>, vector<16xf32>,
        %get3A_272 = arith.index_cast %mul3A_267 : i32 to index
        %get3A_273 = tpu.vector_load %arg8[%get3A_272] {strides = array<i32>} : memref<4096xf32, #tpu.memory_space<vmem>>, vector<16xf32>,
        %add3A_274 = vector.broadcast %mul3A_267 : i32 to vector<16xi32>
        %add3A_275 = arith.addi %add3A_274, %iota3A : vector<16xi32>
        %sub3A_276 = arith.subf %get3A_269, %gather3A : vector<16xf32>
        %sub3A_277 = arith.subf %get3A_271, %gather3A_86 : vector<16xf32>
        %sub3A_278 = arith.subf %get3A_273, %gather3A_88 : vector<16xf32>
        %mul3A_279 = arith.mulf %sub3A_276, %sub3A_276 : vector<16xf32>
        %mul3A_280 = arith.mulf %sub3A_277, %sub3A_277 : vector<16xf32>
        %add3A_281 = arith.addf %mul3A_279, %mul3A_280 : vector<16xf32>
        %mul3A_282 = arith.mulf %sub3A_278, %sub3A_278 : vector<16xf32>
        %add3A_283 = arith.addf %add3A_281, %mul3A_282 : vector<16xf32>
        %le3A = arith.constant 4.000000e-02 : f32
        %le3A_284 = vector.broadcast %le3A : f32 to vector<16xf32>
        %le3A_285 = arith.cmpf ole, %add3A_283, %le3A_284 : vector<16xf32>
        %jit3A_286 = arith.constant 0 : i32
        %broadcast_in_dim3A_287 = vector.broadcast %jit3A_286 : i32 to vector<16xi32>
        %select_n3A_288 = arith.select %le3A_285, %broadcast_in_dim3A_41, %broadcast_in_dim3A_287 : vector<16xi1>, vector<16xi32>
        %broadcast_in_dim3A_289 = arith.constant true
        %broadcast_in_dim3A_290 = vector.broadcast %broadcast_in_dim3A_289 : i1 to vector<16xi1>
        %masked_cumsum3A = tpu.scan <sum>, %select_n3A_288 masked %broadcast_in_dim3A_290 : vector<16xi32>, vector<16xi1> -> vector<16xi32>
        %sub3A_291 = arith.subf %get3A_269, %gather3A_90 : vector<16xf32>
        %sub3A_292 = arith.subf %get3A_271, %gather3A_92 : vector<16xf32>
        %sub3A_293 = arith.subf %get3A_273, %gather3A_94 : vector<16xf32>
        %mul3A_294 = arith.mulf %sub3A_291, %sub3A_291 : vector<16xf32>
        %mul3A_295 = arith.mulf %sub3A_292, %sub3A_292 : vector<16xf32>
        %add3A_296 = arith.addf %mul3A_294, %mul3A_295 : vector<16xf32>
        %mul3A_297 = arith.mulf %sub3A_293, %sub3A_293 : vector<16xf32>
        %add3A_298 = arith.addf %add3A_296, %mul3A_297 : vector<16xf32>
        %le3A_299 = arith.constant 4.000000e-02 : f32
        %le3A_300 = vector.broadcast %le3A_299 : f32 to vector<16xf32>
        %le3A_301 = arith.cmpf ole, %add3A_298, %le3A_300 : vector<16xf32>
        %jit3A_302 = arith.constant 0 : i32
        %broadcast_in_dim3A_303 = vector.broadcast %jit3A_302 : i32 to vector<16xi32>
        %select_n3A_304 = arith.select %le3A_301, %broadcast_in_dim3A_41, %broadcast_in_dim3A_303 : vector<16xi1>, vector<16xi32>
        %broadcast_in_dim3A_305 = arith.constant true
        %broadcast_in_dim3A_306 = vector.broadcast %broadcast_in_dim3A_305 : i1 to vector<16xi1>
        %masked_cumsum3A_307 = tpu.scan <sum>, %select_n3A_304 masked %broadcast_in_dim3A_306 : vector<16xi32>, vector<16xi1> -> vector<16xi32>
        %add3A_308 = arith.constant 1 : i32
        %add3A_309 = arith.addi %while3A_261, %add3A_308 : i32
        %mul3A_310 = arith.constant 16 : i32
        %mul3A_311 = arith.muli %add3A_309, %mul3A_310 : i32
        %get3A_312 = arith.index_cast %mul3A_311 : i32 to index
        %get3A_313 = tpu.vector_load %arg6[%get3A_312] {strides = array<i32>} : memref<4096xf32, #tpu.memory_space<vmem>>, vector<16xf32>,
        %get3A_314 = arith.index_cast %mul3A_311 : i32 to index
        %get3A_315 = tpu.vector_load %arg7[%get3A_314] {strides = array<i32>} : memref<4096xf32, #tpu.memory_space<vmem>>, vector<16xf32>,
        %get3A_316 = arith.index_cast %mul3A_311 : i32 to index
        %get3A_317 = tpu.vector_load %arg8[%get3A_316] {strides = array<i32>} : memref<4096xf32, #tpu.memory_space<vmem>>, vector<16xf32>,
        %add3A_318 = vector.broadcast %mul3A_311 : i32 to vector<16xi32>
        %add3A_319 = arith.addi %add3A_318, %iota3A : vector<16xi32>
        %sub3A_320 = arith.subf %get3A_313, %gather3A : vector<16xf32>
        %sub3A_321 = arith.subf %get3A_315, %gather3A_86 : vector<16xf32>
        %sub3A_322 = arith.subf %get3A_317, %gather3A_88 : vector<16xf32>
        %mul3A_323 = arith.mulf %sub3A_320, %sub3A_320 : vector<16xf32>
        %mul3A_324 = arith.mulf %sub3A_321, %sub3A_321 : vector<16xf32>
        %add3A_325 = arith.addf %mul3A_323, %mul3A_324 : vector<16xf32>
        %mul3A_326 = arith.mulf %sub3A_322, %sub3A_322 : vector<16xf32>
        %add3A_327 = arith.addf %add3A_325, %mul3A_326 : vector<16xf32>
        %le3A_328 = arith.constant 4.000000e-02 : f32
        %le3A_329 = vector.broadcast %le3A_328 : f32 to vector<16xf32>
        %le3A_330 = arith.cmpf ole, %add3A_327, %le3A_329 : vector<16xf32>
        %jit3A_331 = arith.constant 0 : i32
        %broadcast_in_dim3A_332 = vector.broadcast %jit3A_331 : i32 to vector<16xi32>
        %select_n3A_333 = arith.select %le3A_330, %broadcast_in_dim3A_41, %broadcast_in_dim3A_332 : vector<16xi1>, vector<16xi32>
        %broadcast_in_dim3A_334 = arith.constant true
        %broadcast_in_dim3A_335 = vector.broadcast %broadcast_in_dim3A_334 : i1 to vector<16xi1>
        %masked_cumsum3A_336 = tpu.scan <sum>, %select_n3A_333 masked %broadcast_in_dim3A_335 : vector<16xi32>, vector<16xi1> -> vector<16xi32>
        %sub3A_337 = arith.subf %get3A_313, %gather3A_90 : vector<16xf32>
        %sub3A_338 = arith.subf %get3A_315, %gather3A_92 : vector<16xf32>
        %sub3A_339 = arith.subf %get3A_317, %gather3A_94 : vector<16xf32>
        %mul3A_340 = arith.mulf %sub3A_337, %sub3A_337 : vector<16xf32>
        %mul3A_341 = arith.mulf %sub3A_338, %sub3A_338 : vector<16xf32>
        %add3A_342 = arith.addf %mul3A_340, %mul3A_341 : vector<16xf32>
        %mul3A_343 = arith.mulf %sub3A_339, %sub3A_339 : vector<16xf32>
        %add3A_344 = arith.addf %add3A_342, %mul3A_343 : vector<16xf32>
        %le3A_345 = arith.constant 4.000000e-02 : f32
        %le3A_346 = vector.broadcast %le3A_345 : f32 to vector<16xf32>
        %le3A_347 = arith.cmpf ole, %add3A_344, %le3A_346 : vector<16xf32>
        %jit3A_348 = arith.constant 0 : i32
        %broadcast_in_dim3A_349 = vector.broadcast %jit3A_348 : i32 to vector<16xi32>
        %select_n3A_350 = arith.select %le3A_347, %broadcast_in_dim3A_41, %broadcast_in_dim3A_349 : vector<16xi1>, vector<16xi32>
        %broadcast_in_dim3A_351 = arith.constant true
        %broadcast_in_dim3A_352 = vector.broadcast %broadcast_in_dim3A_351 : i1 to vector<16xi1>
        %masked_cumsum3A_353 = tpu.scan <sum>, %select_n3A_350 masked %broadcast_in_dim3A_352 : vector<16xi32>, vector<16xi1> -> vector<16xi32>
        %add3A_354 = arith.constant 2 : i32
        %add3A_355 = arith.addi %while3A_261, %add3A_354 : i32
        %mul3A_356 = arith.constant 16 : i32
        %mul3A_357 = arith.muli %add3A_355, %mul3A_356 : i32
        %get3A_358 = arith.index_cast %mul3A_357 : i32 to index
        %get3A_359 = tpu.vector_load %arg6[%get3A_358] {strides = array<i32>} : memref<4096xf32, #tpu.memory_space<vmem>>, vector<16xf32>,
        %get3A_360 = arith.index_cast %mul3A_357 : i32 to index
        %get3A_361 = tpu.vector_load %arg7[%get3A_360] {strides = array<i32>} : memref<4096xf32, #tpu.memory_space<vmem>>, vector<16xf32>,
        %get3A_362 = arith.index_cast %mul3A_357 : i32 to index
        %get3A_363 = tpu.vector_load %arg8[%get3A_362] {strides = array<i32>} : memref<4096xf32, #tpu.memory_space<vmem>>, vector<16xf32>,
        %add3A_364 = vector.broadcast %mul3A_357 : i32 to vector<16xi32>
        %add3A_365 = arith.addi %add3A_364, %iota3A : vector<16xi32>
        %sub3A_366 = arith.subf %get3A_359, %gather3A : vector<16xf32>
        %sub3A_367 = arith.subf %get3A_361, %gather3A_86 : vector<16xf32>
        %sub3A_368 = arith.subf %get3A_363, %gather3A_88 : vector<16xf32>
        %mul3A_369 = arith.mulf %sub3A_366, %sub3A_366 : vector<16xf32>
        %mul3A_370 = arith.mulf %sub3A_367, %sub3A_367 : vector<16xf32>
        %add3A_371 = arith.addf %mul3A_369, %mul3A_370 : vector<16xf32>
        %mul3A_372 = arith.mulf %sub3A_368, %sub3A_368 : vector<16xf32>
        %add3A_373 = arith.addf %add3A_371, %mul3A_372 : vector<16xf32>
        %le3A_374 = arith.constant 4.000000e-02 : f32
        %le3A_375 = vector.broadcast %le3A_374 : f32 to vector<16xf32>
        %le3A_376 = arith.cmpf ole, %add3A_373, %le3A_375 : vector<16xf32>
        %jit3A_377 = arith.constant 0 : i32
        %broadcast_in_dim3A_378 = vector.broadcast %jit3A_377 : i32 to vector<16xi32>
        %select_n3A_379 = arith.select %le3A_376, %broadcast_in_dim3A_41, %broadcast_in_dim3A_378 : vector<16xi1>, vector<16xi32>
        %broadcast_in_dim3A_380 = arith.constant true
        %broadcast_in_dim3A_381 = vector.broadcast %broadcast_in_dim3A_380 : i1 to vector<16xi1>
        %masked_cumsum3A_382 = tpu.scan <sum>, %select_n3A_379 masked %broadcast_in_dim3A_381 : vector<16xi32>, vector<16xi1> -> vector<16xi32>
        %sub3A_383 = arith.subf %get3A_359, %gather3A_90 : vector<16xf32>
        %sub3A_384 = arith.subf %get3A_361, %gather3A_92 : vector<16xf32>
        %sub3A_385 = arith.subf %get3A_363, %gather3A_94 : vector<16xf32>
        %mul3A_386 = arith.mulf %sub3A_383, %sub3A_383 : vector<16xf32>
        %mul3A_387 = arith.mulf %sub3A_384, %sub3A_384 : vector<16xf32>
        %add3A_388 = arith.addf %mul3A_386, %mul3A_387 : vector<16xf32>
        %mul3A_389 = arith.mulf %sub3A_385, %sub3A_385 : vector<16xf32>
        %add3A_390 = arith.addf %add3A_388, %mul3A_389 : vector<16xf32>
        %le3A_391 = arith.constant 4.000000e-02 : f32
        %le3A_392 = vector.broadcast %le3A_391 : f32 to vector<16xf32>
        %le3A_393 = arith.cmpf ole, %add3A_390, %le3A_392 : vector<16xf32>
        %jit3A_394 = arith.constant 0 : i32
        %broadcast_in_dim3A_395 = vector.broadcast %jit3A_394 : i32 to vector<16xi32>
        %select_n3A_396 = arith.select %le3A_393, %broadcast_in_dim3A_41, %broadcast_in_dim3A_395 : vector<16xi1>, vector<16xi32>
        %broadcast_in_dim3A_397 = arith.constant true
        %broadcast_in_dim3A_398 = vector.broadcast %broadcast_in_dim3A_397 : i1 to vector<16xi1>
        %masked_cumsum3A_399 = tpu.scan <sum>, %select_n3A_396 masked %broadcast_in_dim3A_398 : vector<16xi32>, vector<16xi1> -> vector<16xi32>
        %add3A_400 = arith.constant 3 : i32
        %add3A_401 = arith.addi %while3A_261, %add3A_400 : i32
        %mul3A_402 = arith.constant 16 : i32
        %mul3A_403 = arith.muli %add3A_401, %mul3A_402 : i32
        %get3A_404 = arith.index_cast %mul3A_403 : i32 to index
        %get3A_405 = tpu.vector_load %arg6[%get3A_404] {strides = array<i32>} : memref<4096xf32, #tpu.memory_space<vmem>>, vector<16xf32>,
        %get3A_406 = arith.index_cast %mul3A_403 : i32 to index
        %get3A_407 = tpu.vector_load %arg7[%get3A_406] {strides = array<i32>} : memref<4096xf32, #tpu.memory_space<vmem>>, vector<16xf32>,
        %get3A_408 = arith.index_cast %mul3A_403 : i32 to index
        %get3A_409 = tpu.vector_load %arg8[%get3A_408] {strides = array<i32>} : memref<4096xf32, #tpu.memory_space<vmem>>, vector<16xf32>,
        %add3A_410 = vector.broadcast %mul3A_403 : i32 to vector<16xi32>
        %add3A_411 = arith.addi %add3A_410, %iota3A : vector<16xi32>
        %sub3A_412 = arith.subf %get3A_405, %gather3A : vector<16xf32>
        %sub3A_413 = arith.subf %get3A_407, %gather3A_86 : vector<16xf32>
        %sub3A_414 = arith.subf %get3A_409, %gather3A_88 : vector<16xf32>
        %mul3A_415 = arith.mulf %sub3A_412, %sub3A_412 : vector<16xf32>
        %mul3A_416 = arith.mulf %sub3A_413, %sub3A_413 : vector<16xf32>
        %add3A_417 = arith.addf %mul3A_415, %mul3A_416 : vector<16xf32>
        %mul3A_418 = arith.mulf %sub3A_414, %sub3A_414 : vector<16xf32>
        %add3A_419 = arith.addf %add3A_417, %mul3A_418 : vector<16xf32>
        %le3A_420 = arith.constant 4.000000e-02 : f32
        %le3A_421 = vector.broadcast %le3A_420 : f32 to vector<16xf32>
        %le3A_422 = arith.cmpf ole, %add3A_419, %le3A_421 : vector<16xf32>
        %jit3A_423 = arith.constant 0 : i32
        %broadcast_in_dim3A_424 = vector.broadcast %jit3A_423 : i32 to vector<16xi32>
        %select_n3A_425 = arith.select %le3A_422, %broadcast_in_dim3A_41, %broadcast_in_dim3A_424 : vector<16xi1>, vector<16xi32>
        %broadcast_in_dim3A_426 = arith.constant true
        %broadcast_in_dim3A_427 = vector.broadcast %broadcast_in_dim3A_426 : i1 to vector<16xi1>
        %masked_cumsum3A_428 = tpu.scan <sum>, %select_n3A_425 masked %broadcast_in_dim3A_427 : vector<16xi32>, vector<16xi1> -> vector<16xi32>
        %sub3A_429 = arith.subf %get3A_405, %gather3A_90 : vector<16xf32>
        %sub3A_430 = arith.subf %get3A_407, %gather3A_92 : vector<16xf32>
        %sub3A_431 = arith.subf %get3A_409, %gather3A_94 : vector<16xf32>
        %mul3A_432 = arith.mulf %sub3A_429, %sub3A_429 : vector<16xf32>
        %mul3A_433 = arith.mulf %sub3A_430, %sub3A_430 : vector<16xf32>
        %add3A_434 = arith.addf %mul3A_432, %mul3A_433 : vector<16xf32>
        %mul3A_435 = arith.mulf %sub3A_431, %sub3A_431 : vector<16xf32>
        %add3A_436 = arith.addf %add3A_434, %mul3A_435 : vector<16xf32>
        %le3A_437 = arith.constant 4.000000e-02 : f32
        %le3A_438 = vector.broadcast %le3A_437 : f32 to vector<16xf32>
        %le3A_439 = arith.cmpf ole, %add3A_436, %le3A_438 : vector<16xf32>
        %jit3A_440 = arith.constant 0 : i32
        %broadcast_in_dim3A_441 = vector.broadcast %jit3A_440 : i32 to vector<16xi32>
        %select_n3A_442 = arith.select %le3A_439, %broadcast_in_dim3A_41, %broadcast_in_dim3A_441 : vector<16xi1>, vector<16xi32>
        %broadcast_in_dim3A_443 = arith.constant true
        %broadcast_in_dim3A_444 = vector.broadcast %broadcast_in_dim3A_443 : i1 to vector<16xi1>
        %masked_cumsum3A_445 = tpu.scan <sum>, %select_n3A_442 masked %broadcast_in_dim3A_444 : vector<16xi32>, vector<16xi1> -> vector<16xi32>
        %add3A_446 = arith.constant 4 : i32
        %add3A_447 = arith.addi %while3A_261, %add3A_446 : i32
        %mul3A_448 = arith.constant 16 : i32
        %mul3A_449 = arith.muli %add3A_447, %mul3A_448 : i32
        %get3A_450 = arith.index_cast %mul3A_449 : i32 to index
        %get3A_451 = tpu.vector_load %arg6[%get3A_450] {strides = array<i32>} : memref<4096xf32, #tpu.memory_space<vmem>>, vector<16xf32>,
        %get3A_452 = arith.index_cast %mul3A_449 : i32 to index
        %get3A_453 = tpu.vector_load %arg7[%get3A_452] {strides = array<i32>} : memref<4096xf32, #tpu.memory_space<vmem>>, vector<16xf32>,
        %get3A_454 = arith.index_cast %mul3A_449 : i32 to index
        %get3A_455 = tpu.vector_load %arg8[%get3A_454] {strides = array<i32>} : memref<4096xf32, #tpu.memory_space<vmem>>, vector<16xf32>,
        %add3A_456 = vector.broadcast %mul3A_449 : i32 to vector<16xi32>
        %add3A_457 = arith.addi %add3A_456, %iota3A : vector<16xi32>
        %sub3A_458 = arith.subf %get3A_451, %gather3A : vector<16xf32>
        %sub3A_459 = arith.subf %get3A_453, %gather3A_86 : vector<16xf32>
        %sub3A_460 = arith.subf %get3A_455, %gather3A_88 : vector<16xf32>
        %mul3A_461 = arith.mulf %sub3A_458, %sub3A_458 : vector<16xf32>
        %mul3A_462 = arith.mulf %sub3A_459, %sub3A_459 : vector<16xf32>
        %add3A_463 = arith.addf %mul3A_461, %mul3A_462 : vector<16xf32>
        %mul3A_464 = arith.mulf %sub3A_460, %sub3A_460 : vector<16xf32>
        %add3A_465 = arith.addf %add3A_463, %mul3A_464 : vector<16xf32>
        %le3A_466 = arith.constant 4.000000e-02 : f32
        %le3A_467 = vector.broadcast %le3A_466 : f32 to vector<16xf32>
        %le3A_468 = arith.cmpf ole, %add3A_465, %le3A_467 : vector<16xf32>
        %jit3A_469 = arith.constant 0 : i32
        %broadcast_in_dim3A_470 = vector.broadcast %jit3A_469 : i32 to vector<16xi32>
        %select_n3A_471 = arith.select %le3A_468, %broadcast_in_dim3A_41, %broadcast_in_dim3A_470 : vector<16xi1>, vector<16xi32>
        %broadcast_in_dim3A_472 = arith.constant true
        %broadcast_in_dim3A_473 = vector.broadcast %broadcast_in_dim3A_472 : i1 to vector<16xi1>
        %masked_cumsum3A_474 = tpu.scan <sum>, %select_n3A_471 masked %broadcast_in_dim3A_473 : vector<16xi32>, vector<16xi1> -> vector<16xi32>
        %sub3A_475 = arith.subf %get3A_451, %gather3A_90 : vector<16xf32>
        %sub3A_476 = arith.subf %get3A_453, %gather3A_92 : vector<16xf32>
        %sub3A_477 = arith.subf %get3A_455, %gather3A_94 : vector<16xf32>
        %mul3A_478 = arith.mulf %sub3A_475, %sub3A_475 : vector<16xf32>
        %mul3A_479 = arith.mulf %sub3A_476, %sub3A_476 : vector<16xf32>
        %add3A_480 = arith.addf %mul3A_478, %mul3A_479 : vector<16xf32>
        %mul3A_481 = arith.mulf %sub3A_477, %sub3A_477 : vector<16xf32>
        %add3A_482 = arith.addf %add3A_480, %mul3A_481 : vector<16xf32>
        %le3A_483 = arith.constant 4.000000e-02 : f32
        %le3A_484 = vector.broadcast %le3A_483 : f32 to vector<16xf32>
        %le3A_485 = arith.cmpf ole, %add3A_482, %le3A_484 : vector<16xf32>
        %jit3A_486 = arith.constant 0 : i32
        %broadcast_in_dim3A_487 = vector.broadcast %jit3A_486 : i32 to vector<16xi32>
        %select_n3A_488 = arith.select %le3A_485, %broadcast_in_dim3A_41, %broadcast_in_dim3A_487 : vector<16xi1>, vector<16xi32>
        %broadcast_in_dim3A_489 = arith.constant true
        %broadcast_in_dim3A_490 = vector.broadcast %broadcast_in_dim3A_489 : i1 to vector<16xi1>
        %masked_cumsum3A_491 = tpu.scan <sum>, %select_n3A_488 masked %broadcast_in_dim3A_490 : vector<16xi32>, vector<16xi1> -> vector<16xi32>
        %add3A_492 = arith.constant 5 : i32
        %add3A_493 = arith.addi %while3A_261, %add3A_492 : i32
        %mul3A_494 = arith.constant 16 : i32
        %mul3A_495 = arith.muli %add3A_493, %mul3A_494 : i32
        %get3A_496 = arith.index_cast %mul3A_495 : i32 to index
        %get3A_497 = tpu.vector_load %arg6[%get3A_496] {strides = array<i32>} : memref<4096xf32, #tpu.memory_space<vmem>>, vector<16xf32>,
        %get3A_498 = arith.index_cast %mul3A_495 : i32 to index
        %get3A_499 = tpu.vector_load %arg7[%get3A_498] {strides = array<i32>} : memref<4096xf32, #tpu.memory_space<vmem>>, vector<16xf32>,
        %get3A_500 = arith.index_cast %mul3A_495 : i32 to index
        %get3A_501 = tpu.vector_load %arg8[%get3A_500] {strides = array<i32>} : memref<4096xf32, #tpu.memory_space<vmem>>, vector<16xf32>,
        %add3A_502 = vector.broadcast %mul3A_495 : i32 to vector<16xi32>
        %add3A_503 = arith.addi %add3A_502, %iota3A : vector<16xi32>
        %sub3A_504 = arith.subf %get3A_497, %gather3A : vector<16xf32>
        %sub3A_505 = arith.subf %get3A_499, %gather3A_86 : vector<16xf32>
        %sub3A_506 = arith.subf %get3A_501, %gather3A_88 : vector<16xf32>
        %mul3A_507 = arith.mulf %sub3A_504, %sub3A_504 : vector<16xf32>
        %mul3A_508 = arith.mulf %sub3A_505, %sub3A_505 : vector<16xf32>
        %add3A_509 = arith.addf %mul3A_507, %mul3A_508 : vector<16xf32>
        %mul3A_510 = arith.mulf %sub3A_506, %sub3A_506 : vector<16xf32>
        %add3A_511 = arith.addf %add3A_509, %mul3A_510 : vector<16xf32>
        %le3A_512 = arith.constant 4.000000e-02 : f32
        %le3A_513 = vector.broadcast %le3A_512 : f32 to vector<16xf32>
        %le3A_514 = arith.cmpf ole, %add3A_511, %le3A_513 : vector<16xf32>
        %jit3A_515 = arith.constant 0 : i32
        %broadcast_in_dim3A_516 = vector.broadcast %jit3A_515 : i32 to vector<16xi32>
        %select_n3A_517 = arith.select %le3A_514, %broadcast_in_dim3A_41, %broadcast_in_dim3A_516 : vector<16xi1>, vector<16xi32>
        %broadcast_in_dim3A_518 = arith.constant true
        %broadcast_in_dim3A_519 = vector.broadcast %broadcast_in_dim3A_518 : i1 to vector<16xi1>
        %masked_cumsum3A_520 = tpu.scan <sum>, %select_n3A_517 masked %broadcast_in_dim3A_519 : vector<16xi32>, vector<16xi1> -> vector<16xi32>
        %sub3A_521 = arith.subf %get3A_497, %gather3A_90 : vector<16xf32>
        %sub3A_522 = arith.subf %get3A_499, %gather3A_92 : vector<16xf32>
        %sub3A_523 = arith.subf %get3A_501, %gather3A_94 : vector<16xf32>
        %mul3A_524 = arith.mulf %sub3A_521, %sub3A_521 : vector<16xf32>
        %mul3A_525 = arith.mulf %sub3A_522, %sub3A_522 : vector<16xf32>
        %add3A_526 = arith.addf %mul3A_524, %mul3A_525 : vector<16xf32>
        %mul3A_527 = arith.mulf %sub3A_523, %sub3A_523 : vector<16xf32>
        %add3A_528 = arith.addf %add3A_526, %mul3A_527 : vector<16xf32>
        %le3A_529 = arith.constant 4.000000e-02 : f32
        %le3A_530 = vector.broadcast %le3A_529 : f32 to vector<16xf32>
        %le3A_531 = arith.cmpf ole, %add3A_528, %le3A_530 : vector<16xf32>
        %jit3A_532 = arith.constant 0 : i32
        %broadcast_in_dim3A_533 = vector.broadcast %jit3A_532 : i32 to vector<16xi32>
        %select_n3A_534 = arith.select %le3A_531, %broadcast_in_dim3A_41, %broadcast_in_dim3A_533 : vector<16xi1>, vector<16xi32>
        %broadcast_in_dim3A_535 = arith.constant true
        %broadcast_in_dim3A_536 = vector.broadcast %broadcast_in_dim3A_535 : i1 to vector<16xi1>
        %masked_cumsum3A_537 = tpu.scan <sum>, %select_n3A_534 masked %broadcast_in_dim3A_536 : vector<16xi32>, vector<16xi1> -> vector<16xi32>
        %add3A_538 = arith.constant 6 : i32
        %add3A_539 = arith.addi %while3A_261, %add3A_538 : i32
        %mul3A_540 = arith.constant 16 : i32
        %mul3A_541 = arith.muli %add3A_539, %mul3A_540 : i32
        %get3A_542 = arith.index_cast %mul3A_541 : i32 to index
        %get3A_543 = tpu.vector_load %arg6[%get3A_542] {strides = array<i32>} : memref<4096xf32, #tpu.memory_space<vmem>>, vector<16xf32>,
        %get3A_544 = arith.index_cast %mul3A_541 : i32 to index
        %get3A_545 = tpu.vector_load %arg7[%get3A_544] {strides = array<i32>} : memref<4096xf32, #tpu.memory_space<vmem>>, vector<16xf32>,
        %get3A_546 = arith.index_cast %mul3A_541 : i32 to index
        %get3A_547 = tpu.vector_load %arg8[%get3A_546] {strides = array<i32>} : memref<4096xf32, #tpu.memory_space<vmem>>, vector<16xf32>,
        %add3A_548 = vector.broadcast %mul3A_541 : i32 to vector<16xi32>
        %add3A_549 = arith.addi %add3A_548, %iota3A : vector<16xi32>
        %sub3A_550 = arith.subf %get3A_543, %gather3A : vector<16xf32>
        %sub3A_551 = arith.subf %get3A_545, %gather3A_86 : vector<16xf32>
        %sub3A_552 = arith.subf %get3A_547, %gather3A_88 : vector<16xf32>
        %mul3A_553 = arith.mulf %sub3A_550, %sub3A_550 : vector<16xf32>
        %mul3A_554 = arith.mulf %sub3A_551, %sub3A_551 : vector<16xf32>
        %add3A_555 = arith.addf %mul3A_553, %mul3A_554 : vector<16xf32>
        %mul3A_556 = arith.mulf %sub3A_552, %sub3A_552 : vector<16xf32>
        %add3A_557 = arith.addf %add3A_555, %mul3A_556 : vector<16xf32>
        %le3A_558 = arith.constant 4.000000e-02 : f32
        %le3A_559 = vector.broadcast %le3A_558 : f32 to vector<16xf32>
        %le3A_560 = arith.cmpf ole, %add3A_557, %le3A_559 : vector<16xf32>
        %jit3A_561 = arith.constant 0 : i32
        %broadcast_in_dim3A_562 = vector.broadcast %jit3A_561 : i32 to vector<16xi32>
        %select_n3A_563 = arith.select %le3A_560, %broadcast_in_dim3A_41, %broadcast_in_dim3A_562 : vector<16xi1>, vector<16xi32>
        %broadcast_in_dim3A_564 = arith.constant true
        %broadcast_in_dim3A_565 = vector.broadcast %broadcast_in_dim3A_564 : i1 to vector<16xi1>
        %masked_cumsum3A_566 = tpu.scan <sum>, %select_n3A_563 masked %broadcast_in_dim3A_565 : vector<16xi32>, vector<16xi1> -> vector<16xi32>
        %sub3A_567 = arith.subf %get3A_543, %gather3A_90 : vector<16xf32>
        %sub3A_568 = arith.subf %get3A_545, %gather3A_92 : vector<16xf32>
        %sub3A_569 = arith.subf %get3A_547, %gather3A_94 : vector<16xf32>
        %mul3A_570 = arith.mulf %sub3A_567, %sub3A_567 : vector<16xf32>
        %mul3A_571 = arith.mulf %sub3A_568, %sub3A_568 : vector<16xf32>
        %add3A_572 = arith.addf %mul3A_570, %mul3A_571 : vector<16xf32>
        %mul3A_573 = arith.mulf %sub3A_569, %sub3A_569 : vector<16xf32>
        %add3A_574 = arith.addf %add3A_572, %mul3A_573 : vector<16xf32>
        %le3A_575 = arith.constant 4.000000e-02 : f32
        %le3A_576 = vector.broadcast %le3A_575 : f32 to vector<16xf32>
        %le3A_577 = arith.cmpf ole, %add3A_574, %le3A_576 : vector<16xf32>
        %jit3A_578 = arith.constant 0 : i32
        %broadcast_in_dim3A_579 = vector.broadcast %jit3A_578 : i32 to vector<16xi32>
        %select_n3A_580 = arith.select %le3A_577, %broadcast_in_dim3A_41, %broadcast_in_dim3A_579 : vector<16xi1>, vector<16xi32>
        %broadcast_in_dim3A_581 = arith.constant true
        %broadcast_in_dim3A_582 = vector.broadcast %broadcast_in_dim3A_581 : i1 to vector<16xi1>
        %masked_cumsum3A_583 = tpu.scan <sum>, %select_n3A_580 masked %broadcast_in_dim3A_582 : vector<16xi32>, vector<16xi1> -> vector<16xi32>
        %add3A_584 = arith.constant 7 : i32
        %add3A_585 = arith.addi %while3A_261, %add3A_584 : i32
        %mul3A_586 = arith.constant 16 : i32
        %mul3A_587 = arith.muli %add3A_585, %mul3A_586 : i32
        %get3A_588 = arith.index_cast %mul3A_587 : i32 to index
        %get3A_589 = tpu.vector_load %arg6[%get3A_588] {strides = array<i32>} : memref<4096xf32, #tpu.memory_space<vmem>>, vector<16xf32>,
        %get3A_590 = arith.index_cast %mul3A_587 : i32 to index
        %get3A_591 = tpu.vector_load %arg7[%get3A_590] {strides = array<i32>} : memref<4096xf32, #tpu.memory_space<vmem>>, vector<16xf32>,
        %get3A_592 = arith.index_cast %mul3A_587 : i32 to index
        %get3A_593 = tpu.vector_load %arg8[%get3A_592] {strides = array<i32>} : memref<4096xf32, #tpu.memory_space<vmem>>, vector<16xf32>,
        %add3A_594 = vector.broadcast %mul3A_587 : i32 to vector<16xi32>
        %add3A_595 = arith.addi %add3A_594, %iota3A : vector<16xi32>
        %sub3A_596 = arith.subf %get3A_589, %gather3A : vector<16xf32>
        %sub3A_597 = arith.subf %get3A_591, %gather3A_86 : vector<16xf32>
        %sub3A_598 = arith.subf %get3A_593, %gather3A_88 : vector<16xf32>
        %mul3A_599 = arith.mulf %sub3A_596, %sub3A_596 : vector<16xf32>
        %mul3A_600 = arith.mulf %sub3A_597, %sub3A_597 : vector<16xf32>
        %add3A_601 = arith.addf %mul3A_599, %mul3A_600 : vector<16xf32>
        %mul3A_602 = arith.mulf %sub3A_598, %sub3A_598 : vector<16xf32>
        %add3A_603 = arith.addf %add3A_601, %mul3A_602 : vector<16xf32>
        %le3A_604 = arith.constant 4.000000e-02 : f32
        %le3A_605 = vector.broadcast %le3A_604 : f32 to vector<16xf32>
        %le3A_606 = arith.cmpf ole, %add3A_603, %le3A_605 : vector<16xf32>
        %jit3A_607 = arith.constant 0 : i32
        %broadcast_in_dim3A_608 = vector.broadcast %jit3A_607 : i32 to vector<16xi32>
        %select_n3A_609 = arith.select %le3A_606, %broadcast_in_dim3A_41, %broadcast_in_dim3A_608 : vector<16xi1>, vector<16xi32>
        %broadcast_in_dim3A_610 = arith.constant true
        %broadcast_in_dim3A_611 = vector.broadcast %broadcast_in_dim3A_610 : i1 to vector<16xi1>
        %masked_cumsum3A_612 = tpu.scan <sum>, %select_n3A_609 masked %broadcast_in_dim3A_611 : vector<16xi32>, vector<16xi1> -> vector<16xi32>
        %sub3A_613 = arith.subf %get3A_589, %gather3A_90 : vector<16xf32>
        %sub3A_614 = arith.subf %get3A_591, %gather3A_92 : vector<16xf32>
        %sub3A_615 = arith.subf %get3A_593, %gather3A_94 : vector<16xf32>
        %mul3A_616 = arith.mulf %sub3A_613, %sub3A_613 : vector<16xf32>
        %mul3A_617 = arith.mulf %sub3A_614, %sub3A_614 : vector<16xf32>
        %add3A_618 = arith.addf %mul3A_616, %mul3A_617 : vector<16xf32>
        %mul3A_619 = arith.mulf %sub3A_615, %sub3A_615 : vector<16xf32>
        %add3A_620 = arith.addf %add3A_618, %mul3A_619 : vector<16xf32>
        %le3A_621 = arith.constant 4.000000e-02 : f32
        %le3A_622 = vector.broadcast %le3A_621 : f32 to vector<16xf32>
        %le3A_623 = arith.cmpf ole, %add3A_620, %le3A_622 : vector<16xf32>
        %jit3A_624 = arith.constant 0 : i32
        %broadcast_in_dim3A_625 = vector.broadcast %jit3A_624 : i32 to vector<16xi32>
        %select_n3A_626 = arith.select %le3A_623, %broadcast_in_dim3A_41, %broadcast_in_dim3A_625 : vector<16xi1>, vector<16xi32>
        %broadcast_in_dim3A_627 = arith.constant true
        %broadcast_in_dim3A_628 = vector.broadcast %broadcast_in_dim3A_627 : i1 to vector<16xi1>
        %masked_cumsum3A_629 = tpu.scan <sum>, %select_n3A_626 masked %broadcast_in_dim3A_628 : vector<16xi32>, vector<16xi1> -> vector<16xi32>
        %add3A_630 = arith.constant 8 : i32
        %add3A_631 = arith.addi %while3A_261, %add3A_630 : i32
        %mul3A_632 = arith.constant 16 : i32
        %mul3A_633 = arith.muli %add3A_631, %mul3A_632 : i32
        %get3A_634 = arith.index_cast %mul3A_633 : i32 to index
        %get3A_635 = tpu.vector_load %arg6[%get3A_634] {strides = array<i32>} : memref<4096xf32, #tpu.memory_space<vmem>>, vector<16xf32>,
        %get3A_636 = arith.index_cast %mul3A_633 : i32 to index
        %get3A_637 = tpu.vector_load %arg7[%get3A_636] {strides = array<i32>} : memref<4096xf32, #tpu.memory_space<vmem>>, vector<16xf32>,
        %get3A_638 = arith.index_cast %mul3A_633 : i32 to index
        %get3A_639 = tpu.vector_load %arg8[%get3A_638] {strides = array<i32>} : memref<4096xf32, #tpu.memory_space<vmem>>, vector<16xf32>,
        %add3A_640 = vector.broadcast %mul3A_633 : i32 to vector<16xi32>
        %add3A_641 = arith.addi %add3A_640, %iota3A : vector<16xi32>
        %sub3A_642 = arith.subf %get3A_635, %gather3A : vector<16xf32>
        %sub3A_643 = arith.subf %get3A_637, %gather3A_86 : vector<16xf32>
        %sub3A_644 = arith.subf %get3A_639, %gather3A_88 : vector<16xf32>
        %mul3A_645 = arith.mulf %sub3A_642, %sub3A_642 : vector<16xf32>
        %mul3A_646 = arith.mulf %sub3A_643, %sub3A_643 : vector<16xf32>
        %add3A_647 = arith.addf %mul3A_645, %mul3A_646 : vector<16xf32>
        %mul3A_648 = arith.mulf %sub3A_644, %sub3A_644 : vector<16xf32>
        %add3A_649 = arith.addf %add3A_647, %mul3A_648 : vector<16xf32>
        %le3A_650 = arith.constant 4.000000e-02 : f32
        %le3A_651 = vector.broadcast %le3A_650 : f32 to vector<16xf32>
        %le3A_652 = arith.cmpf ole, %add3A_649, %le3A_651 : vector<16xf32>
        %jit3A_653 = arith.constant 0 : i32
        %broadcast_in_dim3A_654 = vector.broadcast %jit3A_653 : i32 to vector<16xi32>
        %select_n3A_655 = arith.select %le3A_652, %broadcast_in_dim3A_41, %broadcast_in_dim3A_654 : vector<16xi1>, vector<16xi32>
        %broadcast_in_dim3A_656 = arith.constant true
        %broadcast_in_dim3A_657 = vector.broadcast %broadcast_in_dim3A_656 : i1 to vector<16xi1>
        %masked_cumsum3A_658 = tpu.scan <sum>, %select_n3A_655 masked %broadcast_in_dim3A_657 : vector<16xi32>, vector<16xi1> -> vector<16xi32>
        %sub3A_659 = arith.subf %get3A_635, %gather3A_90 : vector<16xf32>
        %sub3A_660 = arith.subf %get3A_637, %gather3A_92 : vector<16xf32>
        %sub3A_661 = arith.subf %get3A_639, %gather3A_94 : vector<16xf32>
        %mul3A_662 = arith.mulf %sub3A_659, %sub3A_659 : vector<16xf32>
        %mul3A_663 = arith.mulf %sub3A_660, %sub3A_660 : vector<16xf32>
        %add3A_664 = arith.addf %mul3A_662, %mul3A_663 : vector<16xf32>
        %mul3A_665 = arith.mulf %sub3A_661, %sub3A_661 : vector<16xf32>
        %add3A_666 = arith.addf %add3A_664, %mul3A_665 : vector<16xf32>
        %le3A_667 = arith.constant 4.000000e-02 : f32
        %le3A_668 = vector.broadcast %le3A_667 : f32 to vector<16xf32>
        %le3A_669 = arith.cmpf ole, %add3A_666, %le3A_668 : vector<16xf32>
        %jit3A_670 = arith.constant 0 : i32
        %broadcast_in_dim3A_671 = vector.broadcast %jit3A_670 : i32 to vector<16xi32>
        %select_n3A_672 = arith.select %le3A_669, %broadcast_in_dim3A_41, %broadcast_in_dim3A_671 : vector<16xi1>, vector<16xi32>
        %broadcast_in_dim3A_673 = arith.constant true
        %broadcast_in_dim3A_674 = vector.broadcast %broadcast_in_dim3A_673 : i1 to vector<16xi1>
        %masked_cumsum3A_675 = tpu.scan <sum>, %select_n3A_672 masked %broadcast_in_dim3A_674 : vector<16xi32>, vector<16xi1> -> vector<16xi32>
        %add3A_676 = arith.constant 9 : i32
        %add3A_677 = arith.addi %while3A_261, %add3A_676 : i32
        %mul3A_678 = arith.constant 16 : i32
        %mul3A_679 = arith.muli %add3A_677, %mul3A_678 : i32
        %get3A_680 = arith.index_cast %mul3A_679 : i32 to index
        %get3A_681 = tpu.vector_load %arg6[%get3A_680] {strides = array<i32>} : memref<4096xf32, #tpu.memory_space<vmem>>, vector<16xf32>,
        %get3A_682 = arith.index_cast %mul3A_679 : i32 to index
        %get3A_683 = tpu.vector_load %arg7[%get3A_682] {strides = array<i32>} : memref<4096xf32, #tpu.memory_space<vmem>>, vector<16xf32>,
        %get3A_684 = arith.index_cast %mul3A_679 : i32 to index
        %get3A_685 = tpu.vector_load %arg8[%get3A_684] {strides = array<i32>} : memref<4096xf32, #tpu.memory_space<vmem>>, vector<16xf32>,
        %add3A_686 = vector.broadcast %mul3A_679 : i32 to vector<16xi32>
        %add3A_687 = arith.addi %add3A_686, %iota3A : vector<16xi32>
        %sub3A_688 = arith.subf %get3A_681, %gather3A : vector<16xf32>
        %sub3A_689 = arith.subf %get3A_683, %gather3A_86 : vector<16xf32>
        %sub3A_690 = arith.subf %get3A_685, %gather3A_88 : vector<16xf32>
        %mul3A_691 = arith.mulf %sub3A_688, %sub3A_688 : vector<16xf32>
        %mul3A_692 = arith.mulf %sub3A_689, %sub3A_689 : vector<16xf32>
        %add3A_693 = arith.addf %mul3A_691, %mul3A_692 : vector<16xf32>
        %mul3A_694 = arith.mulf %sub3A_690, %sub3A_690 : vector<16xf32>
        %add3A_695 = arith.addf %add3A_693, %mul3A_694 : vector<16xf32>
        %le3A_696 = arith.constant 4.000000e-02 : f32
        %le3A_697 = vector.broadcast %le3A_696 : f32 to vector<16xf32>
        %le3A_698 = arith.cmpf ole, %add3A_695, %le3A_697 : vector<16xf32>
        %jit3A_699 = arith.constant 0 : i32
        %broadcast_in_dim3A_700 = vector.broadcast %jit3A_699 : i32 to vector<16xi32>
        %select_n3A_701 = arith.select %le3A_698, %broadcast_in_dim3A_41, %broadcast_in_dim3A_700 : vector<16xi1>, vector<16xi32>
        %broadcast_in_dim3A_702 = arith.constant true
        %broadcast_in_dim3A_703 = vector.broadcast %broadcast_in_dim3A_702 : i1 to vector<16xi1>
        %masked_cumsum3A_704 = tpu.scan <sum>, %select_n3A_701 masked %broadcast_in_dim3A_703 : vector<16xi32>, vector<16xi1> -> vector<16xi32>
        %sub3A_705 = arith.subf %get3A_681, %gather3A_90 : vector<16xf32>
        %sub3A_706 = arith.subf %get3A_683, %gather3A_92 : vector<16xf32>
        %sub3A_707 = arith.subf %get3A_685, %gather3A_94 : vector<16xf32>
        %mul3A_708 = arith.mulf %sub3A_705, %sub3A_705 : vector<16xf32>
        %mul3A_709 = arith.mulf %sub3A_706, %sub3A_706 : vector<16xf32>
        %add3A_710 = arith.addf %mul3A_708, %mul3A_709 : vector<16xf32>
        %mul3A_711 = arith.mulf %sub3A_707, %sub3A_707 : vector<16xf32>
        %add3A_712 = arith.addf %add3A_710, %mul3A_711 : vector<16xf32>
        %le3A_713 = arith.constant 4.000000e-02 : f32
        %le3A_714 = vector.broadcast %le3A_713 : f32 to vector<16xf32>
        %le3A_715 = arith.cmpf ole, %add3A_712, %le3A_714 : vector<16xf32>
        %jit3A_716 = arith.constant 0 : i32
        %broadcast_in_dim3A_717 = vector.broadcast %jit3A_716 : i32 to vector<16xi32>
        %select_n3A_718 = arith.select %le3A_715, %broadcast_in_dim3A_41, %broadcast_in_dim3A_717 : vector<16xi1>, vector<16xi32>
        %broadcast_in_dim3A_719 = arith.constant true
        %broadcast_in_dim3A_720 = vector.broadcast %broadcast_in_dim3A_719 : i1 to vector<16xi1>
        %masked_cumsum3A_721 = tpu.scan <sum>, %select_n3A_718 masked %broadcast_in_dim3A_720 : vector<16xi32>, vector<16xi1> -> vector<16xi32>
        %add3A_722 = arith.constant 10 : i32
        %add3A_723 = arith.addi %while3A_261, %add3A_722 : i32
        %mul3A_724 = arith.constant 16 : i32
        %mul3A_725 = arith.muli %add3A_723, %mul3A_724 : i32
        %get3A_726 = arith.index_cast %mul3A_725 : i32 to index
        %get3A_727 = tpu.vector_load %arg6[%get3A_726] {strides = array<i32>} : memref<4096xf32, #tpu.memory_space<vmem>>, vector<16xf32>,
        %get3A_728 = arith.index_cast %mul3A_725 : i32 to index
        %get3A_729 = tpu.vector_load %arg7[%get3A_728] {strides = array<i32>} : memref<4096xf32, #tpu.memory_space<vmem>>, vector<16xf32>,
        %get3A_730 = arith.index_cast %mul3A_725 : i32 to index
        %get3A_731 = tpu.vector_load %arg8[%get3A_730] {strides = array<i32>} : memref<4096xf32, #tpu.memory_space<vmem>>, vector<16xf32>,
        %add3A_732 = vector.broadcast %mul3A_725 : i32 to vector<16xi32>
        %add3A_733 = arith.addi %add3A_732, %iota3A : vector<16xi32>
        %sub3A_734 = arith.subf %get3A_727, %gather3A : vector<16xf32>
        %sub3A_735 = arith.subf %get3A_729, %gather3A_86 : vector<16xf32>
        %sub3A_736 = arith.subf %get3A_731, %gather3A_88 : vector<16xf32>
        %mul3A_737 = arith.mulf %sub3A_734, %sub3A_734 : vector<16xf32>
        %mul3A_738 = arith.mulf %sub3A_735, %sub3A_735 : vector<16xf32>
        %add3A_739 = arith.addf %mul3A_737, %mul3A_738 : vector<16xf32>
        %mul3A_740 = arith.mulf %sub3A_736, %sub3A_736 : vector<16xf32>
        %add3A_741 = arith.addf %add3A_739, %mul3A_740 : vector<16xf32>
        %le3A_742 = arith.constant 4.000000e-02 : f32
        %le3A_743 = vector.broadcast %le3A_742 : f32 to vector<16xf32>
        %le3A_744 = arith.cmpf ole, %add3A_741, %le3A_743 : vector<16xf32>
        %jit3A_745 = arith.constant 0 : i32
        %broadcast_in_dim3A_746 = vector.broadcast %jit3A_745 : i32 to vector<16xi32>
        %select_n3A_747 = arith.select %le3A_744, %broadcast_in_dim3A_41, %broadcast_in_dim3A_746 : vector<16xi1>, vector<16xi32>
        %broadcast_in_dim3A_748 = arith.constant true
        %broadcast_in_dim3A_749 = vector.broadcast %broadcast_in_dim3A_748 : i1 to vector<16xi1>
        %masked_cumsum3A_750 = tpu.scan <sum>, %select_n3A_747 masked %broadcast_in_dim3A_749 : vector<16xi32>, vector<16xi1> -> vector<16xi32>
        %sub3A_751 = arith.subf %get3A_727, %gather3A_90 : vector<16xf32>
        %sub3A_752 = arith.subf %get3A_729, %gather3A_92 : vector<16xf32>
        %sub3A_753 = arith.subf %get3A_731, %gather3A_94 : vector<16xf32>
        %mul3A_754 = arith.mulf %sub3A_751, %sub3A_751 : vector<16xf32>
        %mul3A_755 = arith.mulf %sub3A_752, %sub3A_752 : vector<16xf32>
        %add3A_756 = arith.addf %mul3A_754, %mul3A_755 : vector<16xf32>
        %mul3A_757 = arith.mulf %sub3A_753, %sub3A_753 : vector<16xf32>
        %add3A_758 = arith.addf %add3A_756, %mul3A_757 : vector<16xf32>
        %le3A_759 = arith.constant 4.000000e-02 : f32
        %le3A_760 = vector.broadcast %le3A_759 : f32 to vector<16xf32>
        %le3A_761 = arith.cmpf ole, %add3A_758, %le3A_760 : vector<16xf32>
        %jit3A_762 = arith.constant 0 : i32
        %broadcast_in_dim3A_763 = vector.broadcast %jit3A_762 : i32 to vector<16xi32>
        %select_n3A_764 = arith.select %le3A_761, %broadcast_in_dim3A_41, %broadcast_in_dim3A_763 : vector<16xi1>, vector<16xi32>
        %broadcast_in_dim3A_765 = arith.constant true
        %broadcast_in_dim3A_766 = vector.broadcast %broadcast_in_dim3A_765 : i1 to vector<16xi1>
        %masked_cumsum3A_767 = tpu.scan <sum>, %select_n3A_764 masked %broadcast_in_dim3A_766 : vector<16xi32>, vector<16xi1> -> vector<16xi32>
        %add3A_768 = arith.constant 11 : i32
        %add3A_769 = arith.addi %while3A_261, %add3A_768 : i32
        %mul3A_770 = arith.constant 16 : i32
        %mul3A_771 = arith.muli %add3A_769, %mul3A_770 : i32
        %get3A_772 = arith.index_cast %mul3A_771 : i32 to index
        %get3A_773 = tpu.vector_load %arg6[%get3A_772] {strides = array<i32>} : memref<4096xf32, #tpu.memory_space<vmem>>, vector<16xf32>,
        %get3A_774 = arith.index_cast %mul3A_771 : i32 to index
        %get3A_775 = tpu.vector_load %arg7[%get3A_774] {strides = array<i32>} : memref<4096xf32, #tpu.memory_space<vmem>>, vector<16xf32>,
        %get3A_776 = arith.index_cast %mul3A_771 : i32 to index
        %get3A_777 = tpu.vector_load %arg8[%get3A_776] {strides = array<i32>} : memref<4096xf32, #tpu.memory_space<vmem>>, vector<16xf32>,
        %add3A_778 = vector.broadcast %mul3A_771 : i32 to vector<16xi32>
        %add3A_779 = arith.addi %add3A_778, %iota3A : vector<16xi32>
        %sub3A_780 = arith.subf %get3A_773, %gather3A : vector<16xf32>
        %sub3A_781 = arith.subf %get3A_775, %gather3A_86 : vector<16xf32>
        %sub3A_782 = arith.subf %get3A_777, %gather3A_88 : vector<16xf32>
        %mul3A_783 = arith.mulf %sub3A_780, %sub3A_780 : vector<16xf32>
        %mul3A_784 = arith.mulf %sub3A_781, %sub3A_781 : vector<16xf32>
        %add3A_785 = arith.addf %mul3A_783, %mul3A_784 : vector<16xf32>
        %mul3A_786 = arith.mulf %sub3A_782, %sub3A_782 : vector<16xf32>
        %add3A_787 = arith.addf %add3A_785, %mul3A_786 : vector<16xf32>
        %le3A_788 = arith.constant 4.000000e-02 : f32
        %le3A_789 = vector.broadcast %le3A_788 : f32 to vector<16xf32>
        %le3A_790 = arith.cmpf ole, %add3A_787, %le3A_789 : vector<16xf32>
        %jit3A_791 = arith.constant 0 : i32
        %broadcast_in_dim3A_792 = vector.broadcast %jit3A_791 : i32 to vector<16xi32>
        %select_n3A_793 = arith.select %le3A_790, %broadcast_in_dim3A_41, %broadcast_in_dim3A_792 : vector<16xi1>, vector<16xi32>
        %broadcast_in_dim3A_794 = arith.constant true
        %broadcast_in_dim3A_795 = vector.broadcast %broadcast_in_dim3A_794 : i1 to vector<16xi1>
        %masked_cumsum3A_796 = tpu.scan <sum>, %select_n3A_793 masked %broadcast_in_dim3A_795 : vector<16xi32>, vector<16xi1> -> vector<16xi32>
        %sub3A_797 = arith.subf %get3A_773, %gather3A_90 : vector<16xf32>
        %sub3A_798 = arith.subf %get3A_775, %gather3A_92 : vector<16xf32>
        %sub3A_799 = arith.subf %get3A_777, %gather3A_94 : vector<16xf32>
        %mul3A_800 = arith.mulf %sub3A_797, %sub3A_797 : vector<16xf32>
        %mul3A_801 = arith.mulf %sub3A_798, %sub3A_798 : vector<16xf32>
        %add3A_802 = arith.addf %mul3A_800, %mul3A_801 : vector<16xf32>
        %mul3A_803 = arith.mulf %sub3A_799, %sub3A_799 : vector<16xf32>
        %add3A_804 = arith.addf %add3A_802, %mul3A_803 : vector<16xf32>
        %le3A_805 = arith.constant 4.000000e-02 : f32
        %le3A_806 = vector.broadcast %le3A_805 : f32 to vector<16xf32>
        %le3A_807 = arith.cmpf ole, %add3A_804, %le3A_806 : vector<16xf32>
        %jit3A_808 = arith.constant 0 : i32
        %broadcast_in_dim3A_809 = vector.broadcast %jit3A_808 : i32 to vector<16xi32>
        %select_n3A_810 = arith.select %le3A_807, %broadcast_in_dim3A_41, %broadcast_in_dim3A_809 : vector<16xi1>, vector<16xi32>
        %broadcast_in_dim3A_811 = arith.constant true
        %broadcast_in_dim3A_812 = vector.broadcast %broadcast_in_dim3A_811 : i1 to vector<16xi1>
        %masked_cumsum3A_813 = tpu.scan <sum>, %select_n3A_810 masked %broadcast_in_dim3A_812 : vector<16xi32>, vector<16xi1> -> vector<16xi32>
        %add3A_814 = arith.constant 12 : i32
        %add3A_815 = arith.addi %while3A_261, %add3A_814 : i32
        %mul3A_816 = arith.constant 16 : i32
        %mul3A_817 = arith.muli %add3A_815, %mul3A_816 : i32
        %get3A_818 = arith.index_cast %mul3A_817 : i32 to index
        %get3A_819 = tpu.vector_load %arg6[%get3A_818] {strides = array<i32>} : memref<4096xf32, #tpu.memory_space<vmem>>, vector<16xf32>,
        %get3A_820 = arith.index_cast %mul3A_817 : i32 to index
        %get3A_821 = tpu.vector_load %arg7[%get3A_820] {strides = array<i32>} : memref<4096xf32, #tpu.memory_space<vmem>>, vector<16xf32>,
        %get3A_822 = arith.index_cast %mul3A_817 : i32 to index
        %get3A_823 = tpu.vector_load %arg8[%get3A_822] {strides = array<i32>} : memref<4096xf32, #tpu.memory_space<vmem>>, vector<16xf32>,
        %add3A_824 = vector.broadcast %mul3A_817 : i32 to vector<16xi32>
        %add3A_825 = arith.addi %add3A_824, %iota3A : vector<16xi32>
        %sub3A_826 = arith.subf %get3A_819, %gather3A : vector<16xf32>
        %sub3A_827 = arith.subf %get3A_821, %gather3A_86 : vector<16xf32>
        %sub3A_828 = arith.subf %get3A_823, %gather3A_88 : vector<16xf32>
        %mul3A_829 = arith.mulf %sub3A_826, %sub3A_826 : vector<16xf32>
        %mul3A_830 = arith.mulf %sub3A_827, %sub3A_827 : vector<16xf32>
        %add3A_831 = arith.addf %mul3A_829, %mul3A_830 : vector<16xf32>
        %mul3A_832 = arith.mulf %sub3A_828, %sub3A_828 : vector<16xf32>
        %add3A_833 = arith.addf %add3A_831, %mul3A_832 : vector<16xf32>
        %le3A_834 = arith.constant 4.000000e-02 : f32
        %le3A_835 = vector.broadcast %le3A_834 : f32 to vector<16xf32>
        %le3A_836 = arith.cmpf ole, %add3A_833, %le3A_835 : vector<16xf32>
        %jit3A_837 = arith.constant 0 : i32
        %broadcast_in_dim3A_838 = vector.broadcast %jit3A_837 : i32 to vector<16xi32>
        %select_n3A_839 = arith.select %le3A_836, %broadcast_in_dim3A_41, %broadcast_in_dim3A_838 : vector<16xi1>, vector<16xi32>
        %broadcast_in_dim3A_840 = arith.constant true
        %broadcast_in_dim3A_841 = vector.broadcast %broadcast_in_dim3A_840 : i1 to vector<16xi1>
        %masked_cumsum3A_842 = tpu.scan <sum>, %select_n3A_839 masked %broadcast_in_dim3A_841 : vector<16xi32>, vector<16xi1> -> vector<16xi32>
        %sub3A_843 = arith.subf %get3A_819, %gather3A_90 : vector<16xf32>
        %sub3A_844 = arith.subf %get3A_821, %gather3A_92 : vector<16xf32>
        %sub3A_845 = arith.subf %get3A_823, %gather3A_94 : vector<16xf32>
        %mul3A_846 = arith.mulf %sub3A_843, %sub3A_843 : vector<16xf32>
        %mul3A_847 = arith.mulf %sub3A_844, %sub3A_844 : vector<16xf32>
        %add3A_848 = arith.addf %mul3A_846, %mul3A_847 : vector<16xf32>
        %mul3A_849 = arith.mulf %sub3A_845, %sub3A_845 : vector<16xf32>
        %add3A_850 = arith.addf %add3A_848, %mul3A_849 : vector<16xf32>
        %le3A_851 = arith.constant 4.000000e-02 : f32
        %le3A_852 = vector.broadcast %le3A_851 : f32 to vector<16xf32>
        %le3A_853 = arith.cmpf ole, %add3A_850, %le3A_852 : vector<16xf32>
        %jit3A_854 = arith.constant 0 : i32
        %broadcast_in_dim3A_855 = vector.broadcast %jit3A_854 : i32 to vector<16xi32>
        %select_n3A_856 = arith.select %le3A_853, %broadcast_in_dim3A_41, %broadcast_in_dim3A_855 : vector<16xi1>, vector<16xi32>
        %broadcast_in_dim3A_857 = arith.constant true
        %broadcast_in_dim3A_858 = vector.broadcast %broadcast_in_dim3A_857 : i1 to vector<16xi1>
        %masked_cumsum3A_859 = tpu.scan <sum>, %select_n3A_856 masked %broadcast_in_dim3A_858 : vector<16xi32>, vector<16xi1> -> vector<16xi32>
        %add3A_860 = arith.constant 13 : i32
        %add3A_861 = arith.addi %while3A_261, %add3A_860 : i32
        %mul3A_862 = arith.constant 16 : i32
        %mul3A_863 = arith.muli %add3A_861, %mul3A_862 : i32
        %get3A_864 = arith.index_cast %mul3A_863 : i32 to index
        %get3A_865 = tpu.vector_load %arg6[%get3A_864] {strides = array<i32>} : memref<4096xf32, #tpu.memory_space<vmem>>, vector<16xf32>,
        %get3A_866 = arith.index_cast %mul3A_863 : i32 to index
        %get3A_867 = tpu.vector_load %arg7[%get3A_866] {strides = array<i32>} : memref<4096xf32, #tpu.memory_space<vmem>>, vector<16xf32>,
        %get3A_868 = arith.index_cast %mul3A_863 : i32 to index
        %get3A_869 = tpu.vector_load %arg8[%get3A_868] {strides = array<i32>} : memref<4096xf32, #tpu.memory_space<vmem>>, vector<16xf32>,
        %add3A_870 = vector.broadcast %mul3A_863 : i32 to vector<16xi32>
        %add3A_871 = arith.addi %add3A_870, %iota3A : vector<16xi32>
        %sub3A_872 = arith.subf %get3A_865, %gather3A : vector<16xf32>
        %sub3A_873 = arith.subf %get3A_867, %gather3A_86 : vector<16xf32>
        %sub3A_874 = arith.subf %get3A_869, %gather3A_88 : vector<16xf32>
        %mul3A_875 = arith.mulf %sub3A_872, %sub3A_872 : vector<16xf32>
        %mul3A_876 = arith.mulf %sub3A_873, %sub3A_873 : vector<16xf32>
        %add3A_877 = arith.addf %mul3A_875, %mul3A_876 : vector<16xf32>
        %mul3A_878 = arith.mulf %sub3A_874, %sub3A_874 : vector<16xf32>
        %add3A_879 = arith.addf %add3A_877, %mul3A_878 : vector<16xf32>
        %le3A_880 = arith.constant 4.000000e-02 : f32
        %le3A_881 = vector.broadcast %le3A_880 : f32 to vector<16xf32>
        %le3A_882 = arith.cmpf ole, %add3A_879, %le3A_881 : vector<16xf32>
        %jit3A_883 = arith.constant 0 : i32
        %broadcast_in_dim3A_884 = vector.broadcast %jit3A_883 : i32 to vector<16xi32>
        %select_n3A_885 = arith.select %le3A_882, %broadcast_in_dim3A_41, %broadcast_in_dim3A_884 : vector<16xi1>, vector<16xi32>
        %broadcast_in_dim3A_886 = arith.constant true
        %broadcast_in_dim3A_887 = vector.broadcast %broadcast_in_dim3A_886 : i1 to vector<16xi1>
        %masked_cumsum3A_888 = tpu.scan <sum>, %select_n3A_885 masked %broadcast_in_dim3A_887 : vector<16xi32>, vector<16xi1> -> vector<16xi32>
        %sub3A_889 = arith.subf %get3A_865, %gather3A_90 : vector<16xf32>
        %sub3A_890 = arith.subf %get3A_867, %gather3A_92 : vector<16xf32>
        %sub3A_891 = arith.subf %get3A_869, %gather3A_94 : vector<16xf32>
        %mul3A_892 = arith.mulf %sub3A_889, %sub3A_889 : vector<16xf32>
        %mul3A_893 = arith.mulf %sub3A_890, %sub3A_890 : vector<16xf32>
        %add3A_894 = arith.addf %mul3A_892, %mul3A_893 : vector<16xf32>
        %mul3A_895 = arith.mulf %sub3A_891, %sub3A_891 : vector<16xf32>
        %add3A_896 = arith.addf %add3A_894, %mul3A_895 : vector<16xf32>
        %le3A_897 = arith.constant 4.000000e-02 : f32
        %le3A_898 = vector.broadcast %le3A_897 : f32 to vector<16xf32>
        %le3A_899 = arith.cmpf ole, %add3A_896, %le3A_898 : vector<16xf32>
        %jit3A_900 = arith.constant 0 : i32
        %broadcast_in_dim3A_901 = vector.broadcast %jit3A_900 : i32 to vector<16xi32>
        %select_n3A_902 = arith.select %le3A_899, %broadcast_in_dim3A_41, %broadcast_in_dim3A_901 : vector<16xi1>, vector<16xi32>
        %broadcast_in_dim3A_903 = arith.constant true
        %broadcast_in_dim3A_904 = vector.broadcast %broadcast_in_dim3A_903 : i1 to vector<16xi1>
        %masked_cumsum3A_905 = tpu.scan <sum>, %select_n3A_902 masked %broadcast_in_dim3A_904 : vector<16xi32>, vector<16xi1> -> vector<16xi32>
        %add3A_906 = arith.constant 14 : i32
        %add3A_907 = arith.addi %while3A_261, %add3A_906 : i32
        %mul3A_908 = arith.constant 16 : i32
        %mul3A_909 = arith.muli %add3A_907, %mul3A_908 : i32
        %get3A_910 = arith.index_cast %mul3A_909 : i32 to index
        %get3A_911 = tpu.vector_load %arg6[%get3A_910] {strides = array<i32>} : memref<4096xf32, #tpu.memory_space<vmem>>, vector<16xf32>,
        %get3A_912 = arith.index_cast %mul3A_909 : i32 to index
        %get3A_913 = tpu.vector_load %arg7[%get3A_912] {strides = array<i32>} : memref<4096xf32, #tpu.memory_space<vmem>>, vector<16xf32>,
        %get3A_914 = arith.index_cast %mul3A_909 : i32 to index
        %get3A_915 = tpu.vector_load %arg8[%get3A_914] {strides = array<i32>} : memref<4096xf32, #tpu.memory_space<vmem>>, vector<16xf32>,
        %add3A_916 = vector.broadcast %mul3A_909 : i32 to vector<16xi32>
        %add3A_917 = arith.addi %add3A_916, %iota3A : vector<16xi32>
        %sub3A_918 = arith.subf %get3A_911, %gather3A : vector<16xf32>
        %sub3A_919 = arith.subf %get3A_913, %gather3A_86 : vector<16xf32>
        %sub3A_920 = arith.subf %get3A_915, %gather3A_88 : vector<16xf32>
        %mul3A_921 = arith.mulf %sub3A_918, %sub3A_918 : vector<16xf32>
        %mul3A_922 = arith.mulf %sub3A_919, %sub3A_919 : vector<16xf32>
        %add3A_923 = arith.addf %mul3A_921, %mul3A_922 : vector<16xf32>
        %mul3A_924 = arith.mulf %sub3A_920, %sub3A_920 : vector<16xf32>
        %add3A_925 = arith.addf %add3A_923, %mul3A_924 : vector<16xf32>
        %le3A_926 = arith.constant 4.000000e-02 : f32
        %le3A_927 = vector.broadcast %le3A_926 : f32 to vector<16xf32>
        %le3A_928 = arith.cmpf ole, %add3A_925, %le3A_927 : vector<16xf32>
        %jit3A_929 = arith.constant 0 : i32
        %broadcast_in_dim3A_930 = vector.broadcast %jit3A_929 : i32 to vector<16xi32>
        %select_n3A_931 = arith.select %le3A_928, %broadcast_in_dim3A_41, %broadcast_in_dim3A_930 : vector<16xi1>, vector<16xi32>
        %broadcast_in_dim3A_932 = arith.constant true
        %broadcast_in_dim3A_933 = vector.broadcast %broadcast_in_dim3A_932 : i1 to vector<16xi1>
        %masked_cumsum3A_934 = tpu.scan <sum>, %select_n3A_931 masked %broadcast_in_dim3A_933 : vector<16xi32>, vector<16xi1> -> vector<16xi32>
        %sub3A_935 = arith.subf %get3A_911, %gather3A_90 : vector<16xf32>
        %sub3A_936 = arith.subf %get3A_913, %gather3A_92 : vector<16xf32>
        %sub3A_937 = arith.subf %get3A_915, %gather3A_94 : vector<16xf32>
        %mul3A_938 = arith.mulf %sub3A_935, %sub3A_935 : vector<16xf32>
        %mul3A_939 = arith.mulf %sub3A_936, %sub3A_936 : vector<16xf32>
        %add3A_940 = arith.addf %mul3A_938, %mul3A_939 : vector<16xf32>
        %mul3A_941 = arith.mulf %sub3A_937, %sub3A_937 : vector<16xf32>
        %add3A_942 = arith.addf %add3A_940, %mul3A_941 : vector<16xf32>
        %le3A_943 = arith.constant 4.000000e-02 : f32
        %le3A_944 = vector.broadcast %le3A_943 : f32 to vector<16xf32>
        %le3A_945 = arith.cmpf ole, %add3A_942, %le3A_944 : vector<16xf32>
        %jit3A_946 = arith.constant 0 : i32
        %broadcast_in_dim3A_947 = vector.broadcast %jit3A_946 : i32 to vector<16xi32>
        %select_n3A_948 = arith.select %le3A_945, %broadcast_in_dim3A_41, %broadcast_in_dim3A_947 : vector<16xi1>, vector<16xi32>
        %broadcast_in_dim3A_949 = arith.constant true
        %broadcast_in_dim3A_950 = vector.broadcast %broadcast_in_dim3A_949 : i1 to vector<16xi1>
        %masked_cumsum3A_951 = tpu.scan <sum>, %select_n3A_948 masked %broadcast_in_dim3A_950 : vector<16xi32>, vector<16xi1> -> vector<16xi32>
        %add3A_952 = arith.constant 15 : i32
        %add3A_953 = arith.addi %while3A_261, %add3A_952 : i32
        %mul3A_954 = arith.constant 16 : i32
        %mul3A_955 = arith.muli %add3A_953, %mul3A_954 : i32
        %get3A_956 = arith.index_cast %mul3A_955 : i32 to index
        %get3A_957 = tpu.vector_load %arg6[%get3A_956] {strides = array<i32>} : memref<4096xf32, #tpu.memory_space<vmem>>, vector<16xf32>,
        %get3A_958 = arith.index_cast %mul3A_955 : i32 to index
        %get3A_959 = tpu.vector_load %arg7[%get3A_958] {strides = array<i32>} : memref<4096xf32, #tpu.memory_space<vmem>>, vector<16xf32>,
        %get3A_960 = arith.index_cast %mul3A_955 : i32 to index
        %get3A_961 = tpu.vector_load %arg8[%get3A_960] {strides = array<i32>} : memref<4096xf32, #tpu.memory_space<vmem>>, vector<16xf32>,
        %add3A_962 = vector.broadcast %mul3A_955 : i32 to vector<16xi32>
        %add3A_963 = arith.addi %add3A_962, %iota3A : vector<16xi32>
        %sub3A_964 = arith.subf %get3A_957, %gather3A : vector<16xf32>
        %sub3A_965 = arith.subf %get3A_959, %gather3A_86 : vector<16xf32>
        %sub3A_966 = arith.subf %get3A_961, %gather3A_88 : vector<16xf32>
        %mul3A_967 = arith.mulf %sub3A_964, %sub3A_964 : vector<16xf32>
        %mul3A_968 = arith.mulf %sub3A_965, %sub3A_965 : vector<16xf32>
        %add3A_969 = arith.addf %mul3A_967, %mul3A_968 : vector<16xf32>
        %mul3A_970 = arith.mulf %sub3A_966, %sub3A_966 : vector<16xf32>
        %add3A_971 = arith.addf %add3A_969, %mul3A_970 : vector<16xf32>
        %le3A_972 = arith.constant 4.000000e-02 : f32
        %le3A_973 = vector.broadcast %le3A_972 : f32 to vector<16xf32>
        %le3A_974 = arith.cmpf ole, %add3A_971, %le3A_973 : vector<16xf32>
        %jit3A_975 = arith.constant 0 : i32
        %broadcast_in_dim3A_976 = vector.broadcast %jit3A_975 : i32 to vector<16xi32>
        %select_n3A_977 = arith.select %le3A_974, %broadcast_in_dim3A_41, %broadcast_in_dim3A_976 : vector<16xi1>, vector<16xi32>
        %broadcast_in_dim3A_978 = arith.constant true
        %broadcast_in_dim3A_979 = vector.broadcast %broadcast_in_dim3A_978 : i1 to vector<16xi1>
        %masked_cumsum3A_980 = tpu.scan <sum>, %select_n3A_977 masked %broadcast_in_dim3A_979 : vector<16xi32>, vector<16xi1> -> vector<16xi32>
        %sub3A_981 = arith.subf %get3A_957, %gather3A_90 : vector<16xf32>
        %sub3A_982 = arith.subf %get3A_959, %gather3A_92 : vector<16xf32>
        %sub3A_983 = arith.subf %get3A_961, %gather3A_94 : vector<16xf32>
        %mul3A_984 = arith.mulf %sub3A_981, %sub3A_981 : vector<16xf32>
        %mul3A_985 = arith.mulf %sub3A_982, %sub3A_982 : vector<16xf32>
        %add3A_986 = arith.addf %mul3A_984, %mul3A_985 : vector<16xf32>
        %mul3A_987 = arith.mulf %sub3A_983, %sub3A_983 : vector<16xf32>
        %add3A_988 = arith.addf %add3A_986, %mul3A_987 : vector<16xf32>
        %le3A_989 = arith.constant 4.000000e-02 : f32
        %le3A_990 = vector.broadcast %le3A_989 : f32 to vector<16xf32>
        %le3A_991 = arith.cmpf ole, %add3A_988, %le3A_990 : vector<16xf32>
        %jit3A_992 = arith.constant 0 : i32
        %broadcast_in_dim3A_993 = vector.broadcast %jit3A_992 : i32 to vector<16xi32>
        %select_n3A_994 = arith.select %le3A_991, %broadcast_in_dim3A_41, %broadcast_in_dim3A_993 : vector<16xi1>, vector<16xi32>
        %broadcast_in_dim3A_995 = arith.constant true
        %broadcast_in_dim3A_996 = vector.broadcast %broadcast_in_dim3A_995 : i1 to vector<16xi1>
        %masked_cumsum3A_997 = tpu.scan <sum>, %select_n3A_994 masked %broadcast_in_dim3A_996 : vector<16xi32>, vector<16xi1> -> vector<16xi32>
        %add3A_998 = arith.addi %while3A_262, %masked_cumsum3A : vector<16xi32>
        tpu.vector_store_idx %arg12[%add3A_998], %add3A_275 masked %le3A_285 : memref<4160xi32, #tpu.memory_space<vmem>>[vector<16xi32>], vector<16xi32>, vector<16xi1>
        %all_reduce_population_count3A = tpu.all_reduce %le3A_285 {dim = 0 : i64, kind = #tpu.reduction_kind<sum>} : vector<16xi1> -> vector<16xi32>
        %add3A_999 = arith.addi %while3A_262, %all_reduce_population_count3A : vector<16xi32>
        %add3A_1000 = arith.addi %while3A_263, %masked_cumsum3A_307 : vector<16xi32>
        tpu.vector_store_idx %arg13[%add3A_1000], %add3A_275 masked %le3A_301 : memref<4160xi32, #tpu.memory_space<vmem>>[vector<16xi32>], vector<16xi32>, vector<16xi1>
        %all_reduce_population_count3A_1001 = tpu.all_reduce %le3A_301 {dim = 0 : i64, kind = #tpu.reduction_kind<sum>} : vector<16xi1> -> vector<16xi32>
        %add3A_1002 = arith.addi %while3A_263, %all_reduce_population_count3A_1001 : vector<16xi32>
        %add3A_1003 = arith.addi %add3A_999, %masked_cumsum3A_336 : vector<16xi32>
        tpu.vector_store_idx %arg12[%add3A_1003], %add3A_319 masked %le3A_330 : memref<4160xi32, #tpu.memory_space<vmem>>[vector<16xi32>], vector<16xi32>, vector<16xi1>
        %all_reduce_population_count3A_1004 = tpu.all_reduce %le3A_330 {dim = 0 : i64, kind = #tpu.reduction_kind<sum>} : vector<16xi1> -> vector<16xi32>
        %add3A_1005 = arith.addi %add3A_999, %all_reduce_population_count3A_1004 : vector<16xi32>
        %add3A_1006 = arith.addi %add3A_1002, %masked_cumsum3A_353 : vector<16xi32>
        tpu.vector_store_idx %arg13[%add3A_1006], %add3A_319 masked %le3A_347 : memref<4160xi32, #tpu.memory_space<vmem>>[vector<16xi32>], vector<16xi32>, vector<16xi1>
        %all_reduce_population_count3A_1007 = tpu.all_reduce %le3A_347 {dim = 0 : i64, kind = #tpu.reduction_kind<sum>} : vector<16xi1> -> vector<16xi32>
        %add3A_1008 = arith.addi %add3A_1002, %all_reduce_population_count3A_1007 : vector<16xi32>
        %add3A_1009 = arith.addi %add3A_1005, %masked_cumsum3A_382 : vector<16xi32>
        tpu.vector_store_idx %arg12[%add3A_1009], %add3A_365 masked %le3A_376 : memref<4160xi32, #tpu.memory_space<vmem>>[vector<16xi32>], vector<16xi32>, vector<16xi1>
        %all_reduce_population_count3A_1010 = tpu.all_reduce %le3A_376 {dim = 0 : i64, kind = #tpu.reduction_kind<sum>} : vector<16xi1> -> vector<16xi32>
        %add3A_1011 = arith.addi %add3A_1005, %all_reduce_population_count3A_1010 : vector<16xi32>
        %add3A_1012 = arith.addi %add3A_1008, %masked_cumsum3A_399 : vector<16xi32>
        tpu.vector_store_idx %arg13[%add3A_1012], %add3A_365 masked %le3A_393 : memref<4160xi32, #tpu.memory_space<vmem>>[vector<16xi32>], vector<16xi32>, vector<16xi1>
        %all_reduce_population_count3A_1013 = tpu.all_reduce %le3A_393 {dim = 0 : i64, kind = #tpu.reduction_kind<sum>} : vector<16xi1> -> vector<16xi32>
        %add3A_1014 = arith.addi %add3A_1008, %all_reduce_population_count3A_1013 : vector<16xi32>
        %add3A_1015 = arith.addi %add3A_1011, %masked_cumsum3A_428 : vector<16xi32>
        tpu.vector_store_idx %arg12[%add3A_1015], %add3A_411 masked %le3A_422 : memref<4160xi32, #tpu.memory_space<vmem>>[vector<16xi32>], vector<16xi32>, vector<16xi1>
        %all_reduce_population_count3A_1016 = tpu.all_reduce %le3A_422 {dim = 0 : i64, kind = #tpu.reduction_kind<sum>} : vector<16xi1> -> vector<16xi32>
        %add3A_1017 = arith.addi %add3A_1011, %all_reduce_population_count3A_1016 : vector<16xi32>
        %add3A_1018 = arith.addi %add3A_1014, %masked_cumsum3A_445 : vector<16xi32>
        tpu.vector_store_idx %arg13[%add3A_1018], %add3A_411 masked %le3A_439 : memref<4160xi32, #tpu.memory_space<vmem>>[vector<16xi32>], vector<16xi32>, vector<16xi1>
        %all_reduce_population_count3A_1019 = tpu.all_reduce %le3A_439 {dim = 0 : i64, kind = #tpu.reduction_kind<sum>} : vector<16xi1> -> vector<16xi32>
        %add3A_1020 = arith.addi %add3A_1014, %all_reduce_population_count3A_1019 : vector<16xi32>
        %add3A_1021 = arith.addi %add3A_1017, %masked_cumsum3A_474 : vector<16xi32>
        tpu.vector_store_idx %arg12[%add3A_1021], %add3A_457 masked %le3A_468 : memref<4160xi32, #tpu.memory_space<vmem>>[vector<16xi32>], vector<16xi32>, vector<16xi1>
        %all_reduce_population_count3A_1022 = tpu.all_reduce %le3A_468 {dim = 0 : i64, kind = #tpu.reduction_kind<sum>} : vector<16xi1> -> vector<16xi32>
        %add3A_1023 = arith.addi %add3A_1017, %all_reduce_population_count3A_1022 : vector<16xi32>
        %add3A_1024 = arith.addi %add3A_1020, %masked_cumsum3A_491 : vector<16xi32>
        tpu.vector_store_idx %arg13[%add3A_1024], %add3A_457 masked %le3A_485 : memref<4160xi32, #tpu.memory_space<vmem>>[vector<16xi32>], vector<16xi32>, vector<16xi1>
        %all_reduce_population_count3A_1025 = tpu.all_reduce %le3A_485 {dim = 0 : i64, kind = #tpu.reduction_kind<sum>} : vector<16xi1> -> vector<16xi32>
        %add3A_1026 = arith.addi %add3A_1020, %all_reduce_population_count3A_1025 : vector<16xi32>
        %add3A_1027 = arith.addi %add3A_1023, %masked_cumsum3A_520 : vector<16xi32>
        tpu.vector_store_idx %arg12[%add3A_1027], %add3A_503 masked %le3A_514 : memref<4160xi32, #tpu.memory_space<vmem>>[vector<16xi32>], vector<16xi32>, vector<16xi1>
        %all_reduce_population_count3A_1028 = tpu.all_reduce %le3A_514 {dim = 0 : i64, kind = #tpu.reduction_kind<sum>} : vector<16xi1> -> vector<16xi32>
        %add3A_1029 = arith.addi %add3A_1023, %all_reduce_population_count3A_1028 : vector<16xi32>
        %add3A_1030 = arith.addi %add3A_1026, %masked_cumsum3A_537 : vector<16xi32>
        tpu.vector_store_idx %arg13[%add3A_1030], %add3A_503 masked %le3A_531 : memref<4160xi32, #tpu.memory_space<vmem>>[vector<16xi32>], vector<16xi32>, vector<16xi1>
        %all_reduce_population_count3A_1031 = tpu.all_reduce %le3A_531 {dim = 0 : i64, kind = #tpu.reduction_kind<sum>} : vector<16xi1> -> vector<16xi32>
        %add3A_1032 = arith.addi %add3A_1026, %all_reduce_population_count3A_1031 : vector<16xi32>
        %add3A_1033 = arith.addi %add3A_1029, %masked_cumsum3A_566 : vector<16xi32>
        tpu.vector_store_idx %arg12[%add3A_1033], %add3A_549 masked %le3A_560 : memref<4160xi32, #tpu.memory_space<vmem>>[vector<16xi32>], vector<16xi32>, vector<16xi1>
        %all_reduce_population_count3A_1034 = tpu.all_reduce %le3A_560 {dim = 0 : i64, kind = #tpu.reduction_kind<sum>} : vector<16xi1> -> vector<16xi32>
        %add3A_1035 = arith.addi %add3A_1029, %all_reduce_population_count3A_1034 : vector<16xi32>
        %add3A_1036 = arith.addi %add3A_1032, %masked_cumsum3A_583 : vector<16xi32>
        tpu.vector_store_idx %arg13[%add3A_1036], %add3A_549 masked %le3A_577 : memref<4160xi32, #tpu.memory_space<vmem>>[vector<16xi32>], vector<16xi32>, vector<16xi1>
        %all_reduce_population_count3A_1037 = tpu.all_reduce %le3A_577 {dim = 0 : i64, kind = #tpu.reduction_kind<sum>} : vector<16xi1> -> vector<16xi32>
        %add3A_1038 = arith.addi %add3A_1032, %all_reduce_population_count3A_1037 : vector<16xi32>
        %add3A_1039 = arith.addi %add3A_1035, %masked_cumsum3A_612 : vector<16xi32>
        tpu.vector_store_idx %arg12[%add3A_1039], %add3A_595 masked %le3A_606 : memref<4160xi32, #tpu.memory_space<vmem>>[vector<16xi32>], vector<16xi32>, vector<16xi1>
        %all_reduce_population_count3A_1040 = tpu.all_reduce %le3A_606 {dim = 0 : i64, kind = #tpu.reduction_kind<sum>} : vector<16xi1> -> vector<16xi32>
        %add3A_1041 = arith.addi %add3A_1035, %all_reduce_population_count3A_1040 : vector<16xi32>
        %add3A_1042 = arith.addi %add3A_1038, %masked_cumsum3A_629 : vector<16xi32>
        tpu.vector_store_idx %arg13[%add3A_1042], %add3A_595 masked %le3A_623 : memref<4160xi32, #tpu.memory_space<vmem>>[vector<16xi32>], vector<16xi32>, vector<16xi1>
        %all_reduce_population_count3A_1043 = tpu.all_reduce %le3A_623 {dim = 0 : i64, kind = #tpu.reduction_kind<sum>} : vector<16xi1> -> vector<16xi32>
        %add3A_1044 = arith.addi %add3A_1038, %all_reduce_population_count3A_1043 : vector<16xi32>
        %add3A_1045 = arith.addi %add3A_1041, %masked_cumsum3A_658 : vector<16xi32>
        tpu.vector_store_idx %arg12[%add3A_1045], %add3A_641 masked %le3A_652 : memref<4160xi32, #tpu.memory_space<vmem>>[vector<16xi32>], vector<16xi32>, vector<16xi1>
        %all_reduce_population_count3A_1046 = tpu.all_reduce %le3A_652 {dim = 0 : i64, kind = #tpu.reduction_kind<sum>} : vector<16xi1> -> vector<16xi32>
        %add3A_1047 = arith.addi %add3A_1041, %all_reduce_population_count3A_1046 : vector<16xi32>
        %add3A_1048 = arith.addi %add3A_1044, %masked_cumsum3A_675 : vector<16xi32>
        tpu.vector_store_idx %arg13[%add3A_1048], %add3A_641 masked %le3A_669 : memref<4160xi32, #tpu.memory_space<vmem>>[vector<16xi32>], vector<16xi32>, vector<16xi1>
        %all_reduce_population_count3A_1049 = tpu.all_reduce %le3A_669 {dim = 0 : i64, kind = #tpu.reduction_kind<sum>} : vector<16xi1> -> vector<16xi32>
        %add3A_1050 = arith.addi %add3A_1044, %all_reduce_population_count3A_1049 : vector<16xi32>
        %add3A_1051 = arith.addi %add3A_1047, %masked_cumsum3A_704 : vector<16xi32>
        tpu.vector_store_idx %arg12[%add3A_1051], %add3A_687 masked %le3A_698 : memref<4160xi32, #tpu.memory_space<vmem>>[vector<16xi32>], vector<16xi32>, vector<16xi1>
        %all_reduce_population_count3A_1052 = tpu.all_reduce %le3A_698 {dim = 0 : i64, kind = #tpu.reduction_kind<sum>} : vector<16xi1> -> vector<16xi32>
        %add3A_1053 = arith.addi %add3A_1047, %all_reduce_population_count3A_1052 : vector<16xi32>
        %add3A_1054 = arith.addi %add3A_1050, %masked_cumsum3A_721 : vector<16xi32>
        tpu.vector_store_idx %arg13[%add3A_1054], %add3A_687 masked %le3A_715 : memref<4160xi32, #tpu.memory_space<vmem>>[vector<16xi32>], vector<16xi32>, vector<16xi1>
        %all_reduce_population_count3A_1055 = tpu.all_reduce %le3A_715 {dim = 0 : i64, kind = #tpu.reduction_kind<sum>} : vector<16xi1> -> vector<16xi32>
        %add3A_1056 = arith.addi %add3A_1050, %all_reduce_population_count3A_1055 : vector<16xi32>
        %add3A_1057 = arith.addi %add3A_1053, %masked_cumsum3A_750 : vector<16xi32>
        tpu.vector_store_idx %arg12[%add3A_1057], %add3A_733 masked %le3A_744 : memref<4160xi32, #tpu.memory_space<vmem>>[vector<16xi32>], vector<16xi32>, vector<16xi1>
        %all_reduce_population_count3A_1058 = tpu.all_reduce %le3A_744 {dim = 0 : i64, kind = #tpu.reduction_kind<sum>} : vector<16xi1> -> vector<16xi32>
        %add3A_1059 = arith.addi %add3A_1053, %all_reduce_population_count3A_1058 : vector<16xi32>
        %add3A_1060 = arith.addi %add3A_1056, %masked_cumsum3A_767 : vector<16xi32>
        tpu.vector_store_idx %arg13[%add3A_1060], %add3A_733 masked %le3A_761 : memref<4160xi32, #tpu.memory_space<vmem>>[vector<16xi32>], vector<16xi32>, vector<16xi1>
        %all_reduce_population_count3A_1061 = tpu.all_reduce %le3A_761 {dim = 0 : i64, kind = #tpu.reduction_kind<sum>} : vector<16xi1> -> vector<16xi32>
        %add3A_1062 = arith.addi %add3A_1056, %all_reduce_population_count3A_1061 : vector<16xi32>
        %add3A_1063 = arith.addi %add3A_1059, %masked_cumsum3A_796 : vector<16xi32>
        tpu.vector_store_idx %arg12[%add3A_1063], %add3A_779 masked %le3A_790 : memref<4160xi32, #tpu.memory_space<vmem>>[vector<16xi32>], vector<16xi32>, vector<16xi1>
        %all_reduce_population_count3A_1064 = tpu.all_reduce %le3A_790 {dim = 0 : i64, kind = #tpu.reduction_kind<sum>} : vector<16xi1> -> vector<16xi32>
        %add3A_1065 = arith.addi %add3A_1059, %all_reduce_population_count3A_1064 : vector<16xi32>
        %add3A_1066 = arith.addi %add3A_1062, %masked_cumsum3A_813 : vector<16xi32>
        tpu.vector_store_idx %arg13[%add3A_1066], %add3A_779 masked %le3A_807 : memref<4160xi32, #tpu.memory_space<vmem>>[vector<16xi32>], vector<16xi32>, vector<16xi1>
        %all_reduce_population_count3A_1067 = tpu.all_reduce %le3A_807 {dim = 0 : i64, kind = #tpu.reduction_kind<sum>} : vector<16xi1> -> vector<16xi32>
        %add3A_1068 = arith.addi %add3A_1062, %all_reduce_population_count3A_1067 : vector<16xi32>
        %add3A_1069 = arith.addi %add3A_1065, %masked_cumsum3A_842 : vector<16xi32>
        tpu.vector_store_idx %arg12[%add3A_1069], %add3A_825 masked %le3A_836 : memref<4160xi32, #tpu.memory_space<vmem>>[vector<16xi32>], vector<16xi32>, vector<16xi1>
        %all_reduce_population_count3A_1070 = tpu.all_reduce %le3A_836 {dim = 0 : i64, kind = #tpu.reduction_kind<sum>} : vector<16xi1> -> vector<16xi32>
        %add3A_1071 = arith.addi %add3A_1065, %all_reduce_population_count3A_1070 : vector<16xi32>
        %add3A_1072 = arith.addi %add3A_1068, %masked_cumsum3A_859 : vector<16xi32>
        tpu.vector_store_idx %arg13[%add3A_1072], %add3A_825 masked %le3A_853 : memref<4160xi32, #tpu.memory_space<vmem>>[vector<16xi32>], vector<16xi32>, vector<16xi1>
        %all_reduce_population_count3A_1073 = tpu.all_reduce %le3A_853 {dim = 0 : i64, kind = #tpu.reduction_kind<sum>} : vector<16xi1> -> vector<16xi32>
        %add3A_1074 = arith.addi %add3A_1068, %all_reduce_population_count3A_1073 : vector<16xi32>
        %add3A_1075 = arith.addi %add3A_1071, %masked_cumsum3A_888 : vector<16xi32>
        tpu.vector_store_idx %arg12[%add3A_1075], %add3A_871 masked %le3A_882 : memref<4160xi32, #tpu.memory_space<vmem>>[vector<16xi32>], vector<16xi32>, vector<16xi1>
        %all_reduce_population_count3A_1076 = tpu.all_reduce %le3A_882 {dim = 0 : i64, kind = #tpu.reduction_kind<sum>} : vector<16xi1> -> vector<16xi32>
        %add3A_1077 = arith.addi %add3A_1071, %all_reduce_population_count3A_1076 : vector<16xi32>
        %add3A_1078 = arith.addi %add3A_1074, %masked_cumsum3A_905 : vector<16xi32>
        tpu.vector_store_idx %arg13[%add3A_1078], %add3A_871 masked %le3A_899 : memref<4160xi32, #tpu.memory_space<vmem>>[vector<16xi32>], vector<16xi32>, vector<16xi1>
        %all_reduce_population_count3A_1079 = tpu.all_reduce %le3A_899 {dim = 0 : i64, kind = #tpu.reduction_kind<sum>} : vector<16xi1> -> vector<16xi32>
        %add3A_1080 = arith.addi %add3A_1074, %all_reduce_population_count3A_1079 : vector<16xi32>
        %add3A_1081 = arith.addi %add3A_1077, %masked_cumsum3A_934 : vector<16xi32>
        tpu.vector_store_idx %arg12[%add3A_1081], %add3A_917 masked %le3A_928 : memref<4160xi32, #tpu.memory_space<vmem>>[vector<16xi32>], vector<16xi32>, vector<16xi1>
        %all_reduce_population_count3A_1082 = tpu.all_reduce %le3A_928 {dim = 0 : i64, kind = #tpu.reduction_kind<sum>} : vector<16xi1> -> vector<16xi32>
        %add3A_1083 = arith.addi %add3A_1077, %all_reduce_population_count3A_1082 : vector<16xi32>
        %add3A_1084 = arith.addi %add3A_1080, %masked_cumsum3A_951 : vector<16xi32>
        tpu.vector_store_idx %arg13[%add3A_1084], %add3A_917 masked %le3A_945 : memref<4160xi32, #tpu.memory_space<vmem>>[vector<16xi32>], vector<16xi32>, vector<16xi1>
        %all_reduce_population_count3A_1085 = tpu.all_reduce %le3A_945 {dim = 0 : i64, kind = #tpu.reduction_kind<sum>} : vector<16xi1> -> vector<16xi32>
        %add3A_1086 = arith.addi %add3A_1080, %all_reduce_population_count3A_1085 : vector<16xi32>
        %add3A_1087 = arith.addi %add3A_1083, %masked_cumsum3A_980 : vector<16xi32>
        tpu.vector_store_idx %arg12[%add3A_1087], %add3A_963 masked %le3A_974 : memref<4160xi32, #tpu.memory_space<vmem>>[vector<16xi32>], vector<16xi32>, vector<16xi1>
        %all_reduce_population_count3A_1088 = tpu.all_reduce %le3A_974 {dim = 0 : i64, kind = #tpu.reduction_kind<sum>} : vector<16xi1> -> vector<16xi32>
        %add3A_1089 = arith.addi %add3A_1083, %all_reduce_population_count3A_1088 : vector<16xi32>
        %add3A_1090 = arith.addi %add3A_1086, %masked_cumsum3A_997 : vector<16xi32>
        tpu.vector_store_idx %arg13[%add3A_1090], %add3A_963 masked %le3A_991 : memref<4160xi32, #tpu.memory_space<vmem>>[vector<16xi32>], vector<16xi32>, vector<16xi1>
        %all_reduce_population_count3A_1091 = tpu.all_reduce %le3A_991 {dim = 0 : i64, kind = #tpu.reduction_kind<sum>} : vector<16xi1> -> vector<16xi32>
        %add3A_1092 = arith.addi %add3A_1086, %all_reduce_population_count3A_1091 : vector<16xi32>
        %add3A_1093 = arith.constant 16 : i32
        %add3A_1094 = arith.addi %while3A_261, %add3A_1093 : i32
        scf.yield %add3A_1094, %add3A_1089, %add3A_1092 : i32, vector<16xi32>, vector<16xi32>
      }
      %slice3A = vector.extract_strided_slice %while3A_97#1 {offsets = [0], sizes = [1], strides = [1]} : vector<16xi32> to vector<1xi32>
      %squeeze3A = vector.extract %slice3A[0] : i32 from vector<1xi32>
      %add3A_98 = arith.constant 1 : i32
      %add3A_99 = arith.addi %squeeze3A, %add3A_98 : i32
      %broadcast_in_dim3A_100 = arith.constant 0 : i32
      %broadcast_in_dim3A_101 = vector.broadcast %broadcast_in_dim3A_100 : i32 to vector<16xi32>
      %gather3A_102 = tpu.vector_load_idx %arg12[%broadcast_in_dim3A_101] : memref<4160xi32, #tpu.memory_space<vmem>>[vector<16xi32>], vector<16xi32>,
      %eq3A_103 = arith.constant 0 : i32
      %eq3A_104 = arith.cmpi eq, %add3A_99, %eq3A_103 : i32
      %broadcast_in_dim3A_105 = arith.constant 4095 : i32
      %broadcast_in_dim3A_106 = vector.broadcast %broadcast_in_dim3A_105 : i32 to vector<16xi32>
      %select_n3A_107 = arith.select %eq3A_104, %broadcast_in_dim3A_106, %gather3A_102 : vector<16xi32>
      %get3A = arith.constant 0 : index
      %get3A_108 = tpu.vector_load %arg12[%get3A] {strides = array<i32>} : memref<4160xi32, #tpu.memory_space<vmem>>, vector<16xi32>,
      %get3A_109 = arith.constant 16 : index
      %get3A_110 = tpu.vector_load %arg12[%get3A_109] {strides = array<i32>} : memref<4160xi32, #tpu.memory_space<vmem>>, vector<16xi32>,
      %lt3A_111 = vector.broadcast %add3A_99 : i32 to vector<16xi32>
      %lt3A_112 = arith.cmpi slt, %iota3A, %lt3A_111 : vector<16xi32>
      %select_n3A_113 = arith.select %lt3A_112, %get3A_108, %select_n3A_107 : vector<16xi1>, vector<16xi32>
      %mul3A_114 = arith.constant 4096 : i32
      %mul3A_115 = arith.muli %select_n3A, %mul3A_114 : i32
      %add3A_116 = vector.broadcast %mul3A_115 : i32 to vector<16xi32>
      %add3A_117 = arith.addi %select_n3A_113, %add3A_116 : vector<16xi32>
      %add3A_118 = arith.constant 16 : i32
      %add3A_119 = vector.broadcast %add3A_118 : i32 to vector<16xi32>
      %add3A_120 = arith.addi %iota3A, %add3A_119 : vector<16xi32>
      %lt3A_121 = vector.broadcast %add3A_99 : i32 to vector<16xi32>
      %lt3A_122 = arith.cmpi slt, %add3A_120, %lt3A_121 : vector<16xi32>
      %select_n3A_123 = arith.select %lt3A_122, %get3A_110, %select_n3A_107 : vector<16xi1>, vector<16xi32>
      %mul3A_124 = arith.constant 4096 : i32
      %mul3A_125 = arith.muli %select_n3A, %mul3A_124 : i32
      %add3A_126 = vector.broadcast %mul3A_125 : i32 to vector<16xi32>
      %add3A_127 = arith.addi %select_n3A_123, %add3A_126 : vector<16xi32>
      %jit3A_128 = arith.constant 4 : i32
      %div3A_129 = arith.divsi %mul3A_79, %jit3A_128 : i32
      %sign3A_130 = arith.constant 0 : i32
      %sign3A_131 = arith.cmpi sgt, %mul3A_79, %sign3A_130 : i32
      %sign3A_132 = arith.extui %sign3A_131 : i1 to i32
      %sign3A_133 = arith.constant 0 : i32
      %sign3A_134 = arith.cmpi slt, %mul3A_79, %sign3A_133 : i32
      %sign3A_135 = arith.extui %sign3A_134 : i1 to i32
      %sign3A_136 = arith.subi %sign3A_132, %sign3A_135 : i32
      %sign3A_137 = arith.constant 0 : i32
      %sign3A_138 = arith.cmpi sgt, %jit3A_128, %sign3A_137 : i32
      %sign3A_139 = arith.extui %sign3A_138 : i1 to i32
      %sign3A_140 = arith.constant 0 : i32
      %sign3A_141 = arith.cmpi slt, %jit3A_128, %sign3A_140 : i32
      %sign3A_142 = arith.extui %sign3A_141 : i1 to i32
      %sign3A_143 = arith.subi %sign3A_139, %sign3A_142 : i32
      %ne3A_144 = arith.cmpi ne, %sign3A_136, %sign3A_143 : i32
      %rem3A_145 = arith.remsi %mul3A_79, %jit3A_128 : i32
      %ne3A_146 = arith.constant 0 : i32
      %ne3A_147 = arith.cmpi ne, %rem3A_145, %ne3A_146 : i32
      %and3A_148 = arith.andi %ne3A_144, %ne3A_147 : i1
      %sub3A_149 = arith.constant 1 : i32
      %sub3A_150 = arith.subi %div3A_129, %sub3A_149 : i32
      %select_n3A_151 = arith.select %and3A_148, %sub3A_150, %div3A_129 : i32
      %jit3A_152 = arith.constant 4 : i32
      %eq3A_153 = arith.constant 0 : i32
      %eq3A_154 = arith.cmpi eq, %jit3A_152, %eq3A_153 : i32
      %jit3A_155 = arith.constant 1 : i32
      %select_n3A_156 = arith.select %eq3A_154, %jit3A_155, %jit3A_152 : i32
      %rem3A_157 = arith.remsi %mul3A_79, %select_n3A_156 : i32
      %ne3A_158 = arith.constant 0 : i32
      %ne3A_159 = arith.cmpi ne, %rem3A_157, %ne3A_158 : i32
      %lt3A_160 = arith.constant 0 : i32
      %lt3A_161 = arith.cmpi slt, %rem3A_157, %lt3A_160 : i32
      %lt3A_162 = arith.constant 0 : i32
      %lt3A_163 = arith.cmpi slt, %select_n3A_156, %lt3A_162 : i32
      %ne3A_164 = arith.xori %lt3A_161, %lt3A_163 : i1
      %and3A_165 = arith.andi %ne3A_164, %ne3A_159 : i1
      %add3A_166 = arith.addi %rem3A_157, %select_n3A_156 : i32
      %select_n3A_167 = arith.select %and3A_165, %add3A_166, %rem3A_157 : i32
      %mul3A_168 = arith.constant 32 : i32
      %mul3A_169 = arith.muli %select_n3A_167, %mul3A_168 : i32
      %swap3A = arith.index_cast %select_n3A_151 : i32 to index
      %swap3A_170 = arith.index_cast %mul3A_169 : i32 to index
      %swap3A_171 = tpu.vector_load %arg14[%swap3A, %swap3A_170] {strides = array<i32>} : memref<128x128xi32, #tpu.memory_space<vmem>>, vector<16xi32>,
      tpu.vector_store %arg14[%swap3A, %swap3A_170], %add3A_117 {strides = array<i32>} : memref<128x128xi32, #tpu.memory_space<vmem>>, vector<16xi32>,
      %add3A_172 = arith.constant 16 : i32
      %add3A_173 = arith.addi %mul3A_169, %add3A_172 : i32
      %swap3A_174 = arith.index_cast %select_n3A_151 : i32 to index
      %swap3A_175 = arith.index_cast %add3A_173 : i32 to index
      %swap3A_176 = tpu.vector_load %arg14[%swap3A_174, %swap3A_175] {strides = array<i32>} : memref<128x128xi32, #tpu.memory_space<vmem>>, vector<16xi32>,
      tpu.vector_store %arg14[%swap3A_174, %swap3A_175], %add3A_127 {strides = array<i32>} : memref<128x128xi32, #tpu.memory_space<vmem>>, vector<16xi32>,
      %slice3A_177 = vector.extract_strided_slice %while3A_97#2 {offsets = [0], sizes = [1], strides = [1]} : vector<16xi32> to vector<1xi32>
      %squeeze3A_178 = vector.extract %slice3A_177[0] : i32 from vector<1xi32>
      %add3A_179 = arith.constant 1 : i32
      %add3A_180 = arith.addi %squeeze3A_178, %add3A_179 : i32
      %broadcast_in_dim3A_181 = arith.constant 0 : i32
      %broadcast_in_dim3A_182 = vector.broadcast %broadcast_in_dim3A_181 : i32 to vector<16xi32>
      %gather3A_183 = tpu.vector_load_idx %arg13[%broadcast_in_dim3A_182] : memref<4160xi32, #tpu.memory_space<vmem>>[vector<16xi32>], vector<16xi32>,
      %eq3A_184 = arith.constant 0 : i32
      %eq3A_185 = arith.cmpi eq, %add3A_180, %eq3A_184 : i32
      %broadcast_in_dim3A_186 = arith.constant 4095 : i32
      %broadcast_in_dim3A_187 = vector.broadcast %broadcast_in_dim3A_186 : i32 to vector<16xi32>
      %select_n3A_188 = arith.select %eq3A_185, %broadcast_in_dim3A_187, %gather3A_183 : vector<16xi32>
      %get3A_189 = arith.constant 0 : index
      %get3A_190 = tpu.vector_load %arg13[%get3A_189] {strides = array<i32>} : memref<4160xi32, #tpu.memory_space<vmem>>, vector<16xi32>,
      %get3A_191 = arith.constant 16 : index
      %get3A_192 = tpu.vector_load %arg13[%get3A_191] {strides = array<i32>} : memref<4160xi32, #tpu.memory_space<vmem>>, vector<16xi32>,
      %lt3A_193 = vector.broadcast %add3A_180 : i32 to vector<16xi32>
      %lt3A_194 = arith.cmpi slt, %iota3A, %lt3A_193 : vector<16xi32>
      %select_n3A_195 = arith.select %lt3A_194, %get3A_190, %select_n3A_188 : vector<16xi1>, vector<16xi32>
      %mul3A_196 = arith.constant 4096 : i32
      %mul3A_197 = arith.muli %select_n3A, %mul3A_196 : i32
      %add3A_198 = vector.broadcast %mul3A_197 : i32 to vector<16xi32>
      %add3A_199 = arith.addi %select_n3A_195, %add3A_198 : vector<16xi32>
      %add3A_200 = arith.constant 16 : i32
      %add3A_201 = vector.broadcast %add3A_200 : i32 to vector<16xi32>
      %add3A_202 = arith.addi %iota3A, %add3A_201 : vector<16xi32>
      %lt3A_203 = vector.broadcast %add3A_180 : i32 to vector<16xi32>
      %lt3A_204 = arith.cmpi slt, %add3A_202, %lt3A_203 : vector<16xi32>
      %select_n3A_205 = arith.select %lt3A_204, %get3A_192, %select_n3A_188 : vector<16xi1>, vector<16xi32>
      %mul3A_206 = arith.constant 4096 : i32
      %mul3A_207 = arith.muli %select_n3A, %mul3A_206 : i32
      %add3A_208 = vector.broadcast %mul3A_207 : i32 to vector<16xi32>
      %add3A_209 = arith.addi %select_n3A_205, %add3A_208 : vector<16xi32>
      %jit3A_210 = arith.constant 4 : i32
      %div3A_211 = arith.divsi %add3A_83, %jit3A_210 : i32
      %sign3A_212 = arith.constant 0 : i32
      %sign3A_213 = arith.cmpi sgt, %add3A_83, %sign3A_212 : i32
      %sign3A_214 = arith.extui %sign3A_213 : i1 to i32
      %sign3A_215 = arith.constant 0 : i32
      %sign3A_216 = arith.cmpi slt, %add3A_83, %sign3A_215 : i32
      %sign3A_217 = arith.extui %sign3A_216 : i1 to i32
      %sign3A_218 = arith.subi %sign3A_214, %sign3A_217 : i32
      %sign3A_219 = arith.constant 0 : i32
      %sign3A_220 = arith.cmpi sgt, %jit3A_210, %sign3A_219 : i32
      %sign3A_221 = arith.extui %sign3A_220 : i1 to i32
      %sign3A_222 = arith.constant 0 : i32
      %sign3A_223 = arith.cmpi slt, %jit3A_210, %sign3A_222 : i32
      %sign3A_224 = arith.extui %sign3A_223 : i1 to i32
      %sign3A_225 = arith.subi %sign3A_221, %sign3A_224 : i32
      %ne3A_226 = arith.cmpi ne, %sign3A_218, %sign3A_225 : i32
      %rem3A_227 = arith.remsi %add3A_83, %jit3A_210 : i32
      %ne3A_228 = arith.constant 0 : i32
      %ne3A_229 = arith.cmpi ne, %rem3A_227, %ne3A_228 : i32
      %and3A_230 = arith.andi %ne3A_226, %ne3A_229 : i1
      %sub3A_231 = arith.constant 1 : i32
      %sub3A_232 = arith.subi %div3A_211, %sub3A_231 : i32
      %select_n3A_233 = arith.select %and3A_230, %sub3A_232, %div3A_211 : i32
      %jit3A_234 = arith.constant 4 : i32
      %eq3A_235 = arith.constant 0 : i32
      %eq3A_236 = arith.cmpi eq, %jit3A_234, %eq3A_235 : i32
      %jit3A_237 = arith.constant 1 : i32
      %select_n3A_238 = arith.select %eq3A_236, %jit3A_237, %jit3A_234 : i32
      %rem3A_239 = arith.remsi %add3A_83, %select_n3A_238 : i32
      %ne3A_240 = arith.constant 0 : i32
      %ne3A_241 = arith.cmpi ne, %rem3A_239, %ne3A_240 : i32
      %lt3A_242 = arith.constant 0 : i32
      %lt3A_243 = arith.cmpi slt, %rem3A_239, %lt3A_242 : i32
      %lt3A_244 = arith.constant 0 : i32
      %lt3A_245 = arith.cmpi slt, %select_n3A_238, %lt3A_244 : i32
      %ne3A_246 = arith.xori %lt3A_243, %lt3A_245 : i1
      %and3A_247 = arith.andi %ne3A_246, %ne3A_241 : i1
      %add3A_248 = arith.addi %rem3A_239, %select_n3A_238 : i32
      %select_n3A_249 = arith.select %and3A_247, %add3A_248, %rem3A_239 : i32
      %mul3A_250 = arith.constant 32 : i32
      %mul3A_251 = arith.muli %select_n3A_249, %mul3A_250 : i32
      %swap3A_252 = arith.index_cast %select_n3A_233 : i32 to index
      %swap3A_253 = arith.index_cast %mul3A_251 : i32 to index
      %swap3A_254 = tpu.vector_load %arg14[%swap3A_252, %swap3A_253] {strides = array<i32>} : memref<128x128xi32, #tpu.memory_space<vmem>>, vector<16xi32>,
      tpu.vector_store %arg14[%swap3A_252, %swap3A_253], %add3A_199 {strides = array<i32>} : memref<128x128xi32, #tpu.memory_space<vmem>>, vector<16xi32>,
      %add3A_255 = arith.constant 16 : i32
      %add3A_256 = arith.addi %mul3A_251, %add3A_255 : i32
      %swap3A_257 = arith.index_cast %select_n3A_233 : i32 to index
      %swap3A_258 = arith.index_cast %add3A_256 : i32 to index
      %swap3A_259 = tpu.vector_load %arg14[%swap3A_257, %swap3A_258] {strides = array<i32>} : memref<128x128xi32, #tpu.memory_space<vmem>>, vector<16xi32>,
      tpu.vector_store %arg14[%swap3A_257, %swap3A_258], %add3A_209 {strides = array<i32>} : memref<128x128xi32, #tpu.memory_space<vmem>>, vector<16xi32>,
      %scan3A_260 = arith.constant 0 : i32
      scf.yield %scan3A_260 : i32
    }
    %scan3A_47 = arith.constant 256 : i32
    %dma_start3A = arith.constant 0 : i32
    %dma_start3A_48 = arith.constant 0 : i32
    %dma_start3A_49 = tpu.memref_slice %arg14[%dma_start3A, %dma_start3A_48] : memref<128x128xi32, #tpu.memory_space<vmem>> -> memref<1x128xi32, #tpu.memory_space<vmem>>
    %dma_start3A_50 = tpu.memref_squeeze %dma_start3A_49 : memref<1x128xi32, #tpu.memory_space<vmem>> -> memref<128xi32, #tpu.memory_space<vmem>>
    %dma_start3A_51 = arith.constant 0 : i32
    %dma_start3A_52 = arith.constant 0 : i32
    %dma_start3A_53 = tpu.memref_slice %arg2[%dma_start3A_51, %dma_start3A_52] : memref<65536x32xf32, #tpu.memory_space<hbm>> -> memref<65536x32xf32, #tpu.memory_space<hbm>>
    tpu.enqueue_indirect_dma source(%dma_start3A_53 : memref<65536x32xf32, #tpu.memory_space<hbm>>) target(%arg15 : memref<128x32xf32, #tpu.memory_space<vmem>>) offsets(%dma_start3A_50 : memref<128xi32, #tpu.memory_space<vmem>>) semaphore(%arg17 : memref<!tpu.dma_semaphore, #tpu.memory_space<semaphore_mem>>)
    %scan3A_54 = arith.constant 0 : i32
    %scan3A_55 = arith.constant 0 : i32
    %scan3A_56 = arith.constant 64 : i32
    %scan3A_57 = arith.addi %scan3A_55, %scan3A_56 : i32
    %scan3A_58 = arith.constant 1 : i32
    %scan3A_59 = scf.for %scan3A_76 = %scan3A_55 to %scan3A_57 step %scan3A_58 iter_args(%scan3A_77 = %scan3A_54) -> (i32)  : i32 {
      %mul3A_78 = arith.constant 2 : i32
      %mul3A_79 = arith.muli %mul3A_78, %scan3A_76 : i32
      %mul3A_80 = arith.constant 2 : i32
      %mul3A_81 = arith.muli %mul3A_80, %scan3A_76 : i32
      %add3A_82 = arith.constant 1 : i32
      %add3A_83 = arith.addi %mul3A_81, %add3A_82 : i32
      %dma_start3A_84 = arith.constant 0 : i32
      %dma_start3A_85 = tpu.memref_slice %arg14[%add3A_83, %dma_start3A_84] : memref<128x128xi32, #tpu.memory_space<vmem>> -> memref<1x128xi32, #tpu.memory_space<vmem>>
      %dma_start3A_86 = tpu.memref_squeeze %dma_start3A_85 : memref<1x128xi32, #tpu.memory_space<vmem>> -> memref<128xi32, #tpu.memory_space<vmem>>
      %dma_start3A_87 = arith.constant 0 : i32
      %dma_start3A_88 = arith.constant 0 : i32
      %dma_start3A_89 = tpu.memref_slice %arg2[%dma_start3A_87, %dma_start3A_88] : memref<65536x32xf32, #tpu.memory_space<hbm>> -> memref<65536x32xf32, #tpu.memory_space<hbm>>
      tpu.enqueue_indirect_dma source(%dma_start3A_89 : memref<65536x32xf32, #tpu.memory_space<hbm>>) target(%arg16 : memref<128x32xf32, #tpu.memory_space<vmem>>) offsets(%dma_start3A_86 : memref<128xi32, #tpu.memory_space<vmem>>) semaphore(%arg18 : memref<!tpu.dma_semaphore, #tpu.memory_space<semaphore_mem>>)
      %dma_wait3A_90 = arith.constant 0 : i32
      %dma_wait3A_91 = tpu.memref_slice %arg14[%mul3A_79, %dma_wait3A_90] : memref<128x128xi32, #tpu.memory_space<vmem>> -> memref<1x128xi32, #tpu.memory_space<vmem>>
      %dma_wait3A_92 = tpu.memref_squeeze %dma_wait3A_91 : memref<1x128xi32, #tpu.memory_space<vmem>> -> memref<128xi32, #tpu.memory_space<vmem>>
      %dma_wait3A_93 = arith.constant 0 : i32
      %dma_wait3A_94 = arith.constant 0 : i32
      %dma_wait3A_95 = tpu.memref_slice %arg2[%dma_wait3A_93, %dma_wait3A_94] : memref<65536x32xf32, #tpu.memory_space<hbm>> -> memref<65536x32xf32, #tpu.memory_space<hbm>>
      tpu.wait_indirect_dma semaphore(%arg17 : memref<!tpu.dma_semaphore, #tpu.memory_space<semaphore_mem>>) src(%dma_wait3A_95 : memref<65536x32xf32, #tpu.memory_space<hbm>>) dst(%arg15 : memref<128x32xf32, #tpu.memory_space<vmem>>)
      %gt3A = arith.constant 0 : i32
      %gt3A_96 = arith.cmpi sgt, %scan3A_76, %gt3A : i32
      %convert_element_type3A = arith.extui %gt3A_96 : i1 to i32
      %cond3A = arith.constant 0 : i32
      %cond3A_97 = arith.cmpi ne, %convert_element_type3A, %cond3A : i32
      scf.if %cond3A_97 {
        %mul3A_2628 = arith.constant 4 : i32
        %mul3A_2629 = arith.muli %mul3A_79, %mul3A_2628 : i32
        %add3A_2630 = arith.addi %add3A_35, %mul3A_2629 : i32
        %mul3A_2631 = arith.constant 32 : i32
        %mul3A_2632 = arith.muli %add3A_2630, %mul3A_2631 : i32
        %dma_wait3A_2633 = arith.constant 0 : i32
        %dma_wait3A_2634 = tpu.memref_slice %arg5[%mul3A_2632, %dma_wait3A_2633] : memref<524288x32xf32, #tpu.memory_space<hbm>> -> memref<128x32xf32, #tpu.memory_space<hbm>>
        %dma_wait3A_2635 = arith.constant 0 : i32
        %dma_wait3A_2636 = tpu.memref_slice %arg5[%mul3A_2632, %dma_wait3A_2635] : memref<524288x32xf32, #tpu.memory_space<hbm>> -> memref<128x32xf32, #tpu.memory_space<hbm>>
        tpu.wait_dma2 semaphore(%arg19 : memref<!tpu.dma_semaphore, #tpu.memory_space<semaphore_mem>>) src(%arg15 : memref<128x32xf32, #tpu.memory_space<vmem>>) dst(%dma_wait3A_2636 : memref<128x32xf32, #tpu.memory_space<hbm>>)
      } else {
      }
      %mul3A_98 = arith.constant 4 : i32
      %mul3A_99 = arith.muli %mul3A_79, %mul3A_98 : i32
      %add3A_100 = arith.constant 0 : i32
      %add3A_101 = arith.addi %mul3A_99, %add3A_100 : i32
      %broadcast_in_dim3A_102 = vector.broadcast %add3A_101 : i32 to vector<16xi32>
      %gather3A = tpu.vector_load_idx %arg9[%broadcast_in_dim3A_102] : memref<512xf32, #tpu.memory_space<vmem>>[vector<16xi32>], vector<16xf32>,
      %broadcast_in_dim3A_103 = vector.broadcast %add3A_101 : i32 to vector<16xi32>
      %gather3A_104 = tpu.vector_load_idx %arg10[%broadcast_in_dim3A_103] : memref<512xf32, #tpu.memory_space<vmem>>[vector<16xi32>], vector<16xf32>,
      %broadcast_in_dim3A_105 = vector.broadcast %add3A_101 : i32 to vector<16xi32>
      %gather3A_106 = tpu.vector_load_idx %arg11[%broadcast_in_dim3A_105] : memref<512xf32, #tpu.memory_space<vmem>>[vector<16xi32>], vector<16xf32>,
      %eq3A_107 = arith.constant 0 : i32
      %eq3A_108 = vector.broadcast %eq3A_107 : i32 to vector<16xi32>
      %eq3A_109 = arith.cmpi eq, %iota3A, %eq3A_108 : vector<16xi32>
      %eq3A_110 = arith.constant 1 : i32
      %eq3A_111 = vector.broadcast %eq3A_110 : i32 to vector<16xi32>
      %eq3A_112 = arith.cmpi eq, %iota3A, %eq3A_111 : vector<16xi32>
      %eq3A_113 = arith.constant 2 : i32
      %eq3A_114 = vector.broadcast %eq3A_113 : i32 to vector<16xi32>
      %eq3A_115 = arith.cmpi eq, %iota3A, %eq3A_114 : vector<16xi32>
      %broadcast_in_dim3A_116 = arith.constant 0.000000e+00 : f32
      %broadcast_in_dim3A_117 = vector.broadcast %broadcast_in_dim3A_116 : f32 to vector<16xf32>
      %select_n3A_118 = arith.select %eq3A_115, %gather3A_106, %broadcast_in_dim3A_117 : vector<16xi1>, vector<16xf32>
      %select_n3A_119 = arith.select %eq3A_112, %gather3A_104, %select_n3A_118 : vector<16xi1>, vector<16xf32>
      %select_n3A_120 = arith.select %eq3A_109, %gather3A, %select_n3A_119 : vector<16xi1>, vector<16xf32>
      %get3A = arith.constant 0 : i32
      %get3A_121 = arith.index_cast %get3A : i32 to index
      %get3A_122 = arith.constant 0 : index
      %get3A_123 = tpu.vector_load %arg15[%get3A_121, %get3A_122] {strides = array<i32>} : memref<128x32xf32, #tpu.memory_space<vmem>>, vector<16xf32>,
      %sub3A_124 = arith.subf %get3A_123, %select_n3A_120 : vector<16xf32>
      %swap3A = arith.constant 0 : i32
      %swap3A_125 = arith.index_cast %swap3A : i32 to index
      %swap3A_126 = arith.constant 0 : index
      %swap3A_127 = tpu.vector_load %arg15[%swap3A_125, %swap3A_126] {strides = array<i32>} : memref<128x32xf32, #tpu.memory_space<vmem>>, vector<16xf32>,
      tpu.vector_store %arg15[%swap3A_125, %swap3A_126], %sub3A_124 {strides = array<i32>} : memref<128x32xf32, #tpu.memory_space<vmem>>, vector<16xf32>,
      %get3A_128 = arith.constant 1 : i32
      %get3A_129 = arith.index_cast %get3A_128 : i32 to index
      %get3A_130 = arith.constant 0 : index
      %get3A_131 = tpu.vector_load %arg15[%get3A_129, %get3A_130] {strides = array<i32>} : memref<128x32xf32, #tpu.memory_space<vmem>>, vector<16xf32>,
      %sub3A_132 = arith.subf %get3A_131, %select_n3A_120 : vector<16xf32>
      %swap3A_133 = arith.constant 1 : i32
      %swap3A_134 = arith.index_cast %swap3A_133 : i32 to index
      %swap3A_135 = arith.constant 0 : index
      %swap3A_136 = tpu.vector_load %arg15[%swap3A_134, %swap3A_135] {strides = array<i32>} : memref<128x32xf32, #tpu.memory_space<vmem>>, vector<16xf32>,
      tpu.vector_store %arg15[%swap3A_134, %swap3A_135], %sub3A_132 {strides = array<i32>} : memref<128x32xf32, #tpu.memory_space<vmem>>, vector<16xf32>,
      %get3A_137 = arith.constant 2 : i32
      %get3A_138 = arith.index_cast %get3A_137 : i32 to index
      %get3A_139 = arith.constant 0 : index
      %get3A_140 = tpu.vector_load %arg15[%get3A_138, %get3A_139] {strides = array<i32>} : memref<128x32xf32, #tpu.memory_space<vmem>>, vector<16xf32>,
      %sub3A_141 = arith.subf %get3A_140, %select_n3A_120 : vector<16xf32>
      %swap3A_142 = arith.constant 2 : i32
      %swap3A_143 = arith.index_cast %swap3A_142 : i32 to index
      %swap3A_144 = arith.constant 0 : index
      %swap3A_145 = tpu.vector_load %arg15[%swap3A_143, %swap3A_144] {strides = array<i32>} : memref<128x32xf32, #tpu.memory_space<vmem>>, vector<16xf32>,
      tpu.vector_store %arg15[%swap3A_143, %swap3A_144], %sub3A_141 {strides = array<i32>} : memref<128x32xf32, #tpu.memory_space<vmem>>, vector<16xf32>,
      %get3A_146 = arith.constant 3 : i32
      %get3A_147 = arith.index_cast %get3A_146 : i32 to index
      %get3A_148 = arith.constant 0 : index
      %get3A_149 = tpu.vector_load %arg15[%get3A_147, %get3A_148] {strides = array<i32>} : memref<128x32xf32, #tpu.memory_space<vmem>>, vector<16xf32>,
      %sub3A_150 = arith.subf %get3A_149, %select_n3A_120 : vector<16xf32>
      %swap3A_151 = arith.constant 3 : i32
      %swap3A_152 = arith.index_cast %swap3A_151 : i32 to index
      %swap3A_153 = arith.constant 0 : index
      %swap3A_154 = tpu.vector_load %arg15[%swap3A_152, %swap3A_153] {strides = array<i32>} : memref<128x32xf32, #tpu.memory_space<vmem>>, vector<16xf32>,
      tpu.vector_store %arg15[%swap3A_152, %swap3A_153], %sub3A_150 {strides = array<i32>} : memref<128x32xf32, #tpu.memory_space<vmem>>, vector<16xf32>,
      %get3A_155 = arith.constant 4 : i32
      %get3A_156 = arith.index_cast %get3A_155 : i32 to index
      %get3A_157 = arith.constant 0 : index
      %get3A_158 = tpu.vector_load %arg15[%get3A_156, %get3A_157] {strides = array<i32>} : memref<128x32xf32, #tpu.memory_space<vmem>>, vector<16xf32>,
      %sub3A_159 = arith.subf %get3A_158, %select_n3A_120 : vector<16xf32>
      %swap3A_160 = arith.constant 4 : i32
      %swap3A_161 = arith.index_cast %swap3A_160 : i32 to index
      %swap3A_162 = arith.constant 0 : index
      %swap3A_163 = tpu.vector_load %arg15[%swap3A_161, %swap3A_162] {strides = array<i32>} : memref<128x32xf32, #tpu.memory_space<vmem>>, vector<16xf32>,
      tpu.vector_store %arg15[%swap3A_161, %swap3A_162], %sub3A_159 {strides = array<i32>} : memref<128x32xf32, #tpu.memory_space<vmem>>, vector<16xf32>,
      %get3A_164 = arith.constant 5 : i32
      %get3A_165 = arith.index_cast %get3A_164 : i32 to index
      %get3A_166 = arith.constant 0 : index
      %get3A_167 = tpu.vector_load %arg15[%get3A_165, %get3A_166] {strides = array<i32>} : memref<128x32xf32, #tpu.memory_space<vmem>>, vector<16xf32>,
      %sub3A_168 = arith.subf %get3A_167, %select_n3A_120 : vector<16xf32>
      %swap3A_169 = arith.constant 5 : i32
      %swap3A_170 = arith.index_cast %swap3A_169 : i32 to index
      %swap3A_171 = arith.constant 0 : index
      %swap3A_172 = tpu.vector_load %arg15[%swap3A_170, %swap3A_171] {strides = array<i32>} : memref<128x32xf32, #tpu.memory_space<vmem>>, vector<16xf32>,
      tpu.vector_store %arg15[%swap3A_170, %swap3A_171], %sub3A_168 {strides = array<i32>} : memref<128x32xf32, #tpu.memory_space<vmem>>, vector<16xf32>,
      %get3A_173 = arith.constant 6 : i32
      %get3A_174 = arith.index_cast %get3A_173 : i32 to index
      %get3A_175 = arith.constant 0 : index
      %get3A_176 = tpu.vector_load %arg15[%get3A_174, %get3A_175] {strides = array<i32>} : memref<128x32xf32, #tpu.memory_space<vmem>>, vector<16xf32>,
      %sub3A_177 = arith.subf %get3A_176, %select_n3A_120 : vector<16xf32>
      %swap3A_178 = arith.constant 6 : i32
      %swap3A_179 = arith.index_cast %swap3A_178 : i32 to index
      %swap3A_180 = arith.constant 0 : index
      %swap3A_181 = tpu.vector_load %arg15[%swap3A_179, %swap3A_180] {strides = array<i32>} : memref<128x32xf32, #tpu.memory_space<vmem>>, vector<16xf32>,
      tpu.vector_store %arg15[%swap3A_179, %swap3A_180], %sub3A_177 {strides = array<i32>} : memref<128x32xf32, #tpu.memory_space<vmem>>, vector<16xf32>,
      %get3A_182 = arith.constant 7 : i32
      %get3A_183 = arith.index_cast %get3A_182 : i32 to index
      %get3A_184 = arith.constant 0 : index
      %get3A_185 = tpu.vector_load %arg15[%get3A_183, %get3A_184] {strides = array<i32>} : memref<128x32xf32, #tpu.memory_space<vmem>>, vector<16xf32>,
      %sub3A_186 = arith.subf %get3A_185, %select_n3A_120 : vector<16xf32>
      %swap3A_187 = arith.constant 7 : i32
      %swap3A_188 = arith.index_cast %swap3A_187 : i32 to index
      %swap3A_189 = arith.constant 0 : index
      %swap3A_190 = tpu.vector_load %arg15[%swap3A_188, %swap3A_189] {strides = array<i32>} : memref<128x32xf32, #tpu.memory_space<vmem>>, vector<16xf32>,
      tpu.vector_store %arg15[%swap3A_188, %swap3A_189], %sub3A_186 {strides = array<i32>} : memref<128x32xf32, #tpu.memory_space<vmem>>, vector<16xf32>,
      %get3A_191 = arith.constant 8 : i32
      %get3A_192 = arith.index_cast %get3A_191 : i32 to index
      %get3A_193 = arith.constant 0 : index
      %get3A_194 = tpu.vector_load %arg15[%get3A_192, %get3A_193] {strides = array<i32>} : memref<128x32xf32, #tpu.memory_space<vmem>>, vector<16xf32>,
      %sub3A_195 = arith.subf %get3A_194, %select_n3A_120 : vector<16xf32>
      %swap3A_196 = arith.constant 8 : i32
      %swap3A_197 = arith.index_cast %swap3A_196 : i32 to index
      %swap3A_198 = arith.constant 0 : index
      %swap3A_199 = tpu.vector_load %arg15[%swap3A_197, %swap3A_198] {strides = array<i32>} : memref<128x32xf32, #tpu.memory_space<vmem>>, vector<16xf32>,
      tpu.vector_store %arg15[%swap3A_197, %swap3A_198], %sub3A_195 {strides = array<i32>} : memref<128x32xf32, #tpu.memory_space<vmem>>, vector<16xf32>,
      %get3A_200 = arith.constant 9 : i32
      %get3A_201 = arith.index_cast %get3A_200 : i32 to index
      %get3A_202 = arith.constant 0 : index
      %get3A_203 = tpu.vector_load %arg15[%get3A_201, %get3A_202] {strides = array<i32>} : memref<128x32xf32, #tpu.memory_space<vmem>>, vector<16xf32>,
      %sub3A_204 = arith.subf %get3A_203, %select_n3A_120 : vector<16xf32>
      %swap3A_205 = arith.constant 9 : i32
      %swap3A_206 = arith.index_cast %swap3A_205 : i32 to index
      %swap3A_207 = arith.constant 0 : index
      %swap3A_208 = tpu.vector_load %arg15[%swap3A_206, %swap3A_207] {strides = array<i32>} : memref<128x32xf32, #tpu.memory_space<vmem>>, vector<16xf32>,
      tpu.vector_store %arg15[%swap3A_206, %swap3A_207], %sub3A_204 {strides = array<i32>} : memref<128x32xf32, #tpu.memory_space<vmem>>, vector<16xf32>,
      %get3A_209 = arith.constant 10 : i32
      %get3A_210 = arith.index_cast %get3A_209 : i32 to index
      %get3A_211 = arith.constant 0 : index
      %get3A_212 = tpu.vector_load %arg15[%get3A_210, %get3A_211] {strides = array<i32>} : memref<128x32xf32, #tpu.memory_space<vmem>>, vector<16xf32>,
      %sub3A_213 = arith.subf %get3A_212, %select_n3A_120 : vector<16xf32>
      %swap3A_214 = arith.constant 10 : i32
      %swap3A_215 = arith.index_cast %swap3A_214 : i32 to index
      %swap3A_216 = arith.constant 0 : index
      %swap3A_217 = tpu.vector_load %arg15[%swap3A_215, %swap3A_216] {strides = array<i32>} : memref<128x32xf32, #tpu.memory_space<vmem>>, vector<16xf32>,
      tpu.vector_store %arg15[%swap3A_215, %swap3A_216], %sub3A_213 {strides = array<i32>} : memref<128x32xf32, #tpu.memory_space<vmem>>, vector<16xf32>,
      %get3A_218 = arith.constant 11 : i32
      %get3A_219 = arith.index_cast %get3A_218 : i32 to index
      %get3A_220 = arith.constant 0 : index
      %get3A_221 = tpu.vector_load %arg15[%get3A_219, %get3A_220] {strides = array<i32>} : memref<128x32xf32, #tpu.memory_space<vmem>>, vector<16xf32>,
      %sub3A_222 = arith.subf %get3A_221, %select_n3A_120 : vector<16xf32>
      %swap3A_223 = arith.constant 11 : i32
      %swap3A_224 = arith.index_cast %swap3A_223 : i32 to index
      %swap3A_225 = arith.constant 0 : index
      %swap3A_226 = tpu.vector_load %arg15[%swap3A_224, %swap3A_225] {strides = array<i32>} : memref<128x32xf32, #tpu.memory_space<vmem>>, vector<16xf32>,
      tpu.vector_store %arg15[%swap3A_224, %swap3A_225], %sub3A_222 {strides = array<i32>} : memref<128x32xf32, #tpu.memory_space<vmem>>, vector<16xf32>,
      %get3A_227 = arith.constant 12 : i32
      %get3A_228 = arith.index_cast %get3A_227 : i32 to index
      %get3A_229 = arith.constant 0 : index
      %get3A_230 = tpu.vector_load %arg15[%get3A_228, %get3A_229] {strides = array<i32>} : memref<128x32xf32, #tpu.memory_space<vmem>>, vector<16xf32>,
      %sub3A_231 = arith.subf %get3A_230, %select_n3A_120 : vector<16xf32>
      %swap3A_232 = arith.constant 12 : i32
      %swap3A_233 = arith.index_cast %swap3A_232 : i32 to index
      %swap3A_234 = arith.constant 0 : index
      %swap3A_235 = tpu.vector_load %arg15[%swap3A_233, %swap3A_234] {strides = array<i32>} : memref<128x32xf32, #tpu.memory_space<vmem>>, vector<16xf32>,
      tpu.vector_store %arg15[%swap3A_233, %swap3A_234], %sub3A_231 {strides = array<i32>} : memref<128x32xf32, #tpu.memory_space<vmem>>, vector<16xf32>,
      %get3A_236 = arith.constant 13 : i32
      %get3A_237 = arith.index_cast %get3A_236 : i32 to index
      %get3A_238 = arith.constant 0 : index
      %get3A_239 = tpu.vector_load %arg15[%get3A_237, %get3A_238] {strides = array<i32>} : memref<128x32xf32, #tpu.memory_space<vmem>>, vector<16xf32>,
      %sub3A_240 = arith.subf %get3A_239, %select_n3A_120 : vector<16xf32>
      %swap3A_241 = arith.constant 13 : i32
      %swap3A_242 = arith.index_cast %swap3A_241 : i32 to index
      %swap3A_243 = arith.constant 0 : index
      %swap3A_244 = tpu.vector_load %arg15[%swap3A_242, %swap3A_243] {strides = array<i32>} : memref<128x32xf32, #tpu.memory_space<vmem>>, vector<16xf32>,
      tpu.vector_store %arg15[%swap3A_242, %swap3A_243], %sub3A_240 {strides = array<i32>} : memref<128x32xf32, #tpu.memory_space<vmem>>, vector<16xf32>,
      %get3A_245 = arith.constant 14 : i32
      %get3A_246 = arith.index_cast %get3A_245 : i32 to index
      %get3A_247 = arith.constant 0 : index
      %get3A_248 = tpu.vector_load %arg15[%get3A_246, %get3A_247] {strides = array<i32>} : memref<128x32xf32, #tpu.memory_space<vmem>>, vector<16xf32>,
      %sub3A_249 = arith.subf %get3A_248, %select_n3A_120 : vector<16xf32>
      %swap3A_250 = arith.constant 14 : i32
      %swap3A_251 = arith.index_cast %swap3A_250 : i32 to index
      %swap3A_252 = arith.constant 0 : index
      %swap3A_253 = tpu.vector_load %arg15[%swap3A_251, %swap3A_252] {strides = array<i32>} : memref<128x32xf32, #tpu.memory_space<vmem>>, vector<16xf32>,
      tpu.vector_store %arg15[%swap3A_251, %swap3A_252], %sub3A_249 {strides = array<i32>} : memref<128x32xf32, #tpu.memory_space<vmem>>, vector<16xf32>,
      %get3A_254 = arith.constant 15 : i32
      %get3A_255 = arith.index_cast %get3A_254 : i32 to index
      %get3A_256 = arith.constant 0 : index
      %get3A_257 = tpu.vector_load %arg15[%get3A_255, %get3A_256] {strides = array<i32>} : memref<128x32xf32, #tpu.memory_space<vmem>>, vector<16xf32>,
      %sub3A_258 = arith.subf %get3A_257, %select_n3A_120 : vector<16xf32>
      %swap3A_259 = arith.constant 15 : i32
      %swap3A_260 = arith.index_cast %swap3A_259 : i32 to index
      %swap3A_261 = arith.constant 0 : index
      %swap3A_262 = tpu.vector_load %arg15[%swap3A_260, %swap3A_261] {strides = array<i32>} : memref<128x32xf32, #tpu.memory_space<vmem>>, vector<16xf32>,
      tpu.vector_store %arg15[%swap3A_260, %swap3A_261], %sub3A_258 {strides = array<i32>} : memref<128x32xf32, #tpu.memory_space<vmem>>, vector<16xf32>,
      %get3A_263 = arith.constant 16 : i32
      %get3A_264 = arith.index_cast %get3A_263 : i32 to index
      %get3A_265 = arith.constant 0 : index
      %get3A_266 = tpu.vector_load %arg15[%get3A_264, %get3A_265] {strides = array<i32>} : memref<128x32xf32, #tpu.memory_space<vmem>>, vector<16xf32>,
      %sub3A_267 = arith.subf %get3A_266, %select_n3A_120 : vector<16xf32>
      %swap3A_268 = arith.constant 16 : i32
      %swap3A_269 = arith.index_cast %swap3A_268 : i32 to index
      %swap3A_270 = arith.constant 0 : index
      %swap3A_271 = tpu.vector_load %arg15[%swap3A_269, %swap3A_270] {strides = array<i32>} : memref<128x32xf32, #tpu.memory_space<vmem>>, vector<16xf32>,
      tpu.vector_store %arg15[%swap3A_269, %swap3A_270], %sub3A_267 {strides = array<i32>} : memref<128x32xf32, #tpu.memory_space<vmem>>, vector<16xf32>,
      %get3A_272 = arith.constant 17 : i32
      %get3A_273 = arith.index_cast %get3A_272 : i32 to index
      %get3A_274 = arith.constant 0 : index
      %get3A_275 = tpu.vector_load %arg15[%get3A_273, %get3A_274] {strides = array<i32>} : memref<128x32xf32, #tpu.memory_space<vmem>>, vector<16xf32>,
      %sub3A_276 = arith.subf %get3A_275, %select_n3A_120 : vector<16xf32>
      %swap3A_277 = arith.constant 17 : i32
      %swap3A_278 = arith.index_cast %swap3A_277 : i32 to index
      %swap3A_279 = arith.constant 0 : index
      %swap3A_280 = tpu.vector_load %arg15[%swap3A_278, %swap3A_279] {strides = array<i32>} : memref<128x32xf32, #tpu.memory_space<vmem>>, vector<16xf32>,
      tpu.vector_store %arg15[%swap3A_278, %swap3A_279], %sub3A_276 {strides = array<i32>} : memref<128x32xf32, #tpu.memory_space<vmem>>, vector<16xf32>,
      %get3A_281 = arith.constant 18 : i32
      %get3A_282 = arith.index_cast %get3A_281 : i32 to index
      %get3A_283 = arith.constant 0 : index
      %get3A_284 = tpu.vector_load %arg15[%get3A_282, %get3A_283] {strides = array<i32>} : memref<128x32xf32, #tpu.memory_space<vmem>>, vector<16xf32>,
      %sub3A_285 = arith.subf %get3A_284, %select_n3A_120 : vector<16xf32>
      %swap3A_286 = arith.constant 18 : i32
      %swap3A_287 = arith.index_cast %swap3A_286 : i32 to index
      %swap3A_288 = arith.constant 0 : index
      %swap3A_289 = tpu.vector_load %arg15[%swap3A_287, %swap3A_288] {strides = array<i32>} : memref<128x32xf32, #tpu.memory_space<vmem>>, vector<16xf32>,
      tpu.vector_store %arg15[%swap3A_287, %swap3A_288], %sub3A_285 {strides = array<i32>} : memref<128x32xf32, #tpu.memory_space<vmem>>, vector<16xf32>,
      %get3A_290 = arith.constant 19 : i32
      %get3A_291 = arith.index_cast %get3A_290 : i32 to index
      %get3A_292 = arith.constant 0 : index
      %get3A_293 = tpu.vector_load %arg15[%get3A_291, %get3A_292] {strides = array<i32>} : memref<128x32xf32, #tpu.memory_space<vmem>>, vector<16xf32>,
      %sub3A_294 = arith.subf %get3A_293, %select_n3A_120 : vector<16xf32>
      %swap3A_295 = arith.constant 19 : i32
      %swap3A_296 = arith.index_cast %swap3A_295 : i32 to index
      %swap3A_297 = arith.constant 0 : index
      %swap3A_298 = tpu.vector_load %arg15[%swap3A_296, %swap3A_297] {strides = array<i32>} : memref<128x32xf32, #tpu.memory_space<vmem>>, vector<16xf32>,
      tpu.vector_store %arg15[%swap3A_296, %swap3A_297], %sub3A_294 {strides = array<i32>} : memref<128x32xf32, #tpu.memory_space<vmem>>, vector<16xf32>,
      %get3A_299 = arith.constant 20 : i32
      %get3A_300 = arith.index_cast %get3A_299 : i32 to index
      %get3A_301 = arith.constant 0 : index
      %get3A_302 = tpu.vector_load %arg15[%get3A_300, %get3A_301] {strides = array<i32>} : memref<128x32xf32, #tpu.memory_space<vmem>>, vector<16xf32>,
      %sub3A_303 = arith.subf %get3A_302, %select_n3A_120 : vector<16xf32>
      %swap3A_304 = arith.constant 20 : i32
      %swap3A_305 = arith.index_cast %swap3A_304 : i32 to index
      %swap3A_306 = arith.constant 0 : index
      %swap3A_307 = tpu.vector_load %arg15[%swap3A_305, %swap3A_306] {strides = array<i32>} : memref<128x32xf32, #tpu.memory_space<vmem>>, vector<16xf32>,
      tpu.vector_store %arg15[%swap3A_305, %swap3A_306], %sub3A_303 {strides = array<i32>} : memref<128x32xf32, #tpu.memory_space<vmem>>, vector<16xf32>,
      %get3A_308 = arith.constant 21 : i32
      %get3A_309 = arith.index_cast %get3A_308 : i32 to index
      %get3A_310 = arith.constant 0 : index
      %get3A_311 = tpu.vector_load %arg15[%get3A_309, %get3A_310] {strides = array<i32>} : memref<128x32xf32, #tpu.memory_space<vmem>>, vector<16xf32>,
      %sub3A_312 = arith.subf %get3A_311, %select_n3A_120 : vector<16xf32>
      %swap3A_313 = arith.constant 21 : i32
      %swap3A_314 = arith.index_cast %swap3A_313 : i32 to index
      %swap3A_315 = arith.constant 0 : index
      %swap3A_316 = tpu.vector_load %arg15[%swap3A_314, %swap3A_315] {strides = array<i32>} : memref<128x32xf32, #tpu.memory_space<vmem>>, vector<16xf32>,
      tpu.vector_store %arg15[%swap3A_314, %swap3A_315], %sub3A_312 {strides = array<i32>} : memref<128x32xf32, #tpu.memory_space<vmem>>, vector<16xf32>,
      %get3A_317 = arith.constant 22 : i32
      %get3A_318 = arith.index_cast %get3A_317 : i32 to index
      %get3A_319 = arith.constant 0 : index
      %get3A_320 = tpu.vector_load %arg15[%get3A_318, %get3A_319] {strides = array<i32>} : memref<128x32xf32, #tpu.memory_space<vmem>>, vector<16xf32>,
      %sub3A_321 = arith.subf %get3A_320, %select_n3A_120 : vector<16xf32>
      %swap3A_322 = arith.constant 22 : i32
      %swap3A_323 = arith.index_cast %swap3A_322 : i32 to index
      %swap3A_324 = arith.constant 0 : index
      %swap3A_325 = tpu.vector_load %arg15[%swap3A_323, %swap3A_324] {strides = array<i32>} : memref<128x32xf32, #tpu.memory_space<vmem>>, vector<16xf32>,
      tpu.vector_store %arg15[%swap3A_323, %swap3A_324], %sub3A_321 {strides = array<i32>} : memref<128x32xf32, #tpu.memory_space<vmem>>, vector<16xf32>,
      %get3A_326 = arith.constant 23 : i32
      %get3A_327 = arith.index_cast %get3A_326 : i32 to index
      %get3A_328 = arith.constant 0 : index
      %get3A_329 = tpu.vector_load %arg15[%get3A_327, %get3A_328] {strides = array<i32>} : memref<128x32xf32, #tpu.memory_space<vmem>>, vector<16xf32>,
      %sub3A_330 = arith.subf %get3A_329, %select_n3A_120 : vector<16xf32>
      %swap3A_331 = arith.constant 23 : i32
      %swap3A_332 = arith.index_cast %swap3A_331 : i32 to index
      %swap3A_333 = arith.constant 0 : index
      %swap3A_334 = tpu.vector_load %arg15[%swap3A_332, %swap3A_333] {strides = array<i32>} : memref<128x32xf32, #tpu.memory_space<vmem>>, vector<16xf32>,
      tpu.vector_store %arg15[%swap3A_332, %swap3A_333], %sub3A_330 {strides = array<i32>} : memref<128x32xf32, #tpu.memory_space<vmem>>, vector<16xf32>,
      %get3A_335 = arith.constant 24 : i32
      %get3A_336 = arith.index_cast %get3A_335 : i32 to index
      %get3A_337 = arith.constant 0 : index
      %get3A_338 = tpu.vector_load %arg15[%get3A_336, %get3A_337] {strides = array<i32>} : memref<128x32xf32, #tpu.memory_space<vmem>>, vector<16xf32>,
      %sub3A_339 = arith.subf %get3A_338, %select_n3A_120 : vector<16xf32>
      %swap3A_340 = arith.constant 24 : i32
      %swap3A_341 = arith.index_cast %swap3A_340 : i32 to index
      %swap3A_342 = arith.constant 0 : index
      %swap3A_343 = tpu.vector_load %arg15[%swap3A_341, %swap3A_342] {strides = array<i32>} : memref<128x32xf32, #tpu.memory_space<vmem>>, vector<16xf32>,
      tpu.vector_store %arg15[%swap3A_341, %swap3A_342], %sub3A_339 {strides = array<i32>} : memref<128x32xf32, #tpu.memory_space<vmem>>, vector<16xf32>,
      %get3A_344 = arith.constant 25 : i32
      %get3A_345 = arith.index_cast %get3A_344 : i32 to index
      %get3A_346 = arith.constant 0 : index
      %get3A_347 = tpu.vector_load %arg15[%get3A_345, %get3A_346] {strides = array<i32>} : memref<128x32xf32, #tpu.memory_space<vmem>>, vector<16xf32>,
      %sub3A_348 = arith.subf %get3A_347, %select_n3A_120 : vector<16xf32>
      %swap3A_349 = arith.constant 25 : i32
      %swap3A_350 = arith.index_cast %swap3A_349 : i32 to index
      %swap3A_351 = arith.constant 0 : index
      %swap3A_352 = tpu.vector_load %arg15[%swap3A_350, %swap3A_351] {strides = array<i32>} : memref<128x32xf32, #tpu.memory_space<vmem>>, vector<16xf32>,
      tpu.vector_store %arg15[%swap3A_350, %swap3A_351], %sub3A_348 {strides = array<i32>} : memref<128x32xf32, #tpu.memory_space<vmem>>, vector<16xf32>,
      %get3A_353 = arith.constant 26 : i32
      %get3A_354 = arith.index_cast %get3A_353 : i32 to index
      %get3A_355 = arith.constant 0 : index
      %get3A_356 = tpu.vector_load %arg15[%get3A_354, %get3A_355] {strides = array<i32>} : memref<128x32xf32, #tpu.memory_space<vmem>>, vector<16xf32>,
      %sub3A_357 = arith.subf %get3A_356, %select_n3A_120 : vector<16xf32>
      %swap3A_358 = arith.constant 26 : i32
      %swap3A_359 = arith.index_cast %swap3A_358 : i32 to index
      %swap3A_360 = arith.constant 0 : index
      %swap3A_361 = tpu.vector_load %arg15[%swap3A_359, %swap3A_360] {strides = array<i32>} : memref<128x32xf32, #tpu.memory_space<vmem>>, vector<16xf32>,
      tpu.vector_store %arg15[%swap3A_359, %swap3A_360], %sub3A_357 {strides = array<i32>} : memref<128x32xf32, #tpu.memory_space<vmem>>, vector<16xf32>,
      %get3A_362 = arith.constant 27 : i32
      %get3A_363 = arith.index_cast %get3A_362 : i32 to index
      %get3A_364 = arith.constant 0 : index
      %get3A_365 = tpu.vector_load %arg15[%get3A_363, %get3A_364] {strides = array<i32>} : memref<128x32xf32, #tpu.memory_space<vmem>>, vector<16xf32>,
      %sub3A_366 = arith.subf %get3A_365, %select_n3A_120 : vector<16xf32>
      %swap3A_367 = arith.constant 27 : i32
      %swap3A_368 = arith.index_cast %swap3A_367 : i32 to index
      %swap3A_369 = arith.constant 0 : index
      %swap3A_370 = tpu.vector_load %arg15[%swap3A_368, %swap3A_369] {strides = array<i32>} : memref<128x32xf32, #tpu.memory_space<vmem>>, vector<16xf32>,
      tpu.vector_store %arg15[%swap3A_368, %swap3A_369], %sub3A_366 {strides = array<i32>} : memref<128x32xf32, #tpu.memory_space<vmem>>, vector<16xf32>,
      %get3A_371 = arith.constant 28 : i32
      %get3A_372 = arith.index_cast %get3A_371 : i32 to index
      %get3A_373 = arith.constant 0 : index
      %get3A_374 = tpu.vector_load %arg15[%get3A_372, %get3A_373] {strides = array<i32>} : memref<128x32xf32, #tpu.memory_space<vmem>>, vector<16xf32>,
      %sub3A_375 = arith.subf %get3A_374, %select_n3A_120 : vector<16xf32>
      %swap3A_376 = arith.constant 28 : i32
      %swap3A_377 = arith.index_cast %swap3A_376 : i32 to index
      %swap3A_378 = arith.constant 0 : index
      %swap3A_379 = tpu.vector_load %arg15[%swap3A_377, %swap3A_378] {strides = array<i32>} : memref<128x32xf32, #tpu.memory_space<vmem>>, vector<16xf32>,
      tpu.vector_store %arg15[%swap3A_377, %swap3A_378], %sub3A_375 {strides = array<i32>} : memref<128x32xf32, #tpu.memory_space<vmem>>, vector<16xf32>,
      %get3A_380 = arith.constant 29 : i32
      %get3A_381 = arith.index_cast %get3A_380 : i32 to index
      %get3A_382 = arith.constant 0 : index
      %get3A_383 = tpu.vector_load %arg15[%get3A_381, %get3A_382] {strides = array<i32>} : memref<128x32xf32, #tpu.memory_space<vmem>>, vector<16xf32>,
      %sub3A_384 = arith.subf %get3A_383, %select_n3A_120 : vector<16xf32>
      %swap3A_385 = arith.constant 29 : i32
      %swap3A_386 = arith.index_cast %swap3A_385 : i32 to index
      %swap3A_387 = arith.constant 0 : index
      %swap3A_388 = tpu.vector_load %arg15[%swap3A_386, %swap3A_387] {strides = array<i32>} : memref<128x32xf32, #tpu.memory_space<vmem>>, vector<16xf32>,
      tpu.vector_store %arg15[%swap3A_386, %swap3A_387], %sub3A_384 {strides = array<i32>} : memref<128x32xf32, #tpu.memory_space<vmem>>, vector<16xf32>,
      %get3A_389 = arith.constant 30 : i32
      %get3A_390 = arith.index_cast %get3A_389 : i32 to index
      %get3A_391 = arith.constant 0 : index
      %get3A_392 = tpu.vector_load %arg15[%get3A_390, %get3A_391] {strides = array<i32>} : memref<128x32xf32, #tpu.memory_space<vmem>>, vector<16xf32>,
      %sub3A_393 = arith.subf %get3A_392, %select_n3A_120 : vector<16xf32>
      %swap3A_394 = arith.constant 30 : i32
      %swap3A_395 = arith.index_cast %swap3A_394 : i32 to index
      %swap3A_396 = arith.constant 0 : index
      %swap3A_397 = tpu.vector_load %arg15[%swap3A_395, %swap3A_396] {strides = array<i32>} : memref<128x32xf32, #tpu.memory_space<vmem>>, vector<16xf32>,
      tpu.vector_store %arg15[%swap3A_395, %swap3A_396], %sub3A_393 {strides = array<i32>} : memref<128x32xf32, #tpu.memory_space<vmem>>, vector<16xf32>,
      %get3A_398 = arith.constant 31 : i32
      %get3A_399 = arith.index_cast %get3A_398 : i32 to index
      %get3A_400 = arith.constant 0 : index
      %get3A_401 = tpu.vector_load %arg15[%get3A_399, %get3A_400] {strides = array<i32>} : memref<128x32xf32, #tpu.memory_space<vmem>>, vector<16xf32>,
      %sub3A_402 = arith.subf %get3A_401, %select_n3A_120 : vector<16xf32>
      %swap3A_403 = arith.constant 31 : i32
      %swap3A_404 = arith.index_cast %swap3A_403 : i32 to index
      %swap3A_405 = arith.constant 0 : index
      %swap3A_406 = tpu.vector_load %arg15[%swap3A_404, %swap3A_405] {strides = array<i32>} : memref<128x32xf32, #tpu.memory_space<vmem>>, vector<16xf32>,
      tpu.vector_store %arg15[%swap3A_404, %swap3A_405], %sub3A_402 {strides = array<i32>} : memref<128x32xf32, #tpu.memory_space<vmem>>, vector<16xf32>,
      %mul3A_407 = arith.constant 4 : i32
      %mul3A_408 = arith.muli %mul3A_79, %mul3A_407 : i32
      %add3A_409 = arith.constant 1 : i32
      %add3A_410 = arith.addi %mul3A_408, %add3A_409 : i32
      %broadcast_in_dim3A_411 = vector.broadcast %add3A_410 : i32 to vector<16xi32>
      %gather3A_412 = tpu.vector_load_idx %arg9[%broadcast_in_dim3A_411] : memref<512xf32, #tpu.memory_space<vmem>>[vector<16xi32>], vector<16xf32>,
      %broadcast_in_dim3A_413 = vector.broadcast %add3A_410 : i32 to vector<16xi32>
      %gather3A_414 = tpu.vector_load_idx %arg10[%broadcast_in_dim3A_413] : memref<512xf32, #tpu.memory_space<vmem>>[vector<16xi32>], vector<16xf32>,
      %broadcast_in_dim3A_415 = vector.broadcast %add3A_410 : i32 to vector<16xi32>
      %gather3A_416 = tpu.vector_load_idx %arg11[%broadcast_in_dim3A_415] : memref<512xf32, #tpu.memory_space<vmem>>[vector<16xi32>], vector<16xf32>,
      %eq3A_417 = arith.constant 0 : i32
      %eq3A_418 = vector.broadcast %eq3A_417 : i32 to vector<16xi32>
      %eq3A_419 = arith.cmpi eq, %iota3A, %eq3A_418 : vector<16xi32>
      %eq3A_420 = arith.constant 1 : i32
      %eq3A_421 = vector.broadcast %eq3A_420 : i32 to vector<16xi32>
      %eq3A_422 = arith.cmpi eq, %iota3A, %eq3A_421 : vector<16xi32>
      %eq3A_423 = arith.constant 2 : i32
      %eq3A_424 = vector.broadcast %eq3A_423 : i32 to vector<16xi32>
      %eq3A_425 = arith.cmpi eq, %iota3A, %eq3A_424 : vector<16xi32>
      %broadcast_in_dim3A_426 = arith.constant 0.000000e+00 : f32
      %broadcast_in_dim3A_427 = vector.broadcast %broadcast_in_dim3A_426 : f32 to vector<16xf32>
      %select_n3A_428 = arith.select %eq3A_425, %gather3A_416, %broadcast_in_dim3A_427 : vector<16xi1>, vector<16xf32>
      %select_n3A_429 = arith.select %eq3A_422, %gather3A_414, %select_n3A_428 : vector<16xi1>, vector<16xf32>
      %select_n3A_430 = arith.select %eq3A_419, %gather3A_412, %select_n3A_429 : vector<16xi1>, vector<16xf32>
      %get3A_431 = arith.constant 32 : i32
      %get3A_432 = arith.index_cast %get3A_431 : i32 to index
      %get3A_433 = arith.constant 0 : index
      %get3A_434 = tpu.vector_load %arg15[%get3A_432, %get3A_433] {strides = array<i32>} : memref<128x32xf32, #tpu.memory_space<vmem>>, vector<16xf32>,
      %sub3A_435 = arith.subf %get3A_434, %select_n3A_430 : vector<16xf32>
      %swap3A_436 = arith.constant 32 : i32
      %swap3A_437 = arith.index_cast %swap3A_436 : i32 to index
      %swap3A_438 = arith.constant 0 : index
      %swap3A_439 = tpu.vector_load %arg15[%swap3A_437, %swap3A_438] {strides = array<i32>} : memref<128x32xf32, #tpu.memory_space<vmem>>, vector<16xf32>,
      tpu.vector_store %arg15[%swap3A_437, %swap3A_438], %sub3A_435 {strides = array<i32>} : memref<128x32xf32, #tpu.memory_space<vmem>>, vector<16xf32>,
      %get3A_440 = arith.constant 33 : i32
      %get3A_441 = arith.index_cast %get3A_440 : i32 to index
      %get3A_442 = arith.constant 0 : index
      %get3A_443 = tpu.vector_load %arg15[%get3A_441, %get3A_442] {strides = array<i32>} : memref<128x32xf32, #tpu.memory_space<vmem>>, vector<16xf32>,
      %sub3A_444 = arith.subf %get3A_443, %select_n3A_430 : vector<16xf32>
      %swap3A_445 = arith.constant 33 : i32
      %swap3A_446 = arith.index_cast %swap3A_445 : i32 to index
      %swap3A_447 = arith.constant 0 : index
      %swap3A_448 = tpu.vector_load %arg15[%swap3A_446, %swap3A_447] {strides = array<i32>} : memref<128x32xf32, #tpu.memory_space<vmem>>, vector<16xf32>,
      tpu.vector_store %arg15[%swap3A_446, %swap3A_447], %sub3A_444 {strides = array<i32>} : memref<128x32xf32, #tpu.memory_space<vmem>>, vector<16xf32>,
      %get3A_449 = arith.constant 34 : i32
      %get3A_450 = arith.index_cast %get3A_449 : i32 to index
      %get3A_451 = arith.constant 0 : index
      %get3A_452 = tpu.vector_load %arg15[%get3A_450, %get3A_451] {strides = array<i32>} : memref<128x32xf32, #tpu.memory_space<vmem>>, vector<16xf32>,
      %sub3A_453 = arith.subf %get3A_452, %select_n3A_430 : vector<16xf32>
      %swap3A_454 = arith.constant 34 : i32
      %swap3A_455 = arith.index_cast %swap3A_454 : i32 to index
      %swap3A_456 = arith.constant 0 : index
      %swap3A_457 = tpu.vector_load %arg15[%swap3A_455, %swap3A_456] {strides = array<i32>} : memref<128x32xf32, #tpu.memory_space<vmem>>, vector<16xf32>,
      tpu.vector_store %arg15[%swap3A_455, %swap3A_456], %sub3A_453 {strides = array<i32>} : memref<128x32xf32, #tpu.memory_space<vmem>>, vector<16xf32>,
      %get3A_458 = arith.constant 35 : i32
      %get3A_459 = arith.index_cast %get3A_458 : i32 to index
      %get3A_460 = arith.constant 0 : index
      %get3A_461 = tpu.vector_load %arg15[%get3A_459, %get3A_460] {strides = array<i32>} : memref<128x32xf32, #tpu.memory_space<vmem>>, vector<16xf32>,
      %sub3A_462 = arith.subf %get3A_461, %select_n3A_430 : vector<16xf32>
      %swap3A_463 = arith.constant 35 : i32
      %swap3A_464 = arith.index_cast %swap3A_463 : i32 to index
      %swap3A_465 = arith.constant 0 : index
      %swap3A_466 = tpu.vector_load %arg15[%swap3A_464, %swap3A_465] {strides = array<i32>} : memref<128x32xf32, #tpu.memory_space<vmem>>, vector<16xf32>,
      tpu.vector_store %arg15[%swap3A_464, %swap3A_465], %sub3A_462 {strides = array<i32>} : memref<128x32xf32, #tpu.memory_space<vmem>>, vector<16xf32>,
      %get3A_467 = arith.constant 36 : i32
      %get3A_468 = arith.index_cast %get3A_467 : i32 to index
      %get3A_469 = arith.constant 0 : index
      %get3A_470 = tpu.vector_load %arg15[%get3A_468, %get3A_469] {strides = array<i32>} : memref<128x32xf32, #tpu.memory_space<vmem>>, vector<16xf32>,
      %sub3A_471 = arith.subf %get3A_470, %select_n3A_430 : vector<16xf32>
      %swap3A_472 = arith.constant 36 : i32
      %swap3A_473 = arith.index_cast %swap3A_472 : i32 to index
      %swap3A_474 = arith.constant 0 : index
      %swap3A_475 = tpu.vector_load %arg15[%swap3A_473, %swap3A_474] {strides = array<i32>} : memref<128x32xf32, #tpu.memory_space<vmem>>, vector<16xf32>,
      tpu.vector_store %arg15[%swap3A_473, %swap3A_474], %sub3A_471 {strides = array<i32>} : memref<128x32xf32, #tpu.memory_space<vmem>>, vector<16xf32>,
      %get3A_476 = arith.constant 37 : i32
      %get3A_477 = arith.index_cast %get3A_476 : i32 to index
      %get3A_478 = arith.constant 0 : index
      %get3A_479 = tpu.vector_load %arg15[%get3A_477, %get3A_478] {strides = array<i32>} : memref<128x32xf32, #tpu.memory_space<vmem>>, vector<16xf32>,
      %sub3A_480 = arith.subf %get3A_479, %select_n3A_430 : vector<16xf32>
      %swap3A_481 = arith.constant 37 : i32
      %swap3A_482 = arith.index_cast %swap3A_481 : i32 to index
      %swap3A_483 = arith.constant 0 : index
      %swap3A_484 = tpu.vector_load %arg15[%swap3A_482, %swap3A_483] {strides = array<i32>} : memref<128x32xf32, #tpu.memory_space<vmem>>, vector<16xf32>,
      tpu.vector_store %arg15[%swap3A_482, %swap3A_483], %sub3A_480 {strides = array<i32>} : memref<128x32xf32, #tpu.memory_space<vmem>>, vector<16xf32>,
      %get3A_485 = arith.constant 38 : i32
      %get3A_486 = arith.index_cast %get3A_485 : i32 to index
      %get3A_487 = arith.constant 0 : index
      %get3A_488 = tpu.vector_load %arg15[%get3A_486, %get3A_487] {strides = array<i32>} : memref<128x32xf32, #tpu.memory_space<vmem>>, vector<16xf32>,
      %sub3A_489 = arith.subf %get3A_488, %select_n3A_430 : vector<16xf32>
      %swap3A_490 = arith.constant 38 : i32
      %swap3A_491 = arith.index_cast %swap3A_490 : i32 to index
      %swap3A_492 = arith.constant 0 : index
      %swap3A_493 = tpu.vector_load %arg15[%swap3A_491, %swap3A_492] {strides = array<i32>} : memref<128x32xf32, #tpu.memory_space<vmem>>, vector<16xf32>,
      tpu.vector_store %arg15[%swap3A_491, %swap3A_492], %sub3A_489 {strides = array<i32>} : memref<128x32xf32, #tpu.memory_space<vmem>>, vector<16xf32>,
      %get3A_494 = arith.constant 39 : i32
      %get3A_495 = arith.index_cast %get3A_494 : i32 to index
      %get3A_496 = arith.constant 0 : index
      %get3A_497 = tpu.vector_load %arg15[%get3A_495, %get3A_496] {strides = array<i32>} : memref<128x32xf32, #tpu.memory_space<vmem>>, vector<16xf32>,
      %sub3A_498 = arith.subf %get3A_497, %select_n3A_430 : vector<16xf32>
      %swap3A_499 = arith.constant 39 : i32
      %swap3A_500 = arith.index_cast %swap3A_499 : i32 to index
      %swap3A_501 = arith.constant 0 : index
      %swap3A_502 = tpu.vector_load %arg15[%swap3A_500, %swap3A_501] {strides = array<i32>} : memref<128x32xf32, #tpu.memory_space<vmem>>, vector<16xf32>,
      tpu.vector_store %arg15[%swap3A_500, %swap3A_501], %sub3A_498 {strides = array<i32>} : memref<128x32xf32, #tpu.memory_space<vmem>>, vector<16xf32>,
      %get3A_503 = arith.constant 40 : i32
      %get3A_504 = arith.index_cast %get3A_503 : i32 to index
      %get3A_505 = arith.constant 0 : index
      %get3A_506 = tpu.vector_load %arg15[%get3A_504, %get3A_505] {strides = array<i32>} : memref<128x32xf32, #tpu.memory_space<vmem>>, vector<16xf32>,
      %sub3A_507 = arith.subf %get3A_506, %select_n3A_430 : vector<16xf32>
      %swap3A_508 = arith.constant 40 : i32
      %swap3A_509 = arith.index_cast %swap3A_508 : i32 to index
      %swap3A_510 = arith.constant 0 : index
      %swap3A_511 = tpu.vector_load %arg15[%swap3A_509, %swap3A_510] {strides = array<i32>} : memref<128x32xf32, #tpu.memory_space<vmem>>, vector<16xf32>,
      tpu.vector_store %arg15[%swap3A_509, %swap3A_510], %sub3A_507 {strides = array<i32>} : memref<128x32xf32, #tpu.memory_space<vmem>>, vector<16xf32>,
      %get3A_512 = arith.constant 41 : i32
      %get3A_513 = arith.index_cast %get3A_512 : i32 to index
      %get3A_514 = arith.constant 0 : index
      %get3A_515 = tpu.vector_load %arg15[%get3A_513, %get3A_514] {strides = array<i32>} : memref<128x32xf32, #tpu.memory_space<vmem>>, vector<16xf32>,
      %sub3A_516 = arith.subf %get3A_515, %select_n3A_430 : vector<16xf32>
      %swap3A_517 = arith.constant 41 : i32
      %swap3A_518 = arith.index_cast %swap3A_517 : i32 to index
      %swap3A_519 = arith.constant 0 : index
      %swap3A_520 = tpu.vector_load %arg15[%swap3A_518, %swap3A_519] {strides = array<i32>} : memref<128x32xf32, #tpu.memory_space<vmem>>, vector<16xf32>,
      tpu.vector_store %arg15[%swap3A_518, %swap3A_519], %sub3A_516 {strides = array<i32>} : memref<128x32xf32, #tpu.memory_space<vmem>>, vector<16xf32>,
      %get3A_521 = arith.constant 42 : i32
      %get3A_522 = arith.index_cast %get3A_521 : i32 to index
      %get3A_523 = arith.constant 0 : index
      %get3A_524 = tpu.vector_load %arg15[%get3A_522, %get3A_523] {strides = array<i32>} : memref<128x32xf32, #tpu.memory_space<vmem>>, vector<16xf32>,
      %sub3A_525 = arith.subf %get3A_524, %select_n3A_430 : vector<16xf32>
      %swap3A_526 = arith.constant 42 : i32
      %swap3A_527 = arith.index_cast %swap3A_526 : i32 to index
      %swap3A_528 = arith.constant 0 : index
      %swap3A_529 = tpu.vector_load %arg15[%swap3A_527, %swap3A_528] {strides = array<i32>} : memref<128x32xf32, #tpu.memory_space<vmem>>, vector<16xf32>,
      tpu.vector_store %arg15[%swap3A_527, %swap3A_528], %sub3A_525 {strides = array<i32>} : memref<128x32xf32, #tpu.memory_space<vmem>>, vector<16xf32>,
      %get3A_530 = arith.constant 43 : i32
      %get3A_531 = arith.index_cast %get3A_530 : i32 to index
      %get3A_532 = arith.constant 0 : index
      %get3A_533 = tpu.vector_load %arg15[%get3A_531, %get3A_532] {strides = array<i32>} : memref<128x32xf32, #tpu.memory_space<vmem>>, vector<16xf32>,
      %sub3A_534 = arith.subf %get3A_533, %select_n3A_430 : vector<16xf32>
      %swap3A_535 = arith.constant 43 : i32
      %swap3A_536 = arith.index_cast %swap3A_535 : i32 to index
      %swap3A_537 = arith.constant 0 : index
      %swap3A_538 = tpu.vector_load %arg15[%swap3A_536, %swap3A_537] {strides = array<i32>} : memref<128x32xf32, #tpu.memory_space<vmem>>, vector<16xf32>,
      tpu.vector_store %arg15[%swap3A_536, %swap3A_537], %sub3A_534 {strides = array<i32>} : memref<128x32xf32, #tpu.memory_space<vmem>>, vector<16xf32>,
      %get3A_539 = arith.constant 44 : i32
      %get3A_540 = arith.index_cast %get3A_539 : i32 to index
      %get3A_541 = arith.constant 0 : index
      %get3A_542 = tpu.vector_load %arg15[%get3A_540, %get3A_541] {strides = array<i32>} : memref<128x32xf32, #tpu.memory_space<vmem>>, vector<16xf32>,
      %sub3A_543 = arith.subf %get3A_542, %select_n3A_430 : vector<16xf32>
      %swap3A_544 = arith.constant 44 : i32
      %swap3A_545 = arith.index_cast %swap3A_544 : i32 to index
      %swap3A_546 = arith.constant 0 : index
      %swap3A_547 = tpu.vector_load %arg15[%swap3A_545, %swap3A_546] {strides = array<i32>} : memref<128x32xf32, #tpu.memory_space<vmem>>, vector<16xf32>,
      tpu.vector_store %arg15[%swap3A_545, %swap3A_546], %sub3A_543 {strides = array<i32>} : memref<128x32xf32, #tpu.memory_space<vmem>>, vector<16xf32>,
      %get3A_548 = arith.constant 45 : i32
      %get3A_549 = arith.index_cast %get3A_548 : i32 to index
      %get3A_550 = arith.constant 0 : index
      %get3A_551 = tpu.vector_load %arg15[%get3A_549, %get3A_550] {strides = array<i32>} : memref<128x32xf32, #tpu.memory_space<vmem>>, vector<16xf32>,
      %sub3A_552 = arith.subf %get3A_551, %select_n3A_430 : vector<16xf32>
      %swap3A_553 = arith.constant 45 : i32
      %swap3A_554 = arith.index_cast %swap3A_553 : i32 to index
      %swap3A_555 = arith.constant 0 : index
      %swap3A_556 = tpu.vector_load %arg15[%swap3A_554, %swap3A_555] {strides = array<i32>} : memref<128x32xf32, #tpu.memory_space<vmem>>, vector<16xf32>,
      tpu.vector_store %arg15[%swap3A_554, %swap3A_555], %sub3A_552 {strides = array<i32>} : memref<128x32xf32, #tpu.memory_space<vmem>>, vector<16xf32>,
      %get3A_557 = arith.constant 46 : i32
      %get3A_558 = arith.index_cast %get3A_557 : i32 to index
      %get3A_559 = arith.constant 0 : index
      %get3A_560 = tpu.vector_load %arg15[%get3A_558, %get3A_559] {strides = array<i32>} : memref<128x32xf32, #tpu.memory_space<vmem>>, vector<16xf32>,
      %sub3A_561 = arith.subf %get3A_560, %select_n3A_430 : vector<16xf32>
      %swap3A_562 = arith.constant 46 : i32
      %swap3A_563 = arith.index_cast %swap3A_562 : i32 to index
      %swap3A_564 = arith.constant 0 : index
      %swap3A_565 = tpu.vector_load %arg15[%swap3A_563, %swap3A_564] {strides = array<i32>} : memref<128x32xf32, #tpu.memory_space<vmem>>, vector<16xf32>,
      tpu.vector_store %arg15[%swap3A_563, %swap3A_564], %sub3A_561 {strides = array<i32>} : memref<128x32xf32, #tpu.memory_space<vmem>>, vector<16xf32>,
      %get3A_566 = arith.constant 47 : i32
      %get3A_567 = arith.index_cast %get3A_566 : i32 to index
      %get3A_568 = arith.constant 0 : index
      %get3A_569 = tpu.vector_load %arg15[%get3A_567, %get3A_568] {strides = array<i32>} : memref<128x32xf32, #tpu.memory_space<vmem>>, vector<16xf32>,
      %sub3A_570 = arith.subf %get3A_569, %select_n3A_430 : vector<16xf32>
      %swap3A_571 = arith.constant 47 : i32
      %swap3A_572 = arith.index_cast %swap3A_571 : i32 to index
      %swap3A_573 = arith.constant 0 : index
      %swap3A_574 = tpu.vector_load %arg15[%swap3A_572, %swap3A_573] {strides = array<i32>} : memref<128x32xf32, #tpu.memory_space<vmem>>, vector<16xf32>,
      tpu.vector_store %arg15[%swap3A_572, %swap3A_573], %sub3A_570 {strides = array<i32>} : memref<128x32xf32, #tpu.memory_space<vmem>>, vector<16xf32>,
      %get3A_575 = arith.constant 48 : i32
      %get3A_576 = arith.index_cast %get3A_575 : i32 to index
      %get3A_577 = arith.constant 0 : index
      %get3A_578 = tpu.vector_load %arg15[%get3A_576, %get3A_577] {strides = array<i32>} : memref<128x32xf32, #tpu.memory_space<vmem>>, vector<16xf32>,
      %sub3A_579 = arith.subf %get3A_578, %select_n3A_430 : vector<16xf32>
      %swap3A_580 = arith.constant 48 : i32
      %swap3A_581 = arith.index_cast %swap3A_580 : i32 to index
      %swap3A_582 = arith.constant 0 : index
      %swap3A_583 = tpu.vector_load %arg15[%swap3A_581, %swap3A_582] {strides = array<i32>} : memref<128x32xf32, #tpu.memory_space<vmem>>, vector<16xf32>,
      tpu.vector_store %arg15[%swap3A_581, %swap3A_582], %sub3A_579 {strides = array<i32>} : memref<128x32xf32, #tpu.memory_space<vmem>>, vector<16xf32>,
      %get3A_584 = arith.constant 49 : i32
      %get3A_585 = arith.index_cast %get3A_584 : i32 to index
      %get3A_586 = arith.constant 0 : index
      %get3A_587 = tpu.vector_load %arg15[%get3A_585, %get3A_586] {strides = array<i32>} : memref<128x32xf32, #tpu.memory_space<vmem>>, vector<16xf32>,
      %sub3A_588 = arith.subf %get3A_587, %select_n3A_430 : vector<16xf32>
      %swap3A_589 = arith.constant 49 : i32
      %swap3A_590 = arith.index_cast %swap3A_589 : i32 to index
      %swap3A_591 = arith.constant 0 : index
      %swap3A_592 = tpu.vector_load %arg15[%swap3A_590, %swap3A_591] {strides = array<i32>} : memref<128x32xf32, #tpu.memory_space<vmem>>, vector<16xf32>,
      tpu.vector_store %arg15[%swap3A_590, %swap3A_591], %sub3A_588 {strides = array<i32>} : memref<128x32xf32, #tpu.memory_space<vmem>>, vector<16xf32>,
      %get3A_593 = arith.constant 50 : i32
      %get3A_594 = arith.index_cast %get3A_593 : i32 to index
      %get3A_595 = arith.constant 0 : index
      %get3A_596 = tpu.vector_load %arg15[%get3A_594, %get3A_595] {strides = array<i32>} : memref<128x32xf32, #tpu.memory_space<vmem>>, vector<16xf32>,
      %sub3A_597 = arith.subf %get3A_596, %select_n3A_430 : vector<16xf32>
      %swap3A_598 = arith.constant 50 : i32
      %swap3A_599 = arith.index_cast %swap3A_598 : i32 to index
      %swap3A_600 = arith.constant 0 : index
      %swap3A_601 = tpu.vector_load %arg15[%swap3A_599, %swap3A_600] {strides = array<i32>} : memref<128x32xf32, #tpu.memory_space<vmem>>, vector<16xf32>,
      tpu.vector_store %arg15[%swap3A_599, %swap3A_600], %sub3A_597 {strides = array<i32>} : memref<128x32xf32, #tpu.memory_space<vmem>>, vector<16xf32>,
      %get3A_602 = arith.constant 51 : i32
      %get3A_603 = arith.index_cast %get3A_602 : i32 to index
      %get3A_604 = arith.constant 0 : index
      %get3A_605 = tpu.vector_load %arg15[%get3A_603, %get3A_604] {strides = array<i32>} : memref<128x32xf32, #tpu.memory_space<vmem>>, vector<16xf32>,
      %sub3A_606 = arith.subf %get3A_605, %select_n3A_430 : vector<16xf32>
      %swap3A_607 = arith.constant 51 : i32
      %swap3A_608 = arith.index_cast %swap3A_607 : i32 to index
      %swap3A_609 = arith.constant 0 : index
      %swap3A_610 = tpu.vector_load %arg15[%swap3A_608, %swap3A_609] {strides = array<i32>} : memref<128x32xf32, #tpu.memory_space<vmem>>, vector<16xf32>,
      tpu.vector_store %arg15[%swap3A_608, %swap3A_609], %sub3A_606 {strides = array<i32>} : memref<128x32xf32, #tpu.memory_space<vmem>>, vector<16xf32>,
      %get3A_611 = arith.constant 52 : i32
      %get3A_612 = arith.index_cast %get3A_611 : i32 to index
      %get3A_613 = arith.constant 0 : index
      %get3A_614 = tpu.vector_load %arg15[%get3A_612, %get3A_613] {strides = array<i32>} : memref<128x32xf32, #tpu.memory_space<vmem>>, vector<16xf32>,
      %sub3A_615 = arith.subf %get3A_614, %select_n3A_430 : vector<16xf32>
      %swap3A_616 = arith.constant 52 : i32
      %swap3A_617 = arith.index_cast %swap3A_616 : i32 to index
      %swap3A_618 = arith.constant 0 : index
      %swap3A_619 = tpu.vector_load %arg15[%swap3A_617, %swap3A_618] {strides = array<i32>} : memref<128x32xf32, #tpu.memory_space<vmem>>, vector<16xf32>,
      tpu.vector_store %arg15[%swap3A_617, %swap3A_618], %sub3A_615 {strides = array<i32>} : memref<128x32xf32, #tpu.memory_space<vmem>>, vector<16xf32>,
      %get3A_620 = arith.constant 53 : i32
      %get3A_621 = arith.index_cast %get3A_620 : i32 to index
      %get3A_622 = arith.constant 0 : index
      %get3A_623 = tpu.vector_load %arg15[%get3A_621, %get3A_622] {strides = array<i32>} : memref<128x32xf32, #tpu.memory_space<vmem>>, vector<16xf32>,
      %sub3A_624 = arith.subf %get3A_623, %select_n3A_430 : vector<16xf32>
      %swap3A_625 = arith.constant 53 : i32
      %swap3A_626 = arith.index_cast %swap3A_625 : i32 to index
      %swap3A_627 = arith.constant 0 : index
      %swap3A_628 = tpu.vector_load %arg15[%swap3A_626, %swap3A_627] {strides = array<i32>} : memref<128x32xf32, #tpu.memory_space<vmem>>, vector<16xf32>,
      tpu.vector_store %arg15[%swap3A_626, %swap3A_627], %sub3A_624 {strides = array<i32>} : memref<128x32xf32, #tpu.memory_space<vmem>>, vector<16xf32>,
      %get3A_629 = arith.constant 54 : i32
      %get3A_630 = arith.index_cast %get3A_629 : i32 to index
      %get3A_631 = arith.constant 0 : index
      %get3A_632 = tpu.vector_load %arg15[%get3A_630, %get3A_631] {strides = array<i32>} : memref<128x32xf32, #tpu.memory_space<vmem>>, vector<16xf32>,
      %sub3A_633 = arith.subf %get3A_632, %select_n3A_430 : vector<16xf32>
      %swap3A_634 = arith.constant 54 : i32
      %swap3A_635 = arith.index_cast %swap3A_634 : i32 to index
      %swap3A_636 = arith.constant 0 : index
      %swap3A_637 = tpu.vector_load %arg15[%swap3A_635, %swap3A_636] {strides = array<i32>} : memref<128x32xf32, #tpu.memory_space<vmem>>, vector<16xf32>,
      tpu.vector_store %arg15[%swap3A_635, %swap3A_636], %sub3A_633 {strides = array<i32>} : memref<128x32xf32, #tpu.memory_space<vmem>>, vector<16xf32>,
      %get3A_638 = arith.constant 55 : i32
      %get3A_639 = arith.index_cast %get3A_638 : i32 to index
      %get3A_640 = arith.constant 0 : index
      %get3A_641 = tpu.vector_load %arg15[%get3A_639, %get3A_640] {strides = array<i32>} : memref<128x32xf32, #tpu.memory_space<vmem>>, vector<16xf32>,
      %sub3A_642 = arith.subf %get3A_641, %select_n3A_430 : vector<16xf32>
      %swap3A_643 = arith.constant 55 : i32
      %swap3A_644 = arith.index_cast %swap3A_643 : i32 to index
      %swap3A_645 = arith.constant 0 : index
      %swap3A_646 = tpu.vector_load %arg15[%swap3A_644, %swap3A_645] {strides = array<i32>} : memref<128x32xf32, #tpu.memory_space<vmem>>, vector<16xf32>,
      tpu.vector_store %arg15[%swap3A_644, %swap3A_645], %sub3A_642 {strides = array<i32>} : memref<128x32xf32, #tpu.memory_space<vmem>>, vector<16xf32>,
      %get3A_647 = arith.constant 56 : i32
      %get3A_648 = arith.index_cast %get3A_647 : i32 to index
      %get3A_649 = arith.constant 0 : index
      %get3A_650 = tpu.vector_load %arg15[%get3A_648, %get3A_649] {strides = array<i32>} : memref<128x32xf32, #tpu.memory_space<vmem>>, vector<16xf32>,
      %sub3A_651 = arith.subf %get3A_650, %select_n3A_430 : vector<16xf32>
      %swap3A_652 = arith.constant 56 : i32
      %swap3A_653 = arith.index_cast %swap3A_652 : i32 to index
      %swap3A_654 = arith.constant 0 : index
      %swap3A_655 = tpu.vector_load %arg15[%swap3A_653, %swap3A_654] {strides = array<i32>} : memref<128x32xf32, #tpu.memory_space<vmem>>, vector<16xf32>,
      tpu.vector_store %arg15[%swap3A_653, %swap3A_654], %sub3A_651 {strides = array<i32>} : memref<128x32xf32, #tpu.memory_space<vmem>>, vector<16xf32>,
      %get3A_656 = arith.constant 57 : i32
      %get3A_657 = arith.index_cast %get3A_656 : i32 to index
      %get3A_658 = arith.constant 0 : index
      %get3A_659 = tpu.vector_load %arg15[%get3A_657, %get3A_658] {strides = array<i32>} : memref<128x32xf32, #tpu.memory_space<vmem>>, vector<16xf32>,
      %sub3A_660 = arith.subf %get3A_659, %select_n3A_430 : vector<16xf32>
      %swap3A_661 = arith.constant 57 : i32
      %swap3A_662 = arith.index_cast %swap3A_661 : i32 to index
      %swap3A_663 = arith.constant 0 : index
      %swap3A_664 = tpu.vector_load %arg15[%swap3A_662, %swap3A_663] {strides = array<i32>} : memref<128x32xf32, #tpu.memory_space<vmem>>, vector<16xf32>,
      tpu.vector_store %arg15[%swap3A_662, %swap3A_663], %sub3A_660 {strides = array<i32>} : memref<128x32xf32, #tpu.memory_space<vmem>>, vector<16xf32>,
      %get3A_665 = arith.constant 58 : i32
      %get3A_666 = arith.index_cast %get3A_665 : i32 to index
      %get3A_667 = arith.constant 0 : index
      %get3A_668 = tpu.vector_load %arg15[%get3A_666, %get3A_667] {strides = array<i32>} : memref<128x32xf32, #tpu.memory_space<vmem>>, vector<16xf32>,
      %sub3A_669 = arith.subf %get3A_668, %select_n3A_430 : vector<16xf32>
      %swap3A_670 = arith.constant 58 : i32
      %swap3A_671 = arith.index_cast %swap3A_670 : i32 to index
      %swap3A_672 = arith.constant 0 : index
      %swap3A_673 = tpu.vector_load %arg15[%swap3A_671, %swap3A_672] {strides = array<i32>} : memref<128x32xf32, #tpu.memory_space<vmem>>, vector<16xf32>,
      tpu.vector_store %arg15[%swap3A_671, %swap3A_672], %sub3A_669 {strides = array<i32>} : memref<128x32xf32, #tpu.memory_space<vmem>>, vector<16xf32>,
      %get3A_674 = arith.constant 59 : i32
      %get3A_675 = arith.index_cast %get3A_674 : i32 to index
      %get3A_676 = arith.constant 0 : index
      %get3A_677 = tpu.vector_load %arg15[%get3A_675, %get3A_676] {strides = array<i32>} : memref<128x32xf32, #tpu.memory_space<vmem>>, vector<16xf32>,
      %sub3A_678 = arith.subf %get3A_677, %select_n3A_430 : vector<16xf32>
      %swap3A_679 = arith.constant 59 : i32
      %swap3A_680 = arith.index_cast %swap3A_679 : i32 to index
      %swap3A_681 = arith.constant 0 : index
      %swap3A_682 = tpu.vector_load %arg15[%swap3A_680, %swap3A_681] {strides = array<i32>} : memref<128x32xf32, #tpu.memory_space<vmem>>, vector<16xf32>,
      tpu.vector_store %arg15[%swap3A_680, %swap3A_681], %sub3A_678 {strides = array<i32>} : memref<128x32xf32, #tpu.memory_space<vmem>>, vector<16xf32>,
      %get3A_683 = arith.constant 60 : i32
      %get3A_684 = arith.index_cast %get3A_683 : i32 to index
      %get3A_685 = arith.constant 0 : index
      %get3A_686 = tpu.vector_load %arg15[%get3A_684, %get3A_685] {strides = array<i32>} : memref<128x32xf32, #tpu.memory_space<vmem>>, vector<16xf32>,
      %sub3A_687 = arith.subf %get3A_686, %select_n3A_430 : vector<16xf32>
      %swap3A_688 = arith.constant 60 : i32
      %swap3A_689 = arith.index_cast %swap3A_688 : i32 to index
      %swap3A_690 = arith.constant 0 : index
      %swap3A_691 = tpu.vector_load %arg15[%swap3A_689, %swap3A_690] {strides = array<i32>} : memref<128x32xf32, #tpu.memory_space<vmem>>, vector<16xf32>,
      tpu.vector_store %arg15[%swap3A_689, %swap3A_690], %sub3A_687 {strides = array<i32>} : memref<128x32xf32, #tpu.memory_space<vmem>>, vector<16xf32>,
      %get3A_692 = arith.constant 61 : i32
      %get3A_693 = arith.index_cast %get3A_692 : i32 to index
      %get3A_694 = arith.constant 0 : index
      %get3A_695 = tpu.vector_load %arg15[%get3A_693, %get3A_694] {strides = array<i32>} : memref<128x32xf32, #tpu.memory_space<vmem>>, vector<16xf32>,
      %sub3A_696 = arith.subf %get3A_695, %select_n3A_430 : vector<16xf32>
      %swap3A_697 = arith.constant 61 : i32
      %swap3A_698 = arith.index_cast %swap3A_697 : i32 to index
      %swap3A_699 = arith.constant 0 : index
      %swap3A_700 = tpu.vector_load %arg15[%swap3A_698, %swap3A_699] {strides = array<i32>} : memref<128x32xf32, #tpu.memory_space<vmem>>, vector<16xf32>,
      tpu.vector_store %arg15[%swap3A_698, %swap3A_699], %sub3A_696 {strides = array<i32>} : memref<128x32xf32, #tpu.memory_space<vmem>>, vector<16xf32>,
      %get3A_701 = arith.constant 62 : i32
      %get3A_702 = arith.index_cast %get3A_701 : i32 to index
      %get3A_703 = arith.constant 0 : index
      %get3A_704 = tpu.vector_load %arg15[%get3A_702, %get3A_703] {strides = array<i32>} : memref<128x32xf32, #tpu.memory_space<vmem>>, vector<16xf32>,
      %sub3A_705 = arith.subf %get3A_704, %select_n3A_430 : vector<16xf32>
      %swap3A_706 = arith.constant 62 : i32
      %swap3A_707 = arith.index_cast %swap3A_706 : i32 to index
      %swap3A_708 = arith.constant 0 : index
      %swap3A_709 = tpu.vector_load %arg15[%swap3A_707, %swap3A_708] {strides = array<i32>} : memref<128x32xf32, #tpu.memory_space<vmem>>, vector<16xf32>,
      tpu.vector_store %arg15[%swap3A_707, %swap3A_708], %sub3A_705 {strides = array<i32>} : memref<128x32xf32, #tpu.memory_space<vmem>>, vector<16xf32>,
      %get3A_710 = arith.constant 63 : i32
      %get3A_711 = arith.index_cast %get3A_710 : i32 to index
      %get3A_712 = arith.constant 0 : index
      %get3A_713 = tpu.vector_load %arg15[%get3A_711, %get3A_712] {strides = array<i32>} : memref<128x32xf32, #tpu.memory_space<vmem>>, vector<16xf32>,
      %sub3A_714 = arith.subf %get3A_713, %select_n3A_430 : vector<16xf32>
      %swap3A_715 = arith.constant 63 : i32
      %swap3A_716 = arith.index_cast %swap3A_715 : i32 to index
      %swap3A_717 = arith.constant 0 : index
      %swap3A_718 = tpu.vector_load %arg15[%swap3A_716, %swap3A_717] {strides = array<i32>} : memref<128x32xf32, #tpu.memory_space<vmem>>, vector<16xf32>,
      tpu.vector_store %arg15[%swap3A_716, %swap3A_717], %sub3A_714 {strides = array<i32>} : memref<128x32xf32, #tpu.memory_space<vmem>>, vector<16xf32>,
      %mul3A_719 = arith.constant 4 : i32
      %mul3A_720 = arith.muli %mul3A_79, %mul3A_719 : i32
      %add3A_721 = arith.constant 2 : i32
      %add3A_722 = arith.addi %mul3A_720, %add3A_721 : i32
      %broadcast_in_dim3A_723 = vector.broadcast %add3A_722 : i32 to vector<16xi32>
      %gather3A_724 = tpu.vector_load_idx %arg9[%broadcast_in_dim3A_723] : memref<512xf32, #tpu.memory_space<vmem>>[vector<16xi32>], vector<16xf32>,
      %broadcast_in_dim3A_725 = vector.broadcast %add3A_722 : i32 to vector<16xi32>
      %gather3A_726 = tpu.vector_load_idx %arg10[%broadcast_in_dim3A_725] : memref<512xf32, #tpu.memory_space<vmem>>[vector<16xi32>], vector<16xf32>,
      %broadcast_in_dim3A_727 = vector.broadcast %add3A_722 : i32 to vector<16xi32>
      %gather3A_728 = tpu.vector_load_idx %arg11[%broadcast_in_dim3A_727] : memref<512xf32, #tpu.memory_space<vmem>>[vector<16xi32>], vector<16xf32>,
      %eq3A_729 = arith.constant 0 : i32
      %eq3A_730 = vector.broadcast %eq3A_729 : i32 to vector<16xi32>
      %eq3A_731 = arith.cmpi eq, %iota3A, %eq3A_730 : vector<16xi32>
      %eq3A_732 = arith.constant 1 : i32
      %eq3A_733 = vector.broadcast %eq3A_732 : i32 to vector<16xi32>
      %eq3A_734 = arith.cmpi eq, %iota3A, %eq3A_733 : vector<16xi32>
      %eq3A_735 = arith.constant 2 : i32
      %eq3A_736 = vector.broadcast %eq3A_735 : i32 to vector<16xi32>
      %eq3A_737 = arith.cmpi eq, %iota3A, %eq3A_736 : vector<16xi32>
      %broadcast_in_dim3A_738 = arith.constant 0.000000e+00 : f32
      %broadcast_in_dim3A_739 = vector.broadcast %broadcast_in_dim3A_738 : f32 to vector<16xf32>
      %select_n3A_740 = arith.select %eq3A_737, %gather3A_728, %broadcast_in_dim3A_739 : vector<16xi1>, vector<16xf32>
      %select_n3A_741 = arith.select %eq3A_734, %gather3A_726, %select_n3A_740 : vector<16xi1>, vector<16xf32>
      %select_n3A_742 = arith.select %eq3A_731, %gather3A_724, %select_n3A_741 : vector<16xi1>, vector<16xf32>
      %get3A_743 = arith.constant 64 : i32
      %get3A_744 = arith.index_cast %get3A_743 : i32 to index
      %get3A_745 = arith.constant 0 : index
      %get3A_746 = tpu.vector_load %arg15[%get3A_744, %get3A_745] {strides = array<i32>} : memref<128x32xf32, #tpu.memory_space<vmem>>, vector<16xf32>,
      %sub3A_747 = arith.subf %get3A_746, %select_n3A_742 : vector<16xf32>
      %swap3A_748 = arith.constant 64 : i32
      %swap3A_749 = arith.index_cast %swap3A_748 : i32 to index
      %swap3A_750 = arith.constant 0 : index
      %swap3A_751 = tpu.vector_load %arg15[%swap3A_749, %swap3A_750] {strides = array<i32>} : memref<128x32xf32, #tpu.memory_space<vmem>>, vector<16xf32>,
      tpu.vector_store %arg15[%swap3A_749, %swap3A_750], %sub3A_747 {strides = array<i32>} : memref<128x32xf32, #tpu.memory_space<vmem>>, vector<16xf32>,
      %get3A_752 = arith.constant 65 : i32
      %get3A_753 = arith.index_cast %get3A_752 : i32 to index
      %get3A_754 = arith.constant 0 : index
      %get3A_755 = tpu.vector_load %arg15[%get3A_753, %get3A_754] {strides = array<i32>} : memref<128x32xf32, #tpu.memory_space<vmem>>, vector<16xf32>,
      %sub3A_756 = arith.subf %get3A_755, %select_n3A_742 : vector<16xf32>
      %swap3A_757 = arith.constant 65 : i32
      %swap3A_758 = arith.index_cast %swap3A_757 : i32 to index
      %swap3A_759 = arith.constant 0 : index
      %swap3A_760 = tpu.vector_load %arg15[%swap3A_758, %swap3A_759] {strides = array<i32>} : memref<128x32xf32, #tpu.memory_space<vmem>>, vector<16xf32>,
      tpu.vector_store %arg15[%swap3A_758, %swap3A_759], %sub3A_756 {strides = array<i32>} : memref<128x32xf32, #tpu.memory_space<vmem>>, vector<16xf32>,
      %get3A_761 = arith.constant 66 : i32
      %get3A_762 = arith.index_cast %get3A_761 : i32 to index
      %get3A_763 = arith.constant 0 : index
      %get3A_764 = tpu.vector_load %arg15[%get3A_762, %get3A_763] {strides = array<i32>} : memref<128x32xf32, #tpu.memory_space<vmem>>, vector<16xf32>,
      %sub3A_765 = arith.subf %get3A_764, %select_n3A_742 : vector<16xf32>
      %swap3A_766 = arith.constant 66 : i32
      %swap3A_767 = arith.index_cast %swap3A_766 : i32 to index
      %swap3A_768 = arith.constant 0 : index
      %swap3A_769 = tpu.vector_load %arg15[%swap3A_767, %swap3A_768] {strides = array<i32>} : memref<128x32xf32, #tpu.memory_space<vmem>>, vector<16xf32>,
      tpu.vector_store %arg15[%swap3A_767, %swap3A_768], %sub3A_765 {strides = array<i32>} : memref<128x32xf32, #tpu.memory_space<vmem>>, vector<16xf32>,
      %get3A_770 = arith.constant 67 : i32
      %get3A_771 = arith.index_cast %get3A_770 : i32 to index
      %get3A_772 = arith.constant 0 : index
      %get3A_773 = tpu.vector_load %arg15[%get3A_771, %get3A_772] {strides = array<i32>} : memref<128x32xf32, #tpu.memory_space<vmem>>, vector<16xf32>,
      %sub3A_774 = arith.subf %get3A_773, %select_n3A_742 : vector<16xf32>
      %swap3A_775 = arith.constant 67 : i32
      %swap3A_776 = arith.index_cast %swap3A_775 : i32 to index
      %swap3A_777 = arith.constant 0 : index
      %swap3A_778 = tpu.vector_load %arg15[%swap3A_776, %swap3A_777] {strides = array<i32>} : memref<128x32xf32, #tpu.memory_space<vmem>>, vector<16xf32>,
      tpu.vector_store %arg15[%swap3A_776, %swap3A_777], %sub3A_774 {strides = array<i32>} : memref<128x32xf32, #tpu.memory_space<vmem>>, vector<16xf32>,
      %get3A_779 = arith.constant 68 : i32
      %get3A_780 = arith.index_cast %get3A_779 : i32 to index
      %get3A_781 = arith.constant 0 : index
      %get3A_782 = tpu.vector_load %arg15[%get3A_780, %get3A_781] {strides = array<i32>} : memref<128x32xf32, #tpu.memory_space<vmem>>, vector<16xf32>,
      %sub3A_783 = arith.subf %get3A_782, %select_n3A_742 : vector<16xf32>
      %swap3A_784 = arith.constant 68 : i32
      %swap3A_785 = arith.index_cast %swap3A_784 : i32 to index
      %swap3A_786 = arith.constant 0 : index
      %swap3A_787 = tpu.vector_load %arg15[%swap3A_785, %swap3A_786] {strides = array<i32>} : memref<128x32xf32, #tpu.memory_space<vmem>>, vector<16xf32>,
      tpu.vector_store %arg15[%swap3A_785, %swap3A_786], %sub3A_783 {strides = array<i32>} : memref<128x32xf32, #tpu.memory_space<vmem>>, vector<16xf32>,
      %get3A_788 = arith.constant 69 : i32
      %get3A_789 = arith.index_cast %get3A_788 : i32 to index
      %get3A_790 = arith.constant 0 : index
      %get3A_791 = tpu.vector_load %arg15[%get3A_789, %get3A_790] {strides = array<i32>} : memref<128x32xf32, #tpu.memory_space<vmem>>, vector<16xf32>,
      %sub3A_792 = arith.subf %get3A_791, %select_n3A_742 : vector<16xf32>
      %swap3A_793 = arith.constant 69 : i32
      %swap3A_794 = arith.index_cast %swap3A_793 : i32 to index
      %swap3A_795 = arith.constant 0 : index
      %swap3A_796 = tpu.vector_load %arg15[%swap3A_794, %swap3A_795] {strides = array<i32>} : memref<128x32xf32, #tpu.memory_space<vmem>>, vector<16xf32>,
      tpu.vector_store %arg15[%swap3A_794, %swap3A_795], %sub3A_792 {strides = array<i32>} : memref<128x32xf32, #tpu.memory_space<vmem>>, vector<16xf32>,
      %get3A_797 = arith.constant 70 : i32
      %get3A_798 = arith.index_cast %get3A_797 : i32 to index
      %get3A_799 = arith.constant 0 : index
      %get3A_800 = tpu.vector_load %arg15[%get3A_798, %get3A_799] {strides = array<i32>} : memref<128x32xf32, #tpu.memory_space<vmem>>, vector<16xf32>,
      %sub3A_801 = arith.subf %get3A_800, %select_n3A_742 : vector<16xf32>
      %swap3A_802 = arith.constant 70 : i32
      %swap3A_803 = arith.index_cast %swap3A_802 : i32 to index
      %swap3A_804 = arith.constant 0 : index
      %swap3A_805 = tpu.vector_load %arg15[%swap3A_803, %swap3A_804] {strides = array<i32>} : memref<128x32xf32, #tpu.memory_space<vmem>>, vector<16xf32>,
      tpu.vector_store %arg15[%swap3A_803, %swap3A_804], %sub3A_801 {strides = array<i32>} : memref<128x32xf32, #tpu.memory_space<vmem>>, vector<16xf32>,
      %get3A_806 = arith.constant 71 : i32
      %get3A_807 = arith.index_cast %get3A_806 : i32 to index
      %get3A_808 = arith.constant 0 : index
      %get3A_809 = tpu.vector_load %arg15[%get3A_807, %get3A_808] {strides = array<i32>} : memref<128x32xf32, #tpu.memory_space<vmem>>, vector<16xf32>,
      %sub3A_810 = arith.subf %get3A_809, %select_n3A_742 : vector<16xf32>
      %swap3A_811 = arith.constant 71 : i32
      %swap3A_812 = arith.index_cast %swap3A_811 : i32 to index
      %swap3A_813 = arith.constant 0 : index
      %swap3A_814 = tpu.vector_load %arg15[%swap3A_812, %swap3A_813] {strides = array<i32>} : memref<128x32xf32, #tpu.memory_space<vmem>>, vector<16xf32>,
      tpu.vector_store %arg15[%swap3A_812, %swap3A_813], %sub3A_810 {strides = array<i32>} : memref<128x32xf32, #tpu.memory_space<vmem>>, vector<16xf32>,
      %get3A_815 = arith.constant 72 : i32
      %get3A_816 = arith.index_cast %get3A_815 : i32 to index
      %get3A_817 = arith.constant 0 : index
      %get3A_818 = tpu.vector_load %arg15[%get3A_816, %get3A_817] {strides = array<i32>} : memref<128x32xf32, #tpu.memory_space<vmem>>, vector<16xf32>,
      %sub3A_819 = arith.subf %get3A_818, %select_n3A_742 : vector<16xf32>
      %swap3A_820 = arith.constant 72 : i32
      %swap3A_821 = arith.index_cast %swap3A_820 : i32 to index
      %swap3A_822 = arith.constant 0 : index
      %swap3A_823 = tpu.vector_load %arg15[%swap3A_821, %swap3A_822] {strides = array<i32>} : memref<128x32xf32, #tpu.memory_space<vmem>>, vector<16xf32>,
      tpu.vector_store %arg15[%swap3A_821, %swap3A_822], %sub3A_819 {strides = array<i32>} : memref<128x32xf32, #tpu.memory_space<vmem>>, vector<16xf32>,
      %get3A_824 = arith.constant 73 : i32
      %get3A_825 = arith.index_cast %get3A_824 : i32 to index
      %get3A_826 = arith.constant 0 : index
      %get3A_827 = tpu.vector_load %arg15[%get3A_825, %get3A_826] {strides = array<i32>} : memref<128x32xf32, #tpu.memory_space<vmem>>, vector<16xf32>,
      %sub3A_828 = arith.subf %get3A_827, %select_n3A_742 : vector<16xf32>
      %swap3A_829 = arith.constant 73 : i32
      %swap3A_830 = arith.index_cast %swap3A_829 : i32 to index
      %swap3A_831 = arith.constant 0 : index
      %swap3A_832 = tpu.vector_load %arg15[%swap3A_830, %swap3A_831] {strides = array<i32>} : memref<128x32xf32, #tpu.memory_space<vmem>>, vector<16xf32>,
      tpu.vector_store %arg15[%swap3A_830, %swap3A_831], %sub3A_828 {strides = array<i32>} : memref<128x32xf32, #tpu.memory_space<vmem>>, vector<16xf32>,
      %get3A_833 = arith.constant 74 : i32
      %get3A_834 = arith.index_cast %get3A_833 : i32 to index
      %get3A_835 = arith.constant 0 : index
      %get3A_836 = tpu.vector_load %arg15[%get3A_834, %get3A_835] {strides = array<i32>} : memref<128x32xf32, #tpu.memory_space<vmem>>, vector<16xf32>,
      %sub3A_837 = arith.subf %get3A_836, %select_n3A_742 : vector<16xf32>
      %swap3A_838 = arith.constant 74 : i32
      %swap3A_839 = arith.index_cast %swap3A_838 : i32 to index
      %swap3A_840 = arith.constant 0 : index
      %swap3A_841 = tpu.vector_load %arg15[%swap3A_839, %swap3A_840] {strides = array<i32>} : memref<128x32xf32, #tpu.memory_space<vmem>>, vector<16xf32>,
      tpu.vector_store %arg15[%swap3A_839, %swap3A_840], %sub3A_837 {strides = array<i32>} : memref<128x32xf32, #tpu.memory_space<vmem>>, vector<16xf32>,
      %get3A_842 = arith.constant 75 : i32
      %get3A_843 = arith.index_cast %get3A_842 : i32 to index
      %get3A_844 = arith.constant 0 : index
      %get3A_845 = tpu.vector_load %arg15[%get3A_843, %get3A_844] {strides = array<i32>} : memref<128x32xf32, #tpu.memory_space<vmem>>, vector<16xf32>,
      %sub3A_846 = arith.subf %get3A_845, %select_n3A_742 : vector<16xf32>
      %swap3A_847 = arith.constant 75 : i32
      %swap3A_848 = arith.index_cast %swap3A_847 : i32 to index
      %swap3A_849 = arith.constant 0 : index
      %swap3A_850 = tpu.vector_load %arg15[%swap3A_848, %swap3A_849] {strides = array<i32>} : memref<128x32xf32, #tpu.memory_space<vmem>>, vector<16xf32>,
      tpu.vector_store %arg15[%swap3A_848, %swap3A_849], %sub3A_846 {strides = array<i32>} : memref<128x32xf32, #tpu.memory_space<vmem>>, vector<16xf32>,
      %get3A_851 = arith.constant 76 : i32
      %get3A_852 = arith.index_cast %get3A_851 : i32 to index
      %get3A_853 = arith.constant 0 : index
      %get3A_854 = tpu.vector_load %arg15[%get3A_852, %get3A_853] {strides = array<i32>} : memref<128x32xf32, #tpu.memory_space<vmem>>, vector<16xf32>,
      %sub3A_855 = arith.subf %get3A_854, %select_n3A_742 : vector<16xf32>
      %swap3A_856 = arith.constant 76 : i32
      %swap3A_857 = arith.index_cast %swap3A_856 : i32 to index
      %swap3A_858 = arith.constant 0 : index
      %swap3A_859 = tpu.vector_load %arg15[%swap3A_857, %swap3A_858] {strides = array<i32>} : memref<128x32xf32, #tpu.memory_space<vmem>>, vector<16xf32>,
      tpu.vector_store %arg15[%swap3A_857, %swap3A_858], %sub3A_855 {strides = array<i32>} : memref<128x32xf32, #tpu.memory_space<vmem>>, vector<16xf32>,
      %get3A_860 = arith.constant 77 : i32
      %get3A_861 = arith.index_cast %get3A_860 : i32 to index
      %get3A_862 = arith.constant 0 : index
      %get3A_863 = tpu.vector_load %arg15[%get3A_861, %get3A_862] {strides = array<i32>} : memref<128x32xf32, #tpu.memory_space<vmem>>, vector<16xf32>,
      %sub3A_864 = arith.subf %get3A_863, %select_n3A_742 : vector<16xf32>
      %swap3A_865 = arith.constant 77 : i32
      %swap3A_866 = arith.index_cast %swap3A_865 : i32 to index
      %swap3A_867 = arith.constant 0 : index
      %swap3A_868 = tpu.vector_load %arg15[%swap3A_866, %swap3A_867] {strides = array<i32>} : memref<128x32xf32, #tpu.memory_space<vmem>>, vector<16xf32>,
      tpu.vector_store %arg15[%swap3A_866, %swap3A_867], %sub3A_864 {strides = array<i32>} : memref<128x32xf32, #tpu.memory_space<vmem>>, vector<16xf32>,
      %get3A_869 = arith.constant 78 : i32
      %get3A_870 = arith.index_cast %get3A_869 : i32 to index
      %get3A_871 = arith.constant 0 : index
      %get3A_872 = tpu.vector_load %arg15[%get3A_870, %get3A_871] {strides = array<i32>} : memref<128x32xf32, #tpu.memory_space<vmem>>, vector<16xf32>,
      %sub3A_873 = arith.subf %get3A_872, %select_n3A_742 : vector<16xf32>
      %swap3A_874 = arith.constant 78 : i32
      %swap3A_875 = arith.index_cast %swap3A_874 : i32 to index
      %swap3A_876 = arith.constant 0 : index
      %swap3A_877 = tpu.vector_load %arg15[%swap3A_875, %swap3A_876] {strides = array<i32>} : memref<128x32xf32, #tpu.memory_space<vmem>>, vector<16xf32>,
      tpu.vector_store %arg15[%swap3A_875, %swap3A_876], %sub3A_873 {strides = array<i32>} : memref<128x32xf32, #tpu.memory_space<vmem>>, vector<16xf32>,
      %get3A_878 = arith.constant 79 : i32
      %get3A_879 = arith.index_cast %get3A_878 : i32 to index
      %get3A_880 = arith.constant 0 : index
      %get3A_881 = tpu.vector_load %arg15[%get3A_879, %get3A_880] {strides = array<i32>} : memref<128x32xf32, #tpu.memory_space<vmem>>, vector<16xf32>,
      %sub3A_882 = arith.subf %get3A_881, %select_n3A_742 : vector<16xf32>
      %swap3A_883 = arith.constant 79 : i32
      %swap3A_884 = arith.index_cast %swap3A_883 : i32 to index
      %swap3A_885 = arith.constant 0 : index
      %swap3A_886 = tpu.vector_load %arg15[%swap3A_884, %swap3A_885] {strides = array<i32>} : memref<128x32xf32, #tpu.memory_space<vmem>>, vector<16xf32>,
      tpu.vector_store %arg15[%swap3A_884, %swap3A_885], %sub3A_882 {strides = array<i32>} : memref<128x32xf32, #tpu.memory_space<vmem>>, vector<16xf32>,
      %get3A_887 = arith.constant 80 : i32
      %get3A_888 = arith.index_cast %get3A_887 : i32 to index
      %get3A_889 = arith.constant 0 : index
      %get3A_890 = tpu.vector_load %arg15[%get3A_888, %get3A_889] {strides = array<i32>} : memref<128x32xf32, #tpu.memory_space<vmem>>, vector<16xf32>,
      %sub3A_891 = arith.subf %get3A_890, %select_n3A_742 : vector<16xf32>
      %swap3A_892 = arith.constant 80 : i32
      %swap3A_893 = arith.index_cast %swap3A_892 : i32 to index
      %swap3A_894 = arith.constant 0 : index
      %swap3A_895 = tpu.vector_load %arg15[%swap3A_893, %swap3A_894] {strides = array<i32>} : memref<128x32xf32, #tpu.memory_space<vmem>>, vector<16xf32>,
      tpu.vector_store %arg15[%swap3A_893, %swap3A_894], %sub3A_891 {strides = array<i32>} : memref<128x32xf32, #tpu.memory_space<vmem>>, vector<16xf32>,
      %get3A_896 = arith.constant 81 : i32
      %get3A_897 = arith.index_cast %get3A_896 : i32 to index
      %get3A_898 = arith.constant 0 : index
      %get3A_899 = tpu.vector_load %arg15[%get3A_897, %get3A_898] {strides = array<i32>} : memref<128x32xf32, #tpu.memory_space<vmem>>, vector<16xf32>,
      %sub3A_900 = arith.subf %get3A_899, %select_n3A_742 : vector<16xf32>
      %swap3A_901 = arith.constant 81 : i32
      %swap3A_902 = arith.index_cast %swap3A_901 : i32 to index
      %swap3A_903 = arith.constant 0 : index
      %swap3A_904 = tpu.vector_load %arg15[%swap3A_902, %swap3A_903] {strides = array<i32>} : memref<128x32xf32, #tpu.memory_space<vmem>>, vector<16xf32>,
      tpu.vector_store %arg15[%swap3A_902, %swap3A_903], %sub3A_900 {strides = array<i32>} : memref<128x32xf32, #tpu.memory_space<vmem>>, vector<16xf32>,
      %get3A_905 = arith.constant 82 : i32
      %get3A_906 = arith.index_cast %get3A_905 : i32 to index
      %get3A_907 = arith.constant 0 : index
      %get3A_908 = tpu.vector_load %arg15[%get3A_906, %get3A_907] {strides = array<i32>} : memref<128x32xf32, #tpu.memory_space<vmem>>, vector<16xf32>,
      %sub3A_909 = arith.subf %get3A_908, %select_n3A_742 : vector<16xf32>
      %swap3A_910 = arith.constant 82 : i32
      %swap3A_911 = arith.index_cast %swap3A_910 : i32 to index
      %swap3A_912 = arith.constant 0 : index
      %swap3A_913 = tpu.vector_load %arg15[%swap3A_911, %swap3A_912] {strides = array<i32>} : memref<128x32xf32, #tpu.memory_space<vmem>>, vector<16xf32>,
      tpu.vector_store %arg15[%swap3A_911, %swap3A_912], %sub3A_909 {strides = array<i32>} : memref<128x32xf32, #tpu.memory_space<vmem>>, vector<16xf32>,
      %get3A_914 = arith.constant 83 : i32
      %get3A_915 = arith.index_cast %get3A_914 : i32 to index
      %get3A_916 = arith.constant 0 : index
      %get3A_917 = tpu.vector_load %arg15[%get3A_915, %get3A_916] {strides = array<i32>} : memref<128x32xf32, #tpu.memory_space<vmem>>, vector<16xf32>,
      %sub3A_918 = arith.subf %get3A_917, %select_n3A_742 : vector<16xf32>
      %swap3A_919 = arith.constant 83 : i32
      %swap3A_920 = arith.index_cast %swap3A_919 : i32 to index
      %swap3A_921 = arith.constant 0 : index
      %swap3A_922 = tpu.vector_load %arg15[%swap3A_920, %swap3A_921] {strides = array<i32>} : memref<128x32xf32, #tpu.memory_space<vmem>>, vector<16xf32>,
      tpu.vector_store %arg15[%swap3A_920, %swap3A_921], %sub3A_918 {strides = array<i32>} : memref<128x32xf32, #tpu.memory_space<vmem>>, vector<16xf32>,
      %get3A_923 = arith.constant 84 : i32
      %get3A_924 = arith.index_cast %get3A_923 : i32 to index
      %get3A_925 = arith.constant 0 : index
      %get3A_926 = tpu.vector_load %arg15[%get3A_924, %get3A_925] {strides = array<i32>} : memref<128x32xf32, #tpu.memory_space<vmem>>, vector<16xf32>,
      %sub3A_927 = arith.subf %get3A_926, %select_n3A_742 : vector<16xf32>
      %swap3A_928 = arith.constant 84 : i32
      %swap3A_929 = arith.index_cast %swap3A_928 : i32 to index
      %swap3A_930 = arith.constant 0 : index
      %swap3A_931 = tpu.vector_load %arg15[%swap3A_929, %swap3A_930] {strides = array<i32>} : memref<128x32xf32, #tpu.memory_space<vmem>>, vector<16xf32>,
      tpu.vector_store %arg15[%swap3A_929, %swap3A_930], %sub3A_927 {strides = array<i32>} : memref<128x32xf32, #tpu.memory_space<vmem>>, vector<16xf32>,
      %get3A_932 = arith.constant 85 : i32
      %get3A_933 = arith.index_cast %get3A_932 : i32 to index
      %get3A_934 = arith.constant 0 : index
      %get3A_935 = tpu.vector_load %arg15[%get3A_933, %get3A_934] {strides = array<i32>} : memref<128x32xf32, #tpu.memory_space<vmem>>, vector<16xf32>,
      %sub3A_936 = arith.subf %get3A_935, %select_n3A_742 : vector<16xf32>
      %swap3A_937 = arith.constant 85 : i32
      %swap3A_938 = arith.index_cast %swap3A_937 : i32 to index
      %swap3A_939 = arith.constant 0 : index
      %swap3A_940 = tpu.vector_load %arg15[%swap3A_938, %swap3A_939] {strides = array<i32>} : memref<128x32xf32, #tpu.memory_space<vmem>>, vector<16xf32>,
      tpu.vector_store %arg15[%swap3A_938, %swap3A_939], %sub3A_936 {strides = array<i32>} : memref<128x32xf32, #tpu.memory_space<vmem>>, vector<16xf32>,
      %get3A_941 = arith.constant 86 : i32
      %get3A_942 = arith.index_cast %get3A_941 : i32 to index
      %get3A_943 = arith.constant 0 : index
      %get3A_944 = tpu.vector_load %arg15[%get3A_942, %get3A_943] {strides = array<i32>} : memref<128x32xf32, #tpu.memory_space<vmem>>, vector<16xf32>,
      %sub3A_945 = arith.subf %get3A_944, %select_n3A_742 : vector<16xf32>
      %swap3A_946 = arith.constant 86 : i32
      %swap3A_947 = arith.index_cast %swap3A_946 : i32 to index
      %swap3A_948 = arith.constant 0 : index
      %swap3A_949 = tpu.vector_load %arg15[%swap3A_947, %swap3A_948] {strides = array<i32>} : memref<128x32xf32, #tpu.memory_space<vmem>>, vector<16xf32>,
      tpu.vector_store %arg15[%swap3A_947, %swap3A_948], %sub3A_945 {strides = array<i32>} : memref<128x32xf32, #tpu.memory_space<vmem>>, vector<16xf32>,
      %get3A_950 = arith.constant 87 : i32
      %get3A_951 = arith.index_cast %get3A_950 : i32 to index
      %get3A_952 = arith.constant 0 : index
      %get3A_953 = tpu.vector_load %arg15[%get3A_951, %get3A_952] {strides = array<i32>} : memref<128x32xf32, #tpu.memory_space<vmem>>, vector<16xf32>,
      %sub3A_954 = arith.subf %get3A_953, %select_n3A_742 : vector<16xf32>
      %swap3A_955 = arith.constant 87 : i32
      %swap3A_956 = arith.index_cast %swap3A_955 : i32 to index
      %swap3A_957 = arith.constant 0 : index
      %swap3A_958 = tpu.vector_load %arg15[%swap3A_956, %swap3A_957] {strides = array<i32>} : memref<128x32xf32, #tpu.memory_space<vmem>>, vector<16xf32>,
      tpu.vector_store %arg15[%swap3A_956, %swap3A_957], %sub3A_954 {strides = array<i32>} : memref<128x32xf32, #tpu.memory_space<vmem>>, vector<16xf32>,
      %get3A_959 = arith.constant 88 : i32
      %get3A_960 = arith.index_cast %get3A_959 : i32 to index
      %get3A_961 = arith.constant 0 : index
      %get3A_962 = tpu.vector_load %arg15[%get3A_960, %get3A_961] {strides = array<i32>} : memref<128x32xf32, #tpu.memory_space<vmem>>, vector<16xf32>,
      %sub3A_963 = arith.subf %get3A_962, %select_n3A_742 : vector<16xf32>
      %swap3A_964 = arith.constant 88 : i32
      %swap3A_965 = arith.index_cast %swap3A_964 : i32 to index
      %swap3A_966 = arith.constant 0 : index
      %swap3A_967 = tpu.vector_load %arg15[%swap3A_965, %swap3A_966] {strides = array<i32>} : memref<128x32xf32, #tpu.memory_space<vmem>>, vector<16xf32>,
      tpu.vector_store %arg15[%swap3A_965, %swap3A_966], %sub3A_963 {strides = array<i32>} : memref<128x32xf32, #tpu.memory_space<vmem>>, vector<16xf32>,
      %get3A_968 = arith.constant 89 : i32
      %get3A_969 = arith.index_cast %get3A_968 : i32 to index
      %get3A_970 = arith.constant 0 : index
      %get3A_971 = tpu.vector_load %arg15[%get3A_969, %get3A_970] {strides = array<i32>} : memref<128x32xf32, #tpu.memory_space<vmem>>, vector<16xf32>,
      %sub3A_972 = arith.subf %get3A_971, %select_n3A_742 : vector<16xf32>
      %swap3A_973 = arith.constant 89 : i32
      %swap3A_974 = arith.index_cast %swap3A_973 : i32 to index
      %swap3A_975 = arith.constant 0 : index
      %swap3A_976 = tpu.vector_load %arg15[%swap3A_974, %swap3A_975] {strides = array<i32>} : memref<128x32xf32, #tpu.memory_space<vmem>>, vector<16xf32>,
      tpu.vector_store %arg15[%swap3A_974, %swap3A_975], %sub3A_972 {strides = array<i32>} : memref<128x32xf32, #tpu.memory_space<vmem>>, vector<16xf32>,
      %get3A_977 = arith.constant 90 : i32
      %get3A_978 = arith.index_cast %get3A_977 : i32 to index
      %get3A_979 = arith.constant 0 : index
      %get3A_980 = tpu.vector_load %arg15[%get3A_978, %get3A_979] {strides = array<i32>} : memref<128x32xf32, #tpu.memory_space<vmem>>, vector<16xf32>,
      %sub3A_981 = arith.subf %get3A_980, %select_n3A_742 : vector<16xf32>
      %swap3A_982 = arith.constant 90 : i32
      %swap3A_983 = arith.index_cast %swap3A_982 : i32 to index
      %swap3A_984 = arith.constant 0 : index
      %swap3A_985 = tpu.vector_load %arg15[%swap3A_983, %swap3A_984] {strides = array<i32>} : memref<128x32xf32, #tpu.memory_space<vmem>>, vector<16xf32>,
      tpu.vector_store %arg15[%swap3A_983, %swap3A_984], %sub3A_981 {strides = array<i32>} : memref<128x32xf32, #tpu.memory_space<vmem>>, vector<16xf32>,
      %get3A_986 = arith.constant 91 : i32
      %get3A_987 = arith.index_cast %get3A_986 : i32 to index
      %get3A_988 = arith.constant 0 : index
      %get3A_989 = tpu.vector_load %arg15[%get3A_987, %get3A_988] {strides = array<i32>} : memref<128x32xf32, #tpu.memory_space<vmem>>, vector<16xf32>,
      %sub3A_990 = arith.subf %get3A_989, %select_n3A_742 : vector<16xf32>
      %swap3A_991 = arith.constant 91 : i32
      %swap3A_992 = arith.index_cast %swap3A_991 : i32 to index
      %swap3A_993 = arith.constant 0 : index
      %swap3A_994 = tpu.vector_load %arg15[%swap3A_992, %swap3A_993] {strides = array<i32>} : memref<128x32xf32, #tpu.memory_space<vmem>>, vector<16xf32>,
      tpu.vector_store %arg15[%swap3A_992, %swap3A_993], %sub3A_990 {strides = array<i32>} : memref<128x32xf32, #tpu.memory_space<vmem>>, vector<16xf32>,
      %get3A_995 = arith.constant 92 : i32
      %get3A_996 = arith.index_cast %get3A_995 : i32 to index
      %get3A_997 = arith.constant 0 : index
      %get3A_998 = tpu.vector_load %arg15[%get3A_996, %get3A_997] {strides = array<i32>} : memref<128x32xf32, #tpu.memory_space<vmem>>, vector<16xf32>,
      %sub3A_999 = arith.subf %get3A_998, %select_n3A_742 : vector<16xf32>
      %swap3A_1000 = arith.constant 92 : i32
      %swap3A_1001 = arith.index_cast %swap3A_1000 : i32 to index
      %swap3A_1002 = arith.constant 0 : index
      %swap3A_1003 = tpu.vector_load %arg15[%swap3A_1001, %swap3A_1002] {strides = array<i32>} : memref<128x32xf32, #tpu.memory_space<vmem>>, vector<16xf32>,
      tpu.vector_store %arg15[%swap3A_1001, %swap3A_1002], %sub3A_999 {strides = array<i32>} : memref<128x32xf32, #tpu.memory_space<vmem>>, vector<16xf32>,
      %get3A_1004 = arith.constant 93 : i32
      %get3A_1005 = arith.index_cast %get3A_1004 : i32 to index
      %get3A_1006 = arith.constant 0 : index
      %get3A_1007 = tpu.vector_load %arg15[%get3A_1005, %get3A_1006] {strides = array<i32>} : memref<128x32xf32, #tpu.memory_space<vmem>>, vector<16xf32>,
      %sub3A_1008 = arith.subf %get3A_1007, %select_n3A_742 : vector<16xf32>
      %swap3A_1009 = arith.constant 93 : i32
      %swap3A_1010 = arith.index_cast %swap3A_1009 : i32 to index
      %swap3A_1011 = arith.constant 0 : index
      %swap3A_1012 = tpu.vector_load %arg15[%swap3A_1010, %swap3A_1011] {strides = array<i32>} : memref<128x32xf32, #tpu.memory_space<vmem>>, vector<16xf32>,
      tpu.vector_store %arg15[%swap3A_1010, %swap3A_1011], %sub3A_1008 {strides = array<i32>} : memref<128x32xf32, #tpu.memory_space<vmem>>, vector<16xf32>,
      %get3A_1013 = arith.constant 94 : i32
      %get3A_1014 = arith.index_cast %get3A_1013 : i32 to index
      %get3A_1015 = arith.constant 0 : index
      %get3A_1016 = tpu.vector_load %arg15[%get3A_1014, %get3A_1015] {strides = array<i32>} : memref<128x32xf32, #tpu.memory_space<vmem>>, vector<16xf32>,
      %sub3A_1017 = arith.subf %get3A_1016, %select_n3A_742 : vector<16xf32>
      %swap3A_1018 = arith.constant 94 : i32
      %swap3A_1019 = arith.index_cast %swap3A_1018 : i32 to index
      %swap3A_1020 = arith.constant 0 : index
      %swap3A_1021 = tpu.vector_load %arg15[%swap3A_1019, %swap3A_1020] {strides = array<i32>} : memref<128x32xf32, #tpu.memory_space<vmem>>, vector<16xf32>,
      tpu.vector_store %arg15[%swap3A_1019, %swap3A_1020], %sub3A_1017 {strides = array<i32>} : memref<128x32xf32, #tpu.memory_space<vmem>>, vector<16xf32>,
      %get3A_1022 = arith.constant 95 : i32
      %get3A_1023 = arith.index_cast %get3A_1022 : i32 to index
      %get3A_1024 = arith.constant 0 : index
      %get3A_1025 = tpu.vector_load %arg15[%get3A_1023, %get3A_1024] {strides = array<i32>} : memref<128x32xf32, #tpu.memory_space<vmem>>, vector<16xf32>,
      %sub3A_1026 = arith.subf %get3A_1025, %select_n3A_742 : vector<16xf32>
      %swap3A_1027 = arith.constant 95 : i32
      %swap3A_1028 = arith.index_cast %swap3A_1027 : i32 to index
      %swap3A_1029 = arith.constant 0 : index
      %swap3A_1030 = tpu.vector_load %arg15[%swap3A_1028, %swap3A_1029] {strides = array<i32>} : memref<128x32xf32, #tpu.memory_space<vmem>>, vector<16xf32>,
      tpu.vector_store %arg15[%swap3A_1028, %swap3A_1029], %sub3A_1026 {strides = array<i32>} : memref<128x32xf32, #tpu.memory_space<vmem>>, vector<16xf32>,
      %mul3A_1031 = arith.constant 4 : i32
      %mul3A_1032 = arith.muli %mul3A_79, %mul3A_1031 : i32
      %add3A_1033 = arith.constant 3 : i32
      %add3A_1034 = arith.addi %mul3A_1032, %add3A_1033 : i32
      %broadcast_in_dim3A_1035 = vector.broadcast %add3A_1034 : i32 to vector<16xi32>
      %gather3A_1036 = tpu.vector_load_idx %arg9[%broadcast_in_dim3A_1035] : memref<512xf32, #tpu.memory_space<vmem>>[vector<16xi32>], vector<16xf32>,
      %broadcast_in_dim3A_1037 = vector.broadcast %add3A_1034 : i32 to vector<16xi32>
      %gather3A_1038 = tpu.vector_load_idx %arg10[%broadcast_in_dim3A_1037] : memref<512xf32, #tpu.memory_space<vmem>>[vector<16xi32>], vector<16xf32>,
      %broadcast_in_dim3A_1039 = vector.broadcast %add3A_1034 : i32 to vector<16xi32>
      %gather3A_1040 = tpu.vector_load_idx %arg11[%broadcast_in_dim3A_1039] : memref<512xf32, #tpu.memory_space<vmem>>[vector<16xi32>], vector<16xf32>,
      %eq3A_1041 = arith.constant 0 : i32
      %eq3A_1042 = vector.broadcast %eq3A_1041 : i32 to vector<16xi32>
      %eq3A_1043 = arith.cmpi eq, %iota3A, %eq3A_1042 : vector<16xi32>
      %eq3A_1044 = arith.constant 1 : i32
      %eq3A_1045 = vector.broadcast %eq3A_1044 : i32 to vector<16xi32>
      %eq3A_1046 = arith.cmpi eq, %iota3A, %eq3A_1045 : vector<16xi32>
      %eq3A_1047 = arith.constant 2 : i32
      %eq3A_1048 = vector.broadcast %eq3A_1047 : i32 to vector<16xi32>
      %eq3A_1049 = arith.cmpi eq, %iota3A, %eq3A_1048 : vector<16xi32>
      %broadcast_in_dim3A_1050 = arith.constant 0.000000e+00 : f32
      %broadcast_in_dim3A_1051 = vector.broadcast %broadcast_in_dim3A_1050 : f32 to vector<16xf32>
      %select_n3A_1052 = arith.select %eq3A_1049, %gather3A_1040, %broadcast_in_dim3A_1051 : vector<16xi1>, vector<16xf32>
      %select_n3A_1053 = arith.select %eq3A_1046, %gather3A_1038, %select_n3A_1052 : vector<16xi1>, vector<16xf32>
      %select_n3A_1054 = arith.select %eq3A_1043, %gather3A_1036, %select_n3A_1053 : vector<16xi1>, vector<16xf32>
      %get3A_1055 = arith.constant 96 : i32
      %get3A_1056 = arith.index_cast %get3A_1055 : i32 to index
      %get3A_1057 = arith.constant 0 : index
      %get3A_1058 = tpu.vector_load %arg15[%get3A_1056, %get3A_1057] {strides = array<i32>} : memref<128x32xf32, #tpu.memory_space<vmem>>, vector<16xf32>,
      %sub3A_1059 = arith.subf %get3A_1058, %select_n3A_1054 : vector<16xf32>
      %swap3A_1060 = arith.constant 96 : i32
      %swap3A_1061 = arith.index_cast %swap3A_1060 : i32 to index
      %swap3A_1062 = arith.constant 0 : index
      %swap3A_1063 = tpu.vector_load %arg15[%swap3A_1061, %swap3A_1062] {strides = array<i32>} : memref<128x32xf32, #tpu.memory_space<vmem>>, vector<16xf32>,
      tpu.vector_store %arg15[%swap3A_1061, %swap3A_1062], %sub3A_1059 {strides = array<i32>} : memref<128x32xf32, #tpu.memory_space<vmem>>, vector<16xf32>,
      %get3A_1064 = arith.constant 97 : i32
      %get3A_1065 = arith.index_cast %get3A_1064 : i32 to index
      %get3A_1066 = arith.constant 0 : index
      %get3A_1067 = tpu.vector_load %arg15[%get3A_1065, %get3A_1066] {strides = array<i32>} : memref<128x32xf32, #tpu.memory_space<vmem>>, vector<16xf32>,
      %sub3A_1068 = arith.subf %get3A_1067, %select_n3A_1054 : vector<16xf32>
      %swap3A_1069 = arith.constant 97 : i32
      %swap3A_1070 = arith.index_cast %swap3A_1069 : i32 to index
      %swap3A_1071 = arith.constant 0 : index
      %swap3A_1072 = tpu.vector_load %arg15[%swap3A_1070, %swap3A_1071] {strides = array<i32>} : memref<128x32xf32, #tpu.memory_space<vmem>>, vector<16xf32>,
      tpu.vector_store %arg15[%swap3A_1070, %swap3A_1071], %sub3A_1068 {strides = array<i32>} : memref<128x32xf32, #tpu.memory_space<vmem>>, vector<16xf32>,
      %get3A_1073 = arith.constant 98 : i32
      %get3A_1074 = arith.index_cast %get3A_1073 : i32 to index
      %get3A_1075 = arith.constant 0 : index
      %get3A_1076 = tpu.vector_load %arg15[%get3A_1074, %get3A_1075] {strides = array<i32>} : memref<128x32xf32, #tpu.memory_space<vmem>>, vector<16xf32>,
      %sub3A_1077 = arith.subf %get3A_1076, %select_n3A_1054 : vector<16xf32>
      %swap3A_1078 = arith.constant 98 : i32
      %swap3A_1079 = arith.index_cast %swap3A_1078 : i32 to index
      %swap3A_1080 = arith.constant 0 : index
      %swap3A_1081 = tpu.vector_load %arg15[%swap3A_1079, %swap3A_1080] {strides = array<i32>} : memref<128x32xf32, #tpu.memory_space<vmem>>, vector<16xf32>,
      tpu.vector_store %arg15[%swap3A_1079, %swap3A_1080], %sub3A_1077 {strides = array<i32>} : memref<128x32xf32, #tpu.memory_space<vmem>>, vector<16xf32>,
      %get3A_1082 = arith.constant 99 : i32
      %get3A_1083 = arith.index_cast %get3A_1082 : i32 to index
      %get3A_1084 = arith.constant 0 : index
      %get3A_1085 = tpu.vector_load %arg15[%get3A_1083, %get3A_1084] {strides = array<i32>} : memref<128x32xf32, #tpu.memory_space<vmem>>, vector<16xf32>,
      %sub3A_1086 = arith.subf %get3A_1085, %select_n3A_1054 : vector<16xf32>
      %swap3A_1087 = arith.constant 99 : i32
      %swap3A_1088 = arith.index_cast %swap3A_1087 : i32 to index
      %swap3A_1089 = arith.constant 0 : index
      %swap3A_1090 = tpu.vector_load %arg15[%swap3A_1088, %swap3A_1089] {strides = array<i32>} : memref<128x32xf32, #tpu.memory_space<vmem>>, vector<16xf32>,
      tpu.vector_store %arg15[%swap3A_1088, %swap3A_1089], %sub3A_1086 {strides = array<i32>} : memref<128x32xf32, #tpu.memory_space<vmem>>, vector<16xf32>,
      %get3A_1091 = arith.constant 100 : i32
      %get3A_1092 = arith.index_cast %get3A_1091 : i32 to index
      %get3A_1093 = arith.constant 0 : index
      %get3A_1094 = tpu.vector_load %arg15[%get3A_1092, %get3A_1093] {strides = array<i32>} : memref<128x32xf32, #tpu.memory_space<vmem>>, vector<16xf32>,
      %sub3A_1095 = arith.subf %get3A_1094, %select_n3A_1054 : vector<16xf32>
      %swap3A_1096 = arith.constant 100 : i32
      %swap3A_1097 = arith.index_cast %swap3A_1096 : i32 to index
      %swap3A_1098 = arith.constant 0 : index
      %swap3A_1099 = tpu.vector_load %arg15[%swap3A_1097, %swap3A_1098] {strides = array<i32>} : memref<128x32xf32, #tpu.memory_space<vmem>>, vector<16xf32>,
      tpu.vector_store %arg15[%swap3A_1097, %swap3A_1098], %sub3A_1095 {strides = array<i32>} : memref<128x32xf32, #tpu.memory_space<vmem>>, vector<16xf32>,
      %get3A_1100 = arith.constant 101 : i32
      %get3A_1101 = arith.index_cast %get3A_1100 : i32 to index
      %get3A_1102 = arith.constant 0 : index
      %get3A_1103 = tpu.vector_load %arg15[%get3A_1101, %get3A_1102] {strides = array<i32>} : memref<128x32xf32, #tpu.memory_space<vmem>>, vector<16xf32>,
      %sub3A_1104 = arith.subf %get3A_1103, %select_n3A_1054 : vector<16xf32>
      %swap3A_1105 = arith.constant 101 : i32
      %swap3A_1106 = arith.index_cast %swap3A_1105 : i32 to index
      %swap3A_1107 = arith.constant 0 : index
      %swap3A_1108 = tpu.vector_load %arg15[%swap3A_1106, %swap3A_1107] {strides = array<i32>} : memref<128x32xf32, #tpu.memory_space<vmem>>, vector<16xf32>,
      tpu.vector_store %arg15[%swap3A_1106, %swap3A_1107], %sub3A_1104 {strides = array<i32>} : memref<128x32xf32, #tpu.memory_space<vmem>>, vector<16xf32>,
      %get3A_1109 = arith.constant 102 : i32
      %get3A_1110 = arith.index_cast %get3A_1109 : i32 to index
      %get3A_1111 = arith.constant 0 : index
      %get3A_1112 = tpu.vector_load %arg15[%get3A_1110, %get3A_1111] {strides = array<i32>} : memref<128x32xf32, #tpu.memory_space<vmem>>, vector<16xf32>,
      %sub3A_1113 = arith.subf %get3A_1112, %select_n3A_1054 : vector<16xf32>
      %swap3A_1114 = arith.constant 102 : i32
      %swap3A_1115 = arith.index_cast %swap3A_1114 : i32 to index
      %swap3A_1116 = arith.constant 0 : index
      %swap3A_1117 = tpu.vector_load %arg15[%swap3A_1115, %swap3A_1116] {strides = array<i32>} : memref<128x32xf32, #tpu.memory_space<vmem>>, vector<16xf32>,
      tpu.vector_store %arg15[%swap3A_1115, %swap3A_1116], %sub3A_1113 {strides = array<i32>} : memref<128x32xf32, #tpu.memory_space<vmem>>, vector<16xf32>,
      %get3A_1118 = arith.constant 103 : i32
      %get3A_1119 = arith.index_cast %get3A_1118 : i32 to index
      %get3A_1120 = arith.constant 0 : index
      %get3A_1121 = tpu.vector_load %arg15[%get3A_1119, %get3A_1120] {strides = array<i32>} : memref<128x32xf32, #tpu.memory_space<vmem>>, vector<16xf32>,
      %sub3A_1122 = arith.subf %get3A_1121, %select_n3A_1054 : vector<16xf32>
      %swap3A_1123 = arith.constant 103 : i32
      %swap3A_1124 = arith.index_cast %swap3A_1123 : i32 to index
      %swap3A_1125 = arith.constant 0 : index
      %swap3A_1126 = tpu.vector_load %arg15[%swap3A_1124, %swap3A_1125] {strides = array<i32>} : memref<128x32xf32, #tpu.memory_space<vmem>>, vector<16xf32>,
      tpu.vector_store %arg15[%swap3A_1124, %swap3A_1125], %sub3A_1122 {strides = array<i32>} : memref<128x32xf32, #tpu.memory_space<vmem>>, vector<16xf32>,
      %get3A_1127 = arith.constant 104 : i32
      %get3A_1128 = arith.index_cast %get3A_1127 : i32 to index
      %get3A_1129 = arith.constant 0 : index
      %get3A_1130 = tpu.vector_load %arg15[%get3A_1128, %get3A_1129] {strides = array<i32>} : memref<128x32xf32, #tpu.memory_space<vmem>>, vector<16xf32>,
      %sub3A_1131 = arith.subf %get3A_1130, %select_n3A_1054 : vector<16xf32>
      %swap3A_1132 = arith.constant 104 : i32
      %swap3A_1133 = arith.index_cast %swap3A_1132 : i32 to index
      %swap3A_1134 = arith.constant 0 : index
      %swap3A_1135 = tpu.vector_load %arg15[%swap3A_1133, %swap3A_1134] {strides = array<i32>} : memref<128x32xf32, #tpu.memory_space<vmem>>, vector<16xf32>,
      tpu.vector_store %arg15[%swap3A_1133, %swap3A_1134], %sub3A_1131 {strides = array<i32>} : memref<128x32xf32, #tpu.memory_space<vmem>>, vector<16xf32>,
      %get3A_1136 = arith.constant 105 : i32
      %get3A_1137 = arith.index_cast %get3A_1136 : i32 to index
      %get3A_1138 = arith.constant 0 : index
      %get3A_1139 = tpu.vector_load %arg15[%get3A_1137, %get3A_1138] {strides = array<i32>} : memref<128x32xf32, #tpu.memory_space<vmem>>, vector<16xf32>,
      %sub3A_1140 = arith.subf %get3A_1139, %select_n3A_1054 : vector<16xf32>
      %swap3A_1141 = arith.constant 105 : i32
      %swap3A_1142 = arith.index_cast %swap3A_1141 : i32 to index
      %swap3A_1143 = arith.constant 0 : index
      %swap3A_1144 = tpu.vector_load %arg15[%swap3A_1142, %swap3A_1143] {strides = array<i32>} : memref<128x32xf32, #tpu.memory_space<vmem>>, vector<16xf32>,
      tpu.vector_store %arg15[%swap3A_1142, %swap3A_1143], %sub3A_1140 {strides = array<i32>} : memref<128x32xf32, #tpu.memory_space<vmem>>, vector<16xf32>,
      %get3A_1145 = arith.constant 106 : i32
      %get3A_1146 = arith.index_cast %get3A_1145 : i32 to index
      %get3A_1147 = arith.constant 0 : index
      %get3A_1148 = tpu.vector_load %arg15[%get3A_1146, %get3A_1147] {strides = array<i32>} : memref<128x32xf32, #tpu.memory_space<vmem>>, vector<16xf32>,
      %sub3A_1149 = arith.subf %get3A_1148, %select_n3A_1054 : vector<16xf32>
      %swap3A_1150 = arith.constant 106 : i32
      %swap3A_1151 = arith.index_cast %swap3A_1150 : i32 to index
      %swap3A_1152 = arith.constant 0 : index
      %swap3A_1153 = tpu.vector_load %arg15[%swap3A_1151, %swap3A_1152] {strides = array<i32>} : memref<128x32xf32, #tpu.memory_space<vmem>>, vector<16xf32>,
      tpu.vector_store %arg15[%swap3A_1151, %swap3A_1152], %sub3A_1149 {strides = array<i32>} : memref<128x32xf32, #tpu.memory_space<vmem>>, vector<16xf32>,
      %get3A_1154 = arith.constant 107 : i32
      %get3A_1155 = arith.index_cast %get3A_1154 : i32 to index
      %get3A_1156 = arith.constant 0 : index
      %get3A_1157 = tpu.vector_load %arg15[%get3A_1155, %get3A_1156] {strides = array<i32>} : memref<128x32xf32, #tpu.memory_space<vmem>>, vector<16xf32>,
      %sub3A_1158 = arith.subf %get3A_1157, %select_n3A_1054 : vector<16xf32>
      %swap3A_1159 = arith.constant 107 : i32
      %swap3A_1160 = arith.index_cast %swap3A_1159 : i32 to index
      %swap3A_1161 = arith.constant 0 : index
      %swap3A_1162 = tpu.vector_load %arg15[%swap3A_1160, %swap3A_1161] {strides = array<i32>} : memref<128x32xf32, #tpu.memory_space<vmem>>, vector<16xf32>,
      tpu.vector_store %arg15[%swap3A_1160, %swap3A_1161], %sub3A_1158 {strides = array<i32>} : memref<128x32xf32, #tpu.memory_space<vmem>>, vector<16xf32>,
      %get3A_1163 = arith.constant 108 : i32
      %get3A_1164 = arith.index_cast %get3A_1163 : i32 to index
      %get3A_1165 = arith.constant 0 : index
      %get3A_1166 = tpu.vector_load %arg15[%get3A_1164, %get3A_1165] {strides = array<i32>} : memref<128x32xf32, #tpu.memory_space<vmem>>, vector<16xf32>,
      %sub3A_1167 = arith.subf %get3A_1166, %select_n3A_1054 : vector<16xf32>
      %swap3A_1168 = arith.constant 108 : i32
      %swap3A_1169 = arith.index_cast %swap3A_1168 : i32 to index
      %swap3A_1170 = arith.constant 0 : index
      %swap3A_1171 = tpu.vector_load %arg15[%swap3A_1169, %swap3A_1170] {strides = array<i32>} : memref<128x32xf32, #tpu.memory_space<vmem>>, vector<16xf32>,
      tpu.vector_store %arg15[%swap3A_1169, %swap3A_1170], %sub3A_1167 {strides = array<i32>} : memref<128x32xf32, #tpu.memory_space<vmem>>, vector<16xf32>,
      %get3A_1172 = arith.constant 109 : i32
      %get3A_1173 = arith.index_cast %get3A_1172 : i32 to index
      %get3A_1174 = arith.constant 0 : index
      %get3A_1175 = tpu.vector_load %arg15[%get3A_1173, %get3A_1174] {strides = array<i32>} : memref<128x32xf32, #tpu.memory_space<vmem>>, vector<16xf32>,
      %sub3A_1176 = arith.subf %get3A_1175, %select_n3A_1054 : vector<16xf32>
      %swap3A_1177 = arith.constant 109 : i32
      %swap3A_1178 = arith.index_cast %swap3A_1177 : i32 to index
      %swap3A_1179 = arith.constant 0 : index
      %swap3A_1180 = tpu.vector_load %arg15[%swap3A_1178, %swap3A_1179] {strides = array<i32>} : memref<128x32xf32, #tpu.memory_space<vmem>>, vector<16xf32>,
      tpu.vector_store %arg15[%swap3A_1178, %swap3A_1179], %sub3A_1176 {strides = array<i32>} : memref<128x32xf32, #tpu.memory_space<vmem>>, vector<16xf32>,
      %get3A_1181 = arith.constant 110 : i32
      %get3A_1182 = arith.index_cast %get3A_1181 : i32 to index
      %get3A_1183 = arith.constant 0 : index
      %get3A_1184 = tpu.vector_load %arg15[%get3A_1182, %get3A_1183] {strides = array<i32>} : memref<128x32xf32, #tpu.memory_space<vmem>>, vector<16xf32>,
      %sub3A_1185 = arith.subf %get3A_1184, %select_n3A_1054 : vector<16xf32>
      %swap3A_1186 = arith.constant 110 : i32
      %swap3A_1187 = arith.index_cast %swap3A_1186 : i32 to index
      %swap3A_1188 = arith.constant 0 : index
      %swap3A_1189 = tpu.vector_load %arg15[%swap3A_1187, %swap3A_1188] {strides = array<i32>} : memref<128x32xf32, #tpu.memory_space<vmem>>, vector<16xf32>,
      tpu.vector_store %arg15[%swap3A_1187, %swap3A_1188], %sub3A_1185 {strides = array<i32>} : memref<128x32xf32, #tpu.memory_space<vmem>>, vector<16xf32>,
      %get3A_1190 = arith.constant 111 : i32
      %get3A_1191 = arith.index_cast %get3A_1190 : i32 to index
      %get3A_1192 = arith.constant 0 : index
      %get3A_1193 = tpu.vector_load %arg15[%get3A_1191, %get3A_1192] {strides = array<i32>} : memref<128x32xf32, #tpu.memory_space<vmem>>, vector<16xf32>,
      %sub3A_1194 = arith.subf %get3A_1193, %select_n3A_1054 : vector<16xf32>
      %swap3A_1195 = arith.constant 111 : i32
      %swap3A_1196 = arith.index_cast %swap3A_1195 : i32 to index
      %swap3A_1197 = arith.constant 0 : index
      %swap3A_1198 = tpu.vector_load %arg15[%swap3A_1196, %swap3A_1197] {strides = array<i32>} : memref<128x32xf32, #tpu.memory_space<vmem>>, vector<16xf32>,
      tpu.vector_store %arg15[%swap3A_1196, %swap3A_1197], %sub3A_1194 {strides = array<i32>} : memref<128x32xf32, #tpu.memory_space<vmem>>, vector<16xf32>,
      %get3A_1199 = arith.constant 112 : i32
      %get3A_1200 = arith.index_cast %get3A_1199 : i32 to index
      %get3A_1201 = arith.constant 0 : index
      %get3A_1202 = tpu.vector_load %arg15[%get3A_1200, %get3A_1201] {strides = array<i32>} : memref<128x32xf32, #tpu.memory_space<vmem>>, vector<16xf32>,
      %sub3A_1203 = arith.subf %get3A_1202, %select_n3A_1054 : vector<16xf32>
      %swap3A_1204 = arith.constant 112 : i32
      %swap3A_1205 = arith.index_cast %swap3A_1204 : i32 to index
      %swap3A_1206 = arith.constant 0 : index
      %swap3A_1207 = tpu.vector_load %arg15[%swap3A_1205, %swap3A_1206] {strides = array<i32>} : memref<128x32xf32, #tpu.memory_space<vmem>>, vector<16xf32>,
      tpu.vector_store %arg15[%swap3A_1205, %swap3A_1206], %sub3A_1203 {strides = array<i32>} : memref<128x32xf32, #tpu.memory_space<vmem>>, vector<16xf32>,
      %get3A_1208 = arith.constant 113 : i32
      %get3A_1209 = arith.index_cast %get3A_1208 : i32 to index
      %get3A_1210 = arith.constant 0 : index
      %get3A_1211 = tpu.vector_load %arg15[%get3A_1209, %get3A_1210] {strides = array<i32>} : memref<128x32xf32, #tpu.memory_space<vmem>>, vector<16xf32>,
      %sub3A_1212 = arith.subf %get3A_1211, %select_n3A_1054 : vector<16xf32>
      %swap3A_1213 = arith.constant 113 : i32
      %swap3A_1214 = arith.index_cast %swap3A_1213 : i32 to index
      %swap3A_1215 = arith.constant 0 : index
      %swap3A_1216 = tpu.vector_load %arg15[%swap3A_1214, %swap3A_1215] {strides = array<i32>} : memref<128x32xf32, #tpu.memory_space<vmem>>, vector<16xf32>,
      tpu.vector_store %arg15[%swap3A_1214, %swap3A_1215], %sub3A_1212 {strides = array<i32>} : memref<128x32xf32, #tpu.memory_space<vmem>>, vector<16xf32>,
      %get3A_1217 = arith.constant 114 : i32
      %get3A_1218 = arith.index_cast %get3A_1217 : i32 to index
      %get3A_1219 = arith.constant 0 : index
      %get3A_1220 = tpu.vector_load %arg15[%get3A_1218, %get3A_1219] {strides = array<i32>} : memref<128x32xf32, #tpu.memory_space<vmem>>, vector<16xf32>,
      %sub3A_1221 = arith.subf %get3A_1220, %select_n3A_1054 : vector<16xf32>
      %swap3A_1222 = arith.constant 114 : i32
      %swap3A_1223 = arith.index_cast %swap3A_1222 : i32 to index
      %swap3A_1224 = arith.constant 0 : index
      %swap3A_1225 = tpu.vector_load %arg15[%swap3A_1223, %swap3A_1224] {strides = array<i32>} : memref<128x32xf32, #tpu.memory_space<vmem>>, vector<16xf32>,
      tpu.vector_store %arg15[%swap3A_1223, %swap3A_1224], %sub3A_1221 {strides = array<i32>} : memref<128x32xf32, #tpu.memory_space<vmem>>, vector<16xf32>,
      %get3A_1226 = arith.constant 115 : i32
      %get3A_1227 = arith.index_cast %get3A_1226 : i32 to index
      %get3A_1228 = arith.constant 0 : index
      %get3A_1229 = tpu.vector_load %arg15[%get3A_1227, %get3A_1228] {strides = array<i32>} : memref<128x32xf32, #tpu.memory_space<vmem>>, vector<16xf32>,
      %sub3A_1230 = arith.subf %get3A_1229, %select_n3A_1054 : vector<16xf32>
      %swap3A_1231 = arith.constant 115 : i32
      %swap3A_1232 = arith.index_cast %swap3A_1231 : i32 to index
      %swap3A_1233 = arith.constant 0 : index
      %swap3A_1234 = tpu.vector_load %arg15[%swap3A_1232, %swap3A_1233] {strides = array<i32>} : memref<128x32xf32, #tpu.memory_space<vmem>>, vector<16xf32>,
      tpu.vector_store %arg15[%swap3A_1232, %swap3A_1233], %sub3A_1230 {strides = array<i32>} : memref<128x32xf32, #tpu.memory_space<vmem>>, vector<16xf32>,
      %get3A_1235 = arith.constant 116 : i32
      %get3A_1236 = arith.index_cast %get3A_1235 : i32 to index
      %get3A_1237 = arith.constant 0 : index
      %get3A_1238 = tpu.vector_load %arg15[%get3A_1236, %get3A_1237] {strides = array<i32>} : memref<128x32xf32, #tpu.memory_space<vmem>>, vector<16xf32>,
      %sub3A_1239 = arith.subf %get3A_1238, %select_n3A_1054 : vector<16xf32>
      %swap3A_1240 = arith.constant 116 : i32
      %swap3A_1241 = arith.index_cast %swap3A_1240 : i32 to index
      %swap3A_1242 = arith.constant 0 : index
      %swap3A_1243 = tpu.vector_load %arg15[%swap3A_1241, %swap3A_1242] {strides = array<i32>} : memref<128x32xf32, #tpu.memory_space<vmem>>, vector<16xf32>,
      tpu.vector_store %arg15[%swap3A_1241, %swap3A_1242], %sub3A_1239 {strides = array<i32>} : memref<128x32xf32, #tpu.memory_space<vmem>>, vector<16xf32>,
      %get3A_1244 = arith.constant 117 : i32
      %get3A_1245 = arith.index_cast %get3A_1244 : i32 to index
      %get3A_1246 = arith.constant 0 : index
      %get3A_1247 = tpu.vector_load %arg15[%get3A_1245, %get3A_1246] {strides = array<i32>} : memref<128x32xf32, #tpu.memory_space<vmem>>, vector<16xf32>,
      %sub3A_1248 = arith.subf %get3A_1247, %select_n3A_1054 : vector<16xf32>
      %swap3A_1249 = arith.constant 117 : i32
      %swap3A_1250 = arith.index_cast %swap3A_1249 : i32 to index
      %swap3A_1251 = arith.constant 0 : index
      %swap3A_1252 = tpu.vector_load %arg15[%swap3A_1250, %swap3A_1251] {strides = array<i32>} : memref<128x32xf32, #tpu.memory_space<vmem>>, vector<16xf32>,
      tpu.vector_store %arg15[%swap3A_1250, %swap3A_1251], %sub3A_1248 {strides = array<i32>} : memref<128x32xf32, #tpu.memory_space<vmem>>, vector<16xf32>,
      %get3A_1253 = arith.constant 118 : i32
      %get3A_1254 = arith.index_cast %get3A_1253 : i32 to index
      %get3A_1255 = arith.constant 0 : index
      %get3A_1256 = tpu.vector_load %arg15[%get3A_1254, %get3A_1255] {strides = array<i32>} : memref<128x32xf32, #tpu.memory_space<vmem>>, vector<16xf32>,
      %sub3A_1257 = arith.subf %get3A_1256, %select_n3A_1054 : vector<16xf32>
      %swap3A_1258 = arith.constant 118 : i32
      %swap3A_1259 = arith.index_cast %swap3A_1258 : i32 to index
      %swap3A_1260 = arith.constant 0 : index
      %swap3A_1261 = tpu.vector_load %arg15[%swap3A_1259, %swap3A_1260] {strides = array<i32>} : memref<128x32xf32, #tpu.memory_space<vmem>>, vector<16xf32>,
      tpu.vector_store %arg15[%swap3A_1259, %swap3A_1260], %sub3A_1257 {strides = array<i32>} : memref<128x32xf32, #tpu.memory_space<vmem>>, vector<16xf32>,
      %get3A_1262 = arith.constant 119 : i32
      %get3A_1263 = arith.index_cast %get3A_1262 : i32 to index
      %get3A_1264 = arith.constant 0 : index
      %get3A_1265 = tpu.vector_load %arg15[%get3A_1263, %get3A_1264] {strides = array<i32>} : memref<128x32xf32, #tpu.memory_space<vmem>>, vector<16xf32>,
      %sub3A_1266 = arith.subf %get3A_1265, %select_n3A_1054 : vector<16xf32>
      %swap3A_1267 = arith.constant 119 : i32
      %swap3A_1268 = arith.index_cast %swap3A_1267 : i32 to index
      %swap3A_1269 = arith.constant 0 : index
      %swap3A_1270 = tpu.vector_load %arg15[%swap3A_1268, %swap3A_1269] {strides = array<i32>} : memref<128x32xf32, #tpu.memory_space<vmem>>, vector<16xf32>,
      tpu.vector_store %arg15[%swap3A_1268, %swap3A_1269], %sub3A_1266 {strides = array<i32>} : memref<128x32xf32, #tpu.memory_space<vmem>>, vector<16xf32>,
      %get3A_1271 = arith.constant 120 : i32
      %get3A_1272 = arith.index_cast %get3A_1271 : i32 to index
      %get3A_1273 = arith.constant 0 : index
      %get3A_1274 = tpu.vector_load %arg15[%get3A_1272, %get3A_1273] {strides = array<i32>} : memref<128x32xf32, #tpu.memory_space<vmem>>, vector<16xf32>,
      %sub3A_1275 = arith.subf %get3A_1274, %select_n3A_1054 : vector<16xf32>
      %swap3A_1276 = arith.constant 120 : i32
      %swap3A_1277 = arith.index_cast %swap3A_1276 : i32 to index
      %swap3A_1278 = arith.constant 0 : index
      %swap3A_1279 = tpu.vector_load %arg15[%swap3A_1277, %swap3A_1278] {strides = array<i32>} : memref<128x32xf32, #tpu.memory_space<vmem>>, vector<16xf32>,
      tpu.vector_store %arg15[%swap3A_1277, %swap3A_1278], %sub3A_1275 {strides = array<i32>} : memref<128x32xf32, #tpu.memory_space<vmem>>, vector<16xf32>,
      %get3A_1280 = arith.constant 121 : i32
      %get3A_1281 = arith.index_cast %get3A_1280 : i32 to index
      %get3A_1282 = arith.constant 0 : index
      %get3A_1283 = tpu.vector_load %arg15[%get3A_1281, %get3A_1282] {strides = array<i32>} : memref<128x32xf32, #tpu.memory_space<vmem>>, vector<16xf32>,
      %sub3A_1284 = arith.subf %get3A_1283, %select_n3A_1054 : vector<16xf32>
      %swap3A_1285 = arith.constant 121 : i32
      %swap3A_1286 = arith.index_cast %swap3A_1285 : i32 to index
      %swap3A_1287 = arith.constant 0 : index
      %swap3A_1288 = tpu.vector_load %arg15[%swap3A_1286, %swap3A_1287] {strides = array<i32>} : memref<128x32xf32, #tpu.memory_space<vmem>>, vector<16xf32>,
      tpu.vector_store %arg15[%swap3A_1286, %swap3A_1287], %sub3A_1284 {strides = array<i32>} : memref<128x32xf32, #tpu.memory_space<vmem>>, vector<16xf32>,
      %get3A_1289 = arith.constant 122 : i32
      %get3A_1290 = arith.index_cast %get3A_1289 : i32 to index
      %get3A_1291 = arith.constant 0 : index
      %get3A_1292 = tpu.vector_load %arg15[%get3A_1290, %get3A_1291] {strides = array<i32>} : memref<128x32xf32, #tpu.memory_space<vmem>>, vector<16xf32>,
      %sub3A_1293 = arith.subf %get3A_1292, %select_n3A_1054 : vector<16xf32>
      %swap3A_1294 = arith.constant 122 : i32
      %swap3A_1295 = arith.index_cast %swap3A_1294 : i32 to index
      %swap3A_1296 = arith.constant 0 : index
      %swap3A_1297 = tpu.vector_load %arg15[%swap3A_1295, %swap3A_1296] {strides = array<i32>} : memref<128x32xf32, #tpu.memory_space<vmem>>, vector<16xf32>,
      tpu.vector_store %arg15[%swap3A_1295, %swap3A_1296], %sub3A_1293 {strides = array<i32>} : memref<128x32xf32, #tpu.memory_space<vmem>>, vector<16xf32>,
      %get3A_1298 = arith.constant 123 : i32
      %get3A_1299 = arith.index_cast %get3A_1298 : i32 to index
      %get3A_1300 = arith.constant 0 : index
      %get3A_1301 = tpu.vector_load %arg15[%get3A_1299, %get3A_1300] {strides = array<i32>} : memref<128x32xf32, #tpu.memory_space<vmem>>, vector<16xf32>,
      %sub3A_1302 = arith.subf %get3A_1301, %select_n3A_1054 : vector<16xf32>
      %swap3A_1303 = arith.constant 123 : i32
      %swap3A_1304 = arith.index_cast %swap3A_1303 : i32 to index
      %swap3A_1305 = arith.constant 0 : index
      %swap3A_1306 = tpu.vector_load %arg15[%swap3A_1304, %swap3A_1305] {strides = array<i32>} : memref<128x32xf32, #tpu.memory_space<vmem>>, vector<16xf32>,
      tpu.vector_store %arg15[%swap3A_1304, %swap3A_1305], %sub3A_1302 {strides = array<i32>} : memref<128x32xf32, #tpu.memory_space<vmem>>, vector<16xf32>,
      %get3A_1307 = arith.constant 124 : i32
      %get3A_1308 = arith.index_cast %get3A_1307 : i32 to index
      %get3A_1309 = arith.constant 0 : index
      %get3A_1310 = tpu.vector_load %arg15[%get3A_1308, %get3A_1309] {strides = array<i32>} : memref<128x32xf32, #tpu.memory_space<vmem>>, vector<16xf32>,
      %sub3A_1311 = arith.subf %get3A_1310, %select_n3A_1054 : vector<16xf32>
      %swap3A_1312 = arith.constant 124 : i32
      %swap3A_1313 = arith.index_cast %swap3A_1312 : i32 to index
      %swap3A_1314 = arith.constant 0 : index
      %swap3A_1315 = tpu.vector_load %arg15[%swap3A_1313, %swap3A_1314] {strides = array<i32>} : memref<128x32xf32, #tpu.memory_space<vmem>>, vector<16xf32>,
      tpu.vector_store %arg15[%swap3A_1313, %swap3A_1314], %sub3A_1311 {strides = array<i32>} : memref<128x32xf32, #tpu.memory_space<vmem>>, vector<16xf32>,
      %get3A_1316 = arith.constant 125 : i32
      %get3A_1317 = arith.index_cast %get3A_1316 : i32 to index
      %get3A_1318 = arith.constant 0 : index
      %get3A_1319 = tpu.vector_load %arg15[%get3A_1317, %get3A_1318] {strides = array<i32>} : memref<128x32xf32, #tpu.memory_space<vmem>>, vector<16xf32>,
      %sub3A_1320 = arith.subf %get3A_1319, %select_n3A_1054 : vector<16xf32>
      %swap3A_1321 = arith.constant 125 : i32
      %swap3A_1322 = arith.index_cast %swap3A_1321 : i32 to index
      %swap3A_1323 = arith.constant 0 : index
      %swap3A_1324 = tpu.vector_load %arg15[%swap3A_1322, %swap3A_1323] {strides = array<i32>} : memref<128x32xf32, #tpu.memory_space<vmem>>, vector<16xf32>,
      tpu.vector_store %arg15[%swap3A_1322, %swap3A_1323], %sub3A_1320 {strides = array<i32>} : memref<128x32xf32, #tpu.memory_space<vmem>>, vector<16xf32>,
      %get3A_1325 = arith.constant 126 : i32
      %get3A_1326 = arith.index_cast %get3A_1325 : i32 to index
      %get3A_1327 = arith.constant 0 : index
      %get3A_1328 = tpu.vector_load %arg15[%get3A_1326, %get3A_1327] {strides = array<i32>} : memref<128x32xf32, #tpu.memory_space<vmem>>, vector<16xf32>,
      %sub3A_1329 = arith.subf %get3A_1328, %select_n3A_1054 : vector<16xf32>
      %swap3A_1330 = arith.constant 126 : i32
      %swap3A_1331 = arith.index_cast %swap3A_1330 : i32 to index
      %swap3A_1332 = arith.constant 0 : index
      %swap3A_1333 = tpu.vector_load %arg15[%swap3A_1331, %swap3A_1332] {strides = array<i32>} : memref<128x32xf32, #tpu.memory_space<vmem>>, vector<16xf32>,
      tpu.vector_store %arg15[%swap3A_1331, %swap3A_1332], %sub3A_1329 {strides = array<i32>} : memref<128x32xf32, #tpu.memory_space<vmem>>, vector<16xf32>,
      %get3A_1334 = arith.constant 127 : i32
      %get3A_1335 = arith.index_cast %get3A_1334 : i32 to index
      %get3A_1336 = arith.constant 0 : index
      %get3A_1337 = tpu.vector_load %arg15[%get3A_1335, %get3A_1336] {strides = array<i32>} : memref<128x32xf32, #tpu.memory_space<vmem>>, vector<16xf32>,
      %sub3A_1338 = arith.subf %get3A_1337, %select_n3A_1054 : vector<16xf32>
      %swap3A_1339 = arith.constant 127 : i32
      %swap3A_1340 = arith.index_cast %swap3A_1339 : i32 to index
      %swap3A_1341 = arith.constant 0 : index
      %swap3A_1342 = tpu.vector_load %arg15[%swap3A_1340, %swap3A_1341] {strides = array<i32>} : memref<128x32xf32, #tpu.memory_space<vmem>>, vector<16xf32>,
      tpu.vector_store %arg15[%swap3A_1340, %swap3A_1341], %sub3A_1338 {strides = array<i32>} : memref<128x32xf32, #tpu.memory_space<vmem>>, vector<16xf32>,
      %mul3A_1343 = arith.constant 4 : i32
      %mul3A_1344 = arith.muli %mul3A_79, %mul3A_1343 : i32
      %add3A_1345 = arith.addi %add3A_35, %mul3A_1344 : i32
      %mul3A_1346 = arith.constant 32 : i32
      %mul3A_1347 = arith.muli %add3A_1345, %mul3A_1346 : i32
      %dma_start3A_1348 = arith.constant 0 : i32
      %dma_start3A_1349 = tpu.memref_slice %arg5[%mul3A_1347, %dma_start3A_1348] : memref<524288x32xf32, #tpu.memory_space<hbm>> -> memref<128x32xf32, #tpu.memory_space<hbm>>
      %dma_start3A_1350 = arith.constant 0 : i32
      %dma_start3A_1351 = tpu.memref_slice %arg5[%mul3A_1347, %dma_start3A_1350] : memref<524288x32xf32, #tpu.memory_space<hbm>> -> memref<128x32xf32, #tpu.memory_space<hbm>>
      tpu.enqueue_dma source(%arg15 : memref<128x32xf32, #tpu.memory_space<vmem>>) target(%dma_start3A_1351 : memref<128x32xf32, #tpu.memory_space<hbm>>) target_semaphore(%arg19 : memref<!tpu.dma_semaphore, #tpu.memory_space<semaphore_mem>>)
      %add3A_1352 = arith.constant 1 : i32
      %add3A_1353 = arith.addi %scan3A_76, %add3A_1352 : i32
      %lt3A_1354 = arith.constant 64 : i32
      %lt3A_1355 = arith.cmpi slt, %add3A_1353, %lt3A_1354 : i32
      %convert_element_type3A_1356 = arith.extui %lt3A_1355 : i1 to i32
      %cond3A_1357 = arith.constant 0 : i32
      %cond3A_1358 = arith.cmpi ne, %convert_element_type3A_1356, %cond3A_1357 : i32
      scf.if %cond3A_1358 {
        %add3A_2628 = arith.constant 2 : i32
        %add3A_2629 = arith.addi %mul3A_79, %add3A_2628 : i32
        %dma_start3A_2630 = arith.constant 0 : i32
        %dma_start3A_2631 = tpu.memref_slice %arg14[%add3A_2629, %dma_start3A_2630] : memref<128x128xi32, #tpu.memory_space<vmem>> -> memref<1x128xi32, #tpu.memory_space<vmem>>
        %dma_start3A_2632 = tpu.memref_squeeze %dma_start3A_2631 : memref<1x128xi32, #tpu.memory_space<vmem>> -> memref<128xi32, #tpu.memory_space<vmem>>
        %dma_start3A_2633 = arith.constant 0 : i32
        %dma_start3A_2634 = arith.constant 0 : i32
        %dma_start3A_2635 = tpu.memref_slice %arg2[%dma_start3A_2633, %dma_start3A_2634] : memref<65536x32xf32, #tpu.memory_space<hbm>> -> memref<65536x32xf32, #tpu.memory_space<hbm>>
        tpu.enqueue_indirect_dma source(%dma_start3A_2635 : memref<65536x32xf32, #tpu.memory_space<hbm>>) target(%arg15 : memref<128x32xf32, #tpu.memory_space<vmem>>) offsets(%dma_start3A_2632 : memref<128xi32, #tpu.memory_space<vmem>>) semaphore(%arg17 : memref<!tpu.dma_semaphore, #tpu.memory_space<semaphore_mem>>)
      } else {
      }
      %dma_wait3A_1359 = arith.constant 0 : i32
      %dma_wait3A_1360 = tpu.memref_slice %arg14[%add3A_83, %dma_wait3A_1359] : memref<128x128xi32, #tpu.memory_space<vmem>> -> memref<1x128xi32, #tpu.memory_space<vmem>>
      %dma_wait3A_1361 = tpu.memref_squeeze %dma_wait3A_1360 : memref<1x128xi32, #tpu.memory_space<vmem>> -> memref<128xi32, #tpu.memory_space<vmem>>
      %dma_wait3A_1362 = arith.constant 0 : i32
      %dma_wait3A_1363 = arith.constant 0 : i32
      %dma_wait3A_1364 = tpu.memref_slice %arg2[%dma_wait3A_1362, %dma_wait3A_1363] : memref<65536x32xf32, #tpu.memory_space<hbm>> -> memref<65536x32xf32, #tpu.memory_space<hbm>>
      tpu.wait_indirect_dma semaphore(%arg18 : memref<!tpu.dma_semaphore, #tpu.memory_space<semaphore_mem>>) src(%dma_wait3A_1364 : memref<65536x32xf32, #tpu.memory_space<hbm>>) dst(%arg16 : memref<128x32xf32, #tpu.memory_space<vmem>>)
      %gt3A_1365 = arith.constant 0 : i32
      %gt3A_1366 = arith.cmpi sgt, %scan3A_76, %gt3A_1365 : i32
      %convert_element_type3A_1367 = arith.extui %gt3A_1366 : i1 to i32
      %cond3A_1368 = arith.constant 0 : i32
      %cond3A_1369 = arith.cmpi ne, %convert_element_type3A_1367, %cond3A_1368 : i32
      scf.if %cond3A_1369 {
        %mul3A_2628 = arith.constant 4 : i32
        %mul3A_2629 = arith.muli %add3A_83, %mul3A_2628 : i32
        %add3A_2630 = arith.addi %add3A_35, %mul3A_2629 : i32
        %mul3A_2631 = arith.constant 32 : i32
        %mul3A_2632 = arith.muli %add3A_2630, %mul3A_2631 : i32
        %dma_wait3A_2633 = arith.constant 0 : i32
        %dma_wait3A_2634 = tpu.memref_slice %arg5[%mul3A_2632, %dma_wait3A_2633] : memref<524288x32xf32, #tpu.memory_space<hbm>> -> memref<128x32xf32, #tpu.memory_space<hbm>>
        %dma_wait3A_2635 = arith.constant 0 : i32
        %dma_wait3A_2636 = tpu.memref_slice %arg5[%mul3A_2632, %dma_wait3A_2635] : memref<524288x32xf32, #tpu.memory_space<hbm>> -> memref<128x32xf32, #tpu.memory_space<hbm>>
        tpu.wait_dma2 semaphore(%arg20 : memref<!tpu.dma_semaphore, #tpu.memory_space<semaphore_mem>>) src(%arg16 : memref<128x32xf32, #tpu.memory_space<vmem>>) dst(%dma_wait3A_2636 : memref<128x32xf32, #tpu.memory_space<hbm>>)
      } else {
      }
      %mul3A_1370 = arith.constant 4 : i32
      %mul3A_1371 = arith.muli %add3A_83, %mul3A_1370 : i32
      %add3A_1372 = arith.constant 0 : i32
      %add3A_1373 = arith.addi %mul3A_1371, %add3A_1372 : i32
      %broadcast_in_dim3A_1374 = vector.broadcast %add3A_1373 : i32 to vector<16xi32>
      %gather3A_1375 = tpu.vector_load_idx %arg9[%broadcast_in_dim3A_1374] : memref<512xf32, #tpu.memory_space<vmem>>[vector<16xi32>], vector<16xf32>,
      %broadcast_in_dim3A_1376 = vector.broadcast %add3A_1373 : i32 to vector<16xi32>
      %gather3A_1377 = tpu.vector_load_idx %arg10[%broadcast_in_dim3A_1376] : memref<512xf32, #tpu.memory_space<vmem>>[vector<16xi32>], vector<16xf32>,
      %broadcast_in_dim3A_1378 = vector.broadcast %add3A_1373 : i32 to vector<16xi32>
      %gather3A_1379 = tpu.vector_load_idx %arg11[%broadcast_in_dim3A_1378] : memref<512xf32, #tpu.memory_space<vmem>>[vector<16xi32>], vector<16xf32>,
      %eq3A_1380 = arith.constant 0 : i32
      %eq3A_1381 = vector.broadcast %eq3A_1380 : i32 to vector<16xi32>
      %eq3A_1382 = arith.cmpi eq, %iota3A, %eq3A_1381 : vector<16xi32>
      %eq3A_1383 = arith.constant 1 : i32
      %eq3A_1384 = vector.broadcast %eq3A_1383 : i32 to vector<16xi32>
      %eq3A_1385 = arith.cmpi eq, %iota3A, %eq3A_1384 : vector<16xi32>
      %eq3A_1386 = arith.constant 2 : i32
      %eq3A_1387 = vector.broadcast %eq3A_1386 : i32 to vector<16xi32>
      %eq3A_1388 = arith.cmpi eq, %iota3A, %eq3A_1387 : vector<16xi32>
      %broadcast_in_dim3A_1389 = arith.constant 0.000000e+00 : f32
      %broadcast_in_dim3A_1390 = vector.broadcast %broadcast_in_dim3A_1389 : f32 to vector<16xf32>
      %select_n3A_1391 = arith.select %eq3A_1388, %gather3A_1379, %broadcast_in_dim3A_1390 : vector<16xi1>, vector<16xf32>
      %select_n3A_1392 = arith.select %eq3A_1385, %gather3A_1377, %select_n3A_1391 : vector<16xi1>, vector<16xf32>
      %select_n3A_1393 = arith.select %eq3A_1382, %gather3A_1375, %select_n3A_1392 : vector<16xi1>, vector<16xf32>
      %get3A_1394 = arith.constant 0 : i32
      %get3A_1395 = arith.index_cast %get3A_1394 : i32 to index
      %get3A_1396 = arith.constant 0 : index
      %get3A_1397 = tpu.vector_load %arg16[%get3A_1395, %get3A_1396] {strides = array<i32>} : memref<128x32xf32, #tpu.memory_space<vmem>>, vector<16xf32>,
      %sub3A_1398 = arith.subf %get3A_1397, %select_n3A_1393 : vector<16xf32>
      %swap3A_1399 = arith.constant 0 : i32
      %swap3A_1400 = arith.index_cast %swap3A_1399 : i32 to index
      %swap3A_1401 = arith.constant 0 : index
      %swap3A_1402 = tpu.vector_load %arg16[%swap3A_1400, %swap3A_1401] {strides = array<i32>} : memref<128x32xf32, #tpu.memory_space<vmem>>, vector<16xf32>,
      tpu.vector_store %arg16[%swap3A_1400, %swap3A_1401], %sub3A_1398 {strides = array<i32>} : memref<128x32xf32, #tpu.memory_space<vmem>>, vector<16xf32>,
      %get3A_1403 = arith.constant 1 : i32
      %get3A_1404 = arith.index_cast %get3A_1403 : i32 to index
      %get3A_1405 = arith.constant 0 : index
      %get3A_1406 = tpu.vector_load %arg16[%get3A_1404, %get3A_1405] {strides = array<i32>} : memref<128x32xf32, #tpu.memory_space<vmem>>, vector<16xf32>,
      %sub3A_1407 = arith.subf %get3A_1406, %select_n3A_1393 : vector<16xf32>
      %swap3A_1408 = arith.constant 1 : i32
      %swap3A_1409 = arith.index_cast %swap3A_1408 : i32 to index
      %swap3A_1410 = arith.constant 0 : index
      %swap3A_1411 = tpu.vector_load %arg16[%swap3A_1409, %swap3A_1410] {strides = array<i32>} : memref<128x32xf32, #tpu.memory_space<vmem>>, vector<16xf32>,
      tpu.vector_store %arg16[%swap3A_1409, %swap3A_1410], %sub3A_1407 {strides = array<i32>} : memref<128x32xf32, #tpu.memory_space<vmem>>, vector<16xf32>,
      %get3A_1412 = arith.constant 2 : i32
      %get3A_1413 = arith.index_cast %get3A_1412 : i32 to index
      %get3A_1414 = arith.constant 0 : index
      %get3A_1415 = tpu.vector_load %arg16[%get3A_1413, %get3A_1414] {strides = array<i32>} : memref<128x32xf32, #tpu.memory_space<vmem>>, vector<16xf32>,
      %sub3A_1416 = arith.subf %get3A_1415, %select_n3A_1393 : vector<16xf32>
      %swap3A_1417 = arith.constant 2 : i32
      %swap3A_1418 = arith.index_cast %swap3A_1417 : i32 to index
      %swap3A_1419 = arith.constant 0 : index
      %swap3A_1420 = tpu.vector_load %arg16[%swap3A_1418, %swap3A_1419] {strides = array<i32>} : memref<128x32xf32, #tpu.memory_space<vmem>>, vector<16xf32>,
      tpu.vector_store %arg16[%swap3A_1418, %swap3A_1419], %sub3A_1416 {strides = array<i32>} : memref<128x32xf32, #tpu.memory_space<vmem>>, vector<16xf32>,
      %get3A_1421 = arith.constant 3 : i32
      %get3A_1422 = arith.index_cast %get3A_1421 : i32 to index
      %get3A_1423 = arith.constant 0 : index
      %get3A_1424 = tpu.vector_load %arg16[%get3A_1422, %get3A_1423] {strides = array<i32>} : memref<128x32xf32, #tpu.memory_space<vmem>>, vector<16xf32>,
      %sub3A_1425 = arith.subf %get3A_1424, %select_n3A_1393 : vector<16xf32>
      %swap3A_1426 = arith.constant 3 : i32
      %swap3A_1427 = arith.index_cast %swap3A_1426 : i32 to index
      %swap3A_1428 = arith.constant 0 : index
      %swap3A_1429 = tpu.vector_load %arg16[%swap3A_1427, %swap3A_1428] {strides = array<i32>} : memref<128x32xf32, #tpu.memory_space<vmem>>, vector<16xf32>,
      tpu.vector_store %arg16[%swap3A_1427, %swap3A_1428], %sub3A_1425 {strides = array<i32>} : memref<128x32xf32, #tpu.memory_space<vmem>>, vector<16xf32>,
      %get3A_1430 = arith.constant 4 : i32
      %get3A_1431 = arith.index_cast %get3A_1430 : i32 to index
      %get3A_1432 = arith.constant 0 : index
      %get3A_1433 = tpu.vector_load %arg16[%get3A_1431, %get3A_1432] {strides = array<i32>} : memref<128x32xf32, #tpu.memory_space<vmem>>, vector<16xf32>,
      %sub3A_1434 = arith.subf %get3A_1433, %select_n3A_1393 : vector<16xf32>
      %swap3A_1435 = arith.constant 4 : i32
      %swap3A_1436 = arith.index_cast %swap3A_1435 : i32 to index
      %swap3A_1437 = arith.constant 0 : index
      %swap3A_1438 = tpu.vector_load %arg16[%swap3A_1436, %swap3A_1437] {strides = array<i32>} : memref<128x32xf32, #tpu.memory_space<vmem>>, vector<16xf32>,
      tpu.vector_store %arg16[%swap3A_1436, %swap3A_1437], %sub3A_1434 {strides = array<i32>} : memref<128x32xf32, #tpu.memory_space<vmem>>, vector<16xf32>,
      %get3A_1439 = arith.constant 5 : i32
      %get3A_1440 = arith.index_cast %get3A_1439 : i32 to index
      %get3A_1441 = arith.constant 0 : index
      %get3A_1442 = tpu.vector_load %arg16[%get3A_1440, %get3A_1441] {strides = array<i32>} : memref<128x32xf32, #tpu.memory_space<vmem>>, vector<16xf32>,
      %sub3A_1443 = arith.subf %get3A_1442, %select_n3A_1393 : vector<16xf32>
      %swap3A_1444 = arith.constant 5 : i32
      %swap3A_1445 = arith.index_cast %swap3A_1444 : i32 to index
      %swap3A_1446 = arith.constant 0 : index
      %swap3A_1447 = tpu.vector_load %arg16[%swap3A_1445, %swap3A_1446] {strides = array<i32>} : memref<128x32xf32, #tpu.memory_space<vmem>>, vector<16xf32>,
      tpu.vector_store %arg16[%swap3A_1445, %swap3A_1446], %sub3A_1443 {strides = array<i32>} : memref<128x32xf32, #tpu.memory_space<vmem>>, vector<16xf32>,
      %get3A_1448 = arith.constant 6 : i32
      %get3A_1449 = arith.index_cast %get3A_1448 : i32 to index
      %get3A_1450 = arith.constant 0 : index
      %get3A_1451 = tpu.vector_load %arg16[%get3A_1449, %get3A_1450] {strides = array<i32>} : memref<128x32xf32, #tpu.memory_space<vmem>>, vector<16xf32>,
      %sub3A_1452 = arith.subf %get3A_1451, %select_n3A_1393 : vector<16xf32>
      %swap3A_1453 = arith.constant 6 : i32
      %swap3A_1454 = arith.index_cast %swap3A_1453 : i32 to index
      %swap3A_1455 = arith.constant 0 : index
      %swap3A_1456 = tpu.vector_load %arg16[%swap3A_1454, %swap3A_1455] {strides = array<i32>} : memref<128x32xf32, #tpu.memory_space<vmem>>, vector<16xf32>,
      tpu.vector_store %arg16[%swap3A_1454, %swap3A_1455], %sub3A_1452 {strides = array<i32>} : memref<128x32xf32, #tpu.memory_space<vmem>>, vector<16xf32>,
      %get3A_1457 = arith.constant 7 : i32
      %get3A_1458 = arith.index_cast %get3A_1457 : i32 to index
      %get3A_1459 = arith.constant 0 : index
      %get3A_1460 = tpu.vector_load %arg16[%get3A_1458, %get3A_1459] {strides = array<i32>} : memref<128x32xf32, #tpu.memory_space<vmem>>, vector<16xf32>,
      %sub3A_1461 = arith.subf %get3A_1460, %select_n3A_1393 : vector<16xf32>
      %swap3A_1462 = arith.constant 7 : i32
      %swap3A_1463 = arith.index_cast %swap3A_1462 : i32 to index
      %swap3A_1464 = arith.constant 0 : index
      %swap3A_1465 = tpu.vector_load %arg16[%swap3A_1463, %swap3A_1464] {strides = array<i32>} : memref<128x32xf32, #tpu.memory_space<vmem>>, vector<16xf32>,
      tpu.vector_store %arg16[%swap3A_1463, %swap3A_1464], %sub3A_1461 {strides = array<i32>} : memref<128x32xf32, #tpu.memory_space<vmem>>, vector<16xf32>,
      %get3A_1466 = arith.constant 8 : i32
      %get3A_1467 = arith.index_cast %get3A_1466 : i32 to index
      %get3A_1468 = arith.constant 0 : index
      %get3A_1469 = tpu.vector_load %arg16[%get3A_1467, %get3A_1468] {strides = array<i32>} : memref<128x32xf32, #tpu.memory_space<vmem>>, vector<16xf32>,
      %sub3A_1470 = arith.subf %get3A_1469, %select_n3A_1393 : vector<16xf32>
      %swap3A_1471 = arith.constant 8 : i32
      %swap3A_1472 = arith.index_cast %swap3A_1471 : i32 to index
      %swap3A_1473 = arith.constant 0 : index
      %swap3A_1474 = tpu.vector_load %arg16[%swap3A_1472, %swap3A_1473] {strides = array<i32>} : memref<128x32xf32, #tpu.memory_space<vmem>>, vector<16xf32>,
      tpu.vector_store %arg16[%swap3A_1472, %swap3A_1473], %sub3A_1470 {strides = array<i32>} : memref<128x32xf32, #tpu.memory_space<vmem>>, vector<16xf32>,
      %get3A_1475 = arith.constant 9 : i32
      %get3A_1476 = arith.index_cast %get3A_1475 : i32 to index
      %get3A_1477 = arith.constant 0 : index
      %get3A_1478 = tpu.vector_load %arg16[%get3A_1476, %get3A_1477] {strides = array<i32>} : memref<128x32xf32, #tpu.memory_space<vmem>>, vector<16xf32>,
      %sub3A_1479 = arith.subf %get3A_1478, %select_n3A_1393 : vector<16xf32>
      %swap3A_1480 = arith.constant 9 : i32
      %swap3A_1481 = arith.index_cast %swap3A_1480 : i32 to index
      %swap3A_1482 = arith.constant 0 : index
      %swap3A_1483 = tpu.vector_load %arg16[%swap3A_1481, %swap3A_1482] {strides = array<i32>} : memref<128x32xf32, #tpu.memory_space<vmem>>, vector<16xf32>,
      tpu.vector_store %arg16[%swap3A_1481, %swap3A_1482], %sub3A_1479 {strides = array<i32>} : memref<128x32xf32, #tpu.memory_space<vmem>>, vector<16xf32>,
      %get3A_1484 = arith.constant 10 : i32
      %get3A_1485 = arith.index_cast %get3A_1484 : i32 to index
      %get3A_1486 = arith.constant 0 : index
      %get3A_1487 = tpu.vector_load %arg16[%get3A_1485, %get3A_1486] {strides = array<i32>} : memref<128x32xf32, #tpu.memory_space<vmem>>, vector<16xf32>,
      %sub3A_1488 = arith.subf %get3A_1487, %select_n3A_1393 : vector<16xf32>
      %swap3A_1489 = arith.constant 10 : i32
      %swap3A_1490 = arith.index_cast %swap3A_1489 : i32 to index
      %swap3A_1491 = arith.constant 0 : index
      %swap3A_1492 = tpu.vector_load %arg16[%swap3A_1490, %swap3A_1491] {strides = array<i32>} : memref<128x32xf32, #tpu.memory_space<vmem>>, vector<16xf32>,
      tpu.vector_store %arg16[%swap3A_1490, %swap3A_1491], %sub3A_1488 {strides = array<i32>} : memref<128x32xf32, #tpu.memory_space<vmem>>, vector<16xf32>,
      %get3A_1493 = arith.constant 11 : i32
      %get3A_1494 = arith.index_cast %get3A_1493 : i32 to index
      %get3A_1495 = arith.constant 0 : index
      %get3A_1496 = tpu.vector_load %arg16[%get3A_1494, %get3A_1495] {strides = array<i32>} : memref<128x32xf32, #tpu.memory_space<vmem>>, vector<16xf32>,
      %sub3A_1497 = arith.subf %get3A_1496, %select_n3A_1393 : vector<16xf32>
      %swap3A_1498 = arith.constant 11 : i32
      %swap3A_1499 = arith.index_cast %swap3A_1498 : i32 to index
      %swap3A_1500 = arith.constant 0 : index
      %swap3A_1501 = tpu.vector_load %arg16[%swap3A_1499, %swap3A_1500] {strides = array<i32>} : memref<128x32xf32, #tpu.memory_space<vmem>>, vector<16xf32>,
      tpu.vector_store %arg16[%swap3A_1499, %swap3A_1500], %sub3A_1497 {strides = array<i32>} : memref<128x32xf32, #tpu.memory_space<vmem>>, vector<16xf32>,
      %get3A_1502 = arith.constant 12 : i32
      %get3A_1503 = arith.index_cast %get3A_1502 : i32 to index
      %get3A_1504 = arith.constant 0 : index
      %get3A_1505 = tpu.vector_load %arg16[%get3A_1503, %get3A_1504] {strides = array<i32>} : memref<128x32xf32, #tpu.memory_space<vmem>>, vector<16xf32>,
      %sub3A_1506 = arith.subf %get3A_1505, %select_n3A_1393 : vector<16xf32>
      %swap3A_1507 = arith.constant 12 : i32
      %swap3A_1508 = arith.index_cast %swap3A_1507 : i32 to index
      %swap3A_1509 = arith.constant 0 : index
      %swap3A_1510 = tpu.vector_load %arg16[%swap3A_1508, %swap3A_1509] {strides = array<i32>} : memref<128x32xf32, #tpu.memory_space<vmem>>, vector<16xf32>,
      tpu.vector_store %arg16[%swap3A_1508, %swap3A_1509], %sub3A_1506 {strides = array<i32>} : memref<128x32xf32, #tpu.memory_space<vmem>>, vector<16xf32>,
      %get3A_1511 = arith.constant 13 : i32
      %get3A_1512 = arith.index_cast %get3A_1511 : i32 to index
      %get3A_1513 = arith.constant 0 : index
      %get3A_1514 = tpu.vector_load %arg16[%get3A_1512, %get3A_1513] {strides = array<i32>} : memref<128x32xf32, #tpu.memory_space<vmem>>, vector<16xf32>,
      %sub3A_1515 = arith.subf %get3A_1514, %select_n3A_1393 : vector<16xf32>
      %swap3A_1516 = arith.constant 13 : i32
      %swap3A_1517 = arith.index_cast %swap3A_1516 : i32 to index
      %swap3A_1518 = arith.constant 0 : index
      %swap3A_1519 = tpu.vector_load %arg16[%swap3A_1517, %swap3A_1518] {strides = array<i32>} : memref<128x32xf32, #tpu.memory_space<vmem>>, vector<16xf32>,
      tpu.vector_store %arg16[%swap3A_1517, %swap3A_1518], %sub3A_1515 {strides = array<i32>} : memref<128x32xf32, #tpu.memory_space<vmem>>, vector<16xf32>,
      %get3A_1520 = arith.constant 14 : i32
      %get3A_1521 = arith.index_cast %get3A_1520 : i32 to index
      %get3A_1522 = arith.constant 0 : index
      %get3A_1523 = tpu.vector_load %arg16[%get3A_1521, %get3A_1522] {strides = array<i32>} : memref<128x32xf32, #tpu.memory_space<vmem>>, vector<16xf32>,
      %sub3A_1524 = arith.subf %get3A_1523, %select_n3A_1393 : vector<16xf32>
      %swap3A_1525 = arith.constant 14 : i32
      %swap3A_1526 = arith.index_cast %swap3A_1525 : i32 to index
      %swap3A_1527 = arith.constant 0 : index
      %swap3A_1528 = tpu.vector_load %arg16[%swap3A_1526, %swap3A_1527] {strides = array<i32>} : memref<128x32xf32, #tpu.memory_space<vmem>>, vector<16xf32>,
      tpu.vector_store %arg16[%swap3A_1526, %swap3A_1527], %sub3A_1524 {strides = array<i32>} : memref<128x32xf32, #tpu.memory_space<vmem>>, vector<16xf32>,
      %get3A_1529 = arith.constant 15 : i32
      %get3A_1530 = arith.index_cast %get3A_1529 : i32 to index
      %get3A_1531 = arith.constant 0 : index
      %get3A_1532 = tpu.vector_load %arg16[%get3A_1530, %get3A_1531] {strides = array<i32>} : memref<128x32xf32, #tpu.memory_space<vmem>>, vector<16xf32>,
      %sub3A_1533 = arith.subf %get3A_1532, %select_n3A_1393 : vector<16xf32>
      %swap3A_1534 = arith.constant 15 : i32
      %swap3A_1535 = arith.index_cast %swap3A_1534 : i32 to index
      %swap3A_1536 = arith.constant 0 : index
      %swap3A_1537 = tpu.vector_load %arg16[%swap3A_1535, %swap3A_1536] {strides = array<i32>} : memref<128x32xf32, #tpu.memory_space<vmem>>, vector<16xf32>,
      tpu.vector_store %arg16[%swap3A_1535, %swap3A_1536], %sub3A_1533 {strides = array<i32>} : memref<128x32xf32, #tpu.memory_space<vmem>>, vector<16xf32>,
      %get3A_1538 = arith.constant 16 : i32
      %get3A_1539 = arith.index_cast %get3A_1538 : i32 to index
      %get3A_1540 = arith.constant 0 : index
      %get3A_1541 = tpu.vector_load %arg16[%get3A_1539, %get3A_1540] {strides = array<i32>} : memref<128x32xf32, #tpu.memory_space<vmem>>, vector<16xf32>,
      %sub3A_1542 = arith.subf %get3A_1541, %select_n3A_1393 : vector<16xf32>
      %swap3A_1543 = arith.constant 16 : i32
      %swap3A_1544 = arith.index_cast %swap3A_1543 : i32 to index
      %swap3A_1545 = arith.constant 0 : index
      %swap3A_1546 = tpu.vector_load %arg16[%swap3A_1544, %swap3A_1545] {strides = array<i32>} : memref<128x32xf32, #tpu.memory_space<vmem>>, vector<16xf32>,
      tpu.vector_store %arg16[%swap3A_1544, %swap3A_1545], %sub3A_1542 {strides = array<i32>} : memref<128x32xf32, #tpu.memory_space<vmem>>, vector<16xf32>,
      %get3A_1547 = arith.constant 17 : i32
      %get3A_1548 = arith.index_cast %get3A_1547 : i32 to index
      %get3A_1549 = arith.constant 0 : index
      %get3A_1550 = tpu.vector_load %arg16[%get3A_1548, %get3A_1549] {strides = array<i32>} : memref<128x32xf32, #tpu.memory_space<vmem>>, vector<16xf32>,
      %sub3A_1551 = arith.subf %get3A_1550, %select_n3A_1393 : vector<16xf32>
      %swap3A_1552 = arith.constant 17 : i32
      %swap3A_1553 = arith.index_cast %swap3A_1552 : i32 to index
      %swap3A_1554 = arith.constant 0 : index
      %swap3A_1555 = tpu.vector_load %arg16[%swap3A_1553, %swap3A_1554] {strides = array<i32>} : memref<128x32xf32, #tpu.memory_space<vmem>>, vector<16xf32>,
      tpu.vector_store %arg16[%swap3A_1553, %swap3A_1554], %sub3A_1551 {strides = array<i32>} : memref<128x32xf32, #tpu.memory_space<vmem>>, vector<16xf32>,
      %get3A_1556 = arith.constant 18 : i32
      %get3A_1557 = arith.index_cast %get3A_1556 : i32 to index
      %get3A_1558 = arith.constant 0 : index
      %get3A_1559 = tpu.vector_load %arg16[%get3A_1557, %get3A_1558] {strides = array<i32>} : memref<128x32xf32, #tpu.memory_space<vmem>>, vector<16xf32>,
      %sub3A_1560 = arith.subf %get3A_1559, %select_n3A_1393 : vector<16xf32>
      %swap3A_1561 = arith.constant 18 : i32
      %swap3A_1562 = arith.index_cast %swap3A_1561 : i32 to index
      %swap3A_1563 = arith.constant 0 : index
      %swap3A_1564 = tpu.vector_load %arg16[%swap3A_1562, %swap3A_1563] {strides = array<i32>} : memref<128x32xf32, #tpu.memory_space<vmem>>, vector<16xf32>,
      tpu.vector_store %arg16[%swap3A_1562, %swap3A_1563], %sub3A_1560 {strides = array<i32>} : memref<128x32xf32, #tpu.memory_space<vmem>>, vector<16xf32>,
      %get3A_1565 = arith.constant 19 : i32
      %get3A_1566 = arith.index_cast %get3A_1565 : i32 to index
      %get3A_1567 = arith.constant 0 : index
      %get3A_1568 = tpu.vector_load %arg16[%get3A_1566, %get3A_1567] {strides = array<i32>} : memref<128x32xf32, #tpu.memory_space<vmem>>, vector<16xf32>,
      %sub3A_1569 = arith.subf %get3A_1568, %select_n3A_1393 : vector<16xf32>
      %swap3A_1570 = arith.constant 19 : i32
      %swap3A_1571 = arith.index_cast %swap3A_1570 : i32 to index
      %swap3A_1572 = arith.constant 0 : index
      %swap3A_1573 = tpu.vector_load %arg16[%swap3A_1571, %swap3A_1572] {strides = array<i32>} : memref<128x32xf32, #tpu.memory_space<vmem>>, vector<16xf32>,
      tpu.vector_store %arg16[%swap3A_1571, %swap3A_1572], %sub3A_1569 {strides = array<i32>} : memref<128x32xf32, #tpu.memory_space<vmem>>, vector<16xf32>,
      %get3A_1574 = arith.constant 20 : i32
      %get3A_1575 = arith.index_cast %get3A_1574 : i32 to index
      %get3A_1576 = arith.constant 0 : index
      %get3A_1577 = tpu.vector_load %arg16[%get3A_1575, %get3A_1576] {strides = array<i32>} : memref<128x32xf32, #tpu.memory_space<vmem>>, vector<16xf32>,
      %sub3A_1578 = arith.subf %get3A_1577, %select_n3A_1393 : vector<16xf32>
      %swap3A_1579 = arith.constant 20 : i32
      %swap3A_1580 = arith.index_cast %swap3A_1579 : i32 to index
      %swap3A_1581 = arith.constant 0 : index
      %swap3A_1582 = tpu.vector_load %arg16[%swap3A_1580, %swap3A_1581] {strides = array<i32>} : memref<128x32xf32, #tpu.memory_space<vmem>>, vector<16xf32>,
      tpu.vector_store %arg16[%swap3A_1580, %swap3A_1581], %sub3A_1578 {strides = array<i32>} : memref<128x32xf32, #tpu.memory_space<vmem>>, vector<16xf32>,
      %get3A_1583 = arith.constant 21 : i32
      %get3A_1584 = arith.index_cast %get3A_1583 : i32 to index
      %get3A_1585 = arith.constant 0 : index
      %get3A_1586 = tpu.vector_load %arg16[%get3A_1584, %get3A_1585] {strides = array<i32>} : memref<128x32xf32, #tpu.memory_space<vmem>>, vector<16xf32>,
      %sub3A_1587 = arith.subf %get3A_1586, %select_n3A_1393 : vector<16xf32>
      %swap3A_1588 = arith.constant 21 : i32
      %swap3A_1589 = arith.index_cast %swap3A_1588 : i32 to index
      %swap3A_1590 = arith.constant 0 : index
      %swap3A_1591 = tpu.vector_load %arg16[%swap3A_1589, %swap3A_1590] {strides = array<i32>} : memref<128x32xf32, #tpu.memory_space<vmem>>, vector<16xf32>,
      tpu.vector_store %arg16[%swap3A_1589, %swap3A_1590], %sub3A_1587 {strides = array<i32>} : memref<128x32xf32, #tpu.memory_space<vmem>>, vector<16xf32>,
      %get3A_1592 = arith.constant 22 : i32
      %get3A_1593 = arith.index_cast %get3A_1592 : i32 to index
      %get3A_1594 = arith.constant 0 : index
      %get3A_1595 = tpu.vector_load %arg16[%get3A_1593, %get3A_1594] {strides = array<i32>} : memref<128x32xf32, #tpu.memory_space<vmem>>, vector<16xf32>,
      %sub3A_1596 = arith.subf %get3A_1595, %select_n3A_1393 : vector<16xf32>
      %swap3A_1597 = arith.constant 22 : i32
      %swap3A_1598 = arith.index_cast %swap3A_1597 : i32 to index
      %swap3A_1599 = arith.constant 0 : index
      %swap3A_1600 = tpu.vector_load %arg16[%swap3A_1598, %swap3A_1599] {strides = array<i32>} : memref<128x32xf32, #tpu.memory_space<vmem>>, vector<16xf32>,
      tpu.vector_store %arg16[%swap3A_1598, %swap3A_1599], %sub3A_1596 {strides = array<i32>} : memref<128x32xf32, #tpu.memory_space<vmem>>, vector<16xf32>,
      %get3A_1601 = arith.constant 23 : i32
      %get3A_1602 = arith.index_cast %get3A_1601 : i32 to index
      %get3A_1603 = arith.constant 0 : index
      %get3A_1604 = tpu.vector_load %arg16[%get3A_1602, %get3A_1603] {strides = array<i32>} : memref<128x32xf32, #tpu.memory_space<vmem>>, vector<16xf32>,
      %sub3A_1605 = arith.subf %get3A_1604, %select_n3A_1393 : vector<16xf32>
      %swap3A_1606 = arith.constant 23 : i32
      %swap3A_1607 = arith.index_cast %swap3A_1606 : i32 to index
      %swap3A_1608 = arith.constant 0 : index
      %swap3A_1609 = tpu.vector_load %arg16[%swap3A_1607, %swap3A_1608] {strides = array<i32>} : memref<128x32xf32, #tpu.memory_space<vmem>>, vector<16xf32>,
      tpu.vector_store %arg16[%swap3A_1607, %swap3A_1608], %sub3A_1605 {strides = array<i32>} : memref<128x32xf32, #tpu.memory_space<vmem>>, vector<16xf32>,
      %get3A_1610 = arith.constant 24 : i32
      %get3A_1611 = arith.index_cast %get3A_1610 : i32 to index
      %get3A_1612 = arith.constant 0 : index
      %get3A_1613 = tpu.vector_load %arg16[%get3A_1611, %get3A_1612] {strides = array<i32>} : memref<128x32xf32, #tpu.memory_space<vmem>>, vector<16xf32>,
      %sub3A_1614 = arith.subf %get3A_1613, %select_n3A_1393 : vector<16xf32>
      %swap3A_1615 = arith.constant 24 : i32
      %swap3A_1616 = arith.index_cast %swap3A_1615 : i32 to index
      %swap3A_1617 = arith.constant 0 : index
      %swap3A_1618 = tpu.vector_load %arg16[%swap3A_1616, %swap3A_1617] {strides = array<i32>} : memref<128x32xf32, #tpu.memory_space<vmem>>, vector<16xf32>,
      tpu.vector_store %arg16[%swap3A_1616, %swap3A_1617], %sub3A_1614 {strides = array<i32>} : memref<128x32xf32, #tpu.memory_space<vmem>>, vector<16xf32>,
      %get3A_1619 = arith.constant 25 : i32
      %get3A_1620 = arith.index_cast %get3A_1619 : i32 to index
      %get3A_1621 = arith.constant 0 : index
      %get3A_1622 = tpu.vector_load %arg16[%get3A_1620, %get3A_1621] {strides = array<i32>} : memref<128x32xf32, #tpu.memory_space<vmem>>, vector<16xf32>,
      %sub3A_1623 = arith.subf %get3A_1622, %select_n3A_1393 : vector<16xf32>
      %swap3A_1624 = arith.constant 25 : i32
      %swap3A_1625 = arith.index_cast %swap3A_1624 : i32 to index
      %swap3A_1626 = arith.constant 0 : index
      %swap3A_1627 = tpu.vector_load %arg16[%swap3A_1625, %swap3A_1626] {strides = array<i32>} : memref<128x32xf32, #tpu.memory_space<vmem>>, vector<16xf32>,
      tpu.vector_store %arg16[%swap3A_1625, %swap3A_1626], %sub3A_1623 {strides = array<i32>} : memref<128x32xf32, #tpu.memory_space<vmem>>, vector<16xf32>,
      %get3A_1628 = arith.constant 26 : i32
      %get3A_1629 = arith.index_cast %get3A_1628 : i32 to index
      %get3A_1630 = arith.constant 0 : index
      %get3A_1631 = tpu.vector_load %arg16[%get3A_1629, %get3A_1630] {strides = array<i32>} : memref<128x32xf32, #tpu.memory_space<vmem>>, vector<16xf32>,
      %sub3A_1632 = arith.subf %get3A_1631, %select_n3A_1393 : vector<16xf32>
      %swap3A_1633 = arith.constant 26 : i32
      %swap3A_1634 = arith.index_cast %swap3A_1633 : i32 to index
      %swap3A_1635 = arith.constant 0 : index
      %swap3A_1636 = tpu.vector_load %arg16[%swap3A_1634, %swap3A_1635] {strides = array<i32>} : memref<128x32xf32, #tpu.memory_space<vmem>>, vector<16xf32>,
      tpu.vector_store %arg16[%swap3A_1634, %swap3A_1635], %sub3A_1632 {strides = array<i32>} : memref<128x32xf32, #tpu.memory_space<vmem>>, vector<16xf32>,
      %get3A_1637 = arith.constant 27 : i32
      %get3A_1638 = arith.index_cast %get3A_1637 : i32 to index
      %get3A_1639 = arith.constant 0 : index
      %get3A_1640 = tpu.vector_load %arg16[%get3A_1638, %get3A_1639] {strides = array<i32>} : memref<128x32xf32, #tpu.memory_space<vmem>>, vector<16xf32>,
      %sub3A_1641 = arith.subf %get3A_1640, %select_n3A_1393 : vector<16xf32>
      %swap3A_1642 = arith.constant 27 : i32
      %swap3A_1643 = arith.index_cast %swap3A_1642 : i32 to index
      %swap3A_1644 = arith.constant 0 : index
      %swap3A_1645 = tpu.vector_load %arg16[%swap3A_1643, %swap3A_1644] {strides = array<i32>} : memref<128x32xf32, #tpu.memory_space<vmem>>, vector<16xf32>,
      tpu.vector_store %arg16[%swap3A_1643, %swap3A_1644], %sub3A_1641 {strides = array<i32>} : memref<128x32xf32, #tpu.memory_space<vmem>>, vector<16xf32>,
      %get3A_1646 = arith.constant 28 : i32
      %get3A_1647 = arith.index_cast %get3A_1646 : i32 to index
      %get3A_1648 = arith.constant 0 : index
      %get3A_1649 = tpu.vector_load %arg16[%get3A_1647, %get3A_1648] {strides = array<i32>} : memref<128x32xf32, #tpu.memory_space<vmem>>, vector<16xf32>,
      %sub3A_1650 = arith.subf %get3A_1649, %select_n3A_1393 : vector<16xf32>
      %swap3A_1651 = arith.constant 28 : i32
      %swap3A_1652 = arith.index_cast %swap3A_1651 : i32 to index
      %swap3A_1653 = arith.constant 0 : index
      %swap3A_1654 = tpu.vector_load %arg16[%swap3A_1652, %swap3A_1653] {strides = array<i32>} : memref<128x32xf32, #tpu.memory_space<vmem>>, vector<16xf32>,
      tpu.vector_store %arg16[%swap3A_1652, %swap3A_1653], %sub3A_1650 {strides = array<i32>} : memref<128x32xf32, #tpu.memory_space<vmem>>, vector<16xf32>,
      %get3A_1655 = arith.constant 29 : i32
      %get3A_1656 = arith.index_cast %get3A_1655 : i32 to index
      %get3A_1657 = arith.constant 0 : index
      %get3A_1658 = tpu.vector_load %arg16[%get3A_1656, %get3A_1657] {strides = array<i32>} : memref<128x32xf32, #tpu.memory_space<vmem>>, vector<16xf32>,
      %sub3A_1659 = arith.subf %get3A_1658, %select_n3A_1393 : vector<16xf32>
      %swap3A_1660 = arith.constant 29 : i32
      %swap3A_1661 = arith.index_cast %swap3A_1660 : i32 to index
      %swap3A_1662 = arith.constant 0 : index
      %swap3A_1663 = tpu.vector_load %arg16[%swap3A_1661, %swap3A_1662] {strides = array<i32>} : memref<128x32xf32, #tpu.memory_space<vmem>>, vector<16xf32>,
      tpu.vector_store %arg16[%swap3A_1661, %swap3A_1662], %sub3A_1659 {strides = array<i32>} : memref<128x32xf32, #tpu.memory_space<vmem>>, vector<16xf32>,
      %get3A_1664 = arith.constant 30 : i32
      %get3A_1665 = arith.index_cast %get3A_1664 : i32 to index
      %get3A_1666 = arith.constant 0 : index
      %get3A_1667 = tpu.vector_load %arg16[%get3A_1665, %get3A_1666] {strides = array<i32>} : memref<128x32xf32, #tpu.memory_space<vmem>>, vector<16xf32>,
      %sub3A_1668 = arith.subf %get3A_1667, %select_n3A_1393 : vector<16xf32>
      %swap3A_1669 = arith.constant 30 : i32
      %swap3A_1670 = arith.index_cast %swap3A_1669 : i32 to index
      %swap3A_1671 = arith.constant 0 : index
      %swap3A_1672 = tpu.vector_load %arg16[%swap3A_1670, %swap3A_1671] {strides = array<i32>} : memref<128x32xf32, #tpu.memory_space<vmem>>, vector<16xf32>,
      tpu.vector_store %arg16[%swap3A_1670, %swap3A_1671], %sub3A_1668 {strides = array<i32>} : memref<128x32xf32, #tpu.memory_space<vmem>>, vector<16xf32>,
      %get3A_1673 = arith.constant 31 : i32
      %get3A_1674 = arith.index_cast %get3A_1673 : i32 to index
      %get3A_1675 = arith.constant 0 : index
      %get3A_1676 = tpu.vector_load %arg16[%get3A_1674, %get3A_1675] {strides = array<i32>} : memref<128x32xf32, #tpu.memory_space<vmem>>, vector<16xf32>,
      %sub3A_1677 = arith.subf %get3A_1676, %select_n3A_1393 : vector<16xf32>
      %swap3A_1678 = arith.constant 31 : i32
      %swap3A_1679 = arith.index_cast %swap3A_1678 : i32 to index
      %swap3A_1680 = arith.constant 0 : index
      %swap3A_1681 = tpu.vector_load %arg16[%swap3A_1679, %swap3A_1680] {strides = array<i32>} : memref<128x32xf32, #tpu.memory_space<vmem>>, vector<16xf32>,
      tpu.vector_store %arg16[%swap3A_1679, %swap3A_1680], %sub3A_1677 {strides = array<i32>} : memref<128x32xf32, #tpu.memory_space<vmem>>, vector<16xf32>,
      %mul3A_1682 = arith.constant 4 : i32
      %mul3A_1683 = arith.muli %add3A_83, %mul3A_1682 : i32
      %add3A_1684 = arith.constant 1 : i32
      %add3A_1685 = arith.addi %mul3A_1683, %add3A_1684 : i32
      %broadcast_in_dim3A_1686 = vector.broadcast %add3A_1685 : i32 to vector<16xi32>
      %gather3A_1687 = tpu.vector_load_idx %arg9[%broadcast_in_dim3A_1686] : memref<512xf32, #tpu.memory_space<vmem>>[vector<16xi32>], vector<16xf32>,
      %broadcast_in_dim3A_1688 = vector.broadcast %add3A_1685 : i32 to vector<16xi32>
      %gather3A_1689 = tpu.vector_load_idx %arg10[%broadcast_in_dim3A_1688] : memref<512xf32, #tpu.memory_space<vmem>>[vector<16xi32>], vector<16xf32>,
      %broadcast_in_dim3A_1690 = vector.broadcast %add3A_1685 : i32 to vector<16xi32>
      %gather3A_1691 = tpu.vector_load_idx %arg11[%broadcast_in_dim3A_1690] : memref<512xf32, #tpu.memory_space<vmem>>[vector<16xi32>], vector<16xf32>,
      %eq3A_1692 = arith.constant 0 : i32
      %eq3A_1693 = vector.broadcast %eq3A_1692 : i32 to vector<16xi32>
      %eq3A_1694 = arith.cmpi eq, %iota3A, %eq3A_1693 : vector<16xi32>
      %eq3A_1695 = arith.constant 1 : i32
      %eq3A_1696 = vector.broadcast %eq3A_1695 : i32 to vector<16xi32>
      %eq3A_1697 = arith.cmpi eq, %iota3A, %eq3A_1696 : vector<16xi32>
      %eq3A_1698 = arith.constant 2 : i32
      %eq3A_1699 = vector.broadcast %eq3A_1698 : i32 to vector<16xi32>
      %eq3A_1700 = arith.cmpi eq, %iota3A, %eq3A_1699 : vector<16xi32>
      %broadcast_in_dim3A_1701 = arith.constant 0.000000e+00 : f32
      %broadcast_in_dim3A_1702 = vector.broadcast %broadcast_in_dim3A_1701 : f32 to vector<16xf32>
      %select_n3A_1703 = arith.select %eq3A_1700, %gather3A_1691, %broadcast_in_dim3A_1702 : vector<16xi1>, vector<16xf32>
      %select_n3A_1704 = arith.select %eq3A_1697, %gather3A_1689, %select_n3A_1703 : vector<16xi1>, vector<16xf32>
      %select_n3A_1705 = arith.select %eq3A_1694, %gather3A_1687, %select_n3A_1704 : vector<16xi1>, vector<16xf32>
      %get3A_1706 = arith.constant 32 : i32
      %get3A_1707 = arith.index_cast %get3A_1706 : i32 to index
      %get3A_1708 = arith.constant 0 : index
      %get3A_1709 = tpu.vector_load %arg16[%get3A_1707, %get3A_1708] {strides = array<i32>} : memref<128x32xf32, #tpu.memory_space<vmem>>, vector<16xf32>,
      %sub3A_1710 = arith.subf %get3A_1709, %select_n3A_1705 : vector<16xf32>
      %swap3A_1711 = arith.constant 32 : i32
      %swap3A_1712 = arith.index_cast %swap3A_1711 : i32 to index
      %swap3A_1713 = arith.constant 0 : index
      %swap3A_1714 = tpu.vector_load %arg16[%swap3A_1712, %swap3A_1713] {strides = array<i32>} : memref<128x32xf32, #tpu.memory_space<vmem>>, vector<16xf32>,
      tpu.vector_store %arg16[%swap3A_1712, %swap3A_1713], %sub3A_1710 {strides = array<i32>} : memref<128x32xf32, #tpu.memory_space<vmem>>, vector<16xf32>,
      %get3A_1715 = arith.constant 33 : i32
      %get3A_1716 = arith.index_cast %get3A_1715 : i32 to index
      %get3A_1717 = arith.constant 0 : index
      %get3A_1718 = tpu.vector_load %arg16[%get3A_1716, %get3A_1717] {strides = array<i32>} : memref<128x32xf32, #tpu.memory_space<vmem>>, vector<16xf32>,
      %sub3A_1719 = arith.subf %get3A_1718, %select_n3A_1705 : vector<16xf32>
      %swap3A_1720 = arith.constant 33 : i32
      %swap3A_1721 = arith.index_cast %swap3A_1720 : i32 to index
      %swap3A_1722 = arith.constant 0 : index
      %swap3A_1723 = tpu.vector_load %arg16[%swap3A_1721, %swap3A_1722] {strides = array<i32>} : memref<128x32xf32, #tpu.memory_space<vmem>>, vector<16xf32>,
      tpu.vector_store %arg16[%swap3A_1721, %swap3A_1722], %sub3A_1719 {strides = array<i32>} : memref<128x32xf32, #tpu.memory_space<vmem>>, vector<16xf32>,
      %get3A_1724 = arith.constant 34 : i32
      %get3A_1725 = arith.index_cast %get3A_1724 : i32 to index
      %get3A_1726 = arith.constant 0 : index
      %get3A_1727 = tpu.vector_load %arg16[%get3A_1725, %get3A_1726] {strides = array<i32>} : memref<128x32xf32, #tpu.memory_space<vmem>>, vector<16xf32>,
      %sub3A_1728 = arith.subf %get3A_1727, %select_n3A_1705 : vector<16xf32>
      %swap3A_1729 = arith.constant 34 : i32
      %swap3A_1730 = arith.index_cast %swap3A_1729 : i32 to index
      %swap3A_1731 = arith.constant 0 : index
      %swap3A_1732 = tpu.vector_load %arg16[%swap3A_1730, %swap3A_1731] {strides = array<i32>} : memref<128x32xf32, #tpu.memory_space<vmem>>, vector<16xf32>,
      tpu.vector_store %arg16[%swap3A_1730, %swap3A_1731], %sub3A_1728 {strides = array<i32>} : memref<128x32xf32, #tpu.memory_space<vmem>>, vector<16xf32>,
      %get3A_1733 = arith.constant 35 : i32
      %get3A_1734 = arith.index_cast %get3A_1733 : i32 to index
      %get3A_1735 = arith.constant 0 : index
      %get3A_1736 = tpu.vector_load %arg16[%get3A_1734, %get3A_1735] {strides = array<i32>} : memref<128x32xf32, #tpu.memory_space<vmem>>, vector<16xf32>,
      %sub3A_1737 = arith.subf %get3A_1736, %select_n3A_1705 : vector<16xf32>
      %swap3A_1738 = arith.constant 35 : i32
      %swap3A_1739 = arith.index_cast %swap3A_1738 : i32 to index
      %swap3A_1740 = arith.constant 0 : index
      %swap3A_1741 = tpu.vector_load %arg16[%swap3A_1739, %swap3A_1740] {strides = array<i32>} : memref<128x32xf32, #tpu.memory_space<vmem>>, vector<16xf32>,
      tpu.vector_store %arg16[%swap3A_1739, %swap3A_1740], %sub3A_1737 {strides = array<i32>} : memref<128x32xf32, #tpu.memory_space<vmem>>, vector<16xf32>,
      %get3A_1742 = arith.constant 36 : i32
      %get3A_1743 = arith.index_cast %get3A_1742 : i32 to index
      %get3A_1744 = arith.constant 0 : index
      %get3A_1745 = tpu.vector_load %arg16[%get3A_1743, %get3A_1744] {strides = array<i32>} : memref<128x32xf32, #tpu.memory_space<vmem>>, vector<16xf32>,
      %sub3A_1746 = arith.subf %get3A_1745, %select_n3A_1705 : vector<16xf32>
      %swap3A_1747 = arith.constant 36 : i32
      %swap3A_1748 = arith.index_cast %swap3A_1747 : i32 to index
      %swap3A_1749 = arith.constant 0 : index
      %swap3A_1750 = tpu.vector_load %arg16[%swap3A_1748, %swap3A_1749] {strides = array<i32>} : memref<128x32xf32, #tpu.memory_space<vmem>>, vector<16xf32>,
      tpu.vector_store %arg16[%swap3A_1748, %swap3A_1749], %sub3A_1746 {strides = array<i32>} : memref<128x32xf32, #tpu.memory_space<vmem>>, vector<16xf32>,
      %get3A_1751 = arith.constant 37 : i32
      %get3A_1752 = arith.index_cast %get3A_1751 : i32 to index
      %get3A_1753 = arith.constant 0 : index
      %get3A_1754 = tpu.vector_load %arg16[%get3A_1752, %get3A_1753] {strides = array<i32>} : memref<128x32xf32, #tpu.memory_space<vmem>>, vector<16xf32>,
      %sub3A_1755 = arith.subf %get3A_1754, %select_n3A_1705 : vector<16xf32>
      %swap3A_1756 = arith.constant 37 : i32
      %swap3A_1757 = arith.index_cast %swap3A_1756 : i32 to index
      %swap3A_1758 = arith.constant 0 : index
      %swap3A_1759 = tpu.vector_load %arg16[%swap3A_1757, %swap3A_1758] {strides = array<i32>} : memref<128x32xf32, #tpu.memory_space<vmem>>, vector<16xf32>,
      tpu.vector_store %arg16[%swap3A_1757, %swap3A_1758], %sub3A_1755 {strides = array<i32>} : memref<128x32xf32, #tpu.memory_space<vmem>>, vector<16xf32>,
      %get3A_1760 = arith.constant 38 : i32
      %get3A_1761 = arith.index_cast %get3A_1760 : i32 to index
      %get3A_1762 = arith.constant 0 : index
      %get3A_1763 = tpu.vector_load %arg16[%get3A_1761, %get3A_1762] {strides = array<i32>} : memref<128x32xf32, #tpu.memory_space<vmem>>, vector<16xf32>,
      %sub3A_1764 = arith.subf %get3A_1763, %select_n3A_1705 : vector<16xf32>
      %swap3A_1765 = arith.constant 38 : i32
      %swap3A_1766 = arith.index_cast %swap3A_1765 : i32 to index
      %swap3A_1767 = arith.constant 0 : index
      %swap3A_1768 = tpu.vector_load %arg16[%swap3A_1766, %swap3A_1767] {strides = array<i32>} : memref<128x32xf32, #tpu.memory_space<vmem>>, vector<16xf32>,
      tpu.vector_store %arg16[%swap3A_1766, %swap3A_1767], %sub3A_1764 {strides = array<i32>} : memref<128x32xf32, #tpu.memory_space<vmem>>, vector<16xf32>,
      %get3A_1769 = arith.constant 39 : i32
      %get3A_1770 = arith.index_cast %get3A_1769 : i32 to index
      %get3A_1771 = arith.constant 0 : index
      %get3A_1772 = tpu.vector_load %arg16[%get3A_1770, %get3A_1771] {strides = array<i32>} : memref<128x32xf32, #tpu.memory_space<vmem>>, vector<16xf32>,
      %sub3A_1773 = arith.subf %get3A_1772, %select_n3A_1705 : vector<16xf32>
      %swap3A_1774 = arith.constant 39 : i32
      %swap3A_1775 = arith.index_cast %swap3A_1774 : i32 to index
      %swap3A_1776 = arith.constant 0 : index
      %swap3A_1777 = tpu.vector_load %arg16[%swap3A_1775, %swap3A_1776] {strides = array<i32>} : memref<128x32xf32, #tpu.memory_space<vmem>>, vector<16xf32>,
      tpu.vector_store %arg16[%swap3A_1775, %swap3A_1776], %sub3A_1773 {strides = array<i32>} : memref<128x32xf32, #tpu.memory_space<vmem>>, vector<16xf32>,
      %get3A_1778 = arith.constant 40 : i32
      %get3A_1779 = arith.index_cast %get3A_1778 : i32 to index
      %get3A_1780 = arith.constant 0 : index
      %get3A_1781 = tpu.vector_load %arg16[%get3A_1779, %get3A_1780] {strides = array<i32>} : memref<128x32xf32, #tpu.memory_space<vmem>>, vector<16xf32>,
      %sub3A_1782 = arith.subf %get3A_1781, %select_n3A_1705 : vector<16xf32>
      %swap3A_1783 = arith.constant 40 : i32
      %swap3A_1784 = arith.index_cast %swap3A_1783 : i32 to index
      %swap3A_1785 = arith.constant 0 : index
      %swap3A_1786 = tpu.vector_load %arg16[%swap3A_1784, %swap3A_1785] {strides = array<i32>} : memref<128x32xf32, #tpu.memory_space<vmem>>, vector<16xf32>,
      tpu.vector_store %arg16[%swap3A_1784, %swap3A_1785], %sub3A_1782 {strides = array<i32>} : memref<128x32xf32, #tpu.memory_space<vmem>>, vector<16xf32>,
      %get3A_1787 = arith.constant 41 : i32
      %get3A_1788 = arith.index_cast %get3A_1787 : i32 to index
      %get3A_1789 = arith.constant 0 : index
      %get3A_1790 = tpu.vector_load %arg16[%get3A_1788, %get3A_1789] {strides = array<i32>} : memref<128x32xf32, #tpu.memory_space<vmem>>, vector<16xf32>,
      %sub3A_1791 = arith.subf %get3A_1790, %select_n3A_1705 : vector<16xf32>
      %swap3A_1792 = arith.constant 41 : i32
      %swap3A_1793 = arith.index_cast %swap3A_1792 : i32 to index
      %swap3A_1794 = arith.constant 0 : index
      %swap3A_1795 = tpu.vector_load %arg16[%swap3A_1793, %swap3A_1794] {strides = array<i32>} : memref<128x32xf32, #tpu.memory_space<vmem>>, vector<16xf32>,
      tpu.vector_store %arg16[%swap3A_1793, %swap3A_1794], %sub3A_1791 {strides = array<i32>} : memref<128x32xf32, #tpu.memory_space<vmem>>, vector<16xf32>,
      %get3A_1796 = arith.constant 42 : i32
      %get3A_1797 = arith.index_cast %get3A_1796 : i32 to index
      %get3A_1798 = arith.constant 0 : index
      %get3A_1799 = tpu.vector_load %arg16[%get3A_1797, %get3A_1798] {strides = array<i32>} : memref<128x32xf32, #tpu.memory_space<vmem>>, vector<16xf32>,
      %sub3A_1800 = arith.subf %get3A_1799, %select_n3A_1705 : vector<16xf32>
      %swap3A_1801 = arith.constant 42 : i32
      %swap3A_1802 = arith.index_cast %swap3A_1801 : i32 to index
      %swap3A_1803 = arith.constant 0 : index
      %swap3A_1804 = tpu.vector_load %arg16[%swap3A_1802, %swap3A_1803] {strides = array<i32>} : memref<128x32xf32, #tpu.memory_space<vmem>>, vector<16xf32>,
      tpu.vector_store %arg16[%swap3A_1802, %swap3A_1803], %sub3A_1800 {strides = array<i32>} : memref<128x32xf32, #tpu.memory_space<vmem>>, vector<16xf32>,
      %get3A_1805 = arith.constant 43 : i32
      %get3A_1806 = arith.index_cast %get3A_1805 : i32 to index
      %get3A_1807 = arith.constant 0 : index
      %get3A_1808 = tpu.vector_load %arg16[%get3A_1806, %get3A_1807] {strides = array<i32>} : memref<128x32xf32, #tpu.memory_space<vmem>>, vector<16xf32>,
      %sub3A_1809 = arith.subf %get3A_1808, %select_n3A_1705 : vector<16xf32>
      %swap3A_1810 = arith.constant 43 : i32
      %swap3A_1811 = arith.index_cast %swap3A_1810 : i32 to index
      %swap3A_1812 = arith.constant 0 : index
      %swap3A_1813 = tpu.vector_load %arg16[%swap3A_1811, %swap3A_1812] {strides = array<i32>} : memref<128x32xf32, #tpu.memory_space<vmem>>, vector<16xf32>,
      tpu.vector_store %arg16[%swap3A_1811, %swap3A_1812], %sub3A_1809 {strides = array<i32>} : memref<128x32xf32, #tpu.memory_space<vmem>>, vector<16xf32>,
      %get3A_1814 = arith.constant 44 : i32
      %get3A_1815 = arith.index_cast %get3A_1814 : i32 to index
      %get3A_1816 = arith.constant 0 : index
      %get3A_1817 = tpu.vector_load %arg16[%get3A_1815, %get3A_1816] {strides = array<i32>} : memref<128x32xf32, #tpu.memory_space<vmem>>, vector<16xf32>,
      %sub3A_1818 = arith.subf %get3A_1817, %select_n3A_1705 : vector<16xf32>
      %swap3A_1819 = arith.constant 44 : i32
      %swap3A_1820 = arith.index_cast %swap3A_1819 : i32 to index
      %swap3A_1821 = arith.constant 0 : index
      %swap3A_1822 = tpu.vector_load %arg16[%swap3A_1820, %swap3A_1821] {strides = array<i32>} : memref<128x32xf32, #tpu.memory_space<vmem>>, vector<16xf32>,
      tpu.vector_store %arg16[%swap3A_1820, %swap3A_1821], %sub3A_1818 {strides = array<i32>} : memref<128x32xf32, #tpu.memory_space<vmem>>, vector<16xf32>,
      %get3A_1823 = arith.constant 45 : i32
      %get3A_1824 = arith.index_cast %get3A_1823 : i32 to index
      %get3A_1825 = arith.constant 0 : index
      %get3A_1826 = tpu.vector_load %arg16[%get3A_1824, %get3A_1825] {strides = array<i32>} : memref<128x32xf32, #tpu.memory_space<vmem>>, vector<16xf32>,
      %sub3A_1827 = arith.subf %get3A_1826, %select_n3A_1705 : vector<16xf32>
      %swap3A_1828 = arith.constant 45 : i32
      %swap3A_1829 = arith.index_cast %swap3A_1828 : i32 to index
      %swap3A_1830 = arith.constant 0 : index
      %swap3A_1831 = tpu.vector_load %arg16[%swap3A_1829, %swap3A_1830] {strides = array<i32>} : memref<128x32xf32, #tpu.memory_space<vmem>>, vector<16xf32>,
      tpu.vector_store %arg16[%swap3A_1829, %swap3A_1830], %sub3A_1827 {strides = array<i32>} : memref<128x32xf32, #tpu.memory_space<vmem>>, vector<16xf32>,
      %get3A_1832 = arith.constant 46 : i32
      %get3A_1833 = arith.index_cast %get3A_1832 : i32 to index
      %get3A_1834 = arith.constant 0 : index
      %get3A_1835 = tpu.vector_load %arg16[%get3A_1833, %get3A_1834] {strides = array<i32>} : memref<128x32xf32, #tpu.memory_space<vmem>>, vector<16xf32>,
      %sub3A_1836 = arith.subf %get3A_1835, %select_n3A_1705 : vector<16xf32>
      %swap3A_1837 = arith.constant 46 : i32
      %swap3A_1838 = arith.index_cast %swap3A_1837 : i32 to index
      %swap3A_1839 = arith.constant 0 : index
      %swap3A_1840 = tpu.vector_load %arg16[%swap3A_1838, %swap3A_1839] {strides = array<i32>} : memref<128x32xf32, #tpu.memory_space<vmem>>, vector<16xf32>,
      tpu.vector_store %arg16[%swap3A_1838, %swap3A_1839], %sub3A_1836 {strides = array<i32>} : memref<128x32xf32, #tpu.memory_space<vmem>>, vector<16xf32>,
      %get3A_1841 = arith.constant 47 : i32
      %get3A_1842 = arith.index_cast %get3A_1841 : i32 to index
      %get3A_1843 = arith.constant 0 : index
      %get3A_1844 = tpu.vector_load %arg16[%get3A_1842, %get3A_1843] {strides = array<i32>} : memref<128x32xf32, #tpu.memory_space<vmem>>, vector<16xf32>,
      %sub3A_1845 = arith.subf %get3A_1844, %select_n3A_1705 : vector<16xf32>
      %swap3A_1846 = arith.constant 47 : i32
      %swap3A_1847 = arith.index_cast %swap3A_1846 : i32 to index
      %swap3A_1848 = arith.constant 0 : index
      %swap3A_1849 = tpu.vector_load %arg16[%swap3A_1847, %swap3A_1848] {strides = array<i32>} : memref<128x32xf32, #tpu.memory_space<vmem>>, vector<16xf32>,
      tpu.vector_store %arg16[%swap3A_1847, %swap3A_1848], %sub3A_1845 {strides = array<i32>} : memref<128x32xf32, #tpu.memory_space<vmem>>, vector<16xf32>,
      %get3A_1850 = arith.constant 48 : i32
      %get3A_1851 = arith.index_cast %get3A_1850 : i32 to index
      %get3A_1852 = arith.constant 0 : index
      %get3A_1853 = tpu.vector_load %arg16[%get3A_1851, %get3A_1852] {strides = array<i32>} : memref<128x32xf32, #tpu.memory_space<vmem>>, vector<16xf32>,
      %sub3A_1854 = arith.subf %get3A_1853, %select_n3A_1705 : vector<16xf32>
      %swap3A_1855 = arith.constant 48 : i32
      %swap3A_1856 = arith.index_cast %swap3A_1855 : i32 to index
      %swap3A_1857 = arith.constant 0 : index
      %swap3A_1858 = tpu.vector_load %arg16[%swap3A_1856, %swap3A_1857] {strides = array<i32>} : memref<128x32xf32, #tpu.memory_space<vmem>>, vector<16xf32>,
      tpu.vector_store %arg16[%swap3A_1856, %swap3A_1857], %sub3A_1854 {strides = array<i32>} : memref<128x32xf32, #tpu.memory_space<vmem>>, vector<16xf32>,
      %get3A_1859 = arith.constant 49 : i32
      %get3A_1860 = arith.index_cast %get3A_1859 : i32 to index
      %get3A_1861 = arith.constant 0 : index
      %get3A_1862 = tpu.vector_load %arg16[%get3A_1860, %get3A_1861] {strides = array<i32>} : memref<128x32xf32, #tpu.memory_space<vmem>>, vector<16xf32>,
      %sub3A_1863 = arith.subf %get3A_1862, %select_n3A_1705 : vector<16xf32>
      %swap3A_1864 = arith.constant 49 : i32
      %swap3A_1865 = arith.index_cast %swap3A_1864 : i32 to index
      %swap3A_1866 = arith.constant 0 : index
      %swap3A_1867 = tpu.vector_load %arg16[%swap3A_1865, %swap3A_1866] {strides = array<i32>} : memref<128x32xf32, #tpu.memory_space<vmem>>, vector<16xf32>,
      tpu.vector_store %arg16[%swap3A_1865, %swap3A_1866], %sub3A_1863 {strides = array<i32>} : memref<128x32xf32, #tpu.memory_space<vmem>>, vector<16xf32>,
      %get3A_1868 = arith.constant 50 : i32
      %get3A_1869 = arith.index_cast %get3A_1868 : i32 to index
      %get3A_1870 = arith.constant 0 : index
      %get3A_1871 = tpu.vector_load %arg16[%get3A_1869, %get3A_1870] {strides = array<i32>} : memref<128x32xf32, #tpu.memory_space<vmem>>, vector<16xf32>,
      %sub3A_1872 = arith.subf %get3A_1871, %select_n3A_1705 : vector<16xf32>
      %swap3A_1873 = arith.constant 50 : i32
      %swap3A_1874 = arith.index_cast %swap3A_1873 : i32 to index
      %swap3A_1875 = arith.constant 0 : index
      %swap3A_1876 = tpu.vector_load %arg16[%swap3A_1874, %swap3A_1875] {strides = array<i32>} : memref<128x32xf32, #tpu.memory_space<vmem>>, vector<16xf32>,
      tpu.vector_store %arg16[%swap3A_1874, %swap3A_1875], %sub3A_1872 {strides = array<i32>} : memref<128x32xf32, #tpu.memory_space<vmem>>, vector<16xf32>,
      %get3A_1877 = arith.constant 51 : i32
      %get3A_1878 = arith.index_cast %get3A_1877 : i32 to index
      %get3A_1879 = arith.constant 0 : index
      %get3A_1880 = tpu.vector_load %arg16[%get3A_1878, %get3A_1879] {strides = array<i32>} : memref<128x32xf32, #tpu.memory_space<vmem>>, vector<16xf32>,
      %sub3A_1881 = arith.subf %get3A_1880, %select_n3A_1705 : vector<16xf32>
      %swap3A_1882 = arith.constant 51 : i32
      %swap3A_1883 = arith.index_cast %swap3A_1882 : i32 to index
      %swap3A_1884 = arith.constant 0 : index
      %swap3A_1885 = tpu.vector_load %arg16[%swap3A_1883, %swap3A_1884] {strides = array<i32>} : memref<128x32xf32, #tpu.memory_space<vmem>>, vector<16xf32>,
      tpu.vector_store %arg16[%swap3A_1883, %swap3A_1884], %sub3A_1881 {strides = array<i32>} : memref<128x32xf32, #tpu.memory_space<vmem>>, vector<16xf32>,
      %get3A_1886 = arith.constant 52 : i32
      %get3A_1887 = arith.index_cast %get3A_1886 : i32 to index
      %get3A_1888 = arith.constant 0 : index
      %get3A_1889 = tpu.vector_load %arg16[%get3A_1887, %get3A_1888] {strides = array<i32>} : memref<128x32xf32, #tpu.memory_space<vmem>>, vector<16xf32>,
      %sub3A_1890 = arith.subf %get3A_1889, %select_n3A_1705 : vector<16xf32>
      %swap3A_1891 = arith.constant 52 : i32
      %swap3A_1892 = arith.index_cast %swap3A_1891 : i32 to index
      %swap3A_1893 = arith.constant 0 : index
      %swap3A_1894 = tpu.vector_load %arg16[%swap3A_1892, %swap3A_1893] {strides = array<i32>} : memref<128x32xf32, #tpu.memory_space<vmem>>, vector<16xf32>,
      tpu.vector_store %arg16[%swap3A_1892, %swap3A_1893], %sub3A_1890 {strides = array<i32>} : memref<128x32xf32, #tpu.memory_space<vmem>>, vector<16xf32>,
      %get3A_1895 = arith.constant 53 : i32
      %get3A_1896 = arith.index_cast %get3A_1895 : i32 to index
      %get3A_1897 = arith.constant 0 : index
      %get3A_1898 = tpu.vector_load %arg16[%get3A_1896, %get3A_1897] {strides = array<i32>} : memref<128x32xf32, #tpu.memory_space<vmem>>, vector<16xf32>,
      %sub3A_1899 = arith.subf %get3A_1898, %select_n3A_1705 : vector<16xf32>
      %swap3A_1900 = arith.constant 53 : i32
      %swap3A_1901 = arith.index_cast %swap3A_1900 : i32 to index
      %swap3A_1902 = arith.constant 0 : index
      %swap3A_1903 = tpu.vector_load %arg16[%swap3A_1901, %swap3A_1902] {strides = array<i32>} : memref<128x32xf32, #tpu.memory_space<vmem>>, vector<16xf32>,
      tpu.vector_store %arg16[%swap3A_1901, %swap3A_1902], %sub3A_1899 {strides = array<i32>} : memref<128x32xf32, #tpu.memory_space<vmem>>, vector<16xf32>,
      %get3A_1904 = arith.constant 54 : i32
      %get3A_1905 = arith.index_cast %get3A_1904 : i32 to index
      %get3A_1906 = arith.constant 0 : index
      %get3A_1907 = tpu.vector_load %arg16[%get3A_1905, %get3A_1906] {strides = array<i32>} : memref<128x32xf32, #tpu.memory_space<vmem>>, vector<16xf32>,
      %sub3A_1908 = arith.subf %get3A_1907, %select_n3A_1705 : vector<16xf32>
      %swap3A_1909 = arith.constant 54 : i32
      %swap3A_1910 = arith.index_cast %swap3A_1909 : i32 to index
      %swap3A_1911 = arith.constant 0 : index
      %swap3A_1912 = tpu.vector_load %arg16[%swap3A_1910, %swap3A_1911] {strides = array<i32>} : memref<128x32xf32, #tpu.memory_space<vmem>>, vector<16xf32>,
      tpu.vector_store %arg16[%swap3A_1910, %swap3A_1911], %sub3A_1908 {strides = array<i32>} : memref<128x32xf32, #tpu.memory_space<vmem>>, vector<16xf32>,
      %get3A_1913 = arith.constant 55 : i32
      %get3A_1914 = arith.index_cast %get3A_1913 : i32 to index
      %get3A_1915 = arith.constant 0 : index
      %get3A_1916 = tpu.vector_load %arg16[%get3A_1914, %get3A_1915] {strides = array<i32>} : memref<128x32xf32, #tpu.memory_space<vmem>>, vector<16xf32>,
      %sub3A_1917 = arith.subf %get3A_1916, %select_n3A_1705 : vector<16xf32>
      %swap3A_1918 = arith.constant 55 : i32
      %swap3A_1919 = arith.index_cast %swap3A_1918 : i32 to index
      %swap3A_1920 = arith.constant 0 : index
      %swap3A_1921 = tpu.vector_load %arg16[%swap3A_1919, %swap3A_1920] {strides = array<i32>} : memref<128x32xf32, #tpu.memory_space<vmem>>, vector<16xf32>,
      tpu.vector_store %arg16[%swap3A_1919, %swap3A_1920], %sub3A_1917 {strides = array<i32>} : memref<128x32xf32, #tpu.memory_space<vmem>>, vector<16xf32>,
      %get3A_1922 = arith.constant 56 : i32
      %get3A_1923 = arith.index_cast %get3A_1922 : i32 to index
      %get3A_1924 = arith.constant 0 : index
      %get3A_1925 = tpu.vector_load %arg16[%get3A_1923, %get3A_1924] {strides = array<i32>} : memref<128x32xf32, #tpu.memory_space<vmem>>, vector<16xf32>,
      %sub3A_1926 = arith.subf %get3A_1925, %select_n3A_1705 : vector<16xf32>
      %swap3A_1927 = arith.constant 56 : i32
      %swap3A_1928 = arith.index_cast %swap3A_1927 : i32 to index
      %swap3A_1929 = arith.constant 0 : index
      %swap3A_1930 = tpu.vector_load %arg16[%swap3A_1928, %swap3A_1929] {strides = array<i32>} : memref<128x32xf32, #tpu.memory_space<vmem>>, vector<16xf32>,
      tpu.vector_store %arg16[%swap3A_1928, %swap3A_1929], %sub3A_1926 {strides = array<i32>} : memref<128x32xf32, #tpu.memory_space<vmem>>, vector<16xf32>,
      %get3A_1931 = arith.constant 57 : i32
      %get3A_1932 = arith.index_cast %get3A_1931 : i32 to index
      %get3A_1933 = arith.constant 0 : index
      %get3A_1934 = tpu.vector_load %arg16[%get3A_1932, %get3A_1933] {strides = array<i32>} : memref<128x32xf32, #tpu.memory_space<vmem>>, vector<16xf32>,
      %sub3A_1935 = arith.subf %get3A_1934, %select_n3A_1705 : vector<16xf32>
      %swap3A_1936 = arith.constant 57 : i32
      %swap3A_1937 = arith.index_cast %swap3A_1936 : i32 to index
      %swap3A_1938 = arith.constant 0 : index
      %swap3A_1939 = tpu.vector_load %arg16[%swap3A_1937, %swap3A_1938] {strides = array<i32>} : memref<128x32xf32, #tpu.memory_space<vmem>>, vector<16xf32>,
      tpu.vector_store %arg16[%swap3A_1937, %swap3A_1938], %sub3A_1935 {strides = array<i32>} : memref<128x32xf32, #tpu.memory_space<vmem>>, vector<16xf32>,
      %get3A_1940 = arith.constant 58 : i32
      %get3A_1941 = arith.index_cast %get3A_1940 : i32 to index
      %get3A_1942 = arith.constant 0 : index
      %get3A_1943 = tpu.vector_load %arg16[%get3A_1941, %get3A_1942] {strides = array<i32>} : memref<128x32xf32, #tpu.memory_space<vmem>>, vector<16xf32>,
      %sub3A_1944 = arith.subf %get3A_1943, %select_n3A_1705 : vector<16xf32>
      %swap3A_1945 = arith.constant 58 : i32
      %swap3A_1946 = arith.index_cast %swap3A_1945 : i32 to index
      %swap3A_1947 = arith.constant 0 : index
      %swap3A_1948 = tpu.vector_load %arg16[%swap3A_1946, %swap3A_1947] {strides = array<i32>} : memref<128x32xf32, #tpu.memory_space<vmem>>, vector<16xf32>,
      tpu.vector_store %arg16[%swap3A_1946, %swap3A_1947], %sub3A_1944 {strides = array<i32>} : memref<128x32xf32, #tpu.memory_space<vmem>>, vector<16xf32>,
      %get3A_1949 = arith.constant 59 : i32
      %get3A_1950 = arith.index_cast %get3A_1949 : i32 to index
      %get3A_1951 = arith.constant 0 : index
      %get3A_1952 = tpu.vector_load %arg16[%get3A_1950, %get3A_1951] {strides = array<i32>} : memref<128x32xf32, #tpu.memory_space<vmem>>, vector<16xf32>,
      %sub3A_1953 = arith.subf %get3A_1952, %select_n3A_1705 : vector<16xf32>
      %swap3A_1954 = arith.constant 59 : i32
      %swap3A_1955 = arith.index_cast %swap3A_1954 : i32 to index
      %swap3A_1956 = arith.constant 0 : index
      %swap3A_1957 = tpu.vector_load %arg16[%swap3A_1955, %swap3A_1956] {strides = array<i32>} : memref<128x32xf32, #tpu.memory_space<vmem>>, vector<16xf32>,
      tpu.vector_store %arg16[%swap3A_1955, %swap3A_1956], %sub3A_1953 {strides = array<i32>} : memref<128x32xf32, #tpu.memory_space<vmem>>, vector<16xf32>,
      %get3A_1958 = arith.constant 60 : i32
      %get3A_1959 = arith.index_cast %get3A_1958 : i32 to index
      %get3A_1960 = arith.constant 0 : index
      %get3A_1961 = tpu.vector_load %arg16[%get3A_1959, %get3A_1960] {strides = array<i32>} : memref<128x32xf32, #tpu.memory_space<vmem>>, vector<16xf32>,
      %sub3A_1962 = arith.subf %get3A_1961, %select_n3A_1705 : vector<16xf32>
      %swap3A_1963 = arith.constant 60 : i32
      %swap3A_1964 = arith.index_cast %swap3A_1963 : i32 to index
      %swap3A_1965 = arith.constant 0 : index
      %swap3A_1966 = tpu.vector_load %arg16[%swap3A_1964, %swap3A_1965] {strides = array<i32>} : memref<128x32xf32, #tpu.memory_space<vmem>>, vector<16xf32>,
      tpu.vector_store %arg16[%swap3A_1964, %swap3A_1965], %sub3A_1962 {strides = array<i32>} : memref<128x32xf32, #tpu.memory_space<vmem>>, vector<16xf32>,
      %get3A_1967 = arith.constant 61 : i32
      %get3A_1968 = arith.index_cast %get3A_1967 : i32 to index
      %get3A_1969 = arith.constant 0 : index
      %get3A_1970 = tpu.vector_load %arg16[%get3A_1968, %get3A_1969] {strides = array<i32>} : memref<128x32xf32, #tpu.memory_space<vmem>>, vector<16xf32>,
      %sub3A_1971 = arith.subf %get3A_1970, %select_n3A_1705 : vector<16xf32>
      %swap3A_1972 = arith.constant 61 : i32
      %swap3A_1973 = arith.index_cast %swap3A_1972 : i32 to index
      %swap3A_1974 = arith.constant 0 : index
      %swap3A_1975 = tpu.vector_load %arg16[%swap3A_1973, %swap3A_1974] {strides = array<i32>} : memref<128x32xf32, #tpu.memory_space<vmem>>, vector<16xf32>,
      tpu.vector_store %arg16[%swap3A_1973, %swap3A_1974], %sub3A_1971 {strides = array<i32>} : memref<128x32xf32, #tpu.memory_space<vmem>>, vector<16xf32>,
      %get3A_1976 = arith.constant 62 : i32
      %get3A_1977 = arith.index_cast %get3A_1976 : i32 to index
      %get3A_1978 = arith.constant 0 : index
      %get3A_1979 = tpu.vector_load %arg16[%get3A_1977, %get3A_1978] {strides = array<i32>} : memref<128x32xf32, #tpu.memory_space<vmem>>, vector<16xf32>,
      %sub3A_1980 = arith.subf %get3A_1979, %select_n3A_1705 : vector<16xf32>
      %swap3A_1981 = arith.constant 62 : i32
      %swap3A_1982 = arith.index_cast %swap3A_1981 : i32 to index
      %swap3A_1983 = arith.constant 0 : index
      %swap3A_1984 = tpu.vector_load %arg16[%swap3A_1982, %swap3A_1983] {strides = array<i32>} : memref<128x32xf32, #tpu.memory_space<vmem>>, vector<16xf32>,
      tpu.vector_store %arg16[%swap3A_1982, %swap3A_1983], %sub3A_1980 {strides = array<i32>} : memref<128x32xf32, #tpu.memory_space<vmem>>, vector<16xf32>,
      %get3A_1985 = arith.constant 63 : i32
      %get3A_1986 = arith.index_cast %get3A_1985 : i32 to index
      %get3A_1987 = arith.constant 0 : index
      %get3A_1988 = tpu.vector_load %arg16[%get3A_1986, %get3A_1987] {strides = array<i32>} : memref<128x32xf32, #tpu.memory_space<vmem>>, vector<16xf32>,
      %sub3A_1989 = arith.subf %get3A_1988, %select_n3A_1705 : vector<16xf32>
      %swap3A_1990 = arith.constant 63 : i32
      %swap3A_1991 = arith.index_cast %swap3A_1990 : i32 to index
      %swap3A_1992 = arith.constant 0 : index
      %swap3A_1993 = tpu.vector_load %arg16[%swap3A_1991, %swap3A_1992] {strides = array<i32>} : memref<128x32xf32, #tpu.memory_space<vmem>>, vector<16xf32>,
      tpu.vector_store %arg16[%swap3A_1991, %swap3A_1992], %sub3A_1989 {strides = array<i32>} : memref<128x32xf32, #tpu.memory_space<vmem>>, vector<16xf32>,
      %mul3A_1994 = arith.constant 4 : i32
      %mul3A_1995 = arith.muli %add3A_83, %mul3A_1994 : i32
      %add3A_1996 = arith.constant 2 : i32
      %add3A_1997 = arith.addi %mul3A_1995, %add3A_1996 : i32
      %broadcast_in_dim3A_1998 = vector.broadcast %add3A_1997 : i32 to vector<16xi32>
      %gather3A_1999 = tpu.vector_load_idx %arg9[%broadcast_in_dim3A_1998] : memref<512xf32, #tpu.memory_space<vmem>>[vector<16xi32>], vector<16xf32>,
      %broadcast_in_dim3A_2000 = vector.broadcast %add3A_1997 : i32 to vector<16xi32>
      %gather3A_2001 = tpu.vector_load_idx %arg10[%broadcast_in_dim3A_2000] : memref<512xf32, #tpu.memory_space<vmem>>[vector<16xi32>], vector<16xf32>,
      %broadcast_in_dim3A_2002 = vector.broadcast %add3A_1997 : i32 to vector<16xi32>
      %gather3A_2003 = tpu.vector_load_idx %arg11[%broadcast_in_dim3A_2002] : memref<512xf32, #tpu.memory_space<vmem>>[vector<16xi32>], vector<16xf32>,
      %eq3A_2004 = arith.constant 0 : i32
      %eq3A_2005 = vector.broadcast %eq3A_2004 : i32 to vector<16xi32>
      %eq3A_2006 = arith.cmpi eq, %iota3A, %eq3A_2005 : vector<16xi32>
      %eq3A_2007 = arith.constant 1 : i32
      %eq3A_2008 = vector.broadcast %eq3A_2007 : i32 to vector<16xi32>
      %eq3A_2009 = arith.cmpi eq, %iota3A, %eq3A_2008 : vector<16xi32>
      %eq3A_2010 = arith.constant 2 : i32
      %eq3A_2011 = vector.broadcast %eq3A_2010 : i32 to vector<16xi32>
      %eq3A_2012 = arith.cmpi eq, %iota3A, %eq3A_2011 : vector<16xi32>
      %broadcast_in_dim3A_2013 = arith.constant 0.000000e+00 : f32
      %broadcast_in_dim3A_2014 = vector.broadcast %broadcast_in_dim3A_2013 : f32 to vector<16xf32>
      %select_n3A_2015 = arith.select %eq3A_2012, %gather3A_2003, %broadcast_in_dim3A_2014 : vector<16xi1>, vector<16xf32>
      %select_n3A_2016 = arith.select %eq3A_2009, %gather3A_2001, %select_n3A_2015 : vector<16xi1>, vector<16xf32>
      %select_n3A_2017 = arith.select %eq3A_2006, %gather3A_1999, %select_n3A_2016 : vector<16xi1>, vector<16xf32>
      %get3A_2018 = arith.constant 64 : i32
      %get3A_2019 = arith.index_cast %get3A_2018 : i32 to index
      %get3A_2020 = arith.constant 0 : index
      %get3A_2021 = tpu.vector_load %arg16[%get3A_2019, %get3A_2020] {strides = array<i32>} : memref<128x32xf32, #tpu.memory_space<vmem>>, vector<16xf32>,
      %sub3A_2022 = arith.subf %get3A_2021, %select_n3A_2017 : vector<16xf32>
      %swap3A_2023 = arith.constant 64 : i32
      %swap3A_2024 = arith.index_cast %swap3A_2023 : i32 to index
      %swap3A_2025 = arith.constant 0 : index
      %swap3A_2026 = tpu.vector_load %arg16[%swap3A_2024, %swap3A_2025] {strides = array<i32>} : memref<128x32xf32, #tpu.memory_space<vmem>>, vector<16xf32>,
      tpu.vector_store %arg16[%swap3A_2024, %swap3A_2025], %sub3A_2022 {strides = array<i32>} : memref<128x32xf32, #tpu.memory_space<vmem>>, vector<16xf32>,
      %get3A_2027 = arith.constant 65 : i32
      %get3A_2028 = arith.index_cast %get3A_2027 : i32 to index
      %get3A_2029 = arith.constant 0 : index
      %get3A_2030 = tpu.vector_load %arg16[%get3A_2028, %get3A_2029] {strides = array<i32>} : memref<128x32xf32, #tpu.memory_space<vmem>>, vector<16xf32>,
      %sub3A_2031 = arith.subf %get3A_2030, %select_n3A_2017 : vector<16xf32>
      %swap3A_2032 = arith.constant 65 : i32
      %swap3A_2033 = arith.index_cast %swap3A_2032 : i32 to index
      %swap3A_2034 = arith.constant 0 : index
      %swap3A_2035 = tpu.vector_load %arg16[%swap3A_2033, %swap3A_2034] {strides = array<i32>} : memref<128x32xf32, #tpu.memory_space<vmem>>, vector<16xf32>,
      tpu.vector_store %arg16[%swap3A_2033, %swap3A_2034], %sub3A_2031 {strides = array<i32>} : memref<128x32xf32, #tpu.memory_space<vmem>>, vector<16xf32>,
      %get3A_2036 = arith.constant 66 : i32
      %get3A_2037 = arith.index_cast %get3A_2036 : i32 to index
      %get3A_2038 = arith.constant 0 : index
      %get3A_2039 = tpu.vector_load %arg16[%get3A_2037, %get3A_2038] {strides = array<i32>} : memref<128x32xf32, #tpu.memory_space<vmem>>, vector<16xf32>,
      %sub3A_2040 = arith.subf %get3A_2039, %select_n3A_2017 : vector<16xf32>
      %swap3A_2041 = arith.constant 66 : i32
      %swap3A_2042 = arith.index_cast %swap3A_2041 : i32 to index
      %swap3A_2043 = arith.constant 0 : index
      %swap3A_2044 = tpu.vector_load %arg16[%swap3A_2042, %swap3A_2043] {strides = array<i32>} : memref<128x32xf32, #tpu.memory_space<vmem>>, vector<16xf32>,
      tpu.vector_store %arg16[%swap3A_2042, %swap3A_2043], %sub3A_2040 {strides = array<i32>} : memref<128x32xf32, #tpu.memory_space<vmem>>, vector<16xf32>,
      %get3A_2045 = arith.constant 67 : i32
      %get3A_2046 = arith.index_cast %get3A_2045 : i32 to index
      %get3A_2047 = arith.constant 0 : index
      %get3A_2048 = tpu.vector_load %arg16[%get3A_2046, %get3A_2047] {strides = array<i32>} : memref<128x32xf32, #tpu.memory_space<vmem>>, vector<16xf32>,
      %sub3A_2049 = arith.subf %get3A_2048, %select_n3A_2017 : vector<16xf32>
      %swap3A_2050 = arith.constant 67 : i32
      %swap3A_2051 = arith.index_cast %swap3A_2050 : i32 to index
      %swap3A_2052 = arith.constant 0 : index
      %swap3A_2053 = tpu.vector_load %arg16[%swap3A_2051, %swap3A_2052] {strides = array<i32>} : memref<128x32xf32, #tpu.memory_space<vmem>>, vector<16xf32>,
      tpu.vector_store %arg16[%swap3A_2051, %swap3A_2052], %sub3A_2049 {strides = array<i32>} : memref<128x32xf32, #tpu.memory_space<vmem>>, vector<16xf32>,
      %get3A_2054 = arith.constant 68 : i32
      %get3A_2055 = arith.index_cast %get3A_2054 : i32 to index
      %get3A_2056 = arith.constant 0 : index
      %get3A_2057 = tpu.vector_load %arg16[%get3A_2055, %get3A_2056] {strides = array<i32>} : memref<128x32xf32, #tpu.memory_space<vmem>>, vector<16xf32>,
      %sub3A_2058 = arith.subf %get3A_2057, %select_n3A_2017 : vector<16xf32>
      %swap3A_2059 = arith.constant 68 : i32
      %swap3A_2060 = arith.index_cast %swap3A_2059 : i32 to index
      %swap3A_2061 = arith.constant 0 : index
      %swap3A_2062 = tpu.vector_load %arg16[%swap3A_2060, %swap3A_2061] {strides = array<i32>} : memref<128x32xf32, #tpu.memory_space<vmem>>, vector<16xf32>,
      tpu.vector_store %arg16[%swap3A_2060, %swap3A_2061], %sub3A_2058 {strides = array<i32>} : memref<128x32xf32, #tpu.memory_space<vmem>>, vector<16xf32>,
      %get3A_2063 = arith.constant 69 : i32
      %get3A_2064 = arith.index_cast %get3A_2063 : i32 to index
      %get3A_2065 = arith.constant 0 : index
      %get3A_2066 = tpu.vector_load %arg16[%get3A_2064, %get3A_2065] {strides = array<i32>} : memref<128x32xf32, #tpu.memory_space<vmem>>, vector<16xf32>,
      %sub3A_2067 = arith.subf %get3A_2066, %select_n3A_2017 : vector<16xf32>
      %swap3A_2068 = arith.constant 69 : i32
      %swap3A_2069 = arith.index_cast %swap3A_2068 : i32 to index
      %swap3A_2070 = arith.constant 0 : index
      %swap3A_2071 = tpu.vector_load %arg16[%swap3A_2069, %swap3A_2070] {strides = array<i32>} : memref<128x32xf32, #tpu.memory_space<vmem>>, vector<16xf32>,
      tpu.vector_store %arg16[%swap3A_2069, %swap3A_2070], %sub3A_2067 {strides = array<i32>} : memref<128x32xf32, #tpu.memory_space<vmem>>, vector<16xf32>,
      %get3A_2072 = arith.constant 70 : i32
      %get3A_2073 = arith.index_cast %get3A_2072 : i32 to index
      %get3A_2074 = arith.constant 0 : index
      %get3A_2075 = tpu.vector_load %arg16[%get3A_2073, %get3A_2074] {strides = array<i32>} : memref<128x32xf32, #tpu.memory_space<vmem>>, vector<16xf32>,
      %sub3A_2076 = arith.subf %get3A_2075, %select_n3A_2017 : vector<16xf32>
      %swap3A_2077 = arith.constant 70 : i32
      %swap3A_2078 = arith.index_cast %swap3A_2077 : i32 to index
      %swap3A_2079 = arith.constant 0 : index
      %swap3A_2080 = tpu.vector_load %arg16[%swap3A_2078, %swap3A_2079] {strides = array<i32>} : memref<128x32xf32, #tpu.memory_space<vmem>>, vector<16xf32>,
      tpu.vector_store %arg16[%swap3A_2078, %swap3A_2079], %sub3A_2076 {strides = array<i32>} : memref<128x32xf32, #tpu.memory_space<vmem>>, vector<16xf32>,
      %get3A_2081 = arith.constant 71 : i32
      %get3A_2082 = arith.index_cast %get3A_2081 : i32 to index
      %get3A_2083 = arith.constant 0 : index
      %get3A_2084 = tpu.vector_load %arg16[%get3A_2082, %get3A_2083] {strides = array<i32>} : memref<128x32xf32, #tpu.memory_space<vmem>>, vector<16xf32>,
      %sub3A_2085 = arith.subf %get3A_2084, %select_n3A_2017 : vector<16xf32>
      %swap3A_2086 = arith.constant 71 : i32
      %swap3A_2087 = arith.index_cast %swap3A_2086 : i32 to index
      %swap3A_2088 = arith.constant 0 : index
      %swap3A_2089 = tpu.vector_load %arg16[%swap3A_2087, %swap3A_2088] {strides = array<i32>} : memref<128x32xf32, #tpu.memory_space<vmem>>, vector<16xf32>,
      tpu.vector_store %arg16[%swap3A_2087, %swap3A_2088], %sub3A_2085 {strides = array<i32>} : memref<128x32xf32, #tpu.memory_space<vmem>>, vector<16xf32>,
      %get3A_2090 = arith.constant 72 : i32
      %get3A_2091 = arith.index_cast %get3A_2090 : i32 to index
      %get3A_2092 = arith.constant 0 : index
      %get3A_2093 = tpu.vector_load %arg16[%get3A_2091, %get3A_2092] {strides = array<i32>} : memref<128x32xf32, #tpu.memory_space<vmem>>, vector<16xf32>,
      %sub3A_2094 = arith.subf %get3A_2093, %select_n3A_2017 : vector<16xf32>
      %swap3A_2095 = arith.constant 72 : i32
      %swap3A_2096 = arith.index_cast %swap3A_2095 : i32 to index
      %swap3A_2097 = arith.constant 0 : index
      %swap3A_2098 = tpu.vector_load %arg16[%swap3A_2096, %swap3A_2097] {strides = array<i32>} : memref<128x32xf32, #tpu.memory_space<vmem>>, vector<16xf32>,
      tpu.vector_store %arg16[%swap3A_2096, %swap3A_2097], %sub3A_2094 {strides = array<i32>} : memref<128x32xf32, #tpu.memory_space<vmem>>, vector<16xf32>,
      %get3A_2099 = arith.constant 73 : i32
      %get3A_2100 = arith.index_cast %get3A_2099 : i32 to index
      %get3A_2101 = arith.constant 0 : index
      %get3A_2102 = tpu.vector_load %arg16[%get3A_2100, %get3A_2101] {strides = array<i32>} : memref<128x32xf32, #tpu.memory_space<vmem>>, vector<16xf32>,
      %sub3A_2103 = arith.subf %get3A_2102, %select_n3A_2017 : vector<16xf32>
      %swap3A_2104 = arith.constant 73 : i32
      %swap3A_2105 = arith.index_cast %swap3A_2104 : i32 to index
      %swap3A_2106 = arith.constant 0 : index
      %swap3A_2107 = tpu.vector_load %arg16[%swap3A_2105, %swap3A_2106] {strides = array<i32>} : memref<128x32xf32, #tpu.memory_space<vmem>>, vector<16xf32>,
      tpu.vector_store %arg16[%swap3A_2105, %swap3A_2106], %sub3A_2103 {strides = array<i32>} : memref<128x32xf32, #tpu.memory_space<vmem>>, vector<16xf32>,
      %get3A_2108 = arith.constant 74 : i32
      %get3A_2109 = arith.index_cast %get3A_2108 : i32 to index
      %get3A_2110 = arith.constant 0 : index
      %get3A_2111 = tpu.vector_load %arg16[%get3A_2109, %get3A_2110] {strides = array<i32>} : memref<128x32xf32, #tpu.memory_space<vmem>>, vector<16xf32>,
      %sub3A_2112 = arith.subf %get3A_2111, %select_n3A_2017 : vector<16xf32>
      %swap3A_2113 = arith.constant 74 : i32
      %swap3A_2114 = arith.index_cast %swap3A_2113 : i32 to index
      %swap3A_2115 = arith.constant 0 : index
      %swap3A_2116 = tpu.vector_load %arg16[%swap3A_2114, %swap3A_2115] {strides = array<i32>} : memref<128x32xf32, #tpu.memory_space<vmem>>, vector<16xf32>,
      tpu.vector_store %arg16[%swap3A_2114, %swap3A_2115], %sub3A_2112 {strides = array<i32>} : memref<128x32xf32, #tpu.memory_space<vmem>>, vector<16xf32>,
      %get3A_2117 = arith.constant 75 : i32
      %get3A_2118 = arith.index_cast %get3A_2117 : i32 to index
      %get3A_2119 = arith.constant 0 : index
      %get3A_2120 = tpu.vector_load %arg16[%get3A_2118, %get3A_2119] {strides = array<i32>} : memref<128x32xf32, #tpu.memory_space<vmem>>, vector<16xf32>,
      %sub3A_2121 = arith.subf %get3A_2120, %select_n3A_2017 : vector<16xf32>
      %swap3A_2122 = arith.constant 75 : i32
      %swap3A_2123 = arith.index_cast %swap3A_2122 : i32 to index
      %swap3A_2124 = arith.constant 0 : index
      %swap3A_2125 = tpu.vector_load %arg16[%swap3A_2123, %swap3A_2124] {strides = array<i32>} : memref<128x32xf32, #tpu.memory_space<vmem>>, vector<16xf32>,
      tpu.vector_store %arg16[%swap3A_2123, %swap3A_2124], %sub3A_2121 {strides = array<i32>} : memref<128x32xf32, #tpu.memory_space<vmem>>, vector<16xf32>,
      %get3A_2126 = arith.constant 76 : i32
      %get3A_2127 = arith.index_cast %get3A_2126 : i32 to index
      %get3A_2128 = arith.constant 0 : index
      %get3A_2129 = tpu.vector_load %arg16[%get3A_2127, %get3A_2128] {strides = array<i32>} : memref<128x32xf32, #tpu.memory_space<vmem>>, vector<16xf32>,
      %sub3A_2130 = arith.subf %get3A_2129, %select_n3A_2017 : vector<16xf32>
      %swap3A_2131 = arith.constant 76 : i32
      %swap3A_2132 = arith.index_cast %swap3A_2131 : i32 to index
      %swap3A_2133 = arith.constant 0 : index
      %swap3A_2134 = tpu.vector_load %arg16[%swap3A_2132, %swap3A_2133] {strides = array<i32>} : memref<128x32xf32, #tpu.memory_space<vmem>>, vector<16xf32>,
      tpu.vector_store %arg16[%swap3A_2132, %swap3A_2133], %sub3A_2130 {strides = array<i32>} : memref<128x32xf32, #tpu.memory_space<vmem>>, vector<16xf32>,
      %get3A_2135 = arith.constant 77 : i32
      %get3A_2136 = arith.index_cast %get3A_2135 : i32 to index
      %get3A_2137 = arith.constant 0 : index
      %get3A_2138 = tpu.vector_load %arg16[%get3A_2136, %get3A_2137] {strides = array<i32>} : memref<128x32xf32, #tpu.memory_space<vmem>>, vector<16xf32>,
      %sub3A_2139 = arith.subf %get3A_2138, %select_n3A_2017 : vector<16xf32>
      %swap3A_2140 = arith.constant 77 : i32
      %swap3A_2141 = arith.index_cast %swap3A_2140 : i32 to index
      %swap3A_2142 = arith.constant 0 : index
      %swap3A_2143 = tpu.vector_load %arg16[%swap3A_2141, %swap3A_2142] {strides = array<i32>} : memref<128x32xf32, #tpu.memory_space<vmem>>, vector<16xf32>,
      tpu.vector_store %arg16[%swap3A_2141, %swap3A_2142], %sub3A_2139 {strides = array<i32>} : memref<128x32xf32, #tpu.memory_space<vmem>>, vector<16xf32>,
      %get3A_2144 = arith.constant 78 : i32
      %get3A_2145 = arith.index_cast %get3A_2144 : i32 to index
      %get3A_2146 = arith.constant 0 : index
      %get3A_2147 = tpu.vector_load %arg16[%get3A_2145, %get3A_2146] {strides = array<i32>} : memref<128x32xf32, #tpu.memory_space<vmem>>, vector<16xf32>,
      %sub3A_2148 = arith.subf %get3A_2147, %select_n3A_2017 : vector<16xf32>
      %swap3A_2149 = arith.constant 78 : i32
      %swap3A_2150 = arith.index_cast %swap3A_2149 : i32 to index
      %swap3A_2151 = arith.constant 0 : index
      %swap3A_2152 = tpu.vector_load %arg16[%swap3A_2150, %swap3A_2151] {strides = array<i32>} : memref<128x32xf32, #tpu.memory_space<vmem>>, vector<16xf32>,
      tpu.vector_store %arg16[%swap3A_2150, %swap3A_2151], %sub3A_2148 {strides = array<i32>} : memref<128x32xf32, #tpu.memory_space<vmem>>, vector<16xf32>,
      %get3A_2153 = arith.constant 79 : i32
      %get3A_2154 = arith.index_cast %get3A_2153 : i32 to index
      %get3A_2155 = arith.constant 0 : index
      %get3A_2156 = tpu.vector_load %arg16[%get3A_2154, %get3A_2155] {strides = array<i32>} : memref<128x32xf32, #tpu.memory_space<vmem>>, vector<16xf32>,
      %sub3A_2157 = arith.subf %get3A_2156, %select_n3A_2017 : vector<16xf32>
      %swap3A_2158 = arith.constant 79 : i32
      %swap3A_2159 = arith.index_cast %swap3A_2158 : i32 to index
      %swap3A_2160 = arith.constant 0 : index
      %swap3A_2161 = tpu.vector_load %arg16[%swap3A_2159, %swap3A_2160] {strides = array<i32>} : memref<128x32xf32, #tpu.memory_space<vmem>>, vector<16xf32>,
      tpu.vector_store %arg16[%swap3A_2159, %swap3A_2160], %sub3A_2157 {strides = array<i32>} : memref<128x32xf32, #tpu.memory_space<vmem>>, vector<16xf32>,
      %get3A_2162 = arith.constant 80 : i32
      %get3A_2163 = arith.index_cast %get3A_2162 : i32 to index
      %get3A_2164 = arith.constant 0 : index
      %get3A_2165 = tpu.vector_load %arg16[%get3A_2163, %get3A_2164] {strides = array<i32>} : memref<128x32xf32, #tpu.memory_space<vmem>>, vector<16xf32>,
      %sub3A_2166 = arith.subf %get3A_2165, %select_n3A_2017 : vector<16xf32>
      %swap3A_2167 = arith.constant 80 : i32
      %swap3A_2168 = arith.index_cast %swap3A_2167 : i32 to index
      %swap3A_2169 = arith.constant 0 : index
      %swap3A_2170 = tpu.vector_load %arg16[%swap3A_2168, %swap3A_2169] {strides = array<i32>} : memref<128x32xf32, #tpu.memory_space<vmem>>, vector<16xf32>,
      tpu.vector_store %arg16[%swap3A_2168, %swap3A_2169], %sub3A_2166 {strides = array<i32>} : memref<128x32xf32, #tpu.memory_space<vmem>>, vector<16xf32>,
      %get3A_2171 = arith.constant 81 : i32
      %get3A_2172 = arith.index_cast %get3A_2171 : i32 to index
      %get3A_2173 = arith.constant 0 : index
      %get3A_2174 = tpu.vector_load %arg16[%get3A_2172, %get3A_2173] {strides = array<i32>} : memref<128x32xf32, #tpu.memory_space<vmem>>, vector<16xf32>,
      %sub3A_2175 = arith.subf %get3A_2174, %select_n3A_2017 : vector<16xf32>
      %swap3A_2176 = arith.constant 81 : i32
      %swap3A_2177 = arith.index_cast %swap3A_2176 : i32 to index
      %swap3A_2178 = arith.constant 0 : index
      %swap3A_2179 = tpu.vector_load %arg16[%swap3A_2177, %swap3A_2178] {strides = array<i32>} : memref<128x32xf32, #tpu.memory_space<vmem>>, vector<16xf32>,
      tpu.vector_store %arg16[%swap3A_2177, %swap3A_2178], %sub3A_2175 {strides = array<i32>} : memref<128x32xf32, #tpu.memory_space<vmem>>, vector<16xf32>,
      %get3A_2180 = arith.constant 82 : i32
      %get3A_2181 = arith.index_cast %get3A_2180 : i32 to index
      %get3A_2182 = arith.constant 0 : index
      %get3A_2183 = tpu.vector_load %arg16[%get3A_2181, %get3A_2182] {strides = array<i32>} : memref<128x32xf32, #tpu.memory_space<vmem>>, vector<16xf32>,
      %sub3A_2184 = arith.subf %get3A_2183, %select_n3A_2017 : vector<16xf32>
      %swap3A_2185 = arith.constant 82 : i32
      %swap3A_2186 = arith.index_cast %swap3A_2185 : i32 to index
      %swap3A_2187 = arith.constant 0 : index
      %swap3A_2188 = tpu.vector_load %arg16[%swap3A_2186, %swap3A_2187] {strides = array<i32>} : memref<128x32xf32, #tpu.memory_space<vmem>>, vector<16xf32>,
      tpu.vector_store %arg16[%swap3A_2186, %swap3A_2187], %sub3A_2184 {strides = array<i32>} : memref<128x32xf32, #tpu.memory_space<vmem>>, vector<16xf32>,
      %get3A_2189 = arith.constant 83 : i32
      %get3A_2190 = arith.index_cast %get3A_2189 : i32 to index
      %get3A_2191 = arith.constant 0 : index
      %get3A_2192 = tpu.vector_load %arg16[%get3A_2190, %get3A_2191] {strides = array<i32>} : memref<128x32xf32, #tpu.memory_space<vmem>>, vector<16xf32>,
      %sub3A_2193 = arith.subf %get3A_2192, %select_n3A_2017 : vector<16xf32>
      %swap3A_2194 = arith.constant 83 : i32
      %swap3A_2195 = arith.index_cast %swap3A_2194 : i32 to index
      %swap3A_2196 = arith.constant 0 : index
      %swap3A_2197 = tpu.vector_load %arg16[%swap3A_2195, %swap3A_2196] {strides = array<i32>} : memref<128x32xf32, #tpu.memory_space<vmem>>, vector<16xf32>,
      tpu.vector_store %arg16[%swap3A_2195, %swap3A_2196], %sub3A_2193 {strides = array<i32>} : memref<128x32xf32, #tpu.memory_space<vmem>>, vector<16xf32>,
      %get3A_2198 = arith.constant 84 : i32
      %get3A_2199 = arith.index_cast %get3A_2198 : i32 to index
      %get3A_2200 = arith.constant 0 : index
      %get3A_2201 = tpu.vector_load %arg16[%get3A_2199, %get3A_2200] {strides = array<i32>} : memref<128x32xf32, #tpu.memory_space<vmem>>, vector<16xf32>,
      %sub3A_2202 = arith.subf %get3A_2201, %select_n3A_2017 : vector<16xf32>
      %swap3A_2203 = arith.constant 84 : i32
      %swap3A_2204 = arith.index_cast %swap3A_2203 : i32 to index
      %swap3A_2205 = arith.constant 0 : index
      %swap3A_2206 = tpu.vector_load %arg16[%swap3A_2204, %swap3A_2205] {strides = array<i32>} : memref<128x32xf32, #tpu.memory_space<vmem>>, vector<16xf32>,
      tpu.vector_store %arg16[%swap3A_2204, %swap3A_2205], %sub3A_2202 {strides = array<i32>} : memref<128x32xf32, #tpu.memory_space<vmem>>, vector<16xf32>,
      %get3A_2207 = arith.constant 85 : i32
      %get3A_2208 = arith.index_cast %get3A_2207 : i32 to index
      %get3A_2209 = arith.constant 0 : index
      %get3A_2210 = tpu.vector_load %arg16[%get3A_2208, %get3A_2209] {strides = array<i32>} : memref<128x32xf32, #tpu.memory_space<vmem>>, vector<16xf32>,
      %sub3A_2211 = arith.subf %get3A_2210, %select_n3A_2017 : vector<16xf32>
      %swap3A_2212 = arith.constant 85 : i32
      %swap3A_2213 = arith.index_cast %swap3A_2212 : i32 to index
      %swap3A_2214 = arith.constant 0 : index
      %swap3A_2215 = tpu.vector_load %arg16[%swap3A_2213, %swap3A_2214] {strides = array<i32>} : memref<128x32xf32, #tpu.memory_space<vmem>>, vector<16xf32>,
      tpu.vector_store %arg16[%swap3A_2213, %swap3A_2214], %sub3A_2211 {strides = array<i32>} : memref<128x32xf32, #tpu.memory_space<vmem>>, vector<16xf32>,
      %get3A_2216 = arith.constant 86 : i32
      %get3A_2217 = arith.index_cast %get3A_2216 : i32 to index
      %get3A_2218 = arith.constant 0 : index
      %get3A_2219 = tpu.vector_load %arg16[%get3A_2217, %get3A_2218] {strides = array<i32>} : memref<128x32xf32, #tpu.memory_space<vmem>>, vector<16xf32>,
      %sub3A_2220 = arith.subf %get3A_2219, %select_n3A_2017 : vector<16xf32>
      %swap3A_2221 = arith.constant 86 : i32
      %swap3A_2222 = arith.index_cast %swap3A_2221 : i32 to index
      %swap3A_2223 = arith.constant 0 : index
      %swap3A_2224 = tpu.vector_load %arg16[%swap3A_2222, %swap3A_2223] {strides = array<i32>} : memref<128x32xf32, #tpu.memory_space<vmem>>, vector<16xf32>,
      tpu.vector_store %arg16[%swap3A_2222, %swap3A_2223], %sub3A_2220 {strides = array<i32>} : memref<128x32xf32, #tpu.memory_space<vmem>>, vector<16xf32>,
      %get3A_2225 = arith.constant 87 : i32
      %get3A_2226 = arith.index_cast %get3A_2225 : i32 to index
      %get3A_2227 = arith.constant 0 : index
      %get3A_2228 = tpu.vector_load %arg16[%get3A_2226, %get3A_2227] {strides = array<i32>} : memref<128x32xf32, #tpu.memory_space<vmem>>, vector<16xf32>,
      %sub3A_2229 = arith.subf %get3A_2228, %select_n3A_2017 : vector<16xf32>
      %swap3A_2230 = arith.constant 87 : i32
      %swap3A_2231 = arith.index_cast %swap3A_2230 : i32 to index
      %swap3A_2232 = arith.constant 0 : index
      %swap3A_2233 = tpu.vector_load %arg16[%swap3A_2231, %swap3A_2232] {strides = array<i32>} : memref<128x32xf32, #tpu.memory_space<vmem>>, vector<16xf32>,
      tpu.vector_store %arg16[%swap3A_2231, %swap3A_2232], %sub3A_2229 {strides = array<i32>} : memref<128x32xf32, #tpu.memory_space<vmem>>, vector<16xf32>,
      %get3A_2234 = arith.constant 88 : i32
      %get3A_2235 = arith.index_cast %get3A_2234 : i32 to index
      %get3A_2236 = arith.constant 0 : index
      %get3A_2237 = tpu.vector_load %arg16[%get3A_2235, %get3A_2236] {strides = array<i32>} : memref<128x32xf32, #tpu.memory_space<vmem>>, vector<16xf32>,
      %sub3A_2238 = arith.subf %get3A_2237, %select_n3A_2017 : vector<16xf32>
      %swap3A_2239 = arith.constant 88 : i32
      %swap3A_2240 = arith.index_cast %swap3A_2239 : i32 to index
      %swap3A_2241 = arith.constant 0 : index
      %swap3A_2242 = tpu.vector_load %arg16[%swap3A_2240, %swap3A_2241] {strides = array<i32>} : memref<128x32xf32, #tpu.memory_space<vmem>>, vector<16xf32>,
      tpu.vector_store %arg16[%swap3A_2240, %swap3A_2241], %sub3A_2238 {strides = array<i32>} : memref<128x32xf32, #tpu.memory_space<vmem>>, vector<16xf32>,
      %get3A_2243 = arith.constant 89 : i32
      %get3A_2244 = arith.index_cast %get3A_2243 : i32 to index
      %get3A_2245 = arith.constant 0 : index
      %get3A_2246 = tpu.vector_load %arg16[%get3A_2244, %get3A_2245] {strides = array<i32>} : memref<128x32xf32, #tpu.memory_space<vmem>>, vector<16xf32>,
      %sub3A_2247 = arith.subf %get3A_2246, %select_n3A_2017 : vector<16xf32>
      %swap3A_2248 = arith.constant 89 : i32
      %swap3A_2249 = arith.index_cast %swap3A_2248 : i32 to index
      %swap3A_2250 = arith.constant 0 : index
      %swap3A_2251 = tpu.vector_load %arg16[%swap3A_2249, %swap3A_2250] {strides = array<i32>} : memref<128x32xf32, #tpu.memory_space<vmem>>, vector<16xf32>,
      tpu.vector_store %arg16[%swap3A_2249, %swap3A_2250], %sub3A_2247 {strides = array<i32>} : memref<128x32xf32, #tpu.memory_space<vmem>>, vector<16xf32>,
      %get3A_2252 = arith.constant 90 : i32
      %get3A_2253 = arith.index_cast %get3A_2252 : i32 to index
      %get3A_2254 = arith.constant 0 : index
      %get3A_2255 = tpu.vector_load %arg16[%get3A_2253, %get3A_2254] {strides = array<i32>} : memref<128x32xf32, #tpu.memory_space<vmem>>, vector<16xf32>,
      %sub3A_2256 = arith.subf %get3A_2255, %select_n3A_2017 : vector<16xf32>
      %swap3A_2257 = arith.constant 90 : i32
      %swap3A_2258 = arith.index_cast %swap3A_2257 : i32 to index
      %swap3A_2259 = arith.constant 0 : index
      %swap3A_2260 = tpu.vector_load %arg16[%swap3A_2258, %swap3A_2259] {strides = array<i32>} : memref<128x32xf32, #tpu.memory_space<vmem>>, vector<16xf32>,
      tpu.vector_store %arg16[%swap3A_2258, %swap3A_2259], %sub3A_2256 {strides = array<i32>} : memref<128x32xf32, #tpu.memory_space<vmem>>, vector<16xf32>,
      %get3A_2261 = arith.constant 91 : i32
      %get3A_2262 = arith.index_cast %get3A_2261 : i32 to index
      %get3A_2263 = arith.constant 0 : index
      %get3A_2264 = tpu.vector_load %arg16[%get3A_2262, %get3A_2263] {strides = array<i32>} : memref<128x32xf32, #tpu.memory_space<vmem>>, vector<16xf32>,
      %sub3A_2265 = arith.subf %get3A_2264, %select_n3A_2017 : vector<16xf32>
      %swap3A_2266 = arith.constant 91 : i32
      %swap3A_2267 = arith.index_cast %swap3A_2266 : i32 to index
      %swap3A_2268 = arith.constant 0 : index
      %swap3A_2269 = tpu.vector_load %arg16[%swap3A_2267, %swap3A_2268] {strides = array<i32>} : memref<128x32xf32, #tpu.memory_space<vmem>>, vector<16xf32>,
      tpu.vector_store %arg16[%swap3A_2267, %swap3A_2268], %sub3A_2265 {strides = array<i32>} : memref<128x32xf32, #tpu.memory_space<vmem>>, vector<16xf32>,
      %get3A_2270 = arith.constant 92 : i32
      %get3A_2271 = arith.index_cast %get3A_2270 : i32 to index
      %get3A_2272 = arith.constant 0 : index
      %get3A_2273 = tpu.vector_load %arg16[%get3A_2271, %get3A_2272] {strides = array<i32>} : memref<128x32xf32, #tpu.memory_space<vmem>>, vector<16xf32>,
      %sub3A_2274 = arith.subf %get3A_2273, %select_n3A_2017 : vector<16xf32>
      %swap3A_2275 = arith.constant 92 : i32
      %swap3A_2276 = arith.index_cast %swap3A_2275 : i32 to index
      %swap3A_2277 = arith.constant 0 : index
      %swap3A_2278 = tpu.vector_load %arg16[%swap3A_2276, %swap3A_2277] {strides = array<i32>} : memref<128x32xf32, #tpu.memory_space<vmem>>, vector<16xf32>,
      tpu.vector_store %arg16[%swap3A_2276, %swap3A_2277], %sub3A_2274 {strides = array<i32>} : memref<128x32xf32, #tpu.memory_space<vmem>>, vector<16xf32>,
      %get3A_2279 = arith.constant 93 : i32
      %get3A_2280 = arith.index_cast %get3A_2279 : i32 to index
      %get3A_2281 = arith.constant 0 : index
      %get3A_2282 = tpu.vector_load %arg16[%get3A_2280, %get3A_2281] {strides = array<i32>} : memref<128x32xf32, #tpu.memory_space<vmem>>, vector<16xf32>,
      %sub3A_2283 = arith.subf %get3A_2282, %select_n3A_2017 : vector<16xf32>
      %swap3A_2284 = arith.constant 93 : i32
      %swap3A_2285 = arith.index_cast %swap3A_2284 : i32 to index
      %swap3A_2286 = arith.constant 0 : index
      %swap3A_2287 = tpu.vector_load %arg16[%swap3A_2285, %swap3A_2286] {strides = array<i32>} : memref<128x32xf32, #tpu.memory_space<vmem>>, vector<16xf32>,
      tpu.vector_store %arg16[%swap3A_2285, %swap3A_2286], %sub3A_2283 {strides = array<i32>} : memref<128x32xf32, #tpu.memory_space<vmem>>, vector<16xf32>,
      %get3A_2288 = arith.constant 94 : i32
      %get3A_2289 = arith.index_cast %get3A_2288 : i32 to index
      %get3A_2290 = arith.constant 0 : index
      %get3A_2291 = tpu.vector_load %arg16[%get3A_2289, %get3A_2290] {strides = array<i32>} : memref<128x32xf32, #tpu.memory_space<vmem>>, vector<16xf32>,
      %sub3A_2292 = arith.subf %get3A_2291, %select_n3A_2017 : vector<16xf32>
      %swap3A_2293 = arith.constant 94 : i32
      %swap3A_2294 = arith.index_cast %swap3A_2293 : i32 to index
      %swap3A_2295 = arith.constant 0 : index
      %swap3A_2296 = tpu.vector_load %arg16[%swap3A_2294, %swap3A_2295] {strides = array<i32>} : memref<128x32xf32, #tpu.memory_space<vmem>>, vector<16xf32>,
      tpu.vector_store %arg16[%swap3A_2294, %swap3A_2295], %sub3A_2292 {strides = array<i32>} : memref<128x32xf32, #tpu.memory_space<vmem>>, vector<16xf32>,
      %get3A_2297 = arith.constant 95 : i32
      %get3A_2298 = arith.index_cast %get3A_2297 : i32 to index
      %get3A_2299 = arith.constant 0 : index
      %get3A_2300 = tpu.vector_load %arg16[%get3A_2298, %get3A_2299] {strides = array<i32>} : memref<128x32xf32, #tpu.memory_space<vmem>>, vector<16xf32>,
      %sub3A_2301 = arith.subf %get3A_2300, %select_n3A_2017 : vector<16xf32>
      %swap3A_2302 = arith.constant 95 : i32
      %swap3A_2303 = arith.index_cast %swap3A_2302 : i32 to index
      %swap3A_2304 = arith.constant 0 : index
      %swap3A_2305 = tpu.vector_load %arg16[%swap3A_2303, %swap3A_2304] {strides = array<i32>} : memref<128x32xf32, #tpu.memory_space<vmem>>, vector<16xf32>,
      tpu.vector_store %arg16[%swap3A_2303, %swap3A_2304], %sub3A_2301 {strides = array<i32>} : memref<128x32xf32, #tpu.memory_space<vmem>>, vector<16xf32>,
      %mul3A_2306 = arith.constant 4 : i32
      %mul3A_2307 = arith.muli %add3A_83, %mul3A_2306 : i32
      %add3A_2308 = arith.constant 3 : i32
      %add3A_2309 = arith.addi %mul3A_2307, %add3A_2308 : i32
      %broadcast_in_dim3A_2310 = vector.broadcast %add3A_2309 : i32 to vector<16xi32>
      %gather3A_2311 = tpu.vector_load_idx %arg9[%broadcast_in_dim3A_2310] : memref<512xf32, #tpu.memory_space<vmem>>[vector<16xi32>], vector<16xf32>,
      %broadcast_in_dim3A_2312 = vector.broadcast %add3A_2309 : i32 to vector<16xi32>
      %gather3A_2313 = tpu.vector_load_idx %arg10[%broadcast_in_dim3A_2312] : memref<512xf32, #tpu.memory_space<vmem>>[vector<16xi32>], vector<16xf32>,
      %broadcast_in_dim3A_2314 = vector.broadcast %add3A_2309 : i32 to vector<16xi32>
      %gather3A_2315 = tpu.vector_load_idx %arg11[%broadcast_in_dim3A_2314] : memref<512xf32, #tpu.memory_space<vmem>>[vector<16xi32>], vector<16xf32>,
      %eq3A_2316 = arith.constant 0 : i32
      %eq3A_2317 = vector.broadcast %eq3A_2316 : i32 to vector<16xi32>
      %eq3A_2318 = arith.cmpi eq, %iota3A, %eq3A_2317 : vector<16xi32>
      %eq3A_2319 = arith.constant 1 : i32
      %eq3A_2320 = vector.broadcast %eq3A_2319 : i32 to vector<16xi32>
      %eq3A_2321 = arith.cmpi eq, %iota3A, %eq3A_2320 : vector<16xi32>
      %eq3A_2322 = arith.constant 2 : i32
      %eq3A_2323 = vector.broadcast %eq3A_2322 : i32 to vector<16xi32>
      %eq3A_2324 = arith.cmpi eq, %iota3A, %eq3A_2323 : vector<16xi32>
      %broadcast_in_dim3A_2325 = arith.constant 0.000000e+00 : f32
      %broadcast_in_dim3A_2326 = vector.broadcast %broadcast_in_dim3A_2325 : f32 to vector<16xf32>
      %select_n3A_2327 = arith.select %eq3A_2324, %gather3A_2315, %broadcast_in_dim3A_2326 : vector<16xi1>, vector<16xf32>
      %select_n3A_2328 = arith.select %eq3A_2321, %gather3A_2313, %select_n3A_2327 : vector<16xi1>, vector<16xf32>
      %select_n3A_2329 = arith.select %eq3A_2318, %gather3A_2311, %select_n3A_2328 : vector<16xi1>, vector<16xf32>
      %get3A_2330 = arith.constant 96 : i32
      %get3A_2331 = arith.index_cast %get3A_2330 : i32 to index
      %get3A_2332 = arith.constant 0 : index
      %get3A_2333 = tpu.vector_load %arg16[%get3A_2331, %get3A_2332] {strides = array<i32>} : memref<128x32xf32, #tpu.memory_space<vmem>>, vector<16xf32>,
      %sub3A_2334 = arith.subf %get3A_2333, %select_n3A_2329 : vector<16xf32>
      %swap3A_2335 = arith.constant 96 : i32
      %swap3A_2336 = arith.index_cast %swap3A_2335 : i32 to index
      %swap3A_2337 = arith.constant 0 : index
      %swap3A_2338 = tpu.vector_load %arg16[%swap3A_2336, %swap3A_2337] {strides = array<i32>} : memref<128x32xf32, #tpu.memory_space<vmem>>, vector<16xf32>,
      tpu.vector_store %arg16[%swap3A_2336, %swap3A_2337], %sub3A_2334 {strides = array<i32>} : memref<128x32xf32, #tpu.memory_space<vmem>>, vector<16xf32>,
      %get3A_2339 = arith.constant 97 : i32
      %get3A_2340 = arith.index_cast %get3A_2339 : i32 to index
      %get3A_2341 = arith.constant 0 : index
      %get3A_2342 = tpu.vector_load %arg16[%get3A_2340, %get3A_2341] {strides = array<i32>} : memref<128x32xf32, #tpu.memory_space<vmem>>, vector<16xf32>,
      %sub3A_2343 = arith.subf %get3A_2342, %select_n3A_2329 : vector<16xf32>
      %swap3A_2344 = arith.constant 97 : i32
      %swap3A_2345 = arith.index_cast %swap3A_2344 : i32 to index
      %swap3A_2346 = arith.constant 0 : index
      %swap3A_2347 = tpu.vector_load %arg16[%swap3A_2345, %swap3A_2346] {strides = array<i32>} : memref<128x32xf32, #tpu.memory_space<vmem>>, vector<16xf32>,
      tpu.vector_store %arg16[%swap3A_2345, %swap3A_2346], %sub3A_2343 {strides = array<i32>} : memref<128x32xf32, #tpu.memory_space<vmem>>, vector<16xf32>,
      %get3A_2348 = arith.constant 98 : i32
      %get3A_2349 = arith.index_cast %get3A_2348 : i32 to index
      %get3A_2350 = arith.constant 0 : index
      %get3A_2351 = tpu.vector_load %arg16[%get3A_2349, %get3A_2350] {strides = array<i32>} : memref<128x32xf32, #tpu.memory_space<vmem>>, vector<16xf32>,
      %sub3A_2352 = arith.subf %get3A_2351, %select_n3A_2329 : vector<16xf32>
      %swap3A_2353 = arith.constant 98 : i32
      %swap3A_2354 = arith.index_cast %swap3A_2353 : i32 to index
      %swap3A_2355 = arith.constant 0 : index
      %swap3A_2356 = tpu.vector_load %arg16[%swap3A_2354, %swap3A_2355] {strides = array<i32>} : memref<128x32xf32, #tpu.memory_space<vmem>>, vector<16xf32>,
      tpu.vector_store %arg16[%swap3A_2354, %swap3A_2355], %sub3A_2352 {strides = array<i32>} : memref<128x32xf32, #tpu.memory_space<vmem>>, vector<16xf32>,
      %get3A_2357 = arith.constant 99 : i32
      %get3A_2358 = arith.index_cast %get3A_2357 : i32 to index
      %get3A_2359 = arith.constant 0 : index
      %get3A_2360 = tpu.vector_load %arg16[%get3A_2358, %get3A_2359] {strides = array<i32>} : memref<128x32xf32, #tpu.memory_space<vmem>>, vector<16xf32>,
      %sub3A_2361 = arith.subf %get3A_2360, %select_n3A_2329 : vector<16xf32>
      %swap3A_2362 = arith.constant 99 : i32
      %swap3A_2363 = arith.index_cast %swap3A_2362 : i32 to index
      %swap3A_2364 = arith.constant 0 : index
      %swap3A_2365 = tpu.vector_load %arg16[%swap3A_2363, %swap3A_2364] {strides = array<i32>} : memref<128x32xf32, #tpu.memory_space<vmem>>, vector<16xf32>,
      tpu.vector_store %arg16[%swap3A_2363, %swap3A_2364], %sub3A_2361 {strides = array<i32>} : memref<128x32xf32, #tpu.memory_space<vmem>>, vector<16xf32>,
      %get3A_2366 = arith.constant 100 : i32
      %get3A_2367 = arith.index_cast %get3A_2366 : i32 to index
      %get3A_2368 = arith.constant 0 : index
      %get3A_2369 = tpu.vector_load %arg16[%get3A_2367, %get3A_2368] {strides = array<i32>} : memref<128x32xf32, #tpu.memory_space<vmem>>, vector<16xf32>,
      %sub3A_2370 = arith.subf %get3A_2369, %select_n3A_2329 : vector<16xf32>
      %swap3A_2371 = arith.constant 100 : i32
      %swap3A_2372 = arith.index_cast %swap3A_2371 : i32 to index
      %swap3A_2373 = arith.constant 0 : index
      %swap3A_2374 = tpu.vector_load %arg16[%swap3A_2372, %swap3A_2373] {strides = array<i32>} : memref<128x32xf32, #tpu.memory_space<vmem>>, vector<16xf32>,
      tpu.vector_store %arg16[%swap3A_2372, %swap3A_2373], %sub3A_2370 {strides = array<i32>} : memref<128x32xf32, #tpu.memory_space<vmem>>, vector<16xf32>,
      %get3A_2375 = arith.constant 101 : i32
      %get3A_2376 = arith.index_cast %get3A_2375 : i32 to index
      %get3A_2377 = arith.constant 0 : index
      %get3A_2378 = tpu.vector_load %arg16[%get3A_2376, %get3A_2377] {strides = array<i32>} : memref<128x32xf32, #tpu.memory_space<vmem>>, vector<16xf32>,
      %sub3A_2379 = arith.subf %get3A_2378, %select_n3A_2329 : vector<16xf32>
      %swap3A_2380 = arith.constant 101 : i32
      %swap3A_2381 = arith.index_cast %swap3A_2380 : i32 to index
      %swap3A_2382 = arith.constant 0 : index
      %swap3A_2383 = tpu.vector_load %arg16[%swap3A_2381, %swap3A_2382] {strides = array<i32>} : memref<128x32xf32, #tpu.memory_space<vmem>>, vector<16xf32>,
      tpu.vector_store %arg16[%swap3A_2381, %swap3A_2382], %sub3A_2379 {strides = array<i32>} : memref<128x32xf32, #tpu.memory_space<vmem>>, vector<16xf32>,
      %get3A_2384 = arith.constant 102 : i32
      %get3A_2385 = arith.index_cast %get3A_2384 : i32 to index
      %get3A_2386 = arith.constant 0 : index
      %get3A_2387 = tpu.vector_load %arg16[%get3A_2385, %get3A_2386] {strides = array<i32>} : memref<128x32xf32, #tpu.memory_space<vmem>>, vector<16xf32>,
      %sub3A_2388 = arith.subf %get3A_2387, %select_n3A_2329 : vector<16xf32>
      %swap3A_2389 = arith.constant 102 : i32
      %swap3A_2390 = arith.index_cast %swap3A_2389 : i32 to index
      %swap3A_2391 = arith.constant 0 : index
      %swap3A_2392 = tpu.vector_load %arg16[%swap3A_2390, %swap3A_2391] {strides = array<i32>} : memref<128x32xf32, #tpu.memory_space<vmem>>, vector<16xf32>,
      tpu.vector_store %arg16[%swap3A_2390, %swap3A_2391], %sub3A_2388 {strides = array<i32>} : memref<128x32xf32, #tpu.memory_space<vmem>>, vector<16xf32>,
      %get3A_2393 = arith.constant 103 : i32
      %get3A_2394 = arith.index_cast %get3A_2393 : i32 to index
      %get3A_2395 = arith.constant 0 : index
      %get3A_2396 = tpu.vector_load %arg16[%get3A_2394, %get3A_2395] {strides = array<i32>} : memref<128x32xf32, #tpu.memory_space<vmem>>, vector<16xf32>,
      %sub3A_2397 = arith.subf %get3A_2396, %select_n3A_2329 : vector<16xf32>
      %swap3A_2398 = arith.constant 103 : i32
      %swap3A_2399 = arith.index_cast %swap3A_2398 : i32 to index
      %swap3A_2400 = arith.constant 0 : index
      %swap3A_2401 = tpu.vector_load %arg16[%swap3A_2399, %swap3A_2400] {strides = array<i32>} : memref<128x32xf32, #tpu.memory_space<vmem>>, vector<16xf32>,
      tpu.vector_store %arg16[%swap3A_2399, %swap3A_2400], %sub3A_2397 {strides = array<i32>} : memref<128x32xf32, #tpu.memory_space<vmem>>, vector<16xf32>,
      %get3A_2402 = arith.constant 104 : i32
      %get3A_2403 = arith.index_cast %get3A_2402 : i32 to index
      %get3A_2404 = arith.constant 0 : index
      %get3A_2405 = tpu.vector_load %arg16[%get3A_2403, %get3A_2404] {strides = array<i32>} : memref<128x32xf32, #tpu.memory_space<vmem>>, vector<16xf32>,
      %sub3A_2406 = arith.subf %get3A_2405, %select_n3A_2329 : vector<16xf32>
      %swap3A_2407 = arith.constant 104 : i32
      %swap3A_2408 = arith.index_cast %swap3A_2407 : i32 to index
      %swap3A_2409 = arith.constant 0 : index
      %swap3A_2410 = tpu.vector_load %arg16[%swap3A_2408, %swap3A_2409] {strides = array<i32>} : memref<128x32xf32, #tpu.memory_space<vmem>>, vector<16xf32>,
      tpu.vector_store %arg16[%swap3A_2408, %swap3A_2409], %sub3A_2406 {strides = array<i32>} : memref<128x32xf32, #tpu.memory_space<vmem>>, vector<16xf32>,
      %get3A_2411 = arith.constant 105 : i32
      %get3A_2412 = arith.index_cast %get3A_2411 : i32 to index
      %get3A_2413 = arith.constant 0 : index
      %get3A_2414 = tpu.vector_load %arg16[%get3A_2412, %get3A_2413] {strides = array<i32>} : memref<128x32xf32, #tpu.memory_space<vmem>>, vector<16xf32>,
      %sub3A_2415 = arith.subf %get3A_2414, %select_n3A_2329 : vector<16xf32>
      %swap3A_2416 = arith.constant 105 : i32
      %swap3A_2417 = arith.index_cast %swap3A_2416 : i32 to index
      %swap3A_2418 = arith.constant 0 : index
      %swap3A_2419 = tpu.vector_load %arg16[%swap3A_2417, %swap3A_2418] {strides = array<i32>} : memref<128x32xf32, #tpu.memory_space<vmem>>, vector<16xf32>,
      tpu.vector_store %arg16[%swap3A_2417, %swap3A_2418], %sub3A_2415 {strides = array<i32>} : memref<128x32xf32, #tpu.memory_space<vmem>>, vector<16xf32>,
      %get3A_2420 = arith.constant 106 : i32
      %get3A_2421 = arith.index_cast %get3A_2420 : i32 to index
      %get3A_2422 = arith.constant 0 : index
      %get3A_2423 = tpu.vector_load %arg16[%get3A_2421, %get3A_2422] {strides = array<i32>} : memref<128x32xf32, #tpu.memory_space<vmem>>, vector<16xf32>,
      %sub3A_2424 = arith.subf %get3A_2423, %select_n3A_2329 : vector<16xf32>
      %swap3A_2425 = arith.constant 106 : i32
      %swap3A_2426 = arith.index_cast %swap3A_2425 : i32 to index
      %swap3A_2427 = arith.constant 0 : index
      %swap3A_2428 = tpu.vector_load %arg16[%swap3A_2426, %swap3A_2427] {strides = array<i32>} : memref<128x32xf32, #tpu.memory_space<vmem>>, vector<16xf32>,
      tpu.vector_store %arg16[%swap3A_2426, %swap3A_2427], %sub3A_2424 {strides = array<i32>} : memref<128x32xf32, #tpu.memory_space<vmem>>, vector<16xf32>,
      %get3A_2429 = arith.constant 107 : i32
      %get3A_2430 = arith.index_cast %get3A_2429 : i32 to index
      %get3A_2431 = arith.constant 0 : index
      %get3A_2432 = tpu.vector_load %arg16[%get3A_2430, %get3A_2431] {strides = array<i32>} : memref<128x32xf32, #tpu.memory_space<vmem>>, vector<16xf32>,
      %sub3A_2433 = arith.subf %get3A_2432, %select_n3A_2329 : vector<16xf32>
      %swap3A_2434 = arith.constant 107 : i32
      %swap3A_2435 = arith.index_cast %swap3A_2434 : i32 to index
      %swap3A_2436 = arith.constant 0 : index
      %swap3A_2437 = tpu.vector_load %arg16[%swap3A_2435, %swap3A_2436] {strides = array<i32>} : memref<128x32xf32, #tpu.memory_space<vmem>>, vector<16xf32>,
      tpu.vector_store %arg16[%swap3A_2435, %swap3A_2436], %sub3A_2433 {strides = array<i32>} : memref<128x32xf32, #tpu.memory_space<vmem>>, vector<16xf32>,
      %get3A_2438 = arith.constant 108 : i32
      %get3A_2439 = arith.index_cast %get3A_2438 : i32 to index
      %get3A_2440 = arith.constant 0 : index
      %get3A_2441 = tpu.vector_load %arg16[%get3A_2439, %get3A_2440] {strides = array<i32>} : memref<128x32xf32, #tpu.memory_space<vmem>>, vector<16xf32>,
      %sub3A_2442 = arith.subf %get3A_2441, %select_n3A_2329 : vector<16xf32>
      %swap3A_2443 = arith.constant 108 : i32
      %swap3A_2444 = arith.index_cast %swap3A_2443 : i32 to index
      %swap3A_2445 = arith.constant 0 : index
      %swap3A_2446 = tpu.vector_load %arg16[%swap3A_2444, %swap3A_2445] {strides = array<i32>} : memref<128x32xf32, #tpu.memory_space<vmem>>, vector<16xf32>,
      tpu.vector_store %arg16[%swap3A_2444, %swap3A_2445], %sub3A_2442 {strides = array<i32>} : memref<128x32xf32, #tpu.memory_space<vmem>>, vector<16xf32>,
      %get3A_2447 = arith.constant 109 : i32
      %get3A_2448 = arith.index_cast %get3A_2447 : i32 to index
      %get3A_2449 = arith.constant 0 : index
      %get3A_2450 = tpu.vector_load %arg16[%get3A_2448, %get3A_2449] {strides = array<i32>} : memref<128x32xf32, #tpu.memory_space<vmem>>, vector<16xf32>,
      %sub3A_2451 = arith.subf %get3A_2450, %select_n3A_2329 : vector<16xf32>
      %swap3A_2452 = arith.constant 109 : i32
      %swap3A_2453 = arith.index_cast %swap3A_2452 : i32 to index
      %swap3A_2454 = arith.constant 0 : index
      %swap3A_2455 = tpu.vector_load %arg16[%swap3A_2453, %swap3A_2454] {strides = array<i32>} : memref<128x32xf32, #tpu.memory_space<vmem>>, vector<16xf32>,
      tpu.vector_store %arg16[%swap3A_2453, %swap3A_2454], %sub3A_2451 {strides = array<i32>} : memref<128x32xf32, #tpu.memory_space<vmem>>, vector<16xf32>,
      %get3A_2456 = arith.constant 110 : i32
      %get3A_2457 = arith.index_cast %get3A_2456 : i32 to index
      %get3A_2458 = arith.constant 0 : index
      %get3A_2459 = tpu.vector_load %arg16[%get3A_2457, %get3A_2458] {strides = array<i32>} : memref<128x32xf32, #tpu.memory_space<vmem>>, vector<16xf32>,
      %sub3A_2460 = arith.subf %get3A_2459, %select_n3A_2329 : vector<16xf32>
      %swap3A_2461 = arith.constant 110 : i32
      %swap3A_2462 = arith.index_cast %swap3A_2461 : i32 to index
      %swap3A_2463 = arith.constant 0 : index
      %swap3A_2464 = tpu.vector_load %arg16[%swap3A_2462, %swap3A_2463] {strides = array<i32>} : memref<128x32xf32, #tpu.memory_space<vmem>>, vector<16xf32>,
      tpu.vector_store %arg16[%swap3A_2462, %swap3A_2463], %sub3A_2460 {strides = array<i32>} : memref<128x32xf32, #tpu.memory_space<vmem>>, vector<16xf32>,
      %get3A_2465 = arith.constant 111 : i32
      %get3A_2466 = arith.index_cast %get3A_2465 : i32 to index
      %get3A_2467 = arith.constant 0 : index
      %get3A_2468 = tpu.vector_load %arg16[%get3A_2466, %get3A_2467] {strides = array<i32>} : memref<128x32xf32, #tpu.memory_space<vmem>>, vector<16xf32>,
      %sub3A_2469 = arith.subf %get3A_2468, %select_n3A_2329 : vector<16xf32>
      %swap3A_2470 = arith.constant 111 : i32
      %swap3A_2471 = arith.index_cast %swap3A_2470 : i32 to index
      %swap3A_2472 = arith.constant 0 : index
      %swap3A_2473 = tpu.vector_load %arg16[%swap3A_2471, %swap3A_2472] {strides = array<i32>} : memref<128x32xf32, #tpu.memory_space<vmem>>, vector<16xf32>,
      tpu.vector_store %arg16[%swap3A_2471, %swap3A_2472], %sub3A_2469 {strides = array<i32>} : memref<128x32xf32, #tpu.memory_space<vmem>>, vector<16xf32>,
      %get3A_2474 = arith.constant 112 : i32
      %get3A_2475 = arith.index_cast %get3A_2474 : i32 to index
      %get3A_2476 = arith.constant 0 : index
      %get3A_2477 = tpu.vector_load %arg16[%get3A_2475, %get3A_2476] {strides = array<i32>} : memref<128x32xf32, #tpu.memory_space<vmem>>, vector<16xf32>,
      %sub3A_2478 = arith.subf %get3A_2477, %select_n3A_2329 : vector<16xf32>
      %swap3A_2479 = arith.constant 112 : i32
      %swap3A_2480 = arith.index_cast %swap3A_2479 : i32 to index
      %swap3A_2481 = arith.constant 0 : index
      %swap3A_2482 = tpu.vector_load %arg16[%swap3A_2480, %swap3A_2481] {strides = array<i32>} : memref<128x32xf32, #tpu.memory_space<vmem>>, vector<16xf32>,
      tpu.vector_store %arg16[%swap3A_2480, %swap3A_2481], %sub3A_2478 {strides = array<i32>} : memref<128x32xf32, #tpu.memory_space<vmem>>, vector<16xf32>,
      %get3A_2483 = arith.constant 113 : i32
      %get3A_2484 = arith.index_cast %get3A_2483 : i32 to index
      %get3A_2485 = arith.constant 0 : index
      %get3A_2486 = tpu.vector_load %arg16[%get3A_2484, %get3A_2485] {strides = array<i32>} : memref<128x32xf32, #tpu.memory_space<vmem>>, vector<16xf32>,
      %sub3A_2487 = arith.subf %get3A_2486, %select_n3A_2329 : vector<16xf32>
      %swap3A_2488 = arith.constant 113 : i32
      %swap3A_2489 = arith.index_cast %swap3A_2488 : i32 to index
      %swap3A_2490 = arith.constant 0 : index
      %swap3A_2491 = tpu.vector_load %arg16[%swap3A_2489, %swap3A_2490] {strides = array<i32>} : memref<128x32xf32, #tpu.memory_space<vmem>>, vector<16xf32>,
      tpu.vector_store %arg16[%swap3A_2489, %swap3A_2490], %sub3A_2487 {strides = array<i32>} : memref<128x32xf32, #tpu.memory_space<vmem>>, vector<16xf32>,
      %get3A_2492 = arith.constant 114 : i32
      %get3A_2493 = arith.index_cast %get3A_2492 : i32 to index
      %get3A_2494 = arith.constant 0 : index
      %get3A_2495 = tpu.vector_load %arg16[%get3A_2493, %get3A_2494] {strides = array<i32>} : memref<128x32xf32, #tpu.memory_space<vmem>>, vector<16xf32>,
      %sub3A_2496 = arith.subf %get3A_2495, %select_n3A_2329 : vector<16xf32>
      %swap3A_2497 = arith.constant 114 : i32
      %swap3A_2498 = arith.index_cast %swap3A_2497 : i32 to index
      %swap3A_2499 = arith.constant 0 : index
      %swap3A_2500 = tpu.vector_load %arg16[%swap3A_2498, %swap3A_2499] {strides = array<i32>} : memref<128x32xf32, #tpu.memory_space<vmem>>, vector<16xf32>,
      tpu.vector_store %arg16[%swap3A_2498, %swap3A_2499], %sub3A_2496 {strides = array<i32>} : memref<128x32xf32, #tpu.memory_space<vmem>>, vector<16xf32>,
      %get3A_2501 = arith.constant 115 : i32
      %get3A_2502 = arith.index_cast %get3A_2501 : i32 to index
      %get3A_2503 = arith.constant 0 : index
      %get3A_2504 = tpu.vector_load %arg16[%get3A_2502, %get3A_2503] {strides = array<i32>} : memref<128x32xf32, #tpu.memory_space<vmem>>, vector<16xf32>,
      %sub3A_2505 = arith.subf %get3A_2504, %select_n3A_2329 : vector<16xf32>
      %swap3A_2506 = arith.constant 115 : i32
      %swap3A_2507 = arith.index_cast %swap3A_2506 : i32 to index
      %swap3A_2508 = arith.constant 0 : index
      %swap3A_2509 = tpu.vector_load %arg16[%swap3A_2507, %swap3A_2508] {strides = array<i32>} : memref<128x32xf32, #tpu.memory_space<vmem>>, vector<16xf32>,
      tpu.vector_store %arg16[%swap3A_2507, %swap3A_2508], %sub3A_2505 {strides = array<i32>} : memref<128x32xf32, #tpu.memory_space<vmem>>, vector<16xf32>,
      %get3A_2510 = arith.constant 116 : i32
      %get3A_2511 = arith.index_cast %get3A_2510 : i32 to index
      %get3A_2512 = arith.constant 0 : index
      %get3A_2513 = tpu.vector_load %arg16[%get3A_2511, %get3A_2512] {strides = array<i32>} : memref<128x32xf32, #tpu.memory_space<vmem>>, vector<16xf32>,
      %sub3A_2514 = arith.subf %get3A_2513, %select_n3A_2329 : vector<16xf32>
      %swap3A_2515 = arith.constant 116 : i32
      %swap3A_2516 = arith.index_cast %swap3A_2515 : i32 to index
      %swap3A_2517 = arith.constant 0 : index
      %swap3A_2518 = tpu.vector_load %arg16[%swap3A_2516, %swap3A_2517] {strides = array<i32>} : memref<128x32xf32, #tpu.memory_space<vmem>>, vector<16xf32>,
      tpu.vector_store %arg16[%swap3A_2516, %swap3A_2517], %sub3A_2514 {strides = array<i32>} : memref<128x32xf32, #tpu.memory_space<vmem>>, vector<16xf32>,
      %get3A_2519 = arith.constant 117 : i32
      %get3A_2520 = arith.index_cast %get3A_2519 : i32 to index
      %get3A_2521 = arith.constant 0 : index
      %get3A_2522 = tpu.vector_load %arg16[%get3A_2520, %get3A_2521] {strides = array<i32>} : memref<128x32xf32, #tpu.memory_space<vmem>>, vector<16xf32>,
      %sub3A_2523 = arith.subf %get3A_2522, %select_n3A_2329 : vector<16xf32>
      %swap3A_2524 = arith.constant 117 : i32
      %swap3A_2525 = arith.index_cast %swap3A_2524 : i32 to index
      %swap3A_2526 = arith.constant 0 : index
      %swap3A_2527 = tpu.vector_load %arg16[%swap3A_2525, %swap3A_2526] {strides = array<i32>} : memref<128x32xf32, #tpu.memory_space<vmem>>, vector<16xf32>,
      tpu.vector_store %arg16[%swap3A_2525, %swap3A_2526], %sub3A_2523 {strides = array<i32>} : memref<128x32xf32, #tpu.memory_space<vmem>>, vector<16xf32>,
      %get3A_2528 = arith.constant 118 : i32
      %get3A_2529 = arith.index_cast %get3A_2528 : i32 to index
      %get3A_2530 = arith.constant 0 : index
      %get3A_2531 = tpu.vector_load %arg16[%get3A_2529, %get3A_2530] {strides = array<i32>} : memref<128x32xf32, #tpu.memory_space<vmem>>, vector<16xf32>,
      %sub3A_2532 = arith.subf %get3A_2531, %select_n3A_2329 : vector<16xf32>
      %swap3A_2533 = arith.constant 118 : i32
      %swap3A_2534 = arith.index_cast %swap3A_2533 : i32 to index
      %swap3A_2535 = arith.constant 0 : index
      %swap3A_2536 = tpu.vector_load %arg16[%swap3A_2534, %swap3A_2535] {strides = array<i32>} : memref<128x32xf32, #tpu.memory_space<vmem>>, vector<16xf32>,
      tpu.vector_store %arg16[%swap3A_2534, %swap3A_2535], %sub3A_2532 {strides = array<i32>} : memref<128x32xf32, #tpu.memory_space<vmem>>, vector<16xf32>,
      %get3A_2537 = arith.constant 119 : i32
      %get3A_2538 = arith.index_cast %get3A_2537 : i32 to index
      %get3A_2539 = arith.constant 0 : index
      %get3A_2540 = tpu.vector_load %arg16[%get3A_2538, %get3A_2539] {strides = array<i32>} : memref<128x32xf32, #tpu.memory_space<vmem>>, vector<16xf32>,
      %sub3A_2541 = arith.subf %get3A_2540, %select_n3A_2329 : vector<16xf32>
      %swap3A_2542 = arith.constant 119 : i32
      %swap3A_2543 = arith.index_cast %swap3A_2542 : i32 to index
      %swap3A_2544 = arith.constant 0 : index
      %swap3A_2545 = tpu.vector_load %arg16[%swap3A_2543, %swap3A_2544] {strides = array<i32>} : memref<128x32xf32, #tpu.memory_space<vmem>>, vector<16xf32>,
      tpu.vector_store %arg16[%swap3A_2543, %swap3A_2544], %sub3A_2541 {strides = array<i32>} : memref<128x32xf32, #tpu.memory_space<vmem>>, vector<16xf32>,
      %get3A_2546 = arith.constant 120 : i32
      %get3A_2547 = arith.index_cast %get3A_2546 : i32 to index
      %get3A_2548 = arith.constant 0 : index
      %get3A_2549 = tpu.vector_load %arg16[%get3A_2547, %get3A_2548] {strides = array<i32>} : memref<128x32xf32, #tpu.memory_space<vmem>>, vector<16xf32>,
      %sub3A_2550 = arith.subf %get3A_2549, %select_n3A_2329 : vector<16xf32>
      %swap3A_2551 = arith.constant 120 : i32
      %swap3A_2552 = arith.index_cast %swap3A_2551 : i32 to index
      %swap3A_2553 = arith.constant 0 : index
      %swap3A_2554 = tpu.vector_load %arg16[%swap3A_2552, %swap3A_2553] {strides = array<i32>} : memref<128x32xf32, #tpu.memory_space<vmem>>, vector<16xf32>,
      tpu.vector_store %arg16[%swap3A_2552, %swap3A_2553], %sub3A_2550 {strides = array<i32>} : memref<128x32xf32, #tpu.memory_space<vmem>>, vector<16xf32>,
      %get3A_2555 = arith.constant 121 : i32
      %get3A_2556 = arith.index_cast %get3A_2555 : i32 to index
      %get3A_2557 = arith.constant 0 : index
      %get3A_2558 = tpu.vector_load %arg16[%get3A_2556, %get3A_2557] {strides = array<i32>} : memref<128x32xf32, #tpu.memory_space<vmem>>, vector<16xf32>,
      %sub3A_2559 = arith.subf %get3A_2558, %select_n3A_2329 : vector<16xf32>
      %swap3A_2560 = arith.constant 121 : i32
      %swap3A_2561 = arith.index_cast %swap3A_2560 : i32 to index
      %swap3A_2562 = arith.constant 0 : index
      %swap3A_2563 = tpu.vector_load %arg16[%swap3A_2561, %swap3A_2562] {strides = array<i32>} : memref<128x32xf32, #tpu.memory_space<vmem>>, vector<16xf32>,
      tpu.vector_store %arg16[%swap3A_2561, %swap3A_2562], %sub3A_2559 {strides = array<i32>} : memref<128x32xf32, #tpu.memory_space<vmem>>, vector<16xf32>,
      %get3A_2564 = arith.constant 122 : i32
      %get3A_2565 = arith.index_cast %get3A_2564 : i32 to index
      %get3A_2566 = arith.constant 0 : index
      %get3A_2567 = tpu.vector_load %arg16[%get3A_2565, %get3A_2566] {strides = array<i32>} : memref<128x32xf32, #tpu.memory_space<vmem>>, vector<16xf32>,
      %sub3A_2568 = arith.subf %get3A_2567, %select_n3A_2329 : vector<16xf32>
      %swap3A_2569 = arith.constant 122 : i32
      %swap3A_2570 = arith.index_cast %swap3A_2569 : i32 to index
      %swap3A_2571 = arith.constant 0 : index
      %swap3A_2572 = tpu.vector_load %arg16[%swap3A_2570, %swap3A_2571] {strides = array<i32>} : memref<128x32xf32, #tpu.memory_space<vmem>>, vector<16xf32>,
      tpu.vector_store %arg16[%swap3A_2570, %swap3A_2571], %sub3A_2568 {strides = array<i32>} : memref<128x32xf32, #tpu.memory_space<vmem>>, vector<16xf32>,
      %get3A_2573 = arith.constant 123 : i32
      %get3A_2574 = arith.index_cast %get3A_2573 : i32 to index
      %get3A_2575 = arith.constant 0 : index
      %get3A_2576 = tpu.vector_load %arg16[%get3A_2574, %get3A_2575] {strides = array<i32>} : memref<128x32xf32, #tpu.memory_space<vmem>>, vector<16xf32>,
      %sub3A_2577 = arith.subf %get3A_2576, %select_n3A_2329 : vector<16xf32>
      %swap3A_2578 = arith.constant 123 : i32
      %swap3A_2579 = arith.index_cast %swap3A_2578 : i32 to index
      %swap3A_2580 = arith.constant 0 : index
      %swap3A_2581 = tpu.vector_load %arg16[%swap3A_2579, %swap3A_2580] {strides = array<i32>} : memref<128x32xf32, #tpu.memory_space<vmem>>, vector<16xf32>,
      tpu.vector_store %arg16[%swap3A_2579, %swap3A_2580], %sub3A_2577 {strides = array<i32>} : memref<128x32xf32, #tpu.memory_space<vmem>>, vector<16xf32>,
      %get3A_2582 = arith.constant 124 : i32
      %get3A_2583 = arith.index_cast %get3A_2582 : i32 to index
      %get3A_2584 = arith.constant 0 : index
      %get3A_2585 = tpu.vector_load %arg16[%get3A_2583, %get3A_2584] {strides = array<i32>} : memref<128x32xf32, #tpu.memory_space<vmem>>, vector<16xf32>,
      %sub3A_2586 = arith.subf %get3A_2585, %select_n3A_2329 : vector<16xf32>
      %swap3A_2587 = arith.constant 124 : i32
      %swap3A_2588 = arith.index_cast %swap3A_2587 : i32 to index
      %swap3A_2589 = arith.constant 0 : index
      %swap3A_2590 = tpu.vector_load %arg16[%swap3A_2588, %swap3A_2589] {strides = array<i32>} : memref<128x32xf32, #tpu.memory_space<vmem>>, vector<16xf32>,
      tpu.vector_store %arg16[%swap3A_2588, %swap3A_2589], %sub3A_2586 {strides = array<i32>} : memref<128x32xf32, #tpu.memory_space<vmem>>, vector<16xf32>,
      %get3A_2591 = arith.constant 125 : i32
      %get3A_2592 = arith.index_cast %get3A_2591 : i32 to index
      %get3A_2593 = arith.constant 0 : index
      %get3A_2594 = tpu.vector_load %arg16[%get3A_2592, %get3A_2593] {strides = array<i32>} : memref<128x32xf32, #tpu.memory_space<vmem>>, vector<16xf32>,
      %sub3A_2595 = arith.subf %get3A_2594, %select_n3A_2329 : vector<16xf32>
      %swap3A_2596 = arith.constant 125 : i32
      %swap3A_2597 = arith.index_cast %swap3A_2596 : i32 to index
      %swap3A_2598 = arith.constant 0 : index
      %swap3A_2599 = tpu.vector_load %arg16[%swap3A_2597, %swap3A_2598] {strides = array<i32>} : memref<128x32xf32, #tpu.memory_space<vmem>>, vector<16xf32>,
      tpu.vector_store %arg16[%swap3A_2597, %swap3A_2598], %sub3A_2595 {strides = array<i32>} : memref<128x32xf32, #tpu.memory_space<vmem>>, vector<16xf32>,
      %get3A_2600 = arith.constant 126 : i32
      %get3A_2601 = arith.index_cast %get3A_2600 : i32 to index
      %get3A_2602 = arith.constant 0 : index
      %get3A_2603 = tpu.vector_load %arg16[%get3A_2601, %get3A_2602] {strides = array<i32>} : memref<128x32xf32, #tpu.memory_space<vmem>>, vector<16xf32>,
      %sub3A_2604 = arith.subf %get3A_2603, %select_n3A_2329 : vector<16xf32>
      %swap3A_2605 = arith.constant 126 : i32
      %swap3A_2606 = arith.index_cast %swap3A_2605 : i32 to index
      %swap3A_2607 = arith.constant 0 : index
      %swap3A_2608 = tpu.vector_load %arg16[%swap3A_2606, %swap3A_2607] {strides = array<i32>} : memref<128x32xf32, #tpu.memory_space<vmem>>, vector<16xf32>,
      tpu.vector_store %arg16[%swap3A_2606, %swap3A_2607], %sub3A_2604 {strides = array<i32>} : memref<128x32xf32, #tpu.memory_space<vmem>>, vector<16xf32>,
      %get3A_2609 = arith.constant 127 : i32
      %get3A_2610 = arith.index_cast %get3A_2609 : i32 to index
      %get3A_2611 = arith.constant 0 : index
      %get3A_2612 = tpu.vector_load %arg16[%get3A_2610, %get3A_2611] {strides = array<i32>} : memref<128x32xf32, #tpu.memory_space<vmem>>, vector<16xf32>,
      %sub3A_2613 = arith.subf %get3A_2612, %select_n3A_2329 : vector<16xf32>
      %swap3A_2614 = arith.constant 127 : i32
      %swap3A_2615 = arith.index_cast %swap3A_2614 : i32 to index
      %swap3A_2616 = arith.constant 0 : index
      %swap3A_2617 = tpu.vector_load %arg16[%swap3A_2615, %swap3A_2616] {strides = array<i32>} : memref<128x32xf32, #tpu.memory_space<vmem>>, vector<16xf32>,
      tpu.vector_store %arg16[%swap3A_2615, %swap3A_2616], %sub3A_2613 {strides = array<i32>} : memref<128x32xf32, #tpu.memory_space<vmem>>, vector<16xf32>,
      %mul3A_2618 = arith.constant 4 : i32
      %mul3A_2619 = arith.muli %add3A_83, %mul3A_2618 : i32
      %add3A_2620 = arith.addi %add3A_35, %mul3A_2619 : i32
      %mul3A_2621 = arith.constant 32 : i32
      %mul3A_2622 = arith.muli %add3A_2620, %mul3A_2621 : i32
      %dma_start3A_2623 = arith.constant 0 : i32
      %dma_start3A_2624 = tpu.memref_slice %arg5[%mul3A_2622, %dma_start3A_2623] : memref<524288x32xf32, #tpu.memory_space<hbm>> -> memref<128x32xf32, #tpu.memory_space<hbm>>
      %dma_start3A_2625 = arith.constant 0 : i32
      %dma_start3A_2626 = tpu.memref_slice %arg5[%mul3A_2622, %dma_start3A_2625] : memref<524288x32xf32, #tpu.memory_space<hbm>> -> memref<128x32xf32, #tpu.memory_space<hbm>>
      tpu.enqueue_dma source(%arg16 : memref<128x32xf32, #tpu.memory_space<vmem>>) target(%dma_start3A_2626 : memref<128x32xf32, #tpu.memory_space<hbm>>) target_semaphore(%arg20 : memref<!tpu.dma_semaphore, #tpu.memory_space<semaphore_mem>>)
      %scan3A_2627 = arith.constant 0 : i32
      scf.yield %scan3A_2627 : i32
    }
    %scan3A_60 = arith.constant 64 : i32
    %add3A_61 = arith.constant 504 : i32
    %add3A_62 = arith.addi %add3A_35, %add3A_61 : i32
    %mul3A_63 = arith.constant 32 : i32
    %mul3A_64 = arith.muli %add3A_62, %mul3A_63 : i32
    %dma_wait3A = arith.constant 0 : i32
    %dma_wait3A_65 = tpu.memref_slice %arg5[%mul3A_64, %dma_wait3A] : memref<524288x32xf32, #tpu.memory_space<hbm>> -> memref<128x32xf32, #tpu.memory_space<hbm>>
    %dma_wait3A_66 = arith.constant 0 : i32
    %dma_wait3A_67 = tpu.memref_slice %arg5[%mul3A_64, %dma_wait3A_66] : memref<524288x32xf32, #tpu.memory_space<hbm>> -> memref<128x32xf32, #tpu.memory_space<hbm>>
    tpu.wait_dma2 semaphore(%arg19 : memref<!tpu.dma_semaphore, #tpu.memory_space<semaphore_mem>>) src(%arg15 : memref<128x32xf32, #tpu.memory_space<vmem>>) dst(%dma_wait3A_67 : memref<128x32xf32, #tpu.memory_space<hbm>>)
    %add3A_68 = arith.constant 508 : i32
    %add3A_69 = arith.addi %add3A_35, %add3A_68 : i32
    %mul3A_70 = arith.constant 32 : i32
    %mul3A_71 = arith.muli %add3A_69, %mul3A_70 : i32
    %dma_wait3A_72 = arith.constant 0 : i32
    %dma_wait3A_73 = tpu.memref_slice %arg5[%mul3A_71, %dma_wait3A_72] : memref<524288x32xf32, #tpu.memory_space<hbm>> -> memref<128x32xf32, #tpu.memory_space<hbm>>
    %dma_wait3A_74 = arith.constant 0 : i32
    %dma_wait3A_75 = tpu.memref_slice %arg5[%mul3A_71, %dma_wait3A_74] : memref<524288x32xf32, #tpu.memory_space<hbm>> -> memref<128x32xf32, #tpu.memory_space<hbm>>
    tpu.wait_dma2 semaphore(%arg20 : memref<!tpu.dma_semaphore, #tpu.memory_space<semaphore_mem>>) src(%arg16 : memref<128x32xf32, #tpu.memory_space<vmem>>) dst(%dma_wait3A_75 : memref<128x32xf32, #tpu.memory_space<hbm>>)
    return
  }
}

module attributes {stable_mosaic.version = 14 : i64} {
  func.func @body(%arg0: i32, %arg1: memref<16384x128xf32, #tpu.memory_space<vmem>>, %arg2: memref<128x128xf32, #tpu.memory_space<vmem>>, %arg3: memref<1x128xf32, #tpu.memory_space<vmem>>, %arg4: memref<256x128xf32, #tpu.memory_space<vmem>>, %arg5: memref<64x32xf32, #tpu.memory_space<vmem>>, %arg6: memref<1x64xf32, #tpu.memory_space<vmem>>, %arg7: memref<1x64xf32, #tpu.memory_space<vmem>>, %arg8: memref<1x64xf32, #tpu.memory_space<vmem>>, %arg9: memref<2048x64xf32, #tpu.memory_space<vmem>>, %arg10: memref<2048x64xf32, #tpu.memory_space<vmem>>, %arg11: memref<1x64xf32, #tpu.memory_space<vmem>>, %arg12: memref<1x64xf32, #tpu.memory_space<vmem>>, %arg13: memref<128x128xf32, #tpu.memory_space<vmem>>, %arg14: memref<1x128xf32, #tpu.memory_space<vmem>>) attributes {dimension_semantics = [#tpu.dimension_semantics<arbitrary>], iteration_bounds = array<i64: 8>, scalar_prefetch = 0 : i64, scratch_operands = 2 : i64, tpu.core_type = #tpu.core_type<tc>, window_params = [{transform_indices = @transform_0, window_bounds = array<i64: 16384, 128>}, {pipeline_mode = #tpu.pipeline_mode<synchronous>, transform_indices = @transform_1, window_bounds = array<i64: 128, 128>}, {pipeline_mode = #tpu.pipeline_mode<synchronous>, transform_indices = @transform_2, window_bounds = array<i64: 1, 128>}, {pipeline_mode = #tpu.pipeline_mode<synchronous>, transform_indices = @transform_3, window_bounds = array<i64: 256, 128>}, {pipeline_mode = #tpu.pipeline_mode<synchronous>, transform_indices = @transform_4, window_bounds = array<i64: 64, 32>}, {pipeline_mode = #tpu.pipeline_mode<synchronous>, transform_indices = @transform_5, window_bounds = array<i64: 1, 64>}, {pipeline_mode = #tpu.pipeline_mode<synchronous>, transform_indices = @transform_6, window_bounds = array<i64: 1, 64>}, {pipeline_mode = #tpu.pipeline_mode<synchronous>, transform_indices = @transform_7, window_bounds = array<i64: 1, 64>}, {transform_indices = @transform_8, window_bounds = array<i64: 2048, 64>}, {transform_indices = @transform_9, window_bounds = array<i64: 2048, 64>}, {pipeline_mode = #tpu.pipeline_mode<synchronous>, transform_indices = @transform_10, window_bounds = array<i64: 1, 64>}, {pipeline_mode = #tpu.pipeline_mode<synchronous>, transform_indices = @transform_11, window_bounds = array<i64: 1, 64>}]} {
    %eq3A = arith.constant 0 : i32
    %eq3A_0 = arith.cmpi eq, %arg0, %eq3A : i32
    %convert_element_type3A = arith.extui %eq3A_0 : i1 to i32
    %cond3A = arith.constant 0 : i32
    %cond3A_1 = arith.cmpi ne, %convert_element_type3A, %cond3A : i32
    scf.if %cond3A_1 {
      %broadcast_in_dim3A_57 = arith.constant 0.000000e+00 : f32
      %broadcast_in_dim3A_58 = vector.broadcast %broadcast_in_dim3A_57 : f32 to vector<128x128xf32>
      %swap3A_59 = arith.constant 0 : index
      %swap3A_60 = arith.constant 0 : index
      %swap3A_61 = vector.load %arg13[%swap3A_59, %swap3A_60] : memref<128x128xf32, #tpu.memory_space<vmem>>, vector<128x128xf32>
      tpu.vector_store %arg13[%swap3A_59, %swap3A_60], %broadcast_in_dim3A_58 {strides = array<i32>} : memref<128x128xf32, #tpu.memory_space<vmem>>, vector<128x128xf32>,
      %broadcast_in_dim3A_62 = arith.constant 0.000000e+00 : f32
      %broadcast_in_dim3A_63 = vector.broadcast %broadcast_in_dim3A_62 : f32 to vector<1x128xf32>
      %swap3A_64 = arith.constant 0 : index
      %swap3A_65 = arith.constant 0 : index
      %swap3A_66 = vector.load %arg14[%swap3A_64, %swap3A_65] : memref<1x128xf32, #tpu.memory_space<vmem>>, vector<1x128xf32>
      tpu.vector_store %arg14[%swap3A_64, %swap3A_65], %broadcast_in_dim3A_63 {strides = array<i32>} : memref<1x128xf32, #tpu.memory_space<vmem>>, vector<1x128xf32>,
    } else {
    }
    %get3A = arith.constant 0 : index
    %get3A_2 = arith.constant 0 : index
    %get3A_3 = vector.load %arg1[%get3A, %get3A_2] : memref<16384x128xf32, #tpu.memory_space<vmem>>, vector<16384x128xf32>
    %get3A_4 = arith.constant 0 : index
    %get3A_5 = arith.constant 0 : index
    %get3A_6 = vector.load %arg2[%get3A_4, %get3A_5] : memref<128x128xf32, #tpu.memory_space<vmem>>, vector<128x128xf32>
    %dot_general3A = arith.constant dense<0.000000e+00> : vector<16384x128xf32>
    %dot_general3A_7 = tpu.matmul %get3A_3, %get3A_6, %dot_general3A {dimension_numbers = #tpu.dot_dimension_numbers<[1], [1], [0], [0], [0, 0, 1, 0], [], []>, transpose_lhs_hint = false} : vector<16384x128xf32>, vector<128x128xf32>, vector<16384x128xf32> -> vector<16384x128xf32>
    %get3A_8 = arith.constant 0 : index
    %get3A_9 = arith.constant 0 : index
    %get3A_10 = vector.load %arg3[%get3A_8, %get3A_9] : memref<1x128xf32, #tpu.memory_space<vmem>>, vector<1x128xf32>
    %add3A = vector.broadcast %get3A_10 : vector<1x128xf32> to vector<16384x128xf32>
    %add3A_11 = arith.addf %dot_general3A_7, %add3A : vector<16384x128xf32>
    %max3A = arith.constant 0.000000e+00 : f32
    %max3A_12 = vector.broadcast %max3A : f32 to vector<16384x128xf32>
    %max3A_13 = arith.maximumf %add3A_11, %max3A_12 : vector<16384x128xf32>
    %get3A_14 = arith.constant 0 : index
    %get3A_15 = arith.constant 0 : index
    %get3A_16 = vector.load %arg13[%get3A_14, %get3A_15] : memref<128x128xf32, #tpu.memory_space<vmem>>, vector<128x128xf32>
    %dot_general3A_17 = arith.constant dense<0.000000e+00> : vector<128x128xf32>
    %dot_general3A_18 = tpu.matmul %max3A_13, %max3A_13, %dot_general3A_17 {dimension_numbers = #tpu.dot_dimension_numbers<[0], [0], [1], [1], [0, 1, 1, 1], [], []>, transpose_lhs_hint = false} : vector<16384x128xf32>, vector<16384x128xf32>, vector<128x128xf32> -> vector<128x128xf32>
    %add3A_19 = arith.addf %get3A_16, %dot_general3A_18 : vector<128x128xf32>
    %swap3A = arith.constant 0 : index
    %swap3A_20 = arith.constant 0 : index
    %swap3A_21 = vector.load %arg13[%swap3A, %swap3A_20] : memref<128x128xf32, #tpu.memory_space<vmem>>, vector<128x128xf32>
    tpu.vector_store %arg13[%swap3A, %swap3A_20], %add3A_19 {strides = array<i32>} : memref<128x128xf32, #tpu.memory_space<vmem>>, vector<128x128xf32>,
    %get3A_22 = arith.constant 0 : index
    %get3A_23 = arith.constant 0 : index
    %get3A_24 = vector.load %arg14[%get3A_22, %get3A_23] : memref<1x128xf32, #tpu.memory_space<vmem>>, vector<1x128xf32>
    %reduce_sum3A = arith.constant dense<0.000000e+00> : vector<128xf32>
    %reduce_sum3A_25 = vector.multi_reduction <add>, %max3A_13, %reduce_sum3A [0] : vector<16384x128xf32> to vector<128xf32>
    %broadcast_in_dim3A = vector.shape_cast %reduce_sum3A_25 : vector<128xf32> to vector<1x128xf32>
    %add3A_26 = arith.addf %get3A_24, %broadcast_in_dim3A : vector<1x128xf32>
    %swap3A_27 = arith.constant 0 : index
    %swap3A_28 = arith.constant 0 : index
    %swap3A_29 = vector.load %arg14[%swap3A_27, %swap3A_28] : memref<1x128xf32, #tpu.memory_space<vmem>>, vector<1x128xf32>
    tpu.vector_store %arg14[%swap3A_27, %swap3A_28], %add3A_26 {strides = array<i32>} : memref<1x128xf32, #tpu.memory_space<vmem>>, vector<1x128xf32>,
    %get3A_30 = arith.constant 0 : index
    %get3A_31 = arith.constant 0 : index
    %get3A_32 = vector.load %arg4[%get3A_30, %get3A_31] : memref<256x128xf32, #tpu.memory_space<vmem>>, vector<256x128xf32>
    %dot_general3A_33 = arith.constant dense<0.000000e+00> : vector<16384x256xf32>
    %dot_general3A_34 = tpu.matmul %max3A_13, %get3A_32, %dot_general3A_33 {dimension_numbers = #tpu.dot_dimension_numbers<[1], [1], [0], [0], [0, 0, 1, 0], [], []>, transpose_lhs_hint = false} : vector<16384x128xf32>, vector<256x128xf32>, vector<16384x256xf32> -> vector<16384x256xf32>
    %slice3A = vector.extract_strided_slice %dot_general3A_34 {offsets = [0, 0], sizes = [16384, 64], strides = [1, 1]} : vector<16384x256xf32> to vector<16384x64xf32>
    %slice3A_35 = vector.extract_strided_slice %dot_general3A_34 {offsets = [0, 64], sizes = [16384, 64], strides = [1, 1]} : vector<16384x256xf32> to vector<16384x64xf32>
    %max3A_36 = arith.maximumf %slice3A, %slice3A_35 : vector<16384x64xf32>
    %min3A = arith.minimumf %slice3A, %slice3A_35 : vector<16384x64xf32>
    %slice3A_37 = vector.extract_strided_slice %dot_general3A_34 {offsets = [0, 128], sizes = [16384, 64], strides = [1, 1]} : vector<16384x256xf32> to vector<16384x64xf32>
    %max3A_38 = arith.maximumf %max3A_36, %slice3A_37 : vector<16384x64xf32>
    %min3A_39 = arith.minimumf %min3A, %slice3A_37 : vector<16384x64xf32>
    %slice3A_40 = vector.extract_strided_slice %dot_general3A_34 {offsets = [0, 192], sizes = [16384, 64], strides = [1, 1]} : vector<16384x256xf32> to vector<16384x64xf32>
    %max3A_41 = arith.maximumf %max3A_38, %slice3A_40 : vector<16384x64xf32>
    %min3A_42 = arith.minimumf %min3A_39, %slice3A_40 : vector<16384x64xf32>
    %reshape3A = vector.shape_cast %max3A_41 : vector<16384x64xf32> to vector<2048x8x64xf32>
    %reshape3A_43 = vector.shape_cast %min3A_42 : vector<16384x64xf32> to vector<2048x8x64xf32>
    %reduce_max3A = arith.constant dense<0xFF800000> : vector<2048x64xf32>
    %reduce_max3A_44 = vector.multi_reduction <maximumf>, %reshape3A, %reduce_max3A [1] : vector<2048x8x64xf32> to vector<2048x64xf32>
    %swap3A_45 = arith.constant 0 : index
    %swap3A_46 = arith.constant 0 : index
    %swap3A_47 = vector.load %arg9[%swap3A_45, %swap3A_46] : memref<2048x64xf32, #tpu.memory_space<vmem>>, vector<2048x64xf32>
    tpu.vector_store %arg9[%swap3A_45, %swap3A_46], %reduce_max3A_44 {strides = array<i32>} : memref<2048x64xf32, #tpu.memory_space<vmem>>, vector<2048x64xf32>,
    %reduce_min3A = arith.constant dense<0x7F800000> : vector<2048x64xf32>
    %reduce_min3A_48 = vector.multi_reduction <minimumf>, %reshape3A_43, %reduce_min3A [1] : vector<2048x8x64xf32> to vector<2048x64xf32>
    %swap3A_49 = arith.constant 0 : index
    %swap3A_50 = arith.constant 0 : index
    %swap3A_51 = vector.load %arg10[%swap3A_49, %swap3A_50] : memref<2048x64xf32, #tpu.memory_space<vmem>>, vector<2048x64xf32>
    tpu.vector_store %arg10[%swap3A_49, %swap3A_50], %reduce_min3A_48 {strides = array<i32>} : memref<2048x64xf32, #tpu.memory_space<vmem>>, vector<2048x64xf32>,
    %eq3A_52 = arith.constant 7 : i32
    %eq3A_53 = arith.cmpi eq, %arg0, %eq3A_52 : i32
    %convert_element_type3A_54 = arith.extui %eq3A_53 : i1 to i32
    %cond3A_55 = arith.constant 0 : i32
    %cond3A_56 = arith.cmpi ne, %convert_element_type3A_54, %cond3A_55 : i32
    scf.if %cond3A_56 {
      %get3A_57 = arith.constant 0 : index
      %get3A_58 = arith.constant 0 : index
      %get3A_59 = vector.load %arg5[%get3A_57, %get3A_58] : memref<64x32xf32, #tpu.memory_space<vmem>>, vector<64x32xf32>
      %get3A_60 = arith.constant 0 : index
      %get3A_61 = arith.constant 0 : index
      %get3A_62 = vector.load %arg6[%get3A_60, %get3A_61] : memref<1x64xf32, #tpu.memory_space<vmem>>, vector<1x64xf32>
      %get3A_63 = arith.constant 0 : index
      %get3A_64 = arith.constant 0 : index
      %get3A_65 = vector.load %arg13[%get3A_63, %get3A_64] : memref<128x128xf32, #tpu.memory_space<vmem>>, vector<128x128xf32>
      %slice3A_66 = vector.extract_strided_slice %get3A_65 {offsets = [0, 0], sizes = [32, 32], strides = [1, 1]} : vector<128x128xf32> to vector<32x32xf32>
      %slice3A_67 = vector.extract_strided_slice %get3A_65 {offsets = [32, 32], sizes = [32, 32], strides = [1, 1]} : vector<128x128xf32> to vector<32x32xf32>
      %add3A_68 = arith.addf %slice3A_66, %slice3A_67 : vector<32x32xf32>
      %slice3A_69 = vector.extract_strided_slice %get3A_65 {offsets = [64, 64], sizes = [32, 32], strides = [1, 1]} : vector<128x128xf32> to vector<32x32xf32>
      %add3A_70 = arith.addf %add3A_68, %slice3A_69 : vector<32x32xf32>
      %slice3A_71 = vector.extract_strided_slice %get3A_65 {offsets = [96, 96], sizes = [32, 32], strides = [1, 1]} : vector<128x128xf32> to vector<32x32xf32>
      %add3A_72 = arith.addf %add3A_70, %slice3A_71 : vector<32x32xf32>
      %get3A_73 = arith.constant 0 : index
      %get3A_74 = arith.constant 0 : index
      %get3A_75 = vector.load %arg14[%get3A_73, %get3A_74] : memref<1x128xf32, #tpu.memory_space<vmem>>, vector<1x128xf32>
      %slice3A_76 = vector.extract_strided_slice %get3A_75 {offsets = [0, 0], sizes = [1, 32], strides = [1, 1]} : vector<1x128xf32> to vector<1x32xf32>
      %slice3A_77 = vector.extract_strided_slice %get3A_75 {offsets = [0, 32], sizes = [1, 32], strides = [1, 1]} : vector<1x128xf32> to vector<1x32xf32>
      %add3A_78 = arith.addf %slice3A_76, %slice3A_77 : vector<1x32xf32>
      %slice3A_79 = vector.extract_strided_slice %get3A_75 {offsets = [0, 64], sizes = [1, 32], strides = [1, 1]} : vector<1x128xf32> to vector<1x32xf32>
      %add3A_80 = arith.addf %add3A_78, %slice3A_79 : vector<1x32xf32>
      %slice3A_81 = vector.extract_strided_slice %get3A_75 {offsets = [0, 96], sizes = [1, 32], strides = [1, 1]} : vector<1x128xf32> to vector<1x32xf32>
      %add3A_82 = arith.addf %add3A_80, %slice3A_81 : vector<1x32xf32>
      %dot_general3A_83 = arith.constant dense<0.000000e+00> : vector<1x64xf32>
      %dot_general3A_84 = tpu.matmul %add3A_82, %get3A_59, %dot_general3A_83 {dimension_numbers = #tpu.dot_dimension_numbers<[1], [1], [0], [0], [0, 0, 1, 0], [], []>, precision = #tpu.contract_precision<fp32>, transpose_lhs_hint = false} : vector<1x32xf32>, vector<64x32xf32>, vector<1x64xf32> -> vector<1x64xf32>
      %div3A = arith.constant 5.242880e+05 : f32
      %div3A_85 = vector.broadcast %div3A : f32 to vector<1x64xf32>
      %div3A_86 = arith.divf %dot_general3A_84, %div3A_85 : vector<1x64xf32>
      %add3A_87 = arith.addf %div3A_86, %get3A_62 : vector<1x64xf32>
      %dot_general3A_88 = arith.constant dense<0.000000e+00> : vector<64x32xf32>
      %dot_general3A_89 = tpu.matmul %get3A_59, %add3A_72, %dot_general3A_88 {dimension_numbers = #tpu.dot_dimension_numbers<[1], [0], [0], [1], [0, 0, 1, 1], [], []>, precision = #tpu.contract_precision<fp32>, transpose_lhs_hint = false} : vector<64x32xf32>, vector<32x32xf32>, vector<64x32xf32> -> vector<64x32xf32>
      %broadcast_in_dim3A_90 = arith.constant 1.000000e+00 : f32
      %broadcast_in_dim3A_91 = vector.broadcast %broadcast_in_dim3A_90 : f32 to vector<1x32xf32>
      %mul3A = arith.mulf %dot_general3A_89, %get3A_59 : vector<64x32xf32>
      %dot_general3A_92 = arith.constant dense<0.000000e+00> : vector<1x64xf32>
      %dot_general3A_93 = tpu.matmul %broadcast_in_dim3A_91, %mul3A, %dot_general3A_92 {dimension_numbers = #tpu.dot_dimension_numbers<[1], [1], [0], [0], [0, 0, 1, 0], [], []>, precision = #tpu.contract_precision<fp32>, transpose_lhs_hint = false} : vector<1x32xf32>, vector<64x32xf32>, vector<1x64xf32> -> vector<1x64xf32>
      %div3A_94 = arith.constant 5.242880e+05 : f32
      %div3A_95 = vector.broadcast %div3A_94 : f32 to vector<1x64xf32>
      %div3A_96 = arith.divf %dot_general3A_93, %div3A_95 : vector<1x64xf32>
      %mul3A_97 = arith.constant 2.000000e+00 : f32
      %mul3A_98 = vector.broadcast %mul3A_97 : f32 to vector<1x64xf32>
      %mul3A_99 = arith.mulf %mul3A_98, %get3A_62 : vector<1x64xf32>
      %mul3A_100 = arith.mulf %mul3A_99, %dot_general3A_84 : vector<1x64xf32>
      %div3A_101 = arith.constant 5.242880e+05 : f32
      %div3A_102 = vector.broadcast %div3A_101 : f32 to vector<1x64xf32>
      %div3A_103 = arith.divf %mul3A_100, %div3A_102 : vector<1x64xf32>
      %add3A_104 = arith.addf %div3A_96, %div3A_103 : vector<1x64xf32>
      %mul3A_105 = arith.mulf %get3A_62, %get3A_62 : vector<1x64xf32>
      %add3A_106 = arith.addf %add3A_104, %mul3A_105 : vector<1x64xf32>
      %mul3A_107 = arith.mulf %add3A_87, %add3A_87 : vector<1x64xf32>
      %sub3A = arith.subf %add3A_106, %mul3A_107 : vector<1x64xf32>
      %get3A_108 = arith.constant 0 : index
      %get3A_109 = arith.constant 0 : index
      %get3A_110 = vector.load %arg7[%get3A_108, %get3A_109] : memref<1x64xf32, #tpu.memory_space<vmem>>, vector<1x64xf32>
      %add3A_111 = arith.constant 9.99999974E-6 : f32
      %add3A_112 = vector.broadcast %add3A_111 : f32 to vector<1x64xf32>
      %add3A_113 = arith.addf %sub3A, %add3A_112 : vector<1x64xf32>
      %sqrt3A = math.sqrt %add3A_113 : vector<1x64xf32>
      %div3A_114 = arith.divf %get3A_110, %sqrt3A : vector<1x64xf32>
      %swap3A_115 = arith.constant 0 : index
      %swap3A_116 = arith.constant 0 : index
      %swap3A_117 = vector.load %arg11[%swap3A_115, %swap3A_116] : memref<1x64xf32, #tpu.memory_space<vmem>>, vector<1x64xf32>
      tpu.vector_store %arg11[%swap3A_115, %swap3A_116], %div3A_114 {strides = array<i32>} : memref<1x64xf32, #tpu.memory_space<vmem>>, vector<1x64xf32>,
      %get3A_118 = arith.constant 0 : index
      %get3A_119 = arith.constant 0 : index
      %get3A_120 = vector.load %arg8[%get3A_118, %get3A_119] : memref<1x64xf32, #tpu.memory_space<vmem>>, vector<1x64xf32>
      %sub3A_121 = arith.subf %get3A_62, %add3A_87 : vector<1x64xf32>
      %mul3A_122 = arith.mulf %div3A_114, %sub3A_121 : vector<1x64xf32>
      %add3A_123 = arith.addf %get3A_120, %mul3A_122 : vector<1x64xf32>
      %swap3A_124 = arith.constant 0 : index
      %swap3A_125 = arith.constant 0 : index
      %swap3A_126 = vector.load %arg12[%swap3A_124, %swap3A_125] : memref<1x64xf32, #tpu.memory_space<vmem>>, vector<1x64xf32>
      tpu.vector_store %arg12[%swap3A_124, %swap3A_125], %add3A_123 {strides = array<i32>} : memref<1x64xf32, #tpu.memory_space<vmem>>, vector<1x64xf32>,
    } else {
    }
    return
  }
  func.func @transform_0(%arg0: i32) -> (i32, i32) {
    %c0_i32 = arith.constant 0 : i32
    %c0_i32_0 = arith.constant 0 : i32
    return %arg0, %c0_i32 : i32, i32
  }
  func.func @transform_1(%arg0: i32) -> (i32, i32) {
    %c0_i32 = arith.constant 0 : i32
    %c0_i32_0 = arith.constant 0 : i32
    %c0_i32_1 = arith.constant 0 : i32
    return %c0_i32, %c0_i32_0 : i32, i32
  }
  func.func @transform_2(%arg0: i32) -> (i32, i32) {
    %c0_i32 = arith.constant 0 : i32
    %c0_i32_0 = arith.constant 0 : i32
    %c0_i32_1 = arith.constant 0 : i32
    return %c0_i32, %c0_i32_0 : i32, i32
  }
  func.func @transform_3(%arg0: i32) -> (i32, i32) {
    %c0_i32 = arith.constant 0 : i32
    %c0_i32_0 = arith.constant 0 : i32
    %c0_i32_1 = arith.constant 0 : i32
    return %c0_i32, %c0_i32_0 : i32, i32
  }
  func.func @transform_4(%arg0: i32) -> (i32, i32) {
    %c0_i32 = arith.constant 0 : i32
    %c0_i32_0 = arith.constant 0 : i32
    %c0_i32_1 = arith.constant 0 : i32
    return %c0_i32, %c0_i32_0 : i32, i32
  }
  func.func @transform_5(%arg0: i32) -> (i32, i32) {
    %c0_i32 = arith.constant 0 : i32
    %c0_i32_0 = arith.constant 0 : i32
    %c0_i32_1 = arith.constant 0 : i32
    return %c0_i32, %c0_i32_0 : i32, i32
  }
  func.func @transform_6(%arg0: i32) -> (i32, i32) {
    %c0_i32 = arith.constant 0 : i32
    %c0_i32_0 = arith.constant 0 : i32
    %c0_i32_1 = arith.constant 0 : i32
    return %c0_i32, %c0_i32_0 : i32, i32
  }
  func.func @transform_7(%arg0: i32) -> (i32, i32) {
    %c0_i32 = arith.constant 0 : i32
    %c0_i32_0 = arith.constant 0 : i32
    %c0_i32_1 = arith.constant 0 : i32
    return %c0_i32, %c0_i32_0 : i32, i32
  }
  func.func @transform_8(%arg0: i32) -> (i32, i32) {
    %c0_i32 = arith.constant 0 : i32
    %c0_i32_0 = arith.constant 0 : i32
    return %arg0, %c0_i32 : i32, i32
  }
  func.func @transform_9(%arg0: i32) -> (i32, i32) {
    %c0_i32 = arith.constant 0 : i32
    %c0_i32_0 = arith.constant 0 : i32
    return %arg0, %c0_i32 : i32, i32
  }
  func.func @transform_10(%arg0: i32) -> (i32, i32) {
    %c0_i32 = arith.constant 0 : i32
    %c0_i32_0 = arith.constant 0 : i32
    %c0_i32_1 = arith.constant 0 : i32
    return %c0_i32, %c0_i32_0 : i32, i32
  }
  func.func @transform_11(%arg0: i32) -> (i32, i32) {
    %c0_i32 = arith.constant 0 : i32
    %c0_i32_0 = arith.constant 0 : i32
    %c0_i32_1 = arith.constant 0 : i32
    return %c0_i32, %c0_i32_0 : i32, i32
  }
}

module attributes {stable_mosaic.version = 14 : i64} {
  func.func @body(%arg0: i32, %arg1: memref<16384x128xf32, #tpu.memory_space<vmem>>, %arg2: memref<32x32xf32, #tpu.memory_space<vmem>>, %arg3: memref<1x32xf32, #tpu.memory_space<vmem>>, %arg4: memref<1x32xf32, #tpu.memory_space<vmem>>, %arg5: memref<1x32xf32, #tpu.memory_space<vmem>>, %arg6: memref<64x32xf32, #tpu.memory_space<vmem>>, %arg7: memref<128x128xf32, #tpu.memory_space<vmem>>, %arg8: memref<1x128xf32, #tpu.memory_space<vmem>>, %arg9: memref<256x128xf32, #tpu.memory_space<vmem>>, %arg10: memref<128x128xf32, #tpu.memory_space<vmem>>, %arg11: memref<1x128xf32, #tpu.memory_space<vmem>>) attributes {dimension_semantics = [#tpu.dimension_semantics<arbitrary>], iteration_bounds = array<i64: 8>, scalar_prefetch = 0 : i64, scratch_operands = 2 : i64, tpu.core_type = #tpu.core_type<tc>, window_params = [{transform_indices = @transform_0, window_bounds = array<i64: 16384, 128>}, {pipeline_mode = #tpu.pipeline_mode<synchronous>, transform_indices = @transform_1, window_bounds = array<i64: 32, 32>}, {pipeline_mode = #tpu.pipeline_mode<synchronous>, transform_indices = @transform_2, window_bounds = array<i64: 1, 32>}, {pipeline_mode = #tpu.pipeline_mode<synchronous>, transform_indices = @transform_3, window_bounds = array<i64: 1, 32>}, {pipeline_mode = #tpu.pipeline_mode<synchronous>, transform_indices = @transform_4, window_bounds = array<i64: 1, 32>}, {pipeline_mode = #tpu.pipeline_mode<synchronous>, transform_indices = @transform_5, window_bounds = array<i64: 64, 32>}, {pipeline_mode = #tpu.pipeline_mode<synchronous>, transform_indices = @transform_6, window_bounds = array<i64: 128, 128>}, {pipeline_mode = #tpu.pipeline_mode<synchronous>, transform_indices = @transform_7, window_bounds = array<i64: 1, 128>}, {pipeline_mode = #tpu.pipeline_mode<synchronous>, transform_indices = @transform_8, window_bounds = array<i64: 256, 128>}]} {
    %eq3A = arith.constant 0 : i32
    %eq3A_0 = arith.cmpi eq, %arg0, %eq3A : i32
    %convert_element_type3A = arith.extui %eq3A_0 : i1 to i32
    %cond3A = arith.constant 0 : i32
    %cond3A_1 = arith.cmpi ne, %convert_element_type3A, %cond3A : i32
    scf.if %cond3A_1 {
      %broadcast_in_dim3A_23 = arith.constant 0.000000e+00 : f32
      %broadcast_in_dim3A_24 = vector.broadcast %broadcast_in_dim3A_23 : f32 to vector<128x128xf32>
      %swap3A_25 = arith.constant 0 : index
      %swap3A_26 = arith.constant 0 : index
      %swap3A_27 = vector.load %arg10[%swap3A_25, %swap3A_26] : memref<128x128xf32, #tpu.memory_space<vmem>>, vector<128x128xf32>
      tpu.vector_store %arg10[%swap3A_25, %swap3A_26], %broadcast_in_dim3A_24 {strides = array<i32>} : memref<128x128xf32, #tpu.memory_space<vmem>>, vector<128x128xf32>,
      %broadcast_in_dim3A_28 = arith.constant 0.000000e+00 : f32
      %broadcast_in_dim3A_29 = vector.broadcast %broadcast_in_dim3A_28 : f32 to vector<1x128xf32>
      %swap3A_30 = arith.constant 0 : index
      %swap3A_31 = arith.constant 0 : index
      %swap3A_32 = vector.load %arg11[%swap3A_30, %swap3A_31] : memref<1x128xf32, #tpu.memory_space<vmem>>, vector<1x128xf32>
      tpu.vector_store %arg11[%swap3A_30, %swap3A_31], %broadcast_in_dim3A_29 {strides = array<i32>} : memref<1x128xf32, #tpu.memory_space<vmem>>, vector<1x128xf32>,
    } else {
    }
    %get3A = arith.constant 0 : index
    %get3A_2 = arith.constant 0 : index
    %get3A_3 = vector.load %arg1[%get3A, %get3A_2] : memref<16384x128xf32, #tpu.memory_space<vmem>>, vector<16384x128xf32>
    %get3A_4 = arith.constant 0 : index
    %get3A_5 = arith.constant 0 : index
    %get3A_6 = vector.load %arg10[%get3A_4, %get3A_5] : memref<128x128xf32, #tpu.memory_space<vmem>>, vector<128x128xf32>
    %dot_general3A = arith.constant dense<0.000000e+00> : vector<128x128xf32>
    %dot_general3A_7 = tpu.matmul %get3A_3, %get3A_3, %dot_general3A {dimension_numbers = #tpu.dot_dimension_numbers<[0], [0], [1], [1], [0, 1, 1, 1], [], []>, transpose_lhs_hint = false} : vector<16384x128xf32>, vector<16384x128xf32>, vector<128x128xf32> -> vector<128x128xf32>
    %add3A = arith.addf %get3A_6, %dot_general3A_7 : vector<128x128xf32>
    %swap3A = arith.constant 0 : index
    %swap3A_8 = arith.constant 0 : index
    %swap3A_9 = vector.load %arg10[%swap3A, %swap3A_8] : memref<128x128xf32, #tpu.memory_space<vmem>>, vector<128x128xf32>
    tpu.vector_store %arg10[%swap3A, %swap3A_8], %add3A {strides = array<i32>} : memref<128x128xf32, #tpu.memory_space<vmem>>, vector<128x128xf32>,
    %get3A_10 = arith.constant 0 : index
    %get3A_11 = arith.constant 0 : index
    %get3A_12 = vector.load %arg11[%get3A_10, %get3A_11] : memref<1x128xf32, #tpu.memory_space<vmem>>, vector<1x128xf32>
    %reduce_sum3A = arith.constant dense<0.000000e+00> : vector<128xf32>
    %reduce_sum3A_13 = vector.multi_reduction <add>, %get3A_3, %reduce_sum3A [0] : vector<16384x128xf32> to vector<128xf32>
    %broadcast_in_dim3A = vector.shape_cast %reduce_sum3A_13 : vector<128xf32> to vector<1x128xf32>
    %add3A_14 = arith.addf %get3A_12, %broadcast_in_dim3A : vector<1x128xf32>
    %swap3A_15 = arith.constant 0 : index
    %swap3A_16 = arith.constant 0 : index
    %swap3A_17 = vector.load %arg11[%swap3A_15, %swap3A_16] : memref<1x128xf32, #tpu.memory_space<vmem>>, vector<1x128xf32>
    tpu.vector_store %arg11[%swap3A_15, %swap3A_16], %add3A_14 {strides = array<i32>} : memref<1x128xf32, #tpu.memory_space<vmem>>, vector<1x128xf32>,
    %eq3A_18 = arith.constant 7 : i32
    %eq3A_19 = arith.cmpi eq, %arg0, %eq3A_18 : i32
    %convert_element_type3A_20 = arith.extui %eq3A_19 : i1 to i32
    %cond3A_21 = arith.constant 0 : i32
    %cond3A_22 = arith.cmpi ne, %convert_element_type3A_20, %cond3A_21 : i32
    scf.if %cond3A_22 {
      %get3A_23 = arith.constant 0 : index
      %get3A_24 = arith.constant 0 : index
      %get3A_25 = vector.load %arg2[%get3A_23, %get3A_24] : memref<32x32xf32, #tpu.memory_space<vmem>>, vector<32x32xf32>
      %get3A_26 = arith.constant 0 : index
      %get3A_27 = arith.constant 0 : index
      %get3A_28 = vector.load %arg3[%get3A_26, %get3A_27] : memref<1x32xf32, #tpu.memory_space<vmem>>, vector<1x32xf32>
      %get3A_29 = arith.constant 0 : index
      %get3A_30 = arith.constant 0 : index
      %get3A_31 = vector.load %arg10[%get3A_29, %get3A_30] : memref<128x128xf32, #tpu.memory_space<vmem>>, vector<128x128xf32>
      %slice3A = vector.extract_strided_slice %get3A_31 {offsets = [0, 0], sizes = [32, 32], strides = [1, 1]} : vector<128x128xf32> to vector<32x32xf32>
      %slice3A_32 = vector.extract_strided_slice %get3A_31 {offsets = [32, 32], sizes = [32, 32], strides = [1, 1]} : vector<128x128xf32> to vector<32x32xf32>
      %add3A_33 = arith.addf %slice3A, %slice3A_32 : vector<32x32xf32>
      %slice3A_34 = vector.extract_strided_slice %get3A_31 {offsets = [64, 64], sizes = [32, 32], strides = [1, 1]} : vector<128x128xf32> to vector<32x32xf32>
      %add3A_35 = arith.addf %add3A_33, %slice3A_34 : vector<32x32xf32>
      %slice3A_36 = vector.extract_strided_slice %get3A_31 {offsets = [96, 96], sizes = [32, 32], strides = [1, 1]} : vector<128x128xf32> to vector<32x32xf32>
      %add3A_37 = arith.addf %add3A_35, %slice3A_36 : vector<32x32xf32>
      %get3A_38 = arith.constant 0 : index
      %get3A_39 = arith.constant 0 : index
      %get3A_40 = vector.load %arg11[%get3A_38, %get3A_39] : memref<1x128xf32, #tpu.memory_space<vmem>>, vector<1x128xf32>
      %slice3A_41 = vector.extract_strided_slice %get3A_40 {offsets = [0, 0], sizes = [1, 32], strides = [1, 1]} : vector<1x128xf32> to vector<1x32xf32>
      %slice3A_42 = vector.extract_strided_slice %get3A_40 {offsets = [0, 32], sizes = [1, 32], strides = [1, 1]} : vector<1x128xf32> to vector<1x32xf32>
      %add3A_43 = arith.addf %slice3A_41, %slice3A_42 : vector<1x32xf32>
      %slice3A_44 = vector.extract_strided_slice %get3A_40 {offsets = [0, 64], sizes = [1, 32], strides = [1, 1]} : vector<1x128xf32> to vector<1x32xf32>
      %add3A_45 = arith.addf %add3A_43, %slice3A_44 : vector<1x32xf32>
      %slice3A_46 = vector.extract_strided_slice %get3A_40 {offsets = [0, 96], sizes = [1, 32], strides = [1, 1]} : vector<1x128xf32> to vector<1x32xf32>
      %add3A_47 = arith.addf %add3A_45, %slice3A_46 : vector<1x32xf32>
      %dot_general3A_48 = arith.constant dense<0.000000e+00> : vector<1x32xf32>
      %dot_general3A_49 = tpu.matmul %add3A_47, %get3A_25, %dot_general3A_48 {dimension_numbers = #tpu.dot_dimension_numbers<[1], [1], [0], [0], [0, 0, 1, 0], [], []>, precision = #tpu.contract_precision<fp32>, transpose_lhs_hint = false} : vector<1x32xf32>, vector<32x32xf32>, vector<1x32xf32> -> vector<1x32xf32>
      %div3A = arith.constant 5.242880e+05 : f32
      %div3A_50 = vector.broadcast %div3A : f32 to vector<1x32xf32>
      %div3A_51 = arith.divf %dot_general3A_49, %div3A_50 : vector<1x32xf32>
      %add3A_52 = arith.addf %div3A_51, %get3A_28 : vector<1x32xf32>
      %dot_general3A_53 = arith.constant dense<0.000000e+00> : vector<32x32xf32>
      %dot_general3A_54 = tpu.matmul %get3A_25, %add3A_37, %dot_general3A_53 {dimension_numbers = #tpu.dot_dimension_numbers<[1], [0], [0], [1], [0, 0, 1, 1], [], []>, precision = #tpu.contract_precision<fp32>, transpose_lhs_hint = false} : vector<32x32xf32>, vector<32x32xf32>, vector<32x32xf32> -> vector<32x32xf32>
      %broadcast_in_dim3A_55 = arith.constant 1.000000e+00 : f32
      %broadcast_in_dim3A_56 = vector.broadcast %broadcast_in_dim3A_55 : f32 to vector<1x32xf32>
      %mul3A = arith.mulf %dot_general3A_54, %get3A_25 : vector<32x32xf32>
      %dot_general3A_57 = arith.constant dense<0.000000e+00> : vector<1x32xf32>
      %dot_general3A_58 = tpu.matmul %broadcast_in_dim3A_56, %mul3A, %dot_general3A_57 {dimension_numbers = #tpu.dot_dimension_numbers<[1], [1], [0], [0], [0, 0, 1, 0], [], []>, precision = #tpu.contract_precision<fp32>, transpose_lhs_hint = false} : vector<1x32xf32>, vector<32x32xf32>, vector<1x32xf32> -> vector<1x32xf32>
      %div3A_59 = arith.constant 5.242880e+05 : f32
      %div3A_60 = vector.broadcast %div3A_59 : f32 to vector<1x32xf32>
      %div3A_61 = arith.divf %dot_general3A_58, %div3A_60 : vector<1x32xf32>
      %mul3A_62 = arith.constant 2.000000e+00 : f32
      %mul3A_63 = vector.broadcast %mul3A_62 : f32 to vector<1x32xf32>
      %mul3A_64 = arith.mulf %mul3A_63, %get3A_28 : vector<1x32xf32>
      %mul3A_65 = arith.mulf %mul3A_64, %dot_general3A_49 : vector<1x32xf32>
      %div3A_66 = arith.constant 5.242880e+05 : f32
      %div3A_67 = vector.broadcast %div3A_66 : f32 to vector<1x32xf32>
      %div3A_68 = arith.divf %mul3A_65, %div3A_67 : vector<1x32xf32>
      %add3A_69 = arith.addf %div3A_61, %div3A_68 : vector<1x32xf32>
      %mul3A_70 = arith.mulf %get3A_28, %get3A_28 : vector<1x32xf32>
      %add3A_71 = arith.addf %add3A_69, %mul3A_70 : vector<1x32xf32>
      %mul3A_72 = arith.mulf %add3A_52, %add3A_52 : vector<1x32xf32>
      %sub3A = arith.subf %add3A_71, %mul3A_72 : vector<1x32xf32>
      %get3A_73 = arith.constant 0 : index
      %get3A_74 = arith.constant 0 : index
      %get3A_75 = vector.load %arg4[%get3A_73, %get3A_74] : memref<1x32xf32, #tpu.memory_space<vmem>>, vector<1x32xf32>
      %add3A_76 = arith.constant 9.99999974E-6 : f32
      %add3A_77 = vector.broadcast %add3A_76 : f32 to vector<1x32xf32>
      %add3A_78 = arith.addf %sub3A, %add3A_77 : vector<1x32xf32>
      %sqrt3A = math.sqrt %add3A_78 : vector<1x32xf32>
      %div3A_79 = arith.divf %get3A_75, %sqrt3A : vector<1x32xf32>
      %mul3A_80 = arith.mulf %div3A_79, %get3A_28 : vector<1x32xf32>
      %get3A_81 = arith.constant 0 : index
      %get3A_82 = arith.constant 0 : index
      %get3A_83 = vector.load %arg5[%get3A_81, %get3A_82] : memref<1x32xf32, #tpu.memory_space<vmem>>, vector<1x32xf32>
      %add3A_84 = arith.addf %mul3A_80, %get3A_83 : vector<1x32xf32>
      %mul3A_85 = arith.mulf %div3A_79, %add3A_52 : vector<1x32xf32>
      %sub3A_86 = arith.subf %add3A_84, %mul3A_85 : vector<1x32xf32>
      %broadcast_in_dim3A_87 = arith.constant 1.000000e+00 : f32
      %broadcast_in_dim3A_88 = vector.broadcast %broadcast_in_dim3A_87 : f32 to vector<1x32xf32>
      %dot_general3A_89 = arith.constant dense<0.000000e+00> : vector<32x32xf32>
      %dot_general3A_90 = tpu.matmul %div3A_79, %broadcast_in_dim3A_88, %dot_general3A_89 {dimension_numbers = #tpu.dot_dimension_numbers<[0], [0], [1], [1], [0, 1, 1, 1], [], []>, precision = #tpu.contract_precision<fp32>, transpose_lhs_hint = false} : vector<1x32xf32>, vector<1x32xf32>, vector<32x32xf32> -> vector<32x32xf32>
      %mul3A_91 = arith.mulf %get3A_25, %dot_general3A_90 : vector<32x32xf32>
      %broadcast_in_dim3A_92 = arith.constant 0.000000e+00 : f32
      %broadcast_in_dim3A_93 = vector.broadcast %broadcast_in_dim3A_92 : f32 to vector<128x128xf32>
      %swap3A_94 = arith.constant 0 : index
      %swap3A_95 = arith.constant 0 : index
      %swap3A_96 = vector.load %arg7[%swap3A_94, %swap3A_95] : memref<128x128xf32, #tpu.memory_space<vmem>>, vector<128x128xf32>
      tpu.vector_store %arg7[%swap3A_94, %swap3A_95], %broadcast_in_dim3A_93 {strides = array<i32>} : memref<128x128xf32, #tpu.memory_space<vmem>>, vector<128x128xf32>,
      %broadcast_in_dim3A_97 = arith.constant 0.000000e+00 : f32
      %broadcast_in_dim3A_98 = vector.broadcast %broadcast_in_dim3A_97 : f32 to vector<256x128xf32>
      %swap3A_99 = arith.constant 0 : index
      %swap3A_100 = arith.constant 0 : index
      %swap3A_101 = vector.load %arg9[%swap3A_99, %swap3A_100] : memref<256x128xf32, #tpu.memory_space<vmem>>, vector<256x128xf32>
      tpu.vector_store %arg9[%swap3A_99, %swap3A_100], %broadcast_in_dim3A_98 {strides = array<i32>} : memref<256x128xf32, #tpu.memory_space<vmem>>, vector<256x128xf32>,
      %swap3A_102 = arith.constant 0 : index
      %swap3A_103 = arith.constant 0 : index
      %swap3A_104 = vector.load %arg7[%swap3A_102, %swap3A_103] : memref<128x128xf32, #tpu.memory_space<vmem>>, vector<32x32xf32>
      tpu.vector_store %arg7[%swap3A_102, %swap3A_103], %mul3A_91 {strides = array<i32>} : memref<128x128xf32, #tpu.memory_space<vmem>>, vector<32x32xf32>,
      %swap3A_105 = arith.constant 0 : index
      %swap3A_106 = arith.constant 0 : index
      %swap3A_107 = vector.load %arg8[%swap3A_105, %swap3A_106] : memref<1x128xf32, #tpu.memory_space<vmem>>, vector<1x32xf32>
      tpu.vector_store %arg8[%swap3A_105, %swap3A_106], %sub3A_86 {strides = array<i32>} : memref<1x128xf32, #tpu.memory_space<vmem>>, vector<1x32xf32>,
      %get3A_108 = arith.constant 0 : index
      %get3A_109 = arith.constant 0 : index
      %get3A_110 = vector.load %arg6[%get3A_108, %get3A_109] : memref<64x32xf32, #tpu.memory_space<vmem>>, vector<64x32xf32>
      %swap3A_111 = arith.constant 0 : index
      %swap3A_112 = arith.constant 0 : index
      %swap3A_113 = vector.load %arg9[%swap3A_111, %swap3A_112] : memref<256x128xf32, #tpu.memory_space<vmem>>, vector<64x32xf32>
      tpu.vector_store %arg9[%swap3A_111, %swap3A_112], %get3A_110 {strides = array<i32>} : memref<256x128xf32, #tpu.memory_space<vmem>>, vector<64x32xf32>,
      %swap3A_114 = arith.constant 32 : index
      %swap3A_115 = arith.constant 32 : index
      %swap3A_116 = vector.load %arg7[%swap3A_114, %swap3A_115] : memref<128x128xf32, #tpu.memory_space<vmem>>, vector<32x32xf32>
      tpu.vector_store %arg7[%swap3A_114, %swap3A_115], %mul3A_91 {strides = array<i32>} : memref<128x128xf32, #tpu.memory_space<vmem>>, vector<32x32xf32>,
      %swap3A_117 = arith.constant 0 : index
      %swap3A_118 = arith.constant 32 : index
      %swap3A_119 = vector.load %arg8[%swap3A_117, %swap3A_118] : memref<1x128xf32, #tpu.memory_space<vmem>>, vector<1x32xf32>
      tpu.vector_store %arg8[%swap3A_117, %swap3A_118], %sub3A_86 {strides = array<i32>} : memref<1x128xf32, #tpu.memory_space<vmem>>, vector<1x32xf32>,
      %get3A_120 = arith.constant 0 : index
      %get3A_121 = arith.constant 0 : index
      %get3A_122 = vector.load %arg6[%get3A_120, %get3A_121] : memref<64x32xf32, #tpu.memory_space<vmem>>, vector<64x32xf32>
      %swap3A_123 = arith.constant 64 : index
      %swap3A_124 = arith.constant 32 : index
      %swap3A_125 = vector.load %arg9[%swap3A_123, %swap3A_124] : memref<256x128xf32, #tpu.memory_space<vmem>>, vector<64x32xf32>
      tpu.vector_store %arg9[%swap3A_123, %swap3A_124], %get3A_122 {strides = array<i32>} : memref<256x128xf32, #tpu.memory_space<vmem>>, vector<64x32xf32>,
      %swap3A_126 = arith.constant 64 : index
      %swap3A_127 = arith.constant 64 : index
      %swap3A_128 = vector.load %arg7[%swap3A_126, %swap3A_127] : memref<128x128xf32, #tpu.memory_space<vmem>>, vector<32x32xf32>
      tpu.vector_store %arg7[%swap3A_126, %swap3A_127], %mul3A_91 {strides = array<i32>} : memref<128x128xf32, #tpu.memory_space<vmem>>, vector<32x32xf32>,
      %swap3A_129 = arith.constant 0 : index
      %swap3A_130 = arith.constant 64 : index
      %swap3A_131 = vector.load %arg8[%swap3A_129, %swap3A_130] : memref<1x128xf32, #tpu.memory_space<vmem>>, vector<1x32xf32>
      tpu.vector_store %arg8[%swap3A_129, %swap3A_130], %sub3A_86 {strides = array<i32>} : memref<1x128xf32, #tpu.memory_space<vmem>>, vector<1x32xf32>,
      %get3A_132 = arith.constant 0 : index
      %get3A_133 = arith.constant 0 : index
      %get3A_134 = vector.load %arg6[%get3A_132, %get3A_133] : memref<64x32xf32, #tpu.memory_space<vmem>>, vector<64x32xf32>
      %swap3A_135 = arith.constant 128 : index
      %swap3A_136 = arith.constant 64 : index
      %swap3A_137 = vector.load %arg9[%swap3A_135, %swap3A_136] : memref<256x128xf32, #tpu.memory_space<vmem>>, vector<64x32xf32>
      tpu.vector_store %arg9[%swap3A_135, %swap3A_136], %get3A_134 {strides = array<i32>} : memref<256x128xf32, #tpu.memory_space<vmem>>, vector<64x32xf32>,
      %swap3A_138 = arith.constant 96 : index
      %swap3A_139 = arith.constant 96 : index
      %swap3A_140 = vector.load %arg7[%swap3A_138, %swap3A_139] : memref<128x128xf32, #tpu.memory_space<vmem>>, vector<32x32xf32>
      tpu.vector_store %arg7[%swap3A_138, %swap3A_139], %mul3A_91 {strides = array<i32>} : memref<128x128xf32, #tpu.memory_space<vmem>>, vector<32x32xf32>,
      %swap3A_141 = arith.constant 0 : index
      %swap3A_142 = arith.constant 96 : index
      %swap3A_143 = vector.load %arg8[%swap3A_141, %swap3A_142] : memref<1x128xf32, #tpu.memory_space<vmem>>, vector<1x32xf32>
      tpu.vector_store %arg8[%swap3A_141, %swap3A_142], %sub3A_86 {strides = array<i32>} : memref<1x128xf32, #tpu.memory_space<vmem>>, vector<1x32xf32>,
      %get3A_144 = arith.constant 0 : index
      %get3A_145 = arith.constant 0 : index
      %get3A_146 = vector.load %arg6[%get3A_144, %get3A_145] : memref<64x32xf32, #tpu.memory_space<vmem>>, vector<64x32xf32>
      %swap3A_147 = arith.constant 192 : index
      %swap3A_148 = arith.constant 96 : index
      %swap3A_149 = vector.load %arg9[%swap3A_147, %swap3A_148] : memref<256x128xf32, #tpu.memory_space<vmem>>, vector<64x32xf32>
      tpu.vector_store %arg9[%swap3A_147, %swap3A_148], %get3A_146 {strides = array<i32>} : memref<256x128xf32, #tpu.memory_space<vmem>>, vector<64x32xf32>,
    } else {
    }
    return
  }
  func.func @transform_0(%arg0: i32) -> (i32, i32) {
    %c0_i32 = arith.constant 0 : i32
    %c0_i32_0 = arith.constant 0 : i32
    return %arg0, %c0_i32 : i32, i32
  }
  func.func @transform_1(%arg0: i32) -> (i32, i32) {
    %c0_i32 = arith.constant 0 : i32
    %c0_i32_0 = arith.constant 0 : i32
    %c0_i32_1 = arith.constant 0 : i32
    return %c0_i32, %c0_i32_0 : i32, i32
  }
  func.func @transform_2(%arg0: i32) -> (i32, i32) {
    %c0_i32 = arith.constant 0 : i32
    %c0_i32_0 = arith.constant 0 : i32
    %c0_i32_1 = arith.constant 0 : i32
    return %c0_i32, %c0_i32_0 : i32, i32
  }
  func.func @transform_3(%arg0: i32) -> (i32, i32) {
    %c0_i32 = arith.constant 0 : i32
    %c0_i32_0 = arith.constant 0 : i32
    %c0_i32_1 = arith.constant 0 : i32
    return %c0_i32, %c0_i32_0 : i32, i32
  }
  func.func @transform_4(%arg0: i32) -> (i32, i32) {
    %c0_i32 = arith.constant 0 : i32
    %c0_i32_0 = arith.constant 0 : i32
    %c0_i32_1 = arith.constant 0 : i32
    return %c0_i32, %c0_i32_0 : i32, i32
  }
  func.func @transform_5(%arg0: i32) -> (i32, i32) {
    %c0_i32 = arith.constant 0 : i32
    %c0_i32_0 = arith.constant 0 : i32
    %c0_i32_1 = arith.constant 0 : i32
    return %c0_i32, %c0_i32_0 : i32, i32
  }
  func.func @transform_6(%arg0: i32) -> (i32, i32) {
    %c0_i32 = arith.constant 0 : i32
    %c0_i32_0 = arith.constant 0 : i32
    %c0_i32_1 = arith.constant 0 : i32
    return %c0_i32, %c0_i32_0 : i32, i32
  }
  func.func @transform_7(%arg0: i32) -> (i32, i32) {
    %c0_i32 = arith.constant 0 : i32
    %c0_i32_0 = arith.constant 0 : i32
    %c0_i32_1 = arith.constant 0 : i32
    return %c0_i32, %c0_i32_0 : i32, i32
  }
  func.func @transform_8(%arg0: i32) -> (i32, i32) {
    %c0_i32 = arith.constant 0 : i32
    %c0_i32_0 = arith.constant 0 : i32
    %c0_i32_1 = arith.constant 0 : i32
    return %c0_i32, %c0_i32_0 : i32, i32
  }
}

module attributes {stable_mosaic.version = 14 : i64} {
  func.func @body(%arg0: i32, %arg1: memref<1024x64xf32, #tpu.memory_space<vmem>>, %arg2: memref<1024x64xf32, #tpu.memory_space<vmem>>, %arg3: memref<1x64xf32, #tpu.memory_space<vmem>>, %arg4: memref<1x64xf32, #tpu.memory_space<vmem>>, %arg5: memref<1x64x1024xf32, #tpu.memory_space<vmem>>) attributes {dimension_semantics = [#tpu.dimension_semantics<arbitrary>], iteration_bounds = array<i64: 16>, scalar_prefetch = 0 : i64, scratch_operands = 0 : i64, tpu.core_type = #tpu.core_type<tc>, window_params = [{transform_indices = @transform_0, window_bounds = array<i64: 1024, 64>}, {transform_indices = @transform_1, window_bounds = array<i64: 1024, 64>}, {pipeline_mode = #tpu.pipeline_mode<synchronous>, transform_indices = @transform_2, window_bounds = array<i64: 1, 64>}, {pipeline_mode = #tpu.pipeline_mode<synchronous>, transform_indices = @transform_3, window_bounds = array<i64: 1, 64>}, {transform_indices = @transform_4, window_bounds = array<i64: 1, 64, 1024>}]} {
    %get3A = arith.constant 0 : index
    %get3A_0 = arith.constant 0 : index
    %get3A_1 = vector.load %arg3[%get3A, %get3A_0] : memref<1x64xf32, #tpu.memory_space<vmem>>, vector<1x64xf32>
    %ge3A = arith.constant 0.000000e+00 : f32
    %ge3A_2 = vector.broadcast %ge3A : f32 to vector<1x64xf32>
    %ge3A_3 = arith.cmpf oge, %get3A_1, %ge3A_2 : vector<1x64xf32>
    %get3A_4 = arith.constant 0 : index
    %get3A_5 = arith.constant 0 : index
    %get3A_6 = vector.load %arg1[%get3A_4, %get3A_5] : memref<1024x64xf32, #tpu.memory_space<vmem>>, vector<1024x64xf32>
    %get3A_7 = arith.constant 0 : index
    %get3A_8 = arith.constant 0 : index
    %get3A_9 = vector.load %arg2[%get3A_7, %get3A_8] : memref<1024x64xf32, #tpu.memory_space<vmem>>, vector<1024x64xf32>
    %broadcast_in_dim3A = vector.shape_cast %ge3A_3 : vector<1x64xi1> to vector<1x64xi1>
    %broadcast_in_dim3A_10 = vector.broadcast %broadcast_in_dim3A : vector<1x64xi1> to vector<1024x64xi1>
    %select_n3A = arith.select %broadcast_in_dim3A_10, %get3A_6, %get3A_9 : vector<1024x64xi1>, vector<1024x64xf32>
    %mul3A = vector.broadcast %get3A_1 : vector<1x64xf32> to vector<1024x64xf32>
    %mul3A_11 = arith.mulf %mul3A, %select_n3A : vector<1024x64xf32>
    %get3A_12 = arith.constant 0 : index
    %get3A_13 = arith.constant 0 : index
    %get3A_14 = vector.load %arg4[%get3A_12, %get3A_13] : memref<1x64xf32, #tpu.memory_space<vmem>>, vector<1x64xf32>
    %add3A = vector.broadcast %get3A_14 : vector<1x64xf32> to vector<1024x64xf32>
    %add3A_15 = arith.addf %mul3A_11, %add3A : vector<1024x64xf32>
    %max3A = arith.constant 0.000000e+00 : f32
    %max3A_16 = vector.broadcast %max3A : f32 to vector<1024x64xf32>
    %max3A_17 = arith.maximumf %add3A_15, %max3A_16 : vector<1024x64xf32>
    %transpose3A = tpu.transpose %max3A_17, [1, 0] : vector<1024x64xf32> -> vector<64x1024xf32>
    %broadcast_in_dim3A_18 = vector.shape_cast %transpose3A : vector<64x1024xf32> to vector<1x64x1024xf32>
    %swap3A = arith.constant 0 : index
    %swap3A_19 = arith.constant 0 : index
    %swap3A_20 = arith.constant 0 : index
    %swap3A_21 = vector.load %arg5[%swap3A, %swap3A_19, %swap3A_20] : memref<1x64x1024xf32, #tpu.memory_space<vmem>>, vector<1x64x1024xf32>
    tpu.vector_store %arg5[%swap3A, %swap3A_19, %swap3A_20], %broadcast_in_dim3A_18 {strides = array<i32>} : memref<1x64x1024xf32, #tpu.memory_space<vmem>>, vector<1x64x1024xf32>,
    return
  }
  func.func @transform_0(%arg0: i32) -> (i32, i32) {
    %c0_i32 = arith.constant 0 : i32
    %c0_i32_0 = arith.constant 0 : i32
    return %arg0, %c0_i32 : i32, i32
  }
  func.func @transform_1(%arg0: i32) -> (i32, i32) {
    %c0_i32 = arith.constant 0 : i32
    %c0_i32_0 = arith.constant 0 : i32
    return %arg0, %c0_i32 : i32, i32
  }
  func.func @transform_2(%arg0: i32) -> (i32, i32) {
    %c0_i32 = arith.constant 0 : i32
    %c0_i32_0 = arith.constant 0 : i32
    %c0_i32_1 = arith.constant 0 : i32
    return %c0_i32, %c0_i32_0 : i32, i32
  }
  func.func @transform_3(%arg0: i32) -> (i32, i32) {
    %c0_i32 = arith.constant 0 : i32
    %c0_i32_0 = arith.constant 0 : i32
    %c0_i32_1 = arith.constant 0 : i32
    return %c0_i32, %c0_i32_0 : i32, i32
  }
  func.func @transform_4(%arg0: i32) -> (i32, i32, i32) {
    %c0_i32 = arith.constant 0 : i32
    %c0_i32_0 = arith.constant 0 : i32
    %c0_i32_1 = arith.constant 0 : i32
    return %arg0, %c0_i32, %c0_i32_0 : i32, i32, i32
  }
}

</mosaic_0001>

<sc_bundles>
// kernel: kernel.6.cloned.1.call-start
scs
__scs_entry_jumppad:
0x0: {  	(pc) =	sbr.rel $0x88, $3  }
0x1: {  	(tag) =	ssettag $0x0;
	lr =	simm.s32 $0x1  }
0x2: {  	[smem:$0x3F96] =	sst lr;
	_ =	strace $0xD0000000  }
0x3: {  	_ = 	snop  }
0x4: {  	_ = 	snop  }
0x5: {  	_ = 	snop  }
0x6: {  	_ = 	snop  }
0x7: {  	_ = 	snop  }
__scs_overlays_trampoline_lowered:
0x8: {  	[smem:$0x3FA5] =	sst s0  }
0x9: {  	[smem:$0x3FA6] =	sst s1  }
0xa: {  	[smem:$0x3FA7] =	sst s2  }
0xb: {  	[smem:$0x3FA8] =	sst s3  }
0xc: {  	[smem:$0x3FA9] =	sst s4  }
0xd: {  	[smem:$0x3FAA] =	sst s5  }
0xe: {  	[smem:$0x3FAB] =	sst s6  }
0xf: {  	[smem:$0x3FAC] =	sst s7  }
0x10: {  	[smem:$0x3FAD] =	sst s8  }
0x11: {  	[smem:$0x3FAE] =	sst s9;
	s0 =	simm.s32 @!p0 $0x0  }
0x12: {  	s1 =	sld [smem:$0x3F94];
	s0 =	simm.s32 @p0 $0x1  }
0x13: {  	[smem:$0x3FAF] =	sst s0;
	s0 =	simm.s32 @!p1 $0x0  }
0x14: {  	s2 =	sld [smem:$0x3F93];
	s0 =	simm.s32 @p1 $0x1  }
0x15: {  	[smem:$0x3FB0] =	sst s0;
	s0 =	simm.s32 @!p2 $0x0  }
0x16: {  	s3 =	sld [smem:$0x3FDB];
	s0 =	simm.s32 @p2 $0x1  }
0x17: {  	s4 =	simm.s32 $0x1BF5;
	[smem:$0x3FB2] =	sst s0  }
0x18: {  	s0 =	sld [smem:$0x3F95];
	_ =	swait.ge [sflag:s4], $0x0  }
0x19: {  	s7 =	sld [smem:$0x3F96]  }
0x1a: {  	s8 =	sadd.s32 $0xFFFFE003, lr  }
0x1b: {  	s9 =	sadd.s32 $0xFFFFFEF7, lr;
	s5 =	simm.s32 $0xFFFFFFFF;
	p2 =	slt.u32 s8, $0xFFFFF086  }
0x1c: {  	p1 =	slt.u32 s9, $0xF7A;
	s5 =	simm.s32 @!p2 $0x0  }
0x1d: {  	s5 =	simm.s32 @p1 $0x1;
	p0 =	seq.s32 s7, s2  }
0x1e: {  	s7 =	smul.u32 @!p0 $0xF7A, s2;
	p2 =	seq.s32 @!p0 s5, $0x0  }
0x1f: {  	s9 =	smul.u32 $0xF7A, s1;
	s8 =	simm.s32 @!p0 $0x1BF5;
	p2 =	por !p2, p0  }
0x20: {  	[sflag:s8] =	ssyncset.s32 @!p0 $0xFFFFF086;
	s6 =	sadd.s32 @!p0 s3, s7;
	s7 =	simm.s32 @!p0 $0x108  }
0x21: {  	s3 =	sadd.s32 s3, s9;
	s6 =	sadd.s32 @!p0 $0x88, s6;
	s7 =	simm.s32 @p2 $0x1082  }
0x22: {  	[simem:s7], [sflag:s8] =	dma.local @!p0 [hbm:s6], $0xF7A  }
0x23: {  	s9 =	sor.u32 $0xD0000000, s2;
	s6 =	simm.s32 $0x108;
	_ =	swait.ge @!p0 [sflag:s8], $0x0  }
0x24: {  	s3 =	sadd.s32 $0x88, s3;
	s6 =	simm.s32 @!p1 $0x1082;
	[sflag:s4] =	ssyncset.s32 $0xFFFFF086  }
0x25: {  	[simem:s6], [sflag:s4] =	dma.local [hbm:s3], $0xF7A  }
0x26: {  	[smem:$0x3F96] =	sst s1;
	(tag) =	ssettag s2;
	_ =	strace s9  }
0x27: {  	s1 =	sld [smem:$0x3FA6]  }
0x28: {  	s2 =	sld [smem:$0x3FA7]  }
0x29: {  	s4 =	sld [smem:$0x3FA9]  }
0x2a: {  	p0 =	seq.s32 s5, $0x0;
	s5 =	sld [smem:$0x3FAA]  }
0x2b: {  	s6 =	sld [smem:$0x3FAB]  }
0x2c: {  	s7 =	sld [smem:$0x3FAC]  }
0x2d: {  	s3 =	simm.s32 $0x108;
	s8 =	sld [smem:$0x3FAD]  }
0x2e: {  	s3 =	simm.s32 @!p0 $0x1082;
	s9 =	sld [smem:$0x3FAE]  }
0x2f: {  	lr =	sadd.s32 s0, s3;
	s0 =	sld [smem:$0x3FA5]  }
0x30: {  	s3 =	sld [smem:$0x3FA8]  }
0x31: {  	[smem:$0x3FB1] =	sst s10  }
0x32: {  	s10 =	sld [smem:$0x3FAF];
	_ =	sdelay $0x3  }
0x33: {  	p0 =	seq.s32 s10, $0x1;
	s10 =	sld [smem:$0x3FB1];
	_ =	sdelay $0x3  }
0x34: {  	[smem:$0x3FB1] =	sst s10  }
0x35: {  	s10 =	sld [smem:$0x3FB0];
	_ =	sdelay $0x3  }
0x36: {  	p1 =	seq.s32 s10, $0x1;
	s10 =	sld [smem:$0x3FB1];
	_ =	sdelay $0x3  }
0x37: {  	[smem:$0x3FB1] =	sst s10  }
0x38: {  	s10 =	sld [smem:$0x3FB2]  }
0x39: {  	_ = 	snop;
	(pc) =	sbr.ind lr, $3  }
0x3a: {  	_ = 	snop  }
0x3b: {  	_ = 	snop  }
0x3c: {  	p2 =	seq.s32 s10, $0x1;
	s10 =	sld [smem:$0x3FB1]  }
0x3d: {  	_ =	shalt  }
0x3e: {  	_ =	shalt  }
0x3f: {  	_ =	shalt  }
0x40: {  	_ =	shalt  }
0x41: {  	_ =	shalt  }
0x42: {  	_ =	shalt  }
0x43: {  	_ =	shalt  }
0x44: {  	_ =	shalt  }
0x45: {  	_ =	shalt  }
0x46: {  	_ =	shalt  }
0x47: {  	_ =	shalt  }
0x48: {  	_ =	shalt  }
0x49: {  	_ =	shalt  }
0x4a: {  	_ =	shalt  }
0x4b: {  	_ =	shalt  }
0x4c: {  	_ =	shalt  }
0x4d: {  	_ =	shalt  }
0x4e: {  	_ =	shalt  }
0x4f: {  	_ =	shalt  }
0x50: {  	_ =	shalt  }
0x51: {  	_ =	shalt  }
0x52: {  	_ =	shalt  }
0x53: {  	_ =	shalt  }
0x54: {  	_ =	shalt  }
0x55: {  	_ =	shalt  }
0x56: {  	_ =	shalt  }
0x57: {  	_ =	shalt  }
0x58: {  	_ =	shalt  }
0x59: {  	_ =	shalt  }
0x5a: {  	_ =	shalt  }
0x5b: {  	_ =	shalt  }
0x5c: {  	_ =	shalt  }
0x5d: {  	_ =	shalt  }
0x5e: {  	_ =	shalt  }
0x5f: {  	_ =	shalt  }
0x60: {  	_ =	shalt  }
0x61: {  	_ =	shalt  }
0x62: {  	_ =	shalt  }
0x63: {  	_ =	shalt  }
0x64: {  	_ =	shalt  }
0x65: {  	_ =	shalt  }
0x66: {  	_ =	shalt  }
0x67: {  	_ =	shalt  }
0x68: {  	_ =	shalt  }
0x69: {  	_ =	shalt  }
0x6a: {  	_ =	shalt  }
0x6b: {  	_ =	shalt  }
0x6c: {  	_ =	shalt  }
0x6d: {  	_ =	shalt  }
0x6e: {  	_ =	shalt  }
0x6f: {  	_ =	shalt  }
0x70: {  	_ =	shalt  }
0x71: {  	_ =	shalt  }
0x72: {  	_ =	shalt  }
0x73: {  	_ =	shalt  }
0x74: {  	_ =	shalt  }
0x75: {  	_ =	shalt  }
0x76: {  	_ =	shalt  }
0x77: {  	_ =	shalt  }
0x78: {  	_ =	shalt  }
0x79: {  	_ =	shalt  }
0x7a: {  	_ =	shalt  }
0x7b: {  	_ =	shalt  }
0x7c: {  	_ =	shalt  }
0x7d: {  	_ =	shalt  }
0x7e: {  	_ =	shalt  }
0x7f: {  	_ =	shalt  }
0x80: {  	_ =	shalt  }
0x81: {  	_ =	shalt  }
0x82: {  	_ =	shalt  }
0x83: {  	_ =	shalt  }
0x84: {  	_ =	shalt  }
0x85: {  	_ =	shalt  }
0x86: {  	_ =	shalt  }
0x87: {  	_ =	shalt  }
.Lfunc_end0:
.L_simem_size_0:
called_computation_lowered:
.L_overlay_start_0:
0x88: {  	s2 =	sld [smem:$0x3FD9]  }
0x89: {  	s3 =	sld [smem:$0x3FFE];
	_ =	sdelay $0x1  }
0x8a: {  	s1 =	srdreg.scid  }
0x8b: {  	s0 =	sand.u32 $0x1, s1  }
0x8c: {  	s14 =	sshll.u32 s0, $0xA;
	s2 =	sadd.s32 s3, s2  }
0x8d: {  	s2 =	sadd.s32 s2, s14  }
0x8e: {  	[smem:$0x3FBD] =	sst s2  }
0x8f: {  	_ = 	snop  }
0x90: {  	s2 =	sld [smem:$0x3FD0];
	_ =	sdelay $0x2  }
0x91: {  	s15 =	simm.s32 $0xA;
	s4 =	simm.s32 $0x10  }
0x92: {  	[smem:s4], [sflag:s15] =	dma.local [hbm:s2], $0x1  }
0x93: {  	_ =	swait.eq [sflag:s15], $0x1  }
0x94: {  	[sflag:s15] =	ssyncset.done $0x0  }
0x95: {  	s16 =	sld [smem:$0x10];
	[sflag:s15] =	ssyncadd.s32 $0xFFFFFFFF  }
0x96: {  	s17 =	sld [smem:$0x11];
	(tm) =	ssettm $0x1  }
0x97: {  	s18 =	sld [smem:$0x3FFB];
	_ =	sdelay $0x3  }
0x98: {  	_ =	strace s18  }
0x99: {  	s4 =	sld [smem:$0x3FFC];
	_ =	sdelay $0x3  }
0x9a: {  	_ =	strace s4  }
0x9b: {  	s4 =	sld [smem:$0x3FFD];
	_ =	sdelay $0x3  }
0x9c: {  	_ =	strace s4  }
0x9d: {  	_ =	strace $0x8FFFFFFF  }
0x9e: {  	s19 =	sld [smem:$0x3FDB];
	_ =	sdelay $0x1  }
0x9f: {  	s5 =	simm.s32 $_scs_section_size  }
0xa0: {  	s6 =	simm.s32 $_size__tile_overlayer_lowered;
	s7 =	simm.s32 $_tile_overlayer_lowered  }
0xa1: {  	s22 =	simm.s32 $0x1BFF;
	s21 =	sshll.u32 s7, $0x1;
	s4 =	sadd.s32 s5, s19  }
0xa2: {  	s8 =	simm.s32 $0x0;
	s20 =	sshll.u32 s6, $0x1;
	s6 =	sadd.s32 s21, s4  }
0xa3: {  	[timem:s8], [sflag:s22] =	dma.local [hbm:s6], s20  }
0xa4: {  	_ =	swait.ge [sflag:s22], s20  }
0xa5: {  	s5 =	ssub.s32 $0x0, s20;
	[sflag:s22] =	ssyncset.done $0x0  }
0xa6: {  	[sflag:s22] =	ssyncadd.s32 s5;
	_ =	sdelay $0x1  }
0xa7: {  	s23 =	simm.s32 $0x1B8B  }
0xa8: {  	_ =	swait.ge [sflag:s23], $0x1  }
0xa9: {  	[sflag:s23] =	ssyncset.done $0x0  }
0xaa: {  	s25 =	simm.s32 $0x1B8E;
	s24 =	sld [smem:$0x3FFE];
	[sflag:s23] =	ssyncadd.s32 $0xFFFFFFFF  }
0xab: {  	s26 =	simm.s32 $execute0_lowered;
	[smem:$0x3FD2] =	sst s25  }
0xac: {  	s6 =	sshll.u32 s26, $0x1;
	_ =	strace $0x80000046;
	[dreg:$0x1] =	wrdreg $0xFFFFFFFF  }
0xad: {  	s28 =	simm.s32 $_size_execute0_lowered;
	s4 =	sadd.s32 s4, s6;
	[dreg:$0x0] =	wrdreg $0x0  }
0xae: {  	s6 =	sshll.u32 s28, $0x1;
	[dreg:$0x2] =	wrdreg s4  }
0xaf: {  	[dreg:$0x3] =	wrdreg s6  }
0xb0: {  	[dreg:$0x4] =	wrdreg $0xC0  }
0xb1: {  	_ =	task [dreg:s8], $0x5FFFF  }
0xb2: {  	[dreg:$0x1] =	wrdreg $0xFFFFFFFF  }
0xb3: {  	[dreg:$0x0] =	wrdreg $0x60  }
0xb4: {  	[dreg:$0x2] =	wrdreg s24  }
0xb5: {  	[dreg:$0x3] =	wrdreg s17  }
0xb6: {  	[dreg:$0x4] =	wrdreg s16  }
0xb7: {  	[dreg:$0x5] =	wrdreg $0x9  }
0xb8: {  	_ =	task.clear_ibuf [dreg:s8], $0x6FFFF;
	_ =	strace $0x90000046  }
0xb9: {  	s29 =	simm.s32 $0x9;
	_ =	strace $0x80000048  }
0xba: {  	_ =	swait.ge [sflag:s29], $0x1  }
0xbb: {  	[sflag:s29] =	ssyncadd.s32 $0xFFFFFFFF  }
0xbc: {  	_ =	strace $0x90000048  }
0xbd: {  	_ =	sfence  }
0xbe: {  	s30 =	sld [smem:$0x0];
	_ =	sdelay $0x2  }
0xbf: {  	s31 =	sshll.u32 s1, $0xD;
	s1 =	sshrl.u32 s1, $0x2  }
0xc0: {  	s3 =	sand.u32 $0x4000, s31;
	s1 =	sadd.s32 s1, s30  }
0xc1: {  	s0 =	sor.u32 s3, s0;
	s1 =	sshll.u32 s1, $0x11  }
0xc2: {  	s0 =	sor.u32 s1, s0  }
0xc3: {  	s0 =	sadd.s32 $0x8F2B, s0  }
0xc4: {  	[sflag:s0] =	ssyncadd.remote.s32 $0x1  }
0xc5: {  	_ =	sfence.sel $0xFFFF  }
0xc6: {  	[dreg:$0x0] =	wrdreg $0xFFFFFFFF;
	(pc) =	sbr.abs _section_cstart, $3  }
0xc7: {  	[dreg:$0x1] =	wrdreg $0xFFFFFFFF  }
0xc8: {  	_ =	task.clear_ibuf [dreg:s8], $0x2FFFF;
	_ =	strace $0x9FFFFFFF  }
0xc9: {  	(tm) =	ssettm $0x7FFFFFFF  }
tec
execute0_lowered:
.L_overlay_start_1:
0x0: {  	(tag) =	ssettag $0x1  }
0x1: {  	s1 =	rddreg [dreg:$0x0]  }
0x2: {  	s0 =	srdreg.scid;
	s6 =	rddreg [dreg:$0x1]  }
0x3: {  	s8 =	stileid.u32;
	s7 =	rddreg [dreg:$0x2]  }
0x4: {  	s4 =	simm.s32 $0x1;
	s14 =	simm.s32 $0x5;
	s17 =	simm.s32 $0x3000  }
0x5: {  	s18 =	simm.s32 $0x3200;
	s19 =	simm.s32 $0x3400;
	s20 =	simm.s32 $0x3600  }
0x6: {  	s28 =	simm.s32 $0x4;
	s29 =	simm.s32 $0x3;
	s0 =	sand.u32 $0x1, s0  }
0x7: {  	s30 =	simm.s32 $0x0;
	s3 =	sadd.s32 $0x101A00, s1;
	s2 =	sor.u32 s0, s8  }
0x8: {  	p1 =	seq.s32 s0, $0x1;
	s5 =	ssub.s32 $0x2, s0;
	p0 =	seq.s32 s2, $0x0  }
0x9: {  	s10 =	sshll.u32 s0, $0x9;
	s2 =	simm.s32 $0x0;
	p0 =	por !p0, !p1  }
0xa: {  	s0 =	sshll.u32 s0, $0x10;
	[smem:$0x7FF] =	sst s2;
	p0 =	por !p0, !p0  }
0xb: {  	s21 =	sshrl.u32 s5, $0x1;
	_ =	strace $0x80000047;
	s4 =	simm.s32 @!p0 $0x0  }
0xc: {  	s8 =	ssub.s32 s8, s4;
	s4 =	sadd.s32 $0x141A00, s1;
	s1 =	ssub.s32 s5, s21  }
0xd: {  	s5 =	simm.s32 $0x1;
	s21 =	simm.s32 $0x4640;
	s9 =	smul.u32 $0x3000, s8  }
0xe: {  	s13 =	smul.u32 $0xC00, s8;
	s26 =	sshll.u32 s8, $0xC;
	s31 =	sshll.u32 s8, $0x11  }
0xf: {  	v0 =	vmov s26;
	s26 =	simm.s32 $0x2;
	s11 =	sshrl.u32 s9, $0x3;
	s12 =	sadd.s32 $0x1000, s9  }
0x10: {  	s9 =	sadd.s32 $0x2000, s9;
	s10 =	sor.u32 s10, s13;
	s13 =	sor.u32 s0, s31  }
0x11: {  	s11 =	sadd.s32 s6, s11;
	s22 =	sshrl.u32 s12, $0x3;
	s9 =	sshrl.u32 s9, $0x3  }
0x12: {  	s23 =	sadd.s32 $0x400, s10;
	s24 =	sadd.s32 $0x800, s10;
	s10 =	sshrl.u32 s10, $0x3  }
.Ltmp0:
0x13: {  	s12 =	smax.u32 s1, $0x1;
	[dreg:$0x4] =	wrdreg s11;
	(pc) =	sbr.rel .LBB2_1-.Ltmp0, $4  }
0x14: {  	s11 =	sadd.s32 s6, s22;
	s6 =	sadd.s32 s6, s9;
	s25 =	sshrl.u32 s24, $0x3  }
0x15: {  	s9 =	sadd.s32 s7, s10;
	s22 =	simm.s32 $0x80;
	[dreg:$0x5] =	wrdreg s11  }
0x16: {  	s24 =	simm.s32 $0x9680;
	[dreg:$0x6] =	wrdreg s6;
	s6 =	sshrl.u32 s23, $0x3  }
0x17: {  	v1 =	vlaneseq.u32;
	v2 =	vimm.s32 $0x0;
	s11 =	sadd.s32 s7, s25;
	s25 =	simm.s32 $0xA680;
	s10 =	sadd.s32 s7, s6  }
.LBB2_11:
0x18: {  	s30 =	sadd.s32 $0x1, s30  }
0x19: {  	_ =	swait.ge [sflag:s29], $0x1000;
	p0 =	sne.s32 s30, s12  }
.Ltmp1:
0x1a: {  	[sflag:s29] =	ssyncset.done $0x0;
	(pc) =	sbr.rel @!p0 .LBB2_12-.Ltmp1, $4  }
0x1b: {  	[sflag:s29] =	ssyncadd.s32 $0xFFFFF000  }
0x1c: {  	_ =	swait.ge [sflag:s28], $0x1000  }
0x1d: {  	[sflag:s28] =	ssyncset.done $0x0  }
0x1e: {  	[sflag:s28] =	ssyncadd.s32 $0xFFFFF000  }
.LBB2_1:
0x1f: {  	s0 =	rddreg [dreg:$0x4]  }
0x20: {  	[tilespmem:s2], [sflag:$0x5] =	stream.linear.gather [hbm4b:s0+s2], $0x1000, $0x38;
	[tilespmem:$0xB680] =	vst v63  }
0x21: {  	_ =	swait.ge [sflag:s14], $0x1000  }
0x22: {  	[sflag:s14] =	ssyncset.done $0x0  }
0x23: {  	s1 =	simm.s32 $0x1000;
	s16 =	rddreg [dreg:$0x5];
	[sflag:s14] =	ssyncadd.s32 $0xFFFFF000  }
0x24: {  	[tilespmem:s1], [sflag:$0x5] =	stream.linear.gather [hbm4b:s16+s2], $0x1000, $0x38;
	[tilespmem:$0xB680] =	vst v63  }
0x25: {  	_ =	swait.ge [sflag:s14], $0x1000  }
0x26: {  	[sflag:s14] =	ssyncset.done $0x0  }
0x27: {  	s31 =	simm.s32 $0x2000;
	s23 =	rddreg [dreg:$0x6];
	[sflag:s14] =	ssyncadd.s32 $0xFFFFF000  }
0x28: {  	[tilespmem:s31], [sflag:$0x5] =	stream.linear.gather [hbm4b:s23+s2], $0x1000, $0x38;
	[tilespmem:$0xB680] =	vst v63  }
0x29: {  	_ =	swait.ge [sflag:s14], $0x1000  }
0x2a: {  	[sflag:s14] =	ssyncset.done $0x0  }
0x2b: {  	[sflag:s14] =	ssyncadd.s32 $0xFFFFF000  }
0x2c: {  	[tilespmem:s17], [sflag:$0x5] =	stream.linear.gather [hbm4b:s9+s2], $0x200, $0x38;
	[tilespmem:$0xB680] =	vst v63  }
0x2d: {  	_ =	swait.ge [sflag:s14], $0x200  }
0x2e: {  	[sflag:s14] =	ssyncset.done $0x0  }
0x2f: {  	[sflag:s14] =	ssyncadd.s32 $0xFFFFFE00  }
0x30: {  	[tilespmem:s18], [sflag:$0x5] =	stream.linear.gather [hbm4b:s10+s2], $0x200, $0x38;
	[tilespmem:$0xB680] =	vst v63  }
0x31: {  	_ =	swait.ge [sflag:s14], $0x200  }
0x32: {  	[sflag:s14] =	ssyncset.done $0x0  }
0x33: {  	[sflag:s14] =	ssyncadd.s32 $0xFFFFFE00  }
0x34: {  	[tilespmem:s19], [sflag:$0x5] =	stream.linear.gather [hbm4b:s11+s2], $0x200, $0x38;
	[tilespmem:$0xB680] =	vst v63  }
0x35: {  	_ =	swait.ge [sflag:s14], $0x200  }
0x36: {  	[sflag:s14] =	ssyncset.done $0x0  }
0x37: {  	s1 =	simm.s32 $0x0;
	[sflag:s14] =	ssyncadd.s32 $0xFFFFFE00  }
.LBB2_2:
0x38: {  	s31 =	sshllo.u32 s1, $0x1  }
0x39: {  	s0 =	sshll.u32 s1, $0x1;
	v8 =	vmov s31  }
0x3a: {  	v3 =	vmov s0  }
0x3b: {  	v5 =	vbroadcast v3, $0x0;
	_ =	sdelay $0x2  }
0x3c: {  	v6 =	vld.idx.msk [tilespmem:v8+s17+$0x0], $0xffff  }
0x3d: {  	v7 =	vld.idx.msk [tilespmem:v8+s18+$0x0], $0xffff  }
0x3e: {  	v8 =	vld.idx.msk [tilespmem:v8+s19+$0x0], $0xffff  }
0x3f: {  	v3 =	vld.idx.msk [tilespmem:v5+s17+$0x0], $0xffff  }
0x40: {  	s6 =	simm.s32 $0x0;
	s15 =	simm.s32 $0x2080;
	v4 =	vld.idx.msk [tilespmem:v5+s18+$0x0], $0xffff  }
0x41: {  	v9 =	vimm.s32 $0xFFFFFFFF;
	s16 =	simm.s32 $0x1080;
	s23 =	simm.s32 $0x80;
	v10 =	vimm.s32 $0xFFFFFFFF;
	s0 =	simm.s32 $0xF0;
	v5 =	vld.idx.msk [tilespmem:v5+s19+$0x0], $0xffff  }
.LBB2_3:
0x42: {  	v11 =	vld [tilespmem:s23+$0xFFFFFF80]  }
0x43: {  	v12 =	vld [tilespmem:s16+$0xFFFFFF80]  }
0x44: {  	v13 =	vld [tilespmem:s15+$0xFFFFFF80]  }
0x45: {  	v17 =	vld [tilespmem:s23+$0xFFFFFF90]  }
0x46: {  	v18 =	vld [tilespmem:s16+$0xFFFFFF90]  }
0x47: {  	v42 =	vld [tilespmem:s15+$0xFFFFFF90]  }
0x48: {  	v20 =	vld [tilespmem:s23+$0xFFFFFFA0]  }
0x49: {  	v45 =	vld [tilespmem:s16+$0xFFFFFFA0];
	v14 =	vsub.f32 v11, v3;
	v15 =	vsub.f32 v12, v4  }
0x4a: {  	v21 =	vld [tilespmem:s15+$0xFFFFFFA0];
	v16 =	vsub.f32 v13, v5;
	v11 =	vsub.f32 v11, v6  }
0x4b: {  	v23 =	vld [tilespmem:s23+$0xFFFFFFB0];
	v12 =	vsub.f32 v12, v7;
	v13 =	vsub.f32 v13, v8  }
0x4c: {  	v56 =	vld [tilespmem:s16+$0xFFFFFFB0];
	v44 =	vsub.f32 v17, v3;
	v19 =	vsub.f32 v18, v4  }
0x4d: {  	v24 =	vld [tilespmem:s15+$0xFFFFFFB0];
	v46 =	vsub.f32 v42, v5;
	v17 =	vsub.f32 v17, v6  }
0x4e: {  	v18 =	vsub.f32 v18, v7;
	v47 =	vsub.f32 v42, v8  }
0x4f: {  	v26 =	vld [tilespmem:s23+$0xFFFFFFC0];
	v50 =	vsub.f32 v20, v3;
	v51 =	vsub.f32 v45, v4  }
0x50: {  	v62 =	vimm.s32 $0x0;
	v63 =	vld [tilespmem:s16+$0xFFFFFFC0];
	v53 =	vsub.f32 v21, v5;
	v57 =	vsub.f32 v21, v8  }
0x51: {  	v27 =	vld [tilespmem:s15+$0xFFFFFFC0];
	v33 =	vimm.s32 $0x0;
	v60 =	vsub.f32 v23, v3;
	v61 =	vsub.f32 v56, v4  }
0x52: {  	v30 =	vld [tilespmem:s16+$0xFFFFFFD0];
	v32 =	vsub.f32 v24, v5;
	v23 =	vsub.f32 v23, v6;
	v14 =	vmul.f32 v14, v14  }
0x53: {  	v35 =	vsub.f32 v24, v8;
	v15 =	vmul.f32 v15, v15;
	v41 =	vmul.f32 v16, v16  }
0x54: {  	v38 =	vsub.f32 v26, v3;
	v11 =	vmul.f32 v11, v11;
	v12 =	vmul.f32 v12, v12  }
0x55: {  	v29 =	vsub.f32 v63, v4;
	v43 =	vmul.f32 v13, v13;
	v19 =	vmul.f32 v19, v19  }
0x56: {  	v40 =	vsub.f32 v27, v5;
	v48 =	vmul.f32 v17, v17;
	v49 =	vmul.f32 v18, v18  }
0x57: {  	v31 =	vsub.f32 v30, v4;
	v54 =	vmul.f32 v50, v50;
	v55 =	vmul.f32 v51, v51  }
0x58: {  	s7 =	sadd.s32 $0xFFFFFF10, s0;
	v30 =	vsub.f32 v30, v7;
	v16 =	vmul.f32 v53, v53;
	v59 =	vmul.f32 v57, v57  }
0x59: {  	v13 =	vor.u32 s7, v1;
	v18 =	vmul.f32 v61, v61;
	v36 =	vmul.f32 v23, v23  }
0x5a: {  	v42 =	vmul.f32 v29, v29;
	v31 =	vmul.f32 v31, v31;
	v14 =	vadd.f32 v15, v14  }
0x5b: {  	v30 =	vmul.f32 v30, v30;
	v11 =	vadd.f32 v12, v11;
	v52 =	vadd.f32 v49, v48  }
0x5c: {  	v15 =	vmul.f32 v44, v44;
	v12 =	vsub.f32 v45, v7;
	v17 =	vadd.f32 v55, v54  }
0x5d: {  	v44 =	vsub.f32 v26, v6;
	v49 =	vimm.s32 $0x0;
	v54 =	vimm.s32 $0x0  }
0x5e: {  	v14 =	vadd.f32 v41, v14;
	v11 =	vadd.f32 v43, v11;
	v12 =	vmul.f32 v12, v12  }
0x5f: {  	v58 =	vadd.f32 v16, v17;
	v17 =	vmul.f32 v60, v60;
	v16 =	vmul.f32 v32, v32  }
0x60: {  	v48 =	vld [tilespmem:s15+$0xFFFFFFD0];
	v41 =	vmul.f32 v38, v38;
	vm3 =	vle.f32 v14, $3.999999910e-02;
	vm11 =	vle.f32 v11, $3.999999910e-02  }
0x61: {  	v11 =	vadd.f32 v19, v15;
	v14 =	vmul.f32 v46, v46;
	v15 =	vmul.f32 v47, v47  }
0x62: {  	v43 =	vld [tilespmem:s23+$0xFFFFFFD0];
	vm0 =	vle.f32 v58, $3.999999910e-02;
	v34 =	vadd.f32 v18, v17;
	v17 =	vmul.f32 v35, v35  }
0x63: {  	v32 =	vld [tilespmem:s23+$0xFFFFFFE0];
	v45 =	vadd.f32 v42, v41;
	v18 =	vmul.f32 v40, v40;
	v46 =	vsub.f32 v27, v8  }
0x64: {  	v58 =	vimm.s32 $0x0;
	v22 =	vsel vm3, $0x1, v2;
	v25 =	vsel vm11, $0x1, v2  }
0x65: {  	s8 =	sadd.s32 $0xFFFFFF20, s0;
	v19 =	vsel vm0, $0x1, v2;
	v57 =	vsub.f32 v48, v5;
	v60 =	vsub.f32 v48, v8  }
0x66: {  	v11 =	vadd.f32 v14, v11;
	v14 =	vadd.f32 v15, v52;
	v15 =	vor.u32 s8, v1  }
0x67: {  	v50 =	vadd.f32 v18, v45;
	v52 =	vmul.f32 v46, v46;
	v53 =	vsub.f32 v43, v3  }
0x68: {  	v29 =	vsub.f32 v43, v6;
	v18 =	vmul.f32 v57, v57;
	v61 =	vsub.f32 v32, v3  }
0x69: {  	vm14 =	vle.f32 v11, $3.999999910e-02;
	v11 =	vsub.f32 v20, v6;
	v20 =	vsub.f32 v56, v7;
	v56 =	vld [tilespmem:s16+$0xFFFFFFE0]  }
0x6a: {  	vm2 =	vle.f32 v14, $3.999999910e-02;
	v14 =	vsel vm0, $0xFFFFFFFF, v62;
	vm8 =	vle.f32 v50, $3.999999910e-02  }
0x6b: {  	v43 =	vld [tilespmem:s23+$0xFFFFFFF0];
	v28 =	vsel vm14, $0x1, v2;
	v11 =	vmul.f32 v11, v11;
	v37 =	vmul.f32 v20, v20  }
0x6c: {  	v21 =	vsel vm2, $0x1, v2;
	[tilespmem:$0x1FF50] =	vst v14;
	v14 =	vsub.f32 v63, v7;
	v26 =	vsel vm8, $0x1, v2  }
0x6d: {  	v29 =	vmul.f32 v29, v29;
	v12 =	vadd.f32 v12, v11;
	v39 =	vadd.f32 v37, v36;
	v36 =	vld [tilespmem:s16+$0xFFFFFFF0]  }
0x6e: {  	v63 =	vmul.f32 v60, v60;
	v41 =	vmul.f32 v61, v61;
	v35 =	vsub.f32 v56, v4  }
0x6f: {  	s8 =	sadd.s32 $0xFFFFFF30, s0;
	v47 =	vmul.f32 v14, v14;
	v62 =	vadd.f32 v30, v29;
	v12 =	vadd.f32 v59, v12  }
0x70: {  	v11 =	vor.u32 s8, v1;
	s8 =	sadd.s32 $0xFFFFFF40, s0;
	v50 =	vsub.f32 v43, v3;
	v42 =	vmul.f32 v35, v35  }
0x71: {  	v14 =	vor.u32 s8, v1;
	v35 =	vsub.f32 v43, v6;
	vm7 =	vle.f32 v12, $3.999999910e-02  }
0x72: {  	v12 =	vsel vm7, $0xFFFFFFFF, v33;
	v45 =	vadd.f32 v42, v41;
	v37 =	vsub.f32 v36, v4  }
0x73: {  	v33 =	vmul.f32 v53, v53;
	v36 =	vsub.f32 v36, v7;
	[tilespmem:$0x1FF60] =	vst v12;
	v12 =	vadd.f32 v16, v34  }
0x74: {  	v20 =	vsel vm7, $0x1, v2;
	v16 =	vadd.f32 v17, v39;
	v17 =	vsub.f32 v56, v7  }
0x75: {  	v34 =	vld [tilespmem:s15+$0xFFFFFFE0];
	v59 =	vadd.f32 v31, v33;
	v33 =	vmul.f32 v50, v50;
	v37 =	vmul.f32 v37, v37  }
0x76: {  	v56 =	vld [tilespmem:s16+$0x10];
	v36 =	vmul.f32 v36, v36;
	vm0 =	vle.f32 v12, $3.999999910e-02;
	v12 =	vmul.f32 v44, v44  }
0x77: {  	vm1 =	vle.f32 v16, $3.999999910e-02;
	v44 =	vsub.f32 v32, v6;
	v48 =	vmul.f32 v17, v17  }
0x78: {  	v23 =	vsel vm0, $0x1, v2;
	v16 =	vsel vm1, $0xFFFFFFFF, v49;
	v24 =	vsel vm1, $0x1, v2  }
0x79: {  	v49 =	vld [tilespmem:s15+$0xFFFFFFF0];
	vm1 =	vmmov vm3;
	[tilespmem:$0x1FF70] =	vst v16;
	v51 =	vadd.f32 v47, v12;
	v16 =	vsel vm8, $0xFFFFFFFF, v54  }
0x7a: {  	v38 =	vld [tilespmem:s23+$0x0];
	s8 =	sadd.s32 $0xFFFFFF50, s0;
	v54 =	vmul.f32 v35, v35;
	v40 =	vsub.f32 v34, v5;
	v47 =	vsub.f32 v34, v8  }
0x7b: {  	v12 =	vor.u32 s8, v1;
	s8 =	sadd.s32 $0xFFFFFF60, s0;
	v60 =	vsub.f32 v56, v4;
	v55 =	vadd.f32 v52, v51  }
0x7c: {  	v17 =	vor.u32 s8, v1;
	v52 =	vadd.f32 v37, v33;
	v36 =	vadd.f32 v36, v54  }
0x7d: {  	v42 =	vld [tilespmem:s23+$0x10];
	v37 =	vsub.f32 v56, v7;
	v46 =	vmul.f32 v40, v40;
	v32 =	vmul.f32 v47, v47  }
0x7e: {  	v51 =	vld [tilespmem:s16+$0x0];
	vm9 =	vle.f32 v55, $3.999999910e-02;
	v39 =	vsub.f32 v49, v5;
	v34 =	vsub.f32 v49, v8  }
0x7f: {  	v61 =	vld [tilespmem:s23+$0x20];
	v55 =	vsub.f32 v38, v3;
	v38 =	vsub.f32 v38, v6;
	v37 =	vmul.f32 v37, v37  }
0x80: {  	[tilespmem:$0x1FF80] =	vst v16;
	v16 =	vsel vm9, $0xFFFFFFFF, v58;
	v27 =	vsel vm9, $0x1, v2;
	v29 =	vadd.f32 v46, v45  }
0x81: {  	v40 =	vld [tilespmem:s15+$0x0];
	[tilespmem:$0x1FF90] =	vst v16;
	v16 =	vadd.f32 v18, v59;
	v18 =	vadd.f32 v63, v62;
	v53 =	vmul.f32 v39, v39  }
0x82: {  	v34 =	vmul.f32 v34, v34;
	v39 =	vmul.f32 v55, v55;
	v59 =	vsub.f32 v42, v3  }
0x83: {  	v38 =	vmul.f32 v38, v38;
	v42 =	vsub.f32 v42, v6;
	v41 =	vsub.f32 v51, v4  }
0x84: {  	vm12 =	vle.f32 v29, $3.999999910e-02;
	v29 =	vsub.f32 v51, v7;
	v51 =	vsub.f32 v61, v3  }
0x85: {  	s8 =	sadd.s32 $0xFFFFFF70, s0;
	vm13 =	vle.f32 v16, $3.999999910e-02;
	v16 =	vmul.f32 v44, v44;
	vm15 =	vle.f32 v18, $3.999999910e-02  }
0x86: {  	v46 =	vld [tilespmem:s15+$0x20];
	v18 =	vor.u32 s8, v1;
	v33 =	vadd.f32 v53, v52;
	v43 =	vsub.f32 v40, v5  }
0x87: {  	v47 =	vld [tilespmem:s16+$0x30];
	v34 =	vadd.f32 v34, v36;
	v40 =	vsub.f32 v40, v8;
	v42 =	vmul.f32 v42, v42  }
0x88: {  	v30 =	vsel vm13, $0x1, v2;
	v31 =	vsel vm15, $0x1, v2;
	v41 =	vmul.f32 v41, v41  }
0x89: {  	v29 =	vmul.f32 v29, v29;
	v16 =	vadd.f32 v48, v16;
	v58 =	vmul.f32 v43, v43  }
0x8a: {  	v55 =	vld [tilespmem:s23+$0x30];
	vm5 =	vle.f32 v33, $3.999999910e-02;
	v63 =	vmul.f32 v40, v40;
	v53 =	vadd.f32 v37, v42  }
0x8b: {  	v44 =	vld [tilespmem:s15+$0x10];
	v33 =	vmul.f32 v59, v59;
	v56 =	vsub.f32 v46, v5;
	v43 =	vsub.f32 v61, v6  }
0x8c: {  	vm4 =	vle.f32 v34, $3.999999910e-02;
	v59 =	vsub.f32 v46, v8;
	v61 =	vsub.f32 v47, v4  }
0x8d: {  	v34 =	vmul.f32 v51, v51;
	v57 =	vadd.f32 v41, v39;
	v62 =	vadd.f32 v29, v38  }
0x8e: {  	v41 =	vmul.f32 v60, v60;
	v29 =	vsel vm5, $0x1, v2;
	v36 =	vsel vm4, $0x1, v2  }
0x8f: {  	v48 =	vld [tilespmem:s16+$0x20];
	v60 =	vsub.f32 v55, v3;
	v16 =	vadd.f32 v32, v16;
	v32 =	vsel vm12, $0x1, v2  }
0x90: {  	v46 =	vmul.f32 v59, v59;
	v39 =	vadd.f32 v58, v57;
	v45 =	vsub.f32 v44, v5  }
0x91: {  	v51 =	vld [tilespmem:s15+$0x40];
	v59 =	vimm.s32 $0x0;
	v38 =	vadd.f32 v63, v62;
	v33 =	vadd.f32 v41, v33  }
0x92: {  	s8 =	sadd.s32 $0xFFFFFF80, s0;
	v50 =	vsub.f32 v44, v8;
	v57 =	vmul.f32 v56, v56;
	v58 =	vmul.f32 v43, v43  }
0x93: {  	v42 =	vmul.f32 v60, v60;
	vm7 =	vle.f32 v16, $3.999999910e-02;
	v16 =	vor.u32 s8, v1  }
0x94: {  	v35 =	vsel vm7, $0x1, v2;
	v49 =	vmul.f32 v45, v45;
	v52 =	vsub.f32 v48, v4  }
0x95: {  	v54 =	vmul.f32 v50, v50;
	v40 =	vsub.f32 v48, v7;
	vm6 =	vle.f32 v39, $3.999999910e-02  }
0x96: {  	vm8 =	vle.f32 v38, $3.999999910e-02;
	v38 =	vmul.f32 v61, v61;
	v60 =	vsub.f32 v51, v5  }
0x97: {  	v63 =	vld [tilespmem:s23+$0x40];
	v61 =	vimm.s32 $0x0;
	v45 =	vadd.f32 v49, v33;
	v44 =	vmul.f32 v52, v52  }
0x98: {  	v48 =	vld [tilespmem:s15+$0x30];
	v49 =	vadd.f32 v54, v53;
	v40 =	vmul.f32 v40, v40;
	v53 =	vsub.f32 v55, v6  }
0x99: {  	v33 =	vsel vm6, $0x1, v2;
	v54 =	vsub.f32 v47, v7;
	v42 =	vadd.f32 v38, v42  }
0x9a: {  	v52 =	vimm.s32 $0x0;
	v34 =	vadd.f32 v44, v34;
	v40 =	vadd.f32 v40, v58  }
0x9b: {  	v50 =	vmul.f32 v53, v53;
	v41 =	vmul.f32 v54, v54;
	vm9 =	vle.f32 v45, $3.999999910e-02  }
0x9c: {  	v55 =	vld [tilespmem:s16+$0x40];
	vm10 =	vle.f32 v49, $3.999999910e-02;
	v44 =	vsub.f32 v63, v6;
	v45 =	vmul.f32 v60, v60  }
0x9d: {  	v62 =	vsub.f32 v48, v5;
	v48 =	vsub.f32 v48, v8;
	v37 =	vsel vm9, $0x1, v2  }
0x9e: {  	v38 =	vsel vm10, $0xFFFFFFFF, v59;
	v39 =	vadd.f32 v57, v34;
	v40 =	vadd.f32 v46, v40  }
0x9f: {  	v49 =	vld [tilespmem:s15+$0x50];
	v34 =	vsel vm8, $0x1, v2;
	v41 =	vadd.f32 v41, v50;
	v57 =	vsub.f32 v63, v3  }
0xa0: {  	[tilespmem:$0x1FFA0] =	vst v38;
	v38 =	vsel vm10, $0x1, v2;
	v63 =	vsub.f32 v51, v8;
	v43 =	vmul.f32 v62, v62  }
0xa1: {  	(xrf0) =	vadd.scan.msk.s32 $0xffff, v22;
	v56 =	vmul.f32 v48, v48;
	v58 =	vsub.f32 v55, v4;
	v47 =	vsub.f32 v55, v7  }
0xa2: {  	(xrf0) =	vadd.scan.msk.s32 $0xffff, v25;
	v50 =	vld [tilespmem:s23+$0x50];
	v46 =	vmul.f32 v57, v57;
	vm10 =	vle.f32 v39, $3.999999910e-02;
	v55 =	vmul.f32 v63, v63  }
0xa3: {  	v42 =	vadd.f32 v43, v42;
	v41 =	vadd.f32 v56, v41;
	v48 =	vmul.f32 v58, v58  }
0xa4: {  	v22 =	vsel vm10, $0xFFFFFFFF, v61;
	v51 =	vmul.f32 v47, v47;
	v56 =	vsub.f32 v49, v5  }
0xa5: {  	v58 =	vmpcnt.ones.xlane vm3;
	vm3 =	vmmov vm8;
	[tilespmem:$0x1FFB0] =	vst v22;
	v22 =	vsel vm10, $0x1, v2  }
0xa6: {  	(xrf0) =	vadd.scan.msk.s32 $0xffff, v28;
	vm10 =	vle.f32 v40, $3.999999910e-02;
	v62 =	vadd.f32 v48, v46;
	v48 =	vmul.f32 v44, v44  }
0xa7: {  	v43 =	vld [tilespmem:s16+$0x50];
	v57, _, _ =	vpop (xrf0);
	v25 =	vsel vm10, $0xFFFFFFFF, v52;
	v53 =	vsub.f32 v50, v3;
	v46 =	vmul.f32 v56, v56  }
0xa8: {  	v52, _, _ =	vpop (xrf0);
	v59 =	vadd.s32 v10, v57;
	v50 =	vsub.f32 v50, v6;
	v57 =	vsub.f32 v49, v8  }
0xa9: {  	v49 =	vmpcnt.ones.xlane vm2;
	[tilespmem:$0x1FFC0] =	vst v25;
	v25 =	vsel vm10, $0x1, v2;
	v52 =	vadd.s32 v9, v52  }
0xaa: {  	vm10 =	vle.f32 v42, $3.999999910e-02;
	v28 =	vadd.f32 v51, v48;
	v40 =	vmul.f32 v53, v53  }
0xab: {  	v44 =	vld [tilespmem:s16+$0x60];
	v39 =	vadd.f32 v45, v62;
	v45 =	vadd.s32 v10, v58;
	v10 =	vimm.s32 $0x0  }
0xac: {  	v60, _, _ =	vpop (xrf0);
	v42 =	vld [tilespmem:s16+$0x70];
	v62 =	vmul.f32 v50, v50;
	v58 =	vmpcnt.ones.xlane vm11;
	v54 =	vsub.f32 v43, v4  }
0xad: {  	(xrf0) =	vadd.scan.msk.s32 $0xffff, v21;
	v48 =	vld [tilespmem:s23+$0x60];
	v43 =	vsub.f32 v43, v7;
	v51 =	vadd.s32 v60, v45;
	v10 =	vsel vm10, $0xFFFFFFFF, v10  }
0xae: {  	v53 =	vld [tilespmem:s15+$0x60];
	v28 =	vadd.f32 v55, v28;
	[tilespmem:$0x1FFD0] =	vst v10;
	v10 =	vsel vm10, $0x1, v2;
	vm10 =	vle.f32 v41, $3.999999910e-02  }
0xaf: {  	v55 =	vld [tilespmem:s15+$0x70];
	v9 =	vadd.s32 v9, v58;
	v47 =	vmul.f32 v54, v54;
	v43 =	vmul.f32 v43, v43  }
0xb0: {  	v54 =	vld [tilespmem:s23+$0x70];
	v63 =	vsub.f32 v44, v4;
	[tilespmem:v59+s20+$0x0] =	vst.idx.msk vm1, v13;
	v59 =	vimm.s32 $0x0;
	v44 =	vsub.f32 v44, v7  }
0xb1: {  	[tilespmem:v52+s21+$0x0] =	vst.idx.msk vm11, v13;
	v52 =	vmpcnt.ones.xlane vm14;
	v13 =	vsel vm10, $0xFFFFFFFF, v59;
	v59 =	vsub.f32 v42, v4  }
0xb2: {  	v40 =	vadd.f32 v47, v40;
	v61 =	vsub.f32 v48, v3;
	v50 =	vmul.f32 v63, v63  }
0xb3: {  	v56, _, _ =	vpop (xrf0);
	[tilespmem:$0x1FFE0] =	vst v13;
	v13 =	vsel vm10, $0x1, v2;
	v60 =	vadd.f32 v43, v62;
	v62 =	vmul.f32 v57, v57  }
0xb4: {  	(xrf0) =	vadd.scan.msk.s32 $0xffff, v19;
	v63 =	vsub.f32 v48, v6;
	v57 =	vsub.f32 v53, v8;
	v48 =	vadd.s32 v56, v9  }
0xb5: {  	(xrf0) =	vadd.scan.msk.s32 $0xffff, v20;
	v44 =	vmul.f32 v44, v44;
	vm10 =	vle.f32 v39, $3.999999910e-02;
	v56 =	vsub.f32 v42, v7  }
0xb6: {  	(xrf0) =	vadd.scan.msk.s32 $0xffff, v23;
	v9 =	vadd.s32 v9, v49;
	v21 =	vadd.f32 v46, v40;
	v40 =	vmul.f32 v61, v61  }
0xb7: {  	(xrf0) =	vadd.scan.msk.s32 $0xffff, v24;
	v61 =	vsub.f32 v53, v5;
	v47 =	vmul.f32 v63, v63;
	v20 =	vadd.f32 v62, v60  }
0xb8: {  	(xrf0) =	vadd.scan.msk.s32 $0xffff, v26;
	v19 =	vmul.f32 v57, v57;
	v62 =	vmul.f32 v59, v59;
	v63 =	vsub.f32 v55, v5  }
0xb9: {  	(xrf0) =	vadd.scan.msk.s32 $0xffff, v27;
	v59 =	vsub.f32 v55, v8;
	v27 =	vmul.f32 v56, v56;
	v56 =	vmpcnt.ones.xlane vm13  }
0xba: {  	v49 =	vld [tilespmem:$0x1FF70];
	v58 =	vsub.f32 v54, v3;
	v53 =	vsub.f32 v54, v6;
	v54 =	vadd.s32 v45, v52  }
0xbb: {  	[tilespmem:v51+s20+$0x0] =	vst.idx.msk vm14, v15;
	v57 =	vld [tilespmem:$0x1FF50];
	v45 =	vmpcnt.ones.xlane vm9;
	v40 =	vadd.f32 v50, v40;
	v43 =	vmul.f32 v61, v61  }
0xbc: {  	v51, _, _ =	vpop (xrf0);
	(xrf0) =	vadd.scan.msk.s32 $0xffff, v30;
	v60 =	vadd.f32 v44, v47;
	v24 =	vmul.f32 v63, v63;
	v30 =	vmul.f32 v59, v59  }
0xbd: {  	v50 =	vimm.s32 $0x0;
	v59 =	vmpcnt.ones.xlane vm12;
	v61 =	vmul.f32 v58, v58  }
0xbe: {  	[tilespmem:v48+s21+$0x0] =	vst.idx.msk vm2, v15;
	v15 =	vsel vm10, $0x1, v2;
	v39 =	vsel vm10, $0xFFFFFFFF, v50;
	v19 =	vadd.f32 v19, v60;
	v60 =	vld [tilespmem:$0x1FF60]  }
0xbf: {  	v26 =	vmul.f32 v53, v53;
	v48 =	vmpcnt.ones.xlane vm0;
	vm1 =	vnez.u8 v49  }
0xc0: {  	vm2 =	vmmov vm6;
	v40 =	vadd.f32 v43, v40;
	vm11 =	vnez.u8 v57  }
0xc1: {  	v52 =	vld [tilespmem:$0x1FF80];
	[tilespmem:$0x1FFF0] =	vst v39;
	v39 =	vadd.s32 v51, v54;
	v43 =	vmpcnt.ones.xlane vm1;
	v23 =	vadd.f32 v62, v61  }
0xc2: {  	v58, _, _ =	vpop (xrf0);
	v51 =	vadd.f32 v27, v26;
	v57 =	vmpcnt.ones.xlane vm15;
	v42 =	vmpcnt.ones.xlane vm11  }
0xc3: {  	v49 =	vld [tilespmem:$0x1FFC0];
	(xrf0) =	vadd.scan.msk.s32 $0xffff, v31;
	v63 =	vadd.s32 v58, v9;
	v61, _, _ =	vpop (xrf0);
	v23 =	vadd.f32 v24, v23;
	vm14 =	vnez.u8 v60  }
0xc4: {  	v24 =	vadd.f32 v30, v51;
	v62 =	vadd.s32 v54, v42;
	v46, _, _ =	vpop (xrf0);
	(xrf0) =	vadd.scan.msk.s32 $0xffff, v32;
	v54 =	vld [tilespmem:$0x1FF90];
	v44 =	vmpcnt.ones.xlane vm14  }
0xc5: {  	v47 =	vadd.s32 v61, v62;
	(xrf0) =	vadd.scan.msk.s32 $0xffff, v35;
	v50, _, _ =	vpop (xrf0);
	v31 =	vadd.s32 v62, v48;
	v62 =	vmpcnt.ones.xlane vm7  }
0xc6: {  	v35 =	vadd.s32 v50, v31;
	[tilespmem:v39+s20+$0x0] =	vst.idx.msk vm11, v11;
	vm11 =	vnez.u8 v52;
	v9 =	vadd.s32 v9, v44  }
0xc7: {  	v26 =	vmpcnt.ones.xlane vm11;
	v44 =	vmpcnt.ones.xlane vm8;
	v42 =	vadd.s32 v46, v9  }
0xc8: {  	v53, _, _ =	vpop (xrf0);
	vm8 =	vnez.u8 v49;
	v9 =	vadd.s32 v9, v43;
	v43 =	vmpcnt.ones.xlane vm6  }
0xc9: {  	v46 =	vld [tilespmem:$0x1FFA0];
	v26 =	vadd.s32 v31, v26;
	[tilespmem:v63+s21+$0x0] =	vst.idx.msk vm14, v11;
	v11, _, _ =	vpop (xrf0);
	vm14 =	vnez.u8 v54;
	v63 =	vmpcnt.ones.xlane vm5  }
0xca: {  	v27 =	vadd.s32 v53, v9;
	v54 =	vmpcnt.ones.xlane vm10;
	v31 =	vmpcnt.ones.xlane vm14;
	v55, _, _ =	vpop (xrf0)  }
0xcb: {  	v53 =	vld [tilespmem:$0x1FFE0];
	vm10 =	vle.f32 v23, $3.999999910e-02;
	[tilespmem:v47+s20+$0x0] =	vst.idx.msk vm0, v14;
	v11 =	vadd.s32 v11, v26;
	v26 =	vadd.s32 v26, v56;
	v58, _, _ =	vpop (xrf0)  }
0xcc: {  	v23 =	vmpcnt.ones.xlane vm10;
	[tilespmem:v42+s21+$0x0] =	vst.idx.msk vm1, v14;
	v9 =	vadd.s32 v9, v31;
	v14 =	vadd.s32 v58, v26  }
0xcd: {  	v47 =	vld [tilespmem:$0x1FFB0];
	(xrf0) =	vadd.scan.msk.s32 $0xffff, v29;
	v26 =	vadd.s32 v26, v59;
	vm1 =	vmmov vm5;
	v42 =	vmpcnt.ones.xlane vm4  }
0xce: {  	(xrf0) =	vadd.scan.msk.s32 $0xffff, v36;
	vm5 =	vmmov vm9;
	vm6 =	vnez.u8 v46;
	v32 =	vadd.s32 v55, v9  }
0xcf: {  	v60, _, _ =	vpop (xrf0);
	v9 =	vadd.s32 v9, v57;
	[tilespmem:v35+s20+$0x0] =	vst.idx.msk vm11, v12;
	vm11 =	vle.f32 v28, $3.999999910e-02;
	v28 =	vmpcnt.ones.xlane vm8  }
0xd0: {  	(xrf0) =	vadd.scan.msk.s32 $0xffff, v33;
	vm0 =	vnez.u8 v53;
	v61 =	vadd.s32 v60, v9;
	v9 =	vadd.s32 v9, v62  }
0xd1: {  	(xrf0) =	vadd.scan.msk.s32 $0xffff, v34;
	v56 =	vmpcnt.ones.xlane vm11;
	[tilespmem:v27+s21+$0x0] =	vst.idx.msk vm14, v12;
	vm14 =	vle.f32 v21, $3.999999910e-02  }
0xd2: {  	v51 =	vld [tilespmem:$0x1FFD0];
	v12 =	vadd.s32 v9, v42;
	vm9 =	vnez.u8 v47;
	[tilespmem:v11+s20+$0x0] =	vst.idx.msk vm13, v17;
	v11 =	vadd.s32 v26, v63  }
0xd3: {  	s8 =	sadd.s32 $0xFFFFFF90, s0;
	(xrf0) =	vadd.scan.msk.s32 $0xffff, v37;
	v21 =	vadd.s32 v12, v44;
	vm13 =	vle.f32 v20, $3.999999910e-02;
	v20 =	vmpcnt.ones.xlane vm9  }
0xd4: {  	v57 =	vmpcnt.ones.xlane vm14;
	v27 =	vadd.s32 v11, v43;
	v55, _, _ =	vpop (xrf0);
	(xrf0) =	vadd.scan.msk.s32 $0xffff, v38;
	v38 =	vor.u32 s8, v1  }
0xd5: {  	[tilespmem:v32+s21+$0x0] =	vst.idx.msk vm15, v17;
	v17 =	vmpcnt.ones.xlane vm6;
	vm15 =	vle.f32 v40, $3.999999910e-02;
	v48 =	vadd.s32 v27, v45  }
0xd6: {  	v58, _, _ =	vpop (xrf0);
	v26 =	vadd.s32 v55, v26;
	[tilespmem:v14+s20+$0x0] =	vst.idx.msk vm12, v18;
	vm12 =	vle.f32 v19, $3.999999910e-02;
	v50 =	vadd.s32 v48, v20  }
0xd7: {  	v59 =	vadd.s32 v58, v9;
	v9 =	vmpcnt.ones.xlane vm13;
	[tilespmem:v61+s21+$0x0] =	vst.idx.msk vm7, v18;
	vm7 =	vnez.u8 v51  }
0xd8: {  	(xrf0) =	vadd.scan.msk.s32 $0xffff, v22;
	v60 =	vmpcnt.ones.xlane vm15;
	v62, _, _ =	vpop (xrf0);
	v17 =	vadd.s32 v21, v17;
	v19 =	vmpcnt.ones.xlane vm7  }
0xd9: {  	(xrf0) =	vadd.scan.msk.s32 $0xffff, v25;
	v61 =	vmpcnt.ones.xlane vm12;
	v34, _, _ =	vpop (xrf0);
	v52 =	vadd.s32 v17, v28;
	v28 =	vmpcnt.ones.xlane vm0  }
0xda: {  	(xrf0) =	vadd.scan.msk.s32 $0xffff, v10;
	v11 =	vadd.s32 v62, v11;
	v12 =	vadd.s32 v34, v12;
	v34, _, _ =	vpop (xrf0);
	v19 =	vadd.s32 v50, v19  }
0xdb: {  	(xrf0) =	vadd.scan.msk.s32 $0xffff, v13;
	v13 =	vadd.s32 v34, v27;
	v28 =	vadd.s32 v52, v28;
	v29 =	vadd.s32 v19, v54  }
0xdc: {  	vm0 =	vle.f32 v24, $3.999999910e-02;
	[tilespmem:v26+s20+$0x0] =	vst.idx.msk vm1, v16;
	v31 =	vadd.s32 v28, v56;
	v32 =	vadd.s32 v29, v57  }
0xdd: {  	v36, _, _ =	vpop (xrf0);
	[tilespmem:v59+s21+$0x0] =	vst.idx.msk vm4, v16;
	v63 =	vadd.s32 v31, v9;
	v9 =	vmpcnt.ones.xlane vm0;
	v33 =	vadd.s32 v32, v60  }
0xde: {  	v39, _, _ =	vpop (xrf0);
	v16 =	vadd.s32 v36, v21;
	v22 =	vadd.s32 v63, v61;
	v10 =	vadd.s32 v33, v23  }
0xdf: {  	[tilespmem:v11+s20+$0x0] =	vst.idx.msk vm2, v38;
	v11, _, _ =	vpop (xrf0);
	v14 =	vadd.s32 v39, v48;
	v9 =	vadd.s32 v22, v9;
	(v2sf) =	vpush v10, $0x0  }
0xe0: {  	v35 =	vsel vm11, $0x1, v2;
	s8 =	sadd.s32 $0xFFFFFFA0, s0;
	(xrf0) =	vadd.scan.msk.s32 $0xffff, v15;
	v56 =	vld [tilespmem:$0x1FFE0];
	v11 =	vadd.s32 v11, v17;
	(v2sf) =	vpush v9, $0x0  }
0xe1: {  	v37 =	vsel vm14, $0x1, v2;
	v44 =	vor.u32 s8, v1;
	(xrf0) =	vadd.scan.msk.s32 $0xffff, v35;
	v59 =	vld [tilespmem:$0x1FFF0];
	[tilespmem:v12+s21+$0x0] =	vst.idx.msk vm3, v38  }
0xe2: {  	v40 =	vsel vm13, $0x1, v2;
	s8 =	sadd.s32 $0xFFFFFFB0, s0;
	(xrf0) =	vadd.scan.msk.s32 $0xffff, v37;
	v42, _, _ =	vpop (xrf0);
	[tilespmem:v13+s20+$0x0] =	vst.idx.msk vm5, v44  }
0xe3: {  	(xrf0) =	vadd.scan.msk.s32 $0xffff, v40;
	v12 =	vadd.s32 v42, v50;
	v50 =	vor.u32 s8, v1;
	[tilespmem:v16+s21+$0x0] =	vst.idx.msk vm6, v44  }
0xe4: {  	[tilespmem:v14+s20+$0x0] =	vst.idx.msk vm9, v50  }
0xe5: {  	v45, _, _ =	vpop (xrf0);
	[tilespmem:v11+s21+$0x0] =	vst.idx.msk vm8, v50;
	vm8 =	vnez.u8 v56  }
0xe6: {  	v47, _, _ =	vpop (xrf0);
	v49 =	vadd.s32 v45, v52;
	vm9 =	vnez.u8 v59  }
0xe7: {  	v41 =	vsel vm15, $0x1, v2;
	v51, _, _ =	vpop (xrf0);
	v13 =	vadd.s32 v47, v19  }
0xe8: {  	v43 =	vsel vm12, $0x1, v2;
	(xrf0) =	vadd.scan.msk.s32 $0xffff, v41;
	s8 =	sadd.s32 $0xFFFFFFC0, s0;
	v52, _, _ =	vpop (xrf0);
	v53 =	vadd.s32 v51, v28  }
0xe9: {  	v46 =	vsel vm10, $0x1, v2;
	(xrf0) =	vadd.scan.msk.s32 $0xffff, v43;
	v54 =	vor.u32 s8, v1;
	v11, _, _ =	vpop (xrf0);
	v14 =	vadd.s32 v52, v29  }
0xea: {  	v48 =	vsel vm0, $0x1, v2;
	(xrf0) =	vadd.scan.msk.s32 $0xffff, v46;
	s8 =	sadd.s32 $0xFFFFFFD0, s0;
	[tilespmem:v12+s20+$0x0] =	vst.idx.msk vm7, v54;
	v11 =	vadd.s32 v11, v31  }
0xeb: {  	(xrf0) =	vadd.scan.msk.s32 $0xffff, v48;
	v58 =	vor.u32 s8, v1;
	[tilespmem:v49+s21+$0x0] =	vst.idx.msk vm8, v54  }
0xec: {  	s8 =	sadd.s32 $0xFFFFFFE0, s0;
	[tilespmem:v13+s20+$0x0] =	vst.idx.msk vm9, v58  }
0xed: {  	v61 =	vor.u32 s8, v1;
	[tilespmem:v53+s21+$0x0] =	vst.idx.msk vm11, v58  }
0xee: {  	s7 =	sadd.s32 $0xFFFFFFF0, s0;
	v55, _, _ =	vpop (xrf0);
	[tilespmem:v14+s20+$0x0] =	vst.idx.msk vm14, v61;
	s8 =	spop (v2sf)  }
0xef: {  	v57, _, _ =	vpop (xrf0);
	v12 =	vadd.s32 v55, v32;
	[tilespmem:v11+s21+$0x0] =	vst.idx.msk vm13, v61;
	v11 =	vor.u32 s7, v1;
	s7 =	spop (v2sf)  }
0xf0: {  	v60, _, _ =	vpop (xrf0);
	v16 =	vadd.s32 v57, v63;
	p0 =	slt.s32 s8, $0x1F;
	p1 =	slt.s32 s7, $0x1F  }
0xf1: {  	p6 =	sgt.u32 s6, $0xEF;
	v62, _, _ =	vpop (xrf0);
	v13 =	vadd.s32 v60, v33;
	p0 =	por p0, p1  }
0xf2: {  	v63 =	vadd.s32 v62, v22;
	p0 =	por p6, !p0  }
.Ltmp2:
0xf3: {  	_ = 	snop;
	(pc) =	sbr.rel @!p0 .LBB2_3-.Ltmp2, $4  }
0xf4: {  	[tilespmem:v12+s20+$0x0] =	vst.idx.msk vm15, v11  }
0xf5: {  	[tilespmem:v16+s21+$0x0] =	vst.idx.msk vm12, v11;
	v11 =	vor.u32 s0, v1  }
0xf6: {  	s6 =	sadd.s32 $0x10, s6;
	s16 =	sadd.s32 $0x100, s16;
	[tilespmem:v13+s20+$0x0] =	vst.idx.msk vm10, v11  }
0xf7: {  	s15 =	sadd.s32 $0x100, s15;
	s23 =	sadd.s32 $0x100, s23;
	s0 =	sadd.s32 $0x100, s0;
	[tilespmem:v63+s21+$0x0] =	vst.idx.msk vm0, v11  }
0xf8: {  	v3 =	vld.msk [tilespmem:s20+$0x0], $0xffff  }
0xf9: {  	v4 =	vld [tilespmem:$0x3600]  }
0xfa: {  	v5 =	vld [tilespmem:$0x3610]  }
0xfb: {  	s0 =	sadd.s32 $0x1, s8  }
0xfc: {  	s16 =	sshll.u32 s1, $0x6;
	p0 =	seq.s32 s0, $0x0;
	v6 =	vmov s0  }
0xfd: {  	v7 =	vor.u32 $0x10, v1;
	s6 =	sand.u32 $0x3F80, s16;
	vm0 =	vgt.s32 v6, v1;
	v3 =	vpsel p0, $0xFFF, v3  }
0xfe: {  	s0 =	sand.u32 $0x40, s16;
	vm13 =	vgt.s32 v6, v7;
	s6 =	sadd.s32 $0x5680, s6;
	v4 =	vsel vm0, v4, v3  }
0xff: {  	s0 =	sor.u32 s0, s6;
	v3 =	vsel vm13, v5, v3;
	v4 =	vadd.s32 v0, v4  }
0x100: {  	v3 =	vadd.s32 v0, v3;
	[tilespmem:s0+$0x0] =	vst v4  }
0x101: {  	[tilespmem:s0+$0x10] =	vst v3  }
0x102: {  	v3 =	vld.msk [tilespmem:s21+$0x0], $0xffff  }
0x103: {  	v4 =	vld [tilespmem:$0x4640]  }
0x104: {  	v62 =	vld [tilespmem:$0x4650]  }
0x105: {  	s23 =	sadd.s32 $0x1, s7;
	s1 =	sadd.s32 $0x1, s1  }
0x106: {  	p6 =	seq.s32 s23, $0x0;
	v63 =	vmov s23;
	p0 =	sne.s32 s1, $0x100  }
.Ltmp3:
0x107: {  	s31 =	sshll.u32 s31, $0x5;
	vm14 =	vgt.s32 v63, v1;
	v3 =	vpsel p6, $0xFFF, v3;
	(pc) =	sbr.rel @p0 .LBB2_2-.Ltmp3, $4  }
0x108: {  	vm15 =	vgt.s32 v63, v7;
	s0 =	sand.u32 $0x60, s31;
	v4 =	vsel vm14, v4, v3  }
0x109: {  	s0 =	sor.u32 s0, s6;
	v3 =	vsel vm15, v62, v3;
	v4 =	vadd.s32 v0, v4  }
0x10a: {  	v3 =	vadd.s32 v0, v3;
	[tilespmem:s0+$0x0] =	vst v4  }
0x10b: {  	[tilespmem:s0+$0x10] =	vst v3  }
.Ltmp4:
0x10c: {  	(pc) =	sbr.rel .LBB2_6-.Ltmp4, $3  }
0x10d: {  	_ =	sdelay $0x1  }
0x10e: {  	s0 =	simm.s32 $0x5680;
	s31 =	simm.s32 $0x0;
	s1 =	simm.s32 $0x0  }
0x10f: {  	vm0 =	vcmask $0x300;
	vm1 =	vcmask $0x3F0C;
	vm2 =	vcmask $0x3F08;
	[tilespmem:s24], [sflag:$0x1] =	stream.indirect.gather [hbm4b:s3+s22], $0x20, s0, s22, $0xb8;
	[tilespmem:$0xB680] =	vst v63  }
.LBB2_7:
0x110: {  	_ =	swait.ge [sflag:s26], $0x1000  }
0x111: {  	[sflag:s26] =	ssyncset.done $0x0  }
0x112: {  	[sflag:s26] =	ssyncadd.s32 $0xFFFFF000  }
.LBB2_9:
0x113: {  	_ =	swait.ge [sflag:s28], $0x1000  }
0x114: {  	[sflag:s28] =	ssyncset.done $0x0  }
0x115: {  	[sflag:s28] =	ssyncadd.s32 $0xFFFFF000  }
.LBB2_10:
0x116: {  	s6 =	sadd.s32 $0x4, s31  }
0x117: {  	v4 =	vmov s6  }
0x118: {  	v4 =	vshrl.u32 v4, $0x3  }
0x119: {  	v3 =	vshll.u32 v4, v3  }
0x11a: {  	v4 =	vadd.s32 $0x4, v3  }
0x11b: {  	v4 =	vbroadcast v4, $0x0;
	_ =	sdelay $0x5  }
0x11c: {  	v5 =	vld.idx.msk [tilespmem:v4+s19+$0x0], $0xffff  }
0x11d: {  	v6 =	vld.idx.msk [tilespmem:v4+s18+$0x0], $0xffff  }
0x11e: {  	v4 =	vld.idx.msk [tilespmem:v4+s17+$0x0], $0xffff  }
0x11f: {  	v7 =	vld [tilespmem:$0xA680]  }
0x120: {  	v8 =	vld [tilespmem:$0xA6A0]  }
0x121: {  	v9 =	vld [tilespmem:$0xA6C0];
	v5 =	vsel vm1, $0x0, v5  }
0x122: {  	v37 =	vld [tilespmem:$0xA6E0];
	v5 =	vsel vm2, v5, v6  }
0x123: {  	v38 =	vld [tilespmem:$0xA700];
	v4 =	vsel vm3, v4, v5  }
0x124: {  	v10 =	vld [tilespmem:$0xA720];
	v7 =	vsub.f32 v7, v4  }
0x125: {  	v11 =	vld [tilespmem:$0xA740];
	v8 =	vsub.f32 v8, v4  }
0x126: {  	v40 =	vld [tilespmem:$0xA760];
	v39 =	vsub.f32 v9, v4;
	[tilespmem:$0xA680] =	vst v7  }
0x127: {  	v41 =	vld [tilespmem:$0xA780];
	v6 =	vsub.f32 v37, v4;
	[tilespmem:$0xA6A0] =	vst v8  }
0x128: {  	v42 =	vld [tilespmem:$0xA7A0];
	v5 =	vsub.f32 v38, v4;
	[tilespmem:$0xA6C0] =	vst v39  }
0x129: {  	v44 =	vld [tilespmem:$0xA7C0];
	v43 =	vsub.f32 v10, v4;
	[tilespmem:$0xA6E0] =	vst v6  }
0x12a: {  	v46 =	vld [tilespmem:$0xA7E0];
	v45 =	vsub.f32 v11, v4;
	[tilespmem:$0xA700] =	vst v5  }
0x12b: {  	v48 =	vld [tilespmem:$0xA800];
	v47 =	vsub.f32 v40, v4;
	[tilespmem:$0xA720] =	vst v43  }
0x12c: {  	v50 =	vld [tilespmem:$0xA820];
	v49 =	vsub.f32 v41, v4;
	[tilespmem:$0xA740] =	vst v45  }
0x12d: {  	v52 =	vld [tilespmem:$0xA840];
	v51 =	vsub.f32 v42, v4;
	[tilespmem:$0xA760] =	vst v47  }
0x12e: {  	v54 =	vld [tilespmem:$0xA860];
	v53 =	vsub.f32 v44, v4;
	[tilespmem:$0xA780] =	vst v49  }
0x12f: {  	v56 =	vld [tilespmem:$0xA880];
	v55 =	vsub.f32 v46, v4;
	[tilespmem:$0xA7A0] =	vst v51  }
0x130: {  	v58 =	vld [tilespmem:$0xA8A0];
	v57 =	vsub.f32 v48, v4;
	[tilespmem:$0xA7C0] =	vst v53  }
0x131: {  	v60 =	vld [tilespmem:$0xA8C0];
	v59 =	vsub.f32 v50, v4;
	[tilespmem:$0xA7E0] =	vst v55  }
0x132: {  	v62 =	vld [tilespmem:$0xA8E0];
	v61 =	vsub.f32 v52, v4;
	[tilespmem:$0xA800] =	vst v57  }
0x133: {  	v12 =	vld [tilespmem:$0xA900];
	v63 =	vsub.f32 v54, v4;
	[tilespmem:$0xA820] =	vst v59  }
0x134: {  	v14 =	vld [tilespmem:$0xA920];
	v13 =	vsub.f32 v56, v4;
	[tilespmem:$0xA840] =	vst v61  }
0x135: {  	v16 =	vld [tilespmem:$0xA940];
	v15 =	vsub.f32 v58, v4;
	[tilespmem:$0xA860] =	vst v63  }
0x136: {  	v18 =	vld [tilespmem:$0xA960];
	v17 =	vsub.f32 v60, v4;
	[tilespmem:$0xA880] =	vst v13  }
0x137: {  	v20 =	vld [tilespmem:$0xA980];
	v19 =	vsub.f32 v62, v4;
	[tilespmem:$0xA8A0] =	vst v15  }
0x138: {  	v22 =	vld [tilespmem:$0xA9A0];
	v21 =	vsub.f32 v12, v4;
	[tilespmem:$0xA8C0] =	vst v17  }
0x139: {  	v24 =	vld [tilespmem:$0xA9C0];
	v23 =	vsub.f32 v14, v4;
	[tilespmem:$0xA8E0] =	vst v19  }
0x13a: {  	v26 =	vld [tilespmem:$0xA9E0];
	v25 =	vsub.f32 v16, v4;
	[tilespmem:$0xA900] =	vst v21  }
0x13b: {  	v28 =	vld [tilespmem:$0xAA00];
	v27 =	vsub.f32 v18, v4;
	[tilespmem:$0xA920] =	vst v23  }
0x13c: {  	v32 =	vld [tilespmem:$0xAA40];
	v29 =	vsub.f32 v20, v4;
	[tilespmem:$0xA940] =	vst v25  }
0x13d: {  	v30 =	vld [tilespmem:$0xAA20];
	v31 =	vsub.f32 v22, v4;
	[tilespmem:$0xA960] =	vst v27  }
0x13e: {  	v34 =	vld [tilespmem:$0xAA60];
	v33 =	vsub.f32 v24, v4;
	[tilespmem:$0xA980] =	vst v29  }
0x13f: {  	v36 =	vadd.s32 $0x5, v3;
	v35 =	vsub.f32 v26, v4;
	[tilespmem:$0xA9A0] =	vst v31  }
0x140: {  	v37 =	vsub.f32 v28, v4;
	v38 =	vbroadcast v36, $0x0;
	[tilespmem:$0xA9C0] =	vst v33  }
0x141: {  	v40 =	vsub.f32 v32, v4;
	[tilespmem:$0xA9E0] =	vst v35  }
0x142: {  	v39 =	vsub.f32 v30, v4;
	[tilespmem:$0xAA00] =	vst v37  }
0x143: {  	v4 =	vsub.f32 v34, v4;
	[tilespmem:$0xAA40] =	vst v40  }
0x144: {  	[tilespmem:$0xAA20] =	vst v39  }
0x145: {  	[tilespmem:$0xAA60] =	vst v4  }
0x146: {  	v4 =	vld.idx.msk [tilespmem:v38+s19+$0x0], $0xffff  }
0x147: {  	v5 =	vld.idx.msk [tilespmem:v38+s18+$0x0], $0xffff  }
0x148: {  	v6 =	vld.idx.msk [tilespmem:v38+s17+$0x0], $0xffff  }
0x149: {  	v41 =	vld [tilespmem:$0xAA80]  }
0x14a: {  	v42 =	vld [tilespmem:$0xAAA0]  }
0x14b: {  	v43 =	vld [tilespmem:$0xAAC0];
	v4 =	vsel vm1, $0x0, v4  }
0x14c: {  	v44 =	vld [tilespmem:$0xAAE0];
	v4 =	vsel vm2, v4, v5  }
0x14d: {  	v45 =	vld [tilespmem:$0xAB00];
	v4 =	vsel vm3, v6, v4  }
0x14e: {  	v46 =	vld [tilespmem:$0xAB20];
	v7 =	vsub.f32 v41, v4  }
0x14f: {  	v47 =	vld [tilespmem:$0xAB40];
	v8 =	vsub.f32 v42, v4  }
0x150: {  	v49 =	vld [tilespmem:$0xAB60];
	v48 =	vsub.f32 v43, v4;
	[tilespmem:$0xAA80] =	vst v7  }
0x151: {  	v50 =	vld [tilespmem:$0xAB80];
	v5 =	vsub.f32 v44, v4;
	[tilespmem:$0xAAA0] =	vst v8  }
0x152: {  	v51 =	vld [tilespmem:$0xABA0];
	v6 =	vsub.f32 v45, v4;
	[tilespmem:$0xAAC0] =	vst v48  }
0x153: {  	v53 =	vld [tilespmem:$0xABC0];
	v52 =	vsub.f32 v46, v4;
	[tilespmem:$0xAAE0] =	vst v5  }
0x154: {  	v55 =	vld [tilespmem:$0xABE0];
	v54 =	vsub.f32 v47, v4;
	[tilespmem:$0xAB00] =	vst v6  }
0x155: {  	v57 =	vld [tilespmem:$0xAC00];
	v56 =	vsub.f32 v49, v4;
	[tilespmem:$0xAB20] =	vst v52  }
0x156: {  	v59 =	vld [tilespmem:$0xAC20];
	v58 =	vsub.f32 v50, v4;
	[tilespmem:$0xAB40] =	vst v54  }
0x157: {  	v61 =	vld [tilespmem:$0xAC40];
	v60 =	vsub.f32 v51, v4;
	[tilespmem:$0xAB60] =	vst v56  }
0x158: {  	v63 =	vld [tilespmem:$0xAC60];
	v62 =	vsub.f32 v53, v4;
	[tilespmem:$0xAB80] =	vst v58  }
0x159: {  	v13 =	vld [tilespmem:$0xAC80];
	v12 =	vsub.f32 v55, v4;
	[tilespmem:$0xABA0] =	vst v60  }
0x15a: {  	v15 =	vld [tilespmem:$0xACA0];
	v14 =	vsub.f32 v57, v4;
	[tilespmem:$0xABC0] =	vst v62  }
0x15b: {  	v17 =	vld [tilespmem:$0xACC0];
	v16 =	vsub.f32 v59, v4;
	[tilespmem:$0xABE0] =	vst v12  }
0x15c: {  	v19 =	vld [tilespmem:$0xACE0];
	v18 =	vsub.f32 v61, v4;
	[tilespmem:$0xAC00] =	vst v14  }
0x15d: {  	v21 =	vld [tilespmem:$0xAD00];
	v20 =	vsub.f32 v63, v4;
	[tilespmem:$0xAC20] =	vst v16  }
0x15e: {  	v23 =	vld [tilespmem:$0xAD20];
	v22 =	vsub.f32 v13, v4;
	[tilespmem:$0xAC40] =	vst v18  }
0x15f: {  	v25 =	vld [tilespmem:$0xAD40];
	v24 =	vsub.f32 v15, v4;
	[tilespmem:$0xAC60] =	vst v20  }
0x160: {  	v27 =	vld [tilespmem:$0xAD60];
	v26 =	vsub.f32 v17, v4;
	[tilespmem:$0xAC80] =	vst v22  }
0x161: {  	v29 =	vld [tilespmem:$0xAD80];
	v28 =	vsub.f32 v19, v4;
	[tilespmem:$0xACA0] =	vst v24  }
0x162: {  	v31 =	vld [tilespmem:$0xADA0];
	v30 =	vsub.f32 v21, v4;
	[tilespmem:$0xACC0] =	vst v26  }
0x163: {  	v33 =	vld [tilespmem:$0xADC0];
	v32 =	vsub.f32 v23, v4;
	[tilespmem:$0xACE0] =	vst v28  }
0x164: {  	v35 =	vld [tilespmem:$0xADE0];
	v34 =	vsub.f32 v25, v4;
	[tilespmem:$0xAD00] =	vst v30  }
0x165: {  	v37 =	vld [tilespmem:$0xAE00];
	v36 =	vsub.f32 v27, v4;
	[tilespmem:$0xAD20] =	vst v32  }
0x166: {  	v39 =	vld [tilespmem:$0xAE20];
	v38 =	vsub.f32 v29, v4;
	[tilespmem:$0xAD40] =	vst v34  }
0x167: {  	v40 =	vsub.f32 v31, v4;
	v41 =	vld [tilespmem:$0xAE40];
	[tilespmem:$0xAD60] =	vst v36  }
0x168: {  	v42 =	vsub.f32 v33, v4;
	v43 =	vld [tilespmem:$0xAE60];
	[tilespmem:$0xAD80] =	vst v38  }
0x169: {  	v44 =	vsub.f32 v35, v4;
	v45 =	vadd.s32 $0x6, v3;
	[tilespmem:$0xADA0] =	vst v40  }
0x16a: {  	v46 =	vsub.f32 v37, v4;
	v47 =	vbroadcast v45, $0x0;
	[tilespmem:$0xADC0] =	vst v42  }
0x16b: {  	[tilespmem:$0xADE0] =	vst v44;
	v48 =	vsub.f32 v39, v4  }
0x16c: {  	[tilespmem:$0xAE00] =	vst v46;
	v49 =	vsub.f32 v41, v4  }
0x16d: {  	[tilespmem:$0xAE20] =	vst v48;
	v4 =	vsub.f32 v43, v4  }
0x16e: {  	[tilespmem:$0xAE40] =	vst v49  }
0x16f: {  	[tilespmem:$0xAE60] =	vst v4  }
0x170: {  	v4 =	vld.idx.msk [tilespmem:v47+s19+$0x0], $0xffff  }
0x171: {  	v5 =	vld.idx.msk [tilespmem:v47+s18+$0x0], $0xffff  }
0x172: {  	v6 =	vld.idx.msk [tilespmem:v47+s17+$0x0], $0xffff  }
0x173: {  	v50 =	vld [tilespmem:$0xAE80]  }
0x174: {  	v51 =	vld [tilespmem:$0xAEA0]  }
0x175: {  	v52 =	vld [tilespmem:$0xAEC0];
	v4 =	vsel vm1, $0x0, v4  }
0x176: {  	v53 =	vld [tilespmem:$0xAEE0];
	v4 =	vsel vm2, v4, v5  }
0x177: {  	v54 =	vld [tilespmem:$0xAF00];
	v4 =	vsel vm3, v6, v4  }
0x178: {  	v55 =	vld [tilespmem:$0xAF20];
	v7 =	vsub.f32 v50, v4  }
0x179: {  	v56 =	vld [tilespmem:$0xAF40];
	v8 =	vsub.f32 v51, v4  }
0x17a: {  	v58 =	vld [tilespmem:$0xAF60];
	v57 =	vsub.f32 v52, v4;
	[tilespmem:$0xAE80] =	vst v7  }
0x17b: {  	v59 =	vld [tilespmem:$0xAF80];
	v5 =	vsub.f32 v53, v4;
	[tilespmem:$0xAEA0] =	vst v8  }
0x17c: {  	v60 =	vld [tilespmem:$0xAFA0];
	v6 =	vsub.f32 v54, v4;
	[tilespmem:$0xAEC0] =	vst v57  }
0x17d: {  	v62 =	vld [tilespmem:$0xAFC0];
	v61 =	vsub.f32 v55, v4;
	[tilespmem:$0xAEE0] =	vst v5  }
0x17e: {  	v12 =	vld [tilespmem:$0xAFE0];
	v63 =	vsub.f32 v56, v4;
	[tilespmem:$0xAF00] =	vst v6  }
0x17f: {  	v14 =	vld [tilespmem:$0xB000];
	v13 =	vsub.f32 v58, v4;
	[tilespmem:$0xAF20] =	vst v61  }
0x180: {  	v16 =	vld [tilespmem:$0xB020];
	v15 =	vsub.f32 v59, v4;
	[tilespmem:$0xAF40] =	vst v63  }
0x181: {  	v18 =	vld [tilespmem:$0xB040];
	v17 =	vsub.f32 v60, v4;
	[tilespmem:$0xAF60] =	vst v13  }
0x182: {  	v20 =	vld [tilespmem:$0xB060];
	v19 =	vsub.f32 v62, v4;
	[tilespmem:$0xAF80] =	vst v15  }
0x183: {  	v22 =	vld [tilespmem:$0xB080];
	v21 =	vsub.f32 v12, v4;
	[tilespmem:$0xAFA0] =	vst v17  }
0x184: {  	v24 =	vld [tilespmem:$0xB0A0];
	v23 =	vsub.f32 v14, v4;
	[tilespmem:$0xAFC0] =	vst v19  }
0x185: {  	v26 =	vld [tilespmem:$0xB0C0];
	v25 =	vsub.f32 v16, v4;
	[tilespmem:$0xAFE0] =	vst v21  }
0x186: {  	v28 =	vld [tilespmem:$0xB0E0];
	v27 =	vsub.f32 v18, v4;
	[tilespmem:$0xB000] =	vst v23  }
0x187: {  	v30 =	vld [tilespmem:$0xB100];
	v29 =	vsub.f32 v20, v4;
	[tilespmem:$0xB020] =	vst v25  }
0x188: {  	v32 =	vld [tilespmem:$0xB120];
	v31 =	vsub.f32 v22, v4;
	[tilespmem:$0xB040] =	vst v27  }
0x189: {  	v34 =	vld [tilespmem:$0xB140];
	v33 =	vsub.f32 v24, v4;
	[tilespmem:$0xB060] =	vst v29  }
0x18a: {  	v36 =	vld [tilespmem:$0xB160];
	v35 =	vsub.f32 v26, v4;
	[tilespmem:$0xB080] =	vst v31  }
0x18b: {  	v38 =	vld [tilespmem:$0xB180];
	v37 =	vsub.f32 v28, v4;
	[tilespmem:$0xB0A0] =	vst v33  }
0x18c: {  	v40 =	vld [tilespmem:$0xB1A0];
	v39 =	vsub.f32 v30, v4;
	[tilespmem:$0xB0C0] =	vst v35  }
0x18d: {  	v42 =	vld [tilespmem:$0xB1C0];
	v41 =	vsub.f32 v32, v4;
	[tilespmem:$0xB0E0] =	vst v37  }
0x18e: {  	v44 =	vld [tilespmem:$0xB1E0];
	v43 =	vsub.f32 v34, v4;
	[tilespmem:$0xB100] =	vst v39  }
0x18f: {  	v46 =	vld [tilespmem:$0xB200];
	v45 =	vsub.f32 v36, v4;
	[tilespmem:$0xB120] =	vst v41  }
0x190: {  	v48 =	vld [tilespmem:$0xB220];
	v47 =	vsub.f32 v38, v4;
	[tilespmem:$0xB140] =	vst v43  }
0x191: {  	v49 =	vsub.f32 v40, v4;
	v50 =	vld [tilespmem:$0xB240];
	[tilespmem:$0xB160] =	vst v45  }
0x192: {  	v51 =	vsub.f32 v42, v4;
	v52 =	vld [tilespmem:$0xB260];
	[tilespmem:$0xB180] =	vst v47  }
0x193: {  	v3 =	vadd.s32 $0x7, v3;
	v53 =	vsub.f32 v44, v4;
	[tilespmem:$0xB1A0] =	vst v49  }
0x194: {  	v3 =	vbroadcast v3, $0x0;
	v54 =	vsub.f32 v46, v4;
	[tilespmem:$0xB1C0] =	vst v51  }
0x195: {  	v55 =	vsub.f32 v48, v4;
	[tilespmem:$0xB1E0] =	vst v53  }
0x196: {  	[tilespmem:$0xB200] =	vst v54;
	v56 =	vsub.f32 v50, v4  }
0x197: {  	[tilespmem:$0xB220] =	vst v55;
	v4 =	vsub.f32 v52, v4  }
0x198: {  	[tilespmem:$0xB240] =	vst v56  }
0x199: {  	[tilespmem:$0xB260] =	vst v4  }
0x19a: {  	v4 =	vld.idx.msk [tilespmem:v3+s19+$0x0], $0xffff  }
0x19b: {  	v5 =	vld.idx.msk [tilespmem:v3+s18+$0x0], $0xffff  }
0x19c: {  	v3 =	vld.idx.msk [tilespmem:v3+s17+$0x0], $0xffff  }
0x19d: {  	v57 =	vld [tilespmem:$0xB280]  }
0x19e: {  	v58 =	vld [tilespmem:$0xB2A0]  }
0x19f: {  	v59 =	vld [tilespmem:$0xB2C0];
	v4 =	vsel vm1, $0x0, v4  }
0x1a0: {  	v60 =	vld [tilespmem:$0xB2E0];
	v4 =	vsel vm2, v4, v5  }
0x1a1: {  	v61 =	vld [tilespmem:$0xB300];
	v3 =	vsel vm3, v3, v4  }
0x1a2: {  	v62 =	vld [tilespmem:$0xB320];
	v6 =	vsub.f32 v57, v3  }
0x1a3: {  	v63 =	vld [tilespmem:$0xB340];
	v7 =	vsub.f32 v58, v3  }
0x1a4: {  	v13 =	vld [tilespmem:$0xB360];
	v12 =	vsub.f32 v59, v3;
	[tilespmem:$0xB280] =	vst v6  }
0x1a5: {  	v14 =	vld [tilespmem:$0xB380];
	v5 =	vsub.f32 v60, v3;
	[tilespmem:$0xB2A0] =	vst v7  }
0x1a6: {  	v15 =	vld [tilespmem:$0xB3A0];
	v4 =	vsub.f32 v61, v3;
	[tilespmem:$0xB2C0] =	vst v12  }
0x1a7: {  	v17 =	vld [tilespmem:$0xB3C0];
	v16 =	vsub.f32 v62, v3;
	[tilespmem:$0xB2E0] =	vst v5  }
0x1a8: {  	v19 =	vld [tilespmem:$0xB3E0];
	v18 =	vsub.f32 v63, v3;
	[tilespmem:$0xB300] =	vst v4  }
0x1a9: {  	v21 =	vld [tilespmem:$0xB400];
	v20 =	vsub.f32 v13, v3;
	[tilespmem:$0xB320] =	vst v16  }
0x1aa: {  	v23 =	vld [tilespmem:$0xB420];
	v22 =	vsub.f32 v14, v3;
	[tilespmem:$0xB340] =	vst v18  }
0x1ab: {  	v25 =	vld [tilespmem:$0xB440];
	v24 =	vsub.f32 v15, v3;
	[tilespmem:$0xB360] =	vst v20  }
0x1ac: {  	v27 =	vld [tilespmem:$0xB460];
	v26 =	vsub.f32 v17, v3;
	[tilespmem:$0xB380] =	vst v22  }
0x1ad: {  	v29 =	vld [tilespmem:$0xB480];
	v28 =	vsub.f32 v19, v3;
	[tilespmem:$0xB3A0] =	vst v24  }
0x1ae: {  	v31 =	vld [tilespmem:$0xB4A0];
	v30 =	vsub.f32 v21, v3;
	[tilespmem:$0xB3C0] =	vst v26  }
0x1af: {  	v33 =	vld [tilespmem:$0xB4C0];
	v32 =	vsub.f32 v23, v3;
	[tilespmem:$0xB3E0] =	vst v28  }
0x1b0: {  	v35 =	vld [tilespmem:$0xB4E0];
	v34 =	vsub.f32 v25, v3;
	[tilespmem:$0xB400] =	vst v30  }
0x1b1: {  	v37 =	vld [tilespmem:$0xB500];
	v36 =	vsub.f32 v27, v3;
	[tilespmem:$0xB420] =	vst v32  }
0x1b2: {  	v39 =	vld [tilespmem:$0xB520];
	v38 =	vsub.f32 v29, v3;
	[tilespmem:$0xB440] =	vst v34  }
0x1b3: {  	v41 =	vld [tilespmem:$0xB540];
	v40 =	vsub.f32 v31, v3;
	[tilespmem:$0xB460] =	vst v36  }
0x1b4: {  	v43 =	vld [tilespmem:$0xB560];
	v42 =	vsub.f32 v33, v3;
	[tilespmem:$0xB480] =	vst v38  }
0x1b5: {  	v45 =	vld [tilespmem:$0xB580];
	v44 =	vsub.f32 v35, v3;
	[tilespmem:$0xB4A0] =	vst v40  }
0x1b6: {  	v47 =	vld [tilespmem:$0xB5A0];
	v46 =	vsub.f32 v37, v3;
	[tilespmem:$0xB4C0] =	vst v42  }
0x1b7: {  	v49 =	vld [tilespmem:$0xB5C0];
	v48 =	vsub.f32 v39, v3;
	[tilespmem:$0xB4E0] =	vst v44  }
0x1b8: {  	v51 =	vld [tilespmem:$0xB5E0];
	v50 =	vsub.f32 v41, v3;
	[tilespmem:$0xB500] =	vst v46  }
0x1b9: {  	v53 =	vld [tilespmem:$0xB600];
	v52 =	vsub.f32 v43, v3;
	[tilespmem:$0xB520] =	vst v48  }
0x1ba: {  	v55 =	vld [tilespmem:$0xB620];
	v54 =	vsub.f32 v45, v3;
	[tilespmem:$0xB540] =	vst v50  }
0x1bb: {  	v56 =	vsub.f32 v47, v3;
	v57 =	vld [tilespmem:$0xB640];
	[tilespmem:$0xB560] =	vst v52  }
0x1bc: {  	v58 =	vsub.f32 v49, v3;
	v59 =	vld [tilespmem:$0xB660];
	[tilespmem:$0xB580] =	vst v54  }
0x1bd: {  	v60 =	vsub.f32 v51, v3;
	[tilespmem:$0xB5A0] =	vst v56  }
0x1be: {  	s1 =	sadd.s32 $0x400, s1;
	v61 =	vsub.f32 v53, v3;
	[tilespmem:$0xB5C0] =	vst v58  }
0x1bf: {  	p0 =	sne.s32 s1, $0x10000;
	v62 =	vsub.f32 v55, v3;
	[tilespmem:$0xB5E0] =	vst v60  }
.Ltmp5:
0x1c0: {  	[tilespmem:$0xB600] =	vst v61;
	v63 =	vsub.f32 v57, v3;
	(pc) =	sbr.rel @!p0 .LBB2_11-.Ltmp5, $4  }
0x1c1: {  	s0 =	sadd.s32 $0x200, s0;
	[tilespmem:$0xB620] =	vst v62;
	v3 =	vsub.f32 v59, v3  }
0x1c2: {  	s0 =	sand.u32 $0x1FFFFE00, s0;
	[tilespmem:$0xB640] =	vst v63  }
0x1c3: {  	s31 =	sadd.s32 $0x8, s31;
	s0 =	sadd.s32 s4, s0;
	[tilespmem:$0xB660] =	vst v3  }
0x1c4: {  	[hbm4b:s0+s2] =	stream.linear.scatter [tilespmem:s25], [sflag:$0x4], $0x1000, $0x38;
	[tilespmem:$0xB680] =	vst v63  }
.LBB2_6:
0x1c5: {  	s6 =	sshra.s32 s1, $0x2;
	v3 =	vmov s31  }
0x1c6: {  	s0 =	sadd.s32 $0x5700, s6;
	v4 =	vshrl.u32 v3, $0x3;
	v3 =	vsel vm0, $0x3, v2  }
0x1c7: {  	[tilespmem:s25], [sflag:$0x2] =	stream.indirect.gather [hbm4b:s3+s22], $0x20, s0, s22, $0xb8;
	v4 =	vshll.u32 v4, v3;
	[tilespmem:$0xB680] =	vst v63  }
0x1c8: {  	_ =	swait.ge [sflag:s5], $0x1000;
	v5 =	vbroadcast v4, $0x0  }
0x1c9: {  	p0 =	seq.s32 s1, $0x0;
	[sflag:s5] =	ssyncset.done $0x0  }
0x1ca: {  	s0 =	simm.s32 @!p0 $0x3;
	[sflag:s5] =	ssyncadd.s32 $0xFFFFF000  }
0x1cb: {  	_ =	swait.ge @!p0 [sflag:s0], $0x1000  }
0x1cc: {  	[sflag:s0] =	ssyncset.done @!p0 $0x0  }
0x1cd: {  	[sflag:s0] =	ssyncadd.s32 @!p0 $0xFFFFF000  }
0x1ce: {  	v6 =	vld.idx.msk [tilespmem:v5+s19+$0x0], $0xffff  }
0x1cf: {  	v7 =	vld.idx.msk [tilespmem:v5+s18+$0x0], $0xffff  }
0x1d0: {  	v5 =	vld.idx.msk [tilespmem:v5+s17+$0x0], $0xffff  }
0x1d1: {  	v8 =	vld [tilespmem:$0x9680]  }
0x1d2: {  	v9 =	vld [tilespmem:$0x96A0]  }
0x1d3: {  	v10 =	vld [tilespmem:$0x96C0];
	v6 =	vsel vm1, $0x0, v6  }
0x1d4: {  	vm3 =	vmmov $0x1;
	v37 =	vld [tilespmem:$0x96E0];
	v6 =	vsel vm2, v6, v7  }
0x1d5: {  	v38 =	vld [tilespmem:$0x9700];
	v5 =	vsel vm3, v5, v6  }
0x1d6: {  	v11 =	vld [tilespmem:$0x9720];
	v8 =	vsub.f32 v8, v5  }
0x1d7: {  	v12 =	vld [tilespmem:$0x9740];
	v9 =	vsub.f32 v9, v5  }
0x1d8: {  	v40 =	vld [tilespmem:$0x9760];
	v39 =	vsub.f32 v10, v5;
	[tilespmem:$0x9680] =	vst v8  }
0x1d9: {  	v41 =	vld [tilespmem:$0x9780];
	v7 =	vsub.f32 v37, v5;
	[tilespmem:$0x96A0] =	vst v9  }
0x1da: {  	v42 =	vld [tilespmem:$0x97A0];
	v6 =	vsub.f32 v38, v5;
	[tilespmem:$0x96C0] =	vst v39  }
0x1db: {  	v44 =	vld [tilespmem:$0x97C0];
	v43 =	vsub.f32 v11, v5;
	[tilespmem:$0x96E0] =	vst v7  }
0x1dc: {  	v46 =	vld [tilespmem:$0x97E0];
	v45 =	vsub.f32 v12, v5;
	[tilespmem:$0x9700] =	vst v6  }
0x1dd: {  	v48 =	vld [tilespmem:$0x9800];
	v47 =	vsub.f32 v40, v5;
	[tilespmem:$0x9720] =	vst v43  }
0x1de: {  	v50 =	vld [tilespmem:$0x9820];
	v49 =	vsub.f32 v41, v5;
	[tilespmem:$0x9740] =	vst v45  }
0x1df: {  	v52 =	vld [tilespmem:$0x9840];
	v51 =	vsub.f32 v42, v5;
	[tilespmem:$0x9760] =	vst v47  }
0x1e0: {  	v54 =	vld [tilespmem:$0x9860];
	v53 =	vsub.f32 v44, v5;
	[tilespmem:$0x9780] =	vst v49  }
0x1e1: {  	v56 =	vld [tilespmem:$0x9880];
	v55 =	vsub.f32 v46, v5;
	[tilespmem:$0x97A0] =	vst v51  }
0x1e2: {  	v58 =	vld [tilespmem:$0x98A0];
	v57 =	vsub.f32 v48, v5;
	[tilespmem:$0x97C0] =	vst v53  }
0x1e3: {  	v60 =	vld [tilespmem:$0x98C0];
	v59 =	vsub.f32 v50, v5;
	[tilespmem:$0x97E0] =	vst v55  }
0x1e4: {  	v62 =	vld [tilespmem:$0x98E0];
	v61 =	vsub.f32 v52, v5;
	[tilespmem:$0x9800] =	vst v57  }
0x1e5: {  	v16 =	vld [tilespmem:$0x9900];
	v63 =	vsub.f32 v54, v5;
	[tilespmem:$0x9820] =	vst v59  }
0x1e6: {  	v18 =	vld [tilespmem:$0x9920];
	v17 =	vsub.f32 v56, v5;
	[tilespmem:$0x9840] =	vst v61  }
0x1e7: {  	v20 =	vld [tilespmem:$0x9940];
	v19 =	vsub.f32 v58, v5;
	[tilespmem:$0x9860] =	vst v63  }
0x1e8: {  	v22 =	vld [tilespmem:$0x9960];
	v21 =	vsub.f32 v60, v5;
	[tilespmem:$0x9880] =	vst v17  }
0x1e9: {  	v24 =	vld [tilespmem:$0x9980];
	v23 =	vsub.f32 v62, v5;
	[tilespmem:$0x98A0] =	vst v19  }
0x1ea: {  	v26 =	vld [tilespmem:$0x99A0];
	v25 =	vsub.f32 v16, v5;
	[tilespmem:$0x98C0] =	vst v21  }
0x1eb: {  	v28 =	vld [tilespmem:$0x99C0];
	v27 =	vsub.f32 v18, v5;
	[tilespmem:$0x98E0] =	vst v23  }
0x1ec: {  	v32 =	vld [tilespmem:$0x9A00];
	v29 =	vsub.f32 v20, v5;
	[tilespmem:$0x9900] =	vst v25  }
0x1ed: {  	v36 =	vld [tilespmem:$0x9A40];
	v31 =	vsub.f32 v22, v5;
	[tilespmem:$0x9920] =	vst v27  }
0x1ee: {  	v30 =	vld [tilespmem:$0x99E0];
	v33 =	vsub.f32 v24, v5;
	[tilespmem:$0x9940] =	vst v29  }
0x1ef: {  	v34 =	vld [tilespmem:$0x9A20];
	v35 =	vsub.f32 v26, v5;
	[tilespmem:$0x9960] =	vst v31  }
0x1f0: {  	v37 =	vsub.f32 v28, v5;
	v38 =	vld [tilespmem:$0x9A60];
	[tilespmem:$0x9980] =	vst v33  }
0x1f1: {  	v40 =	vadd.s32 $0x1, v4;
	v41 =	vsub.f32 v32, v5;
	[tilespmem:$0x99A0] =	vst v35  }
0x1f2: {  	v44 =	vsub.f32 v36, v5;
	v42 =	vbroadcast v40, $0x0;
	[tilespmem:$0x99C0] =	vst v37  }
0x1f3: {  	v39 =	vsub.f32 v30, v5;
	[tilespmem:$0x9A00] =	vst v41  }
0x1f4: {  	v43 =	vsub.f32 v34, v5;
	[tilespmem:$0x9A40] =	vst v44  }
0x1f5: {  	[tilespmem:$0x99E0] =	vst v39;
	v5 =	vsub.f32 v38, v5  }
0x1f6: {  	[tilespmem:$0x9A20] =	vst v43  }
0x1f7: {  	[tilespmem:$0x9A60] =	vst v5  }
0x1f8: {  	v5 =	vld.idx.msk [tilespmem:v42+s19+$0x0], $0xffff  }
0x1f9: {  	v6 =	vld.idx.msk [tilespmem:v42+s18+$0x0], $0xffff  }
0x1fa: {  	v7 =	vld.idx.msk [tilespmem:v42+s17+$0x0], $0xffff  }
0x1fb: {  	v45 =	vld [tilespmem:$0x9A80]  }
0x1fc: {  	v46 =	vld [tilespmem:$0x9AA0]  }
0x1fd: {  	v47 =	vld [tilespmem:$0x9AC0];
	v5 =	vsel vm1, $0x0, v5  }
0x1fe: {  	v48 =	vld [tilespmem:$0x9AE0];
	v5 =	vsel vm2, v5, v6  }
0x1ff: {  	v49 =	vld [tilespmem:$0x9B00];
	v5 =	vsel vm3, v7, v5  }
0x200: {  	v50 =	vld [tilespmem:$0x9B20];
	v8 =	vsub.f32 v45, v5  }
0x201: {  	v51 =	vld [tilespmem:$0x9B40];
	v9 =	vsub.f32 v46, v5  }
0x202: {  	v53 =	vld [tilespmem:$0x9B60];
	v52 =	vsub.f32 v47, v5;
	[tilespmem:$0x9A80] =	vst v8  }
0x203: {  	v54 =	vld [tilespmem:$0x9B80];
	v6 =	vsub.f32 v48, v5;
	[tilespmem:$0x9AA0] =	vst v9  }
0x204: {  	v55 =	vld [tilespmem:$0x9BA0];
	v7 =	vsub.f32 v49, v5;
	[tilespmem:$0x9AC0] =	vst v52  }
0x205: {  	v57 =	vld [tilespmem:$0x9BC0];
	v56 =	vsub.f32 v50, v5;
	[tilespmem:$0x9AE0] =	vst v6  }
0x206: {  	v59 =	vld [tilespmem:$0x9BE0];
	v58 =	vsub.f32 v51, v5;
	[tilespmem:$0x9B00] =	vst v7  }
0x207: {  	v61 =	vld [tilespmem:$0x9C00];
	v60 =	vsub.f32 v53, v5;
	[tilespmem:$0x9B20] =	vst v56  }
0x208: {  	v63 =	vld [tilespmem:$0x9C20];
	v62 =	vsub.f32 v54, v5;
	[tilespmem:$0x9B40] =	vst v58  }
0x209: {  	v16 =	vld [tilespmem:$0x9C40];
	v15 =	vsub.f32 v55, v5;
	[tilespmem:$0x9B60] =	vst v60  }
0x20a: {  	v18 =	vld [tilespmem:$0x9C60];
	v17 =	vsub.f32 v57, v5;
	[tilespmem:$0x9B80] =	vst v62  }
0x20b: {  	v20 =	vld [tilespmem:$0x9C80];
	v19 =	vsub.f32 v59, v5;
	[tilespmem:$0x9BA0] =	vst v15  }
0x20c: {  	v22 =	vld [tilespmem:$0x9CA0];
	v21 =	vsub.f32 v61, v5;
	[tilespmem:$0x9BC0] =	vst v17  }
0x20d: {  	v24 =	vld [tilespmem:$0x9CC0];
	v23 =	vsub.f32 v63, v5;
	[tilespmem:$0x9BE0] =	vst v19  }
0x20e: {  	v26 =	vld [tilespmem:$0x9CE0];
	v25 =	vsub.f32 v16, v5;
	[tilespmem:$0x9C00] =	vst v21  }
0x20f: {  	v28 =	vld [tilespmem:$0x9D00];
	v27 =	vsub.f32 v18, v5;
	[tilespmem:$0x9C20] =	vst v23  }
0x210: {  	v30 =	vld [tilespmem:$0x9D20];
	v29 =	vsub.f32 v20, v5;
	[tilespmem:$0x9C40] =	vst v25  }
0x211: {  	v32 =	vld [tilespmem:$0x9D40];
	v31 =	vsub.f32 v22, v5;
	[tilespmem:$0x9C60] =	vst v27  }
0x212: {  	v34 =	vld [tilespmem:$0x9D60];
	v33 =	vsub.f32 v24, v5;
	[tilespmem:$0x9C80] =	vst v29  }
0x213: {  	v36 =	vld [tilespmem:$0x9D80];
	v35 =	vsub.f32 v26, v5;
	[tilespmem:$0x9CA0] =	vst v31  }
0x214: {  	v38 =	vld [tilespmem:$0x9DA0];
	v37 =	vsub.f32 v28, v5;
	[tilespmem:$0x9CC0] =	vst v33  }
0x215: {  	v40 =	vld [tilespmem:$0x9DC0];
	v39 =	vsub.f32 v30, v5;
	[tilespmem:$0x9CE0] =	vst v35  }
0x216: {  	v42 =	vld [tilespmem:$0x9DE0];
	v41 =	vsub.f32 v32, v5;
	[tilespmem:$0x9D00] =	vst v37  }
0x217: {  	v44 =	vld [tilespmem:$0x9E00];
	v43 =	vsub.f32 v34, v5;
	[tilespmem:$0x9D20] =	vst v39  }
0x218: {  	v45 =	vsub.f32 v36, v5;
	v46 =	vld [tilespmem:$0x9E20];
	[tilespmem:$0x9D40] =	vst v41  }
0x219: {  	v47 =	vsub.f32 v38, v5;
	v48 =	vld [tilespmem:$0x9E40];
	[tilespmem:$0x9D60] =	vst v43  }
0x21a: {  	v49 =	vsub.f32 v40, v5;
	v50 =	vld [tilespmem:$0x9E60];
	[tilespmem:$0x9D80] =	vst v45  }
0x21b: {  	v51 =	vsub.f32 v42, v5;
	[tilespmem:$0x9DA0] =	vst v47;
	v52 =	vadd.s32 $0x2, v4  }
0x21c: {  	v53 =	vsub.f32 v44, v5;
	[tilespmem:$0x9DC0] =	vst v49;
	v54 =	vbroadcast v52, $0x0  }
0x21d: {  	[tilespmem:$0x9DE0] =	vst v51;
	v55 =	vsub.f32 v46, v5  }
0x21e: {  	[tilespmem:$0x9E00] =	vst v53;
	v56 =	vsub.f32 v48, v5  }
0x21f: {  	v5 =	vsub.f32 v50, v5;
	[tilespmem:$0x9E20] =	vst v55  }
0x220: {  	[tilespmem:$0x9E40] =	vst v56  }
0x221: {  	[tilespmem:$0x9E60] =	vst v5  }
0x222: {  	v5 =	vld.idx.msk [tilespmem:v54+s19+$0x0], $0xffff  }
0x223: {  	v6 =	vld.idx.msk [tilespmem:v54+s18+$0x0], $0xffff  }
0x224: {  	v7 =	vld.idx.msk [tilespmem:v54+s17+$0x0], $0xffff  }
0x225: {  	v57 =	vld [tilespmem:$0x9E80]  }
0x226: {  	v58 =	vld [tilespmem:$0x9EA0]  }
0x227: {  	v59 =	vld [tilespmem:$0x9EC0];
	v5 =	vsel vm1, $0x0, v5  }
0x228: {  	v60 =	vld [tilespmem:$0x9EE0];
	v5 =	vsel vm2, v5, v6  }
0x229: {  	v61 =	vld [tilespmem:$0x9F00];
	v5 =	vsel vm3, v7, v5  }
0x22a: {  	v62 =	vld [tilespmem:$0x9F20];
	v8 =	vsub.f32 v57, v5  }
0x22b: {  	v63 =	vld [tilespmem:$0x9F40];
	v9 =	vsub.f32 v58, v5  }
0x22c: {  	v17 =	vld [tilespmem:$0x9F60];
	v16 =	vsub.f32 v59, v5;
	[tilespmem:$0x9E80] =	vst v8  }
0x22d: {  	v18 =	vld [tilespmem:$0x9F80];
	v6 =	vsub.f32 v60, v5;
	[tilespmem:$0x9EA0] =	vst v9  }
0x22e: {  	v19 =	vld [tilespmem:$0x9FA0];
	v7 =	vsub.f32 v61, v5;
	[tilespmem:$0x9EC0] =	vst v16  }
0x22f: {  	v21 =	vld [tilespmem:$0x9FC0];
	v20 =	vsub.f32 v62, v5;
	[tilespmem:$0x9EE0] =	vst v6  }
0x230: {  	v23 =	vld [tilespmem:$0x9FE0];
	v22 =	vsub.f32 v63, v5;
	[tilespmem:$0x9F00] =	vst v7  }
0x231: {  	v25 =	vld [tilespmem:$0xA000];
	v24 =	vsub.f32 v17, v5;
	[tilespmem:$0x9F20] =	vst v20  }
0x232: {  	v27 =	vld [tilespmem:$0xA020];
	v26 =	vsub.f32 v18, v5;
	[tilespmem:$0x9F40] =	vst v22  }
0x233: {  	v29 =	vld [tilespmem:$0xA040];
	v28 =	vsub.f32 v19, v5;
	[tilespmem:$0x9F60] =	vst v24  }
0x234: {  	v31 =	vld [tilespmem:$0xA060];
	v30 =	vsub.f32 v21, v5;
	[tilespmem:$0x9F80] =	vst v26  }
0x235: {  	v33 =	vld [tilespmem:$0xA080];
	v32 =	vsub.f32 v23, v5;
	[tilespmem:$0x9FA0] =	vst v28  }
0x236: {  	v35 =	vld [tilespmem:$0xA0A0];
	v34 =	vsub.f32 v25, v5;
	[tilespmem:$0x9FC0] =	vst v30  }
0x237: {  	v37 =	vld [tilespmem:$0xA0C0];
	v36 =	vsub.f32 v27, v5;
	[tilespmem:$0x9FE0] =	vst v32  }
0x238: {  	v39 =	vld [tilespmem:$0xA0E0];
	v38 =	vsub.f32 v29, v5;
	[tilespmem:$0xA000] =	vst v34  }
0x239: {  	v41 =	vld [tilespmem:$0xA100];
	v40 =	vsub.f32 v31, v5;
	[tilespmem:$0xA020] =	vst v36  }
0x23a: {  	v43 =	vld [tilespmem:$0xA120];
	v42 =	vsub.f32 v33, v5;
	[tilespmem:$0xA040] =	vst v38  }
0x23b: {  	v45 =	vld [tilespmem:$0xA140];
	v44 =	vsub.f32 v35, v5;
	[tilespmem:$0xA060] =	vst v40  }
0x23c: {  	v47 =	vld [tilespmem:$0xA160];
	v46 =	vsub.f32 v37, v5;
	[tilespmem:$0xA080] =	vst v42  }
0x23d: {  	v49 =	vld [tilespmem:$0xA180];
	v48 =	vsub.f32 v39, v5;
	[tilespmem:$0xA0A0] =	vst v44  }
0x23e: {  	v51 =	vld [tilespmem:$0xA1A0];
	v50 =	vsub.f32 v41, v5;
	[tilespmem:$0xA0C0] =	vst v46  }
0x23f: {  	v53 =	vld [tilespmem:$0xA1C0];
	v52 =	vsub.f32 v43, v5;
	[tilespmem:$0xA0E0] =	vst v48  }
0x240: {  	v55 =	vld [tilespmem:$0xA1E0];
	v54 =	vsub.f32 v45, v5;
	[tilespmem:$0xA100] =	vst v50  }
0x241: {  	v56 =	vsub.f32 v47, v5;
	v57 =	vld [tilespmem:$0xA200];
	[tilespmem:$0xA120] =	vst v52  }
0x242: {  	v58 =	vsub.f32 v49, v5;
	v59 =	vld [tilespmem:$0xA220];
	[tilespmem:$0xA140] =	vst v54  }
0x243: {  	v60 =	vsub.f32 v51, v5;
	v61 =	vld [tilespmem:$0xA240];
	[tilespmem:$0xA160] =	vst v56  }
0x244: {  	v62 =	vsub.f32 v53, v5;
	v63 =	vld [tilespmem:$0xA260];
	[tilespmem:$0xA180] =	vst v58  }
0x245: {  	v4 =	vadd.s32 $0x3, v4;
	v15 =	vsub.f32 v55, v5;
	[tilespmem:$0xA1A0] =	vst v60  }
0x246: {  	v4 =	vbroadcast v4, $0x0;
	[tilespmem:$0xA1C0] =	vst v62;
	v16 =	vsub.f32 v57, v5  }
0x247: {  	[tilespmem:$0xA1E0] =	vst v15;
	v17 =	vsub.f32 v59, v5  }
0x248: {  	v18 =	vsub.f32 v61, v5;
	[tilespmem:$0xA200] =	vst v16  }
0x249: {  	v5 =	vsub.f32 v63, v5;
	[tilespmem:$0xA220] =	vst v17  }
0x24a: {  	[tilespmem:$0xA240] =	vst v18  }
0x24b: {  	[tilespmem:$0xA260] =	vst v5  }
0x24c: {  	v5 =	vld.idx.msk [tilespmem:v4+s19+$0x0], $0xffff  }
0x24d: {  	v6 =	vld.idx.msk [tilespmem:v4+s18+$0x0], $0xffff  }
0x24e: {  	v4 =	vld.idx.msk [tilespmem:v4+s17+$0x0], $0xffff  }
0x24f: {  	v19 =	vld [tilespmem:$0xA280]  }
0x250: {  	v20 =	vld [tilespmem:$0xA2A0]  }
0x251: {  	v21 =	vld [tilespmem:$0xA2C0];
	v5 =	vsel vm1, $0x0, v5  }
0x252: {  	v22 =	vld [tilespmem:$0xA2E0];
	v5 =	vsel vm2, v5, v6  }
0x253: {  	v4 =	vsel vm3, v4, v5;
	v5 =	vld [tilespmem:$0xA300]  }
0x254: {  	v23 =	vld [tilespmem:$0xA320];
	v7 =	vsub.f32 v19, v4  }
0x255: {  	v24 =	vld [tilespmem:$0xA340];
	v8 =	vsub.f32 v20, v4  }
0x256: {  	v26 =	vld [tilespmem:$0xA360];
	v25 =	vsub.f32 v21, v4;
	[tilespmem:$0xA280] =	vst v7  }
0x257: {  	v27 =	vld [tilespmem:$0xA380];
	v6 =	vsub.f32 v22, v4;
	[tilespmem:$0xA2A0] =	vst v8  }
0x258: {  	v28 =	vld [tilespmem:$0xA3A0];
	[tilespmem:$0xA2C0] =	vst v25;
	v5 =	vsub.f32 v5, v4  }
0x259: {  	v30 =	vld [tilespmem:$0xA3C0];
	v29 =	vsub.f32 v23, v4;
	[tilespmem:$0xA2E0] =	vst v6  }
0x25a: {  	v31 =	vld [tilespmem:$0xA3E0];
	[tilespmem:$0xA300] =	vst v5;
	v5 =	vsub.f32 v24, v4  }
0x25b: {  	v33 =	vld [tilespmem:$0xA400];
	v32 =	vsub.f32 v26, v4;
	[tilespmem:$0xA320] =	vst v29  }
0x25c: {  	v34 =	vld [tilespmem:$0xA420];
	[tilespmem:$0xA340] =	vst v5;
	v5 =	vsub.f32 v27, v4  }
0x25d: {  	v36 =	vld [tilespmem:$0xA440];
	v35 =	vsub.f32 v28, v4;
	[tilespmem:$0xA360] =	vst v32  }
0x25e: {  	v37 =	vld [tilespmem:$0xA460];
	[tilespmem:$0xA380] =	vst v5;
	v5 =	vsub.f32 v30, v4  }
0x25f: {  	v39 =	vld [tilespmem:$0xA480];
	v38 =	vsub.f32 v31, v4;
	[tilespmem:$0xA3A0] =	vst v35  }
0x260: {  	v40 =	vld [tilespmem:$0xA4A0];
	[tilespmem:$0xA3C0] =	vst v5;
	v5 =	vsub.f32 v33, v4  }
0x261: {  	v42 =	vld [tilespmem:$0xA4C0];
	v41 =	vsub.f32 v34, v4;
	[tilespmem:$0xA3E0] =	vst v38  }
0x262: {  	v43 =	vld [tilespmem:$0xA4E0];
	[tilespmem:$0xA400] =	vst v5;
	v5 =	vsub.f32 v36, v4  }
0x263: {  	v45 =	vld [tilespmem:$0xA500];
	v44 =	vsub.f32 v37, v4;
	[tilespmem:$0xA420] =	vst v41  }
0x264: {  	v46 =	vld [tilespmem:$0xA520];
	[tilespmem:$0xA440] =	vst v5;
	v5 =	vsub.f32 v39, v4  }
0x265: {  	v48 =	vld [tilespmem:$0xA540];
	v47 =	vsub.f32 v40, v4;
	[tilespmem:$0xA460] =	vst v44  }
0x266: {  	v49 =	vld [tilespmem:$0xA560];
	[tilespmem:$0xA480] =	vst v5;
	v5 =	vsub.f32 v42, v4  }
0x267: {  	v51 =	vld [tilespmem:$0xA580];
	v50 =	vsub.f32 v43, v4;
	[tilespmem:$0xA4A0] =	vst v47  }
0x268: {  	v52 =	vld [tilespmem:$0xA5A0];
	[tilespmem:$0xA4C0] =	vst v5;
	v5 =	vsub.f32 v45, v4  }
0x269: {  	v54 =	vld [tilespmem:$0xA5C0];
	v53 =	vsub.f32 v46, v4;
	[tilespmem:$0xA4E0] =	vst v50  }
0x26a: {  	v55 =	vld [tilespmem:$0xA5E0];
	[tilespmem:$0xA500] =	vst v5;
	v5 =	vsub.f32 v48, v4  }
0x26b: {  	v57 =	vld [tilespmem:$0xA600];
	v56 =	vsub.f32 v49, v4;
	[tilespmem:$0xA520] =	vst v53  }
0x26c: {  	v58 =	vld [tilespmem:$0xA620];
	[tilespmem:$0xA540] =	vst v5;
	v5 =	vsub.f32 v51, v4  }
0x26d: {  	v60 =	vld [tilespmem:$0xA640];
	v59 =	vsub.f32 v52, v4;
	[tilespmem:$0xA560] =	vst v56  }
0x26e: {  	v61 =	vld [tilespmem:$0xA660];
	[tilespmem:$0xA580] =	vst v5;
	v5 =	vsub.f32 v54, v4  }
0x26f: {  	v62 =	vsub.f32 v55, v4;
	[tilespmem:$0xA5A0] =	vst v59  }
0x270: {  	[tilespmem:$0xA5C0] =	vst v5;
	v5 =	vsub.f32 v57, v4  }
0x271: {  	p1 =	sne.s32 s1, $0xFC00;
	v63 =	vsub.f32 v58, v4;
	[tilespmem:$0xA5E0] =	vst v62  }
.Ltmp6:
0x272: {  	[tilespmem:$0xA600] =	vst v5;
	v5 =	vsub.f32 v60, v4;
	(pc) =	sbr.rel @!p1 .LBB2_7-.Ltmp6, $4  }
0x273: {  	s0 =	sadd.s32 s1, s13;
	[tilespmem:$0xA620] =	vst v63;
	v4 =	vsub.f32 v61, v4  }
0x274: {  	s7 =	sand.u32 $0x1FFFFC00, s0;
	[tilespmem:$0xA640] =	vst v5  }
0x275: {  	s7 =	sadd.s32 s4, s7;
	[tilespmem:$0xA660] =	vst v4  }
0x276: {  	[hbm4b:s7+s2] =	stream.linear.scatter [tilespmem:s24], [sflag:$0x3], $0x1000, $0x38;
	[tilespmem:$0xB680] =	vst v63  }
0x277: {  	s6 =	sadd.s32 $0x5780, s6  }
0x278: {  	[tilespmem:s24], [sflag:$0x1] =	stream.indirect.gather [hbm4b:s3+s22], $0x20, s6, s22, $0xb8;
	[tilespmem:$0xB680] =	vst v63  }
.Ltmp7:
0x279: {  	_ = 	snop;
	(pc) =	sbr.rel @!p0 .LBB2_9-.Ltmp7, $4  }
.Ltmp8:
0x27a: {  	_ = 	snop;
	(pc) =	sbr.rel @p0 .LBB2_10-.Ltmp8, $4  }
0x27b: {  	_ =	swait.ge [sflag:s26], $0x1000  }
0x27c: {  	[sflag:s26] =	ssyncset.done $0x0  }
0x27d: {  	[sflag:s26] =	ssyncadd.s32 $0xFFFFF000  }
0x27e: {  	_ = 	snop  }
.LBB2_12:
0x27f: {  	_ =	sfence.sel $0x180000  }
0x280: {  	[bflag:$0x0] =	sbarrier.arrive $0xFFFF  }
0x281: {  	_ =	strace $0x90000047  }
0x282: {  	s0 =	stileid.u32;
	[bflag:$0x2] =	sbarrier.arrive $0xFFFF  }
0x283: {  	p0 =	sne.s32 s0, $0x0;
	s0 =	rddreg [dreg:$0x3]  }
0x284: {  	s0 =	sadd.s32 @!p0 $0x100000, s0  }
0x285: {  	[sflag:s0] =	ssyncadd.tile.s32 @!p0 $0x1;
	_ =	shalt  }
.Lfunc_end2:
_tile_overlayer_lowered:
.L_overlay_start_2:
0x286: {  	(tag) =	ssettag $0x2  }
0x287: {  	s0 =	rddreg [dreg:$0x0];
	s2 =	stileid.u32  }
0x288: {  	s1 =	rddreg [dreg:$0x1];
	p0 =	sne.s32 s2, $0x0  }
0x289: {  	s3 =	rddreg [dreg:$0x2];
	[bflag:$0x3] =	sbarrier.arrive $0xFFFF;
	s2 =	simm.s32 @!p0 $0x1C05  }
0x28a: {  	[timem:s3], [sflag:s2] =	dma.local @!p0 [hbm:s0], s1  }
0x28b: {  	s0 =	simm.s32 @!p0 $0x5  }
0x28c: {  	_ =	swait.ge @!p0 [sflag:s0], s1  }
0x28d: {  	s1 =	ssub.s32 @!p0 $0x0, s1;
	[sflag:s0] =	ssyncset.done @!p0 $0x0  }
0x28e: {  	[sflag:s0] =	ssyncadd.s32 @!p0 s1  }
0x28f: {  	[bflag:$0x3] =	sbarrier.arrive $0xFFFF  }
0x290: {  	_ =	shalt  }

</sc_bundles>
